<compile_context>
chip_gen: v7x
topology: tpu7x:2x2x1
jax: 0.10.2.dev20260603
libtpu: 0.0.44.dev20260713+nightly
codegen_flags: <defaults>
</compile_context>

<pallas_src>
import functools

import jax
import jax.numpy as jnp
from jax import lax
from jax.experimental import pallas as pl
from jax.experimental.pallas import tpu as pltpu
from jax.experimental.pallas import tpu_sc as plsc

N = 10000
D = 128
E = 320000
NPAD = 10240
NC, NS = 2, 16
NW = NC * NS
CH = 128
NITER = 80
NPRE = 2
EPT = NITER * CH
EPAD = EPT * NW
RPT = NPAD // NS
BN_EPS = 1e-5


@functools.lru_cache(maxsize=None)
def _mesh():
    return plsc.VectorSubcoreMesh(core_axis_name="c", subcore_axis_name="s")


def _deg_body(dst_hbm, z_hbm, e0_hbm, out_hbm, ones_b, idxb, acc,
              sem, osem, idsem, zsem):
    c = lax.axis_index("c")
    s = lax.axis_index("s")
    wid = c * NS + s
    cp_o = pltpu.async_copy(e0_hbm.at[pl.ds(0, CH)], ones_b, osem)
    cp_i = pltpu.async_copy(dst_hbm.at[wid], idxb, idsem)
    for j in range(RPT // CH):
        pltpu.async_copy(z_hbm.at[pl.ds(0, CH)], acc.at[pl.ds(s * RPT + j * CH, CH)], zsem)
    for j in range(RPT // CH):
        pltpu.make_async_copy(z_hbm.at[pl.ds(0, CH)], acc.at[pl.ds(s * RPT + j * CH, CH)],
                              zsem).wait()
    cp_o.wait()
    cp_i.wait()
    plsc.subcore_barrier()

    FD = 8

    def group(g, carry):
        for b in range(FD):
            pltpu.async_copy(ones_b, acc.at[idxb.at[g * FD + b]], sem, add=True)
        for b in range(FD):
            pltpu.make_async_copy(ones_b, acc.at[idxb.at[g * FD + b]], sem).wait()
        return carry

    lax.fori_loop(0, NITER // FD, group, 0)
    plsc.subcore_barrier()
    for j in range(RPT // CH):
        r0 = s * RPT + j * CH
        pltpu.sync_copy(acc.at[pl.ds(r0, CH)], out_hbm.at[c, pl.ds(r0, CH)])


@functools.lru_cache(maxsize=None)
def _deg_call():
    return pl.kernel(
        _deg_body,
        out_type=jax.ShapeDtypeStruct((NC, NPAD, D), jnp.float32),
        mesh=_mesh(),
        scratch_types=[
            pltpu.VMEM((CH, D), jnp.float32),
            pltpu.VMEM((NITER + NPRE, CH), jnp.int32),
            pltpu.VMEM_SHARED((NPAD, D), jnp.float32),
            pltpu.SemaphoreType.DMA,
            pltpu.SemaphoreType.DMA,
            pltpu.SemaphoreType.DMA,
            pltpu.SemaphoreType.DMA,
        ],
    )


def _scat_body(src_hbm, dst_hbm, p_hbm, z_hbm, out_hbm,
               sidx0, didx0, sidx1, didx1, sidx2, didx2, sidx3, didx3,
               rows0, rows1, acc, isem0, isem1, isem2, isem3,
               gsem0, gsem1, ssem, zsem):
    cc = lax.axis_index("c")
    ss = lax.axis_index("s")
    wid = cc * NS + ss

    for j in range(RPT // CH):
        pltpu.async_copy(z_hbm.at[pl.ds(0, CH)], acc.at[pl.ds(ss * RPT + j * CH, CH)], zsem)
    for j in range(RPT // CH):
        pltpu.make_async_copy(z_hbm.at[pl.ds(0, CH)], acc.at[pl.ds(ss * RPT + j * CH, CH)],
                              zsem).wait()
    plsc.subcore_barrier()

    sidx = (sidx0, sidx1, sidx2, sidx3)
    didx = (didx0, didx1, didx2, didx3)
    rows = (rows0, rows1)
    gsem = (gsem0, gsem1)
    isem = (isem0, isem1, isem2, isem3)

    def start_idx(c, ib):
        pltpu.async_copy(src_hbm.at[wid, c], sidx[ib], isem[ib])
        pltpu.async_copy(dst_hbm.at[wid, c], didx[ib], isem[ib])

    def wait_idx(ib):
        pltpu.make_async_copy(src_hbm.at[wid, 0], sidx[ib], isem[ib]).wait()
        pltpu.make_async_copy(dst_hbm.at[wid, 0], didx[ib], isem[ib]).wait()

    def start_gather(rb, ib):
        pltpu.async_copy(p_hbm.at[sidx[ib]], rows[rb], gsem[rb])

    def wait_gather(rb, ib):
        pltpu.make_async_copy(p_hbm.at[sidx[ib]], rows[rb], gsem[rb]).wait()

    def start_scat(rb, ib):
        pltpu.async_copy(rows[rb], acc.at[didx[ib]], ssem, add=True)

    def wait_scat(rb, ib):
        pltpu.make_async_copy(rows[rb], acc.at[didx[ib]], ssem).wait()

    def body(c, rb, ib):
        wait_idx((ib + 1) % 4)
        wait_scat(1 - rb, (ib - 1) % 4)
        start_gather(1 - rb, (ib + 1) % 4)
        wait_gather(rb, ib)
        start_scat(rb, ib)
        start_idx(c + 2, (ib + 2) % 4)

    start_idx(0, 0)
    start_idx(1, 1)
    wait_idx(0)
    start_gather(0, 0)
    wait_idx(1)
    start_gather(1, 1)
    start_idx(2, 2)
    wait_gather(0, 0)
    start_scat(0, 0)
    body(1, 1, 1)
    body(2, 0, 2)
    def group(g, carry):
        c = 4 * g + 3
        body(c, 1, 3)
        body(c + 1, 0, 0)
        body(c + 2, 1, 1)
        body(c + 3, 0, 2)
        return carry

    lax.fori_loop(0, (NITER - 4) // 4, group, 0)

    wait_idx(0)
    wait_scat(0, 2)
    wait_gather(1, 3)
    start_scat(1, 3)
    wait_scat(1, 3)
    plsc.subcore_barrier()
    for j in range(RPT // CH):
        r0 = ss * RPT + j * CH
        pltpu.sync_copy(acc.at[pl.ds(r0, CH)], out_hbm.at[cc, pl.ds(r0, CH)])


@functools.lru_cache(maxsize=None)
def _scat_call():
    return pl.kernel(
        _scat_body,
        out_type=jax.ShapeDtypeStruct((NC, NPAD, D), jnp.float32),
        mesh=_mesh(),
        scratch_types=[
            pltpu.VMEM((CH,), jnp.int32),
            pltpu.VMEM((CH,), jnp.int32),
            pltpu.VMEM((CH,), jnp.int32),
            pltpu.VMEM((CH,), jnp.int32),
            pltpu.VMEM((CH,), jnp.int32),
            pltpu.VMEM((CH,), jnp.int32),
            pltpu.VMEM((CH,), jnp.int32),
            pltpu.VMEM((CH,), jnp.int32),
            pltpu.VMEM((CH, D), jnp.float32),
            pltpu.VMEM((CH, D), jnp.float32),
            pltpu.VMEM_SHARED((NPAD, D), jnp.float32),
            pltpu.SemaphoreType.DMA,
            pltpu.SemaphoreType.DMA,
            pltpu.SemaphoreType.DMA,
            pltpu.SemaphoreType.DMA,
            pltpu.SemaphoreType.DMA,
            pltpu.SemaphoreType.DMA,
            pltpu.SemaphoreType.DMA,
            pltpu.SemaphoreType.DMA,
        ],
    )


def _mm_scale_body(degp_ref, x_ref, w_ref, p_ref, dinv_ref):
    dp = degp_ref[...]
    degsum = dp[0, :N, 0] + dp[1, :N, 0] + 1.0
    dinv = lax.rsqrt(degsum).reshape(N, 1)
    dinv_ref[...] = dinv
    p_ref[...] = (
        jnp.dot(x_ref[...], w_ref[...], preferred_element_type=jnp.float32) * dinv
    )


def _mid_body(s_ref, p_ref, dinv_ref, b_ref, g_ref, be_ref, w_ref, out_ref):
    sp = s_ref[...]
    dinv = dinv_ref[...]
    u = (sp[0, :N] + sp[1, :N] + p_ref[...]) * dinv + b_ref[...]
    mu = jnp.mean(u, axis=0)
    var = jnp.mean((u - mu) ** 2, axis=0)
    h = (u - mu) * lax.rsqrt(var + BN_EPS) * g_ref[...] + be_ref[...]
    h = jnp.maximum(h, 0.0)
    out_ref[...] = (
        jnp.dot(h, w_ref[...], preferred_element_type=jnp.float32) * dinv
    )


def _fin_body(s_ref, p_ref, dinv_ref, b_ref, g_ref, be_ref, out_ref):
    sp = s_ref[...]
    u = (sp[0, :N] + sp[1, :N] + p_ref[...]) * dinv_ref[...] + b_ref[...]
    mu = jnp.mean(u, axis=0)
    var = jnp.mean((u - mu) ** 2, axis=0)
    h = (u - mu) * lax.rsqrt(var + BN_EPS) * g_ref[...] + be_ref[...]
    out_ref[...] = jnp.maximum(h, 0.0)


def kernel(x, edge_index, W1, b1, g1, be1, W2, b2, g2, be2):
    src = edge_index[0].astype(jnp.int32)
    dst = edge_index[1].astype(jnp.int32)
    pad = EPAD - E
    jsrc = jnp.arange(pad, dtype=jnp.int32) % N
    junk = N + jnp.arange(pad, dtype=jnp.int32) % (NPAD - N)
    src_p = jnp.concatenate([src, jsrc])
    dst_p = jnp.concatenate([dst, junk])
    src3 = jnp.concatenate(
        [src_p.reshape(NW, NITER, CH),
         jnp.zeros((NW, NPRE, CH), jnp.int32)], axis=1)
    dst3 = jnp.concatenate(
        [dst_p.reshape(NW, NITER, CH),
         jnp.full((NW, NPRE, CH), N, jnp.int32)], axis=1)

    e0 = jnp.zeros((CH, D), jnp.float32).at[:, 0].set(1.0)
    zD = jnp.zeros((CH, D), jnp.float32)

    degp = _deg_call()(dst3, zD, e0)

    p1, dinv = pl.pallas_call(
        _mm_scale_body,
        out_shape=(
            jax.ShapeDtypeStruct((N, D), jnp.float32),
            jax.ShapeDtypeStruct((N, 1), jnp.float32),
        ),
    )(degp, x, W1)

    s1 = _scat_call()(src3, dst3, p1, zD)

    p2 = pl.pallas_call(
        _mid_body,
        out_shape=jax.ShapeDtypeStruct((N, D), jnp.float32),
    )(s1, p1, dinv, b1, g1, be1, W2)

    s2 = _scat_call()(src3, dst3, p2, zD)

    out = pl.pallas_call(
        _fin_body,
        out_shape=jax.ShapeDtypeStruct((N, D), jnp.float32),
    )(s2, p2, dinv, b2, g2, be2)

    return out

# --- scband reference (transcript-rebuilt; emitter-appended) ---
"""Pipeline reference for scband-gcnblock-9698036155164 (READ-ONLY COPY).

The authoritative reference and input builder live on the scoring server;
editing this copy changes nothing except your own understanding.
"""

import jax, jax.numpy as jnp
import numpy as np

N_NODES = 10000
IN_DIM = 128
OUT_DIM = 128
N_EDGES = 320000
BN_EPS = 1e-5


def setup_inputs(seed: int = 0) -> dict:
    key = jax.random.key(seed)
    ks = jax.random.split(key, 8)
    x = jax.random.normal(ks[0], (N_NODES, IN_DIM), dtype=jnp.float32)
    edge_index = jax.random.randint(ks[1], (2, N_EDGES), 0, N_NODES, dtype=jnp.int64 if jax.config.jax_enable_x64 else jnp.int32)
    W1 = jax.random.normal(ks[2], (IN_DIM, OUT_DIM), dtype=jnp.float32) * (1.0 / np.sqrt(IN_DIM))
    b1 = jnp.zeros((OUT_DIM,), dtype=jnp.float32)
    g1 = jnp.ones((OUT_DIM,), dtype=jnp.float32)
    be1 = jnp.zeros((OUT_DIM,), dtype=jnp.float32)
    W2 = jax.random.normal(ks[3], (OUT_DIM, OUT_DIM), dtype=jnp.float32) * (1.0 / np.sqrt(OUT_DIM))
    b2 = jnp.zeros((OUT_DIM,), dtype=jnp.float32)
    g2 = jnp.ones((OUT_DIM,), dtype=jnp.float32)
    be2 = jnp.zeros((OUT_DIM,), dtype=jnp.float32)
    return {"x": x, "edge_index": edge_index, "W1": W1, "b1": b1, "g1": g1, "be1": be1, "W2": W2, "b2": b2, "g2": g2, "be2": be2}


def _gcn_conv(x, edge_index, W, b):
    n = x.shape[0]
    self_loops = jnp.arange(n, dtype=edge_index.dtype)
    src = jnp.concatenate([edge_index[0], self_loops])
    dst = jnp.concatenate([edge_index[1], self_loops])
    deg = jnp.zeros((n,), dtype=jnp.float32).at[dst].add(1.0)
    dinv = jnp.where(deg > 0, jax.lax.rsqrt(deg), 0.0)
    norm = dinv[src] * dinv[dst]
    h = x @ W
    msg = h[src] * norm[:, None]
    out = jnp.zeros((n, W.shape[1]), dtype=jnp.float32).at[dst].add(msg)
    return out + b


def _batch_norm(x, gamma, beta):
    mean = jnp.mean(x, axis=0)
    var = jnp.var(x, axis=0)
    xhat = (x - mean) * jax.lax.rsqrt(var + BN_EPS)
    return xhat * gamma + beta


def reference(x, edge_index, W1, b1, g1, be1, W2, b2, g2, be2):
    h = _gcn_conv(x, edge_index, W1, b1)
    h = _batch_norm(h, g1, be1)
    h = jax.nn.relu(h)
    # dropout is identity in deterministic/eval reference
    h = _gcn_conv(h, edge_index, W2, b2)
    h = _batch_norm(h, g2, be2)
    h = jax.nn.relu(h)
    return h

if __name__ == "__main__":
    import jax
    _d = setup_inputs()
    print(jax.jit(kernel)(*tuple(_d.values())))

</pallas_src>

<mosaic_0001>
#map = affine_map<(d0, d1) -> (0, 0, 0)>
#map1 = affine_map<(d0, d1) -> (0, 0)>
module attributes {stable_mosaic.version = 14 : i64} {
  func.func @_deg_body(%arg0: i32, %arg1: i32, %arg2: memref<32x82x128xi32, #tpu.memory_space<hbm>>, %arg3: memref<128x128xf32, #tpu.memory_space<hbm>>, %arg4: memref<128x128xf32, #tpu.memory_space<hbm>>, %arg5: memref<2x10240x128xf32, #tpu.memory_space<hbm>>, %arg6: memref<128x128xf32, #tpu.memory_space<vmem>>, %arg7: memref<82x128xi32, #tpu.memory_space<vmem>>, %arg8: memref<10240x128xf32, #tpu.memory_space<vmem_shared>>, %arg9: memref<!tpu.dma_semaphore, #tpu.memory_space<semaphore_mem>>, %arg10: memref<!tpu.dma_semaphore, #tpu.memory_space<semaphore_mem>>, %arg11: memref<!tpu.dma_semaphore, #tpu.memory_space<semaphore_mem>>, %arg12: memref<!tpu.dma_semaphore, #tpu.memory_space<semaphore_mem>>) attributes {dimension_semantics = [#tpu.dimension_semantics<core_parallel>, #tpu.dimension_semantics<subcore_parallel>], iteration_bounds = array<i64: 2, 16>, scalar_prefetch = 0 : i64, scratch_operands = 7 : i64, tpu.core_type = #tpu.core_type<sc_vector_subcore>, window_params = [{transform_indices = #map}, {transform_indices = #map1}, {transform_indices = #map1}, {transform_indices = #map}]} {
    %mul3A = arith.constant 16 : i32
    %mul3A_0 = arith.muli %arg0, %mul3A : i32
    %add3A = arith.addi %mul3A_0, %arg1 : i32
    %dma_start3A = arith.constant 0 : i32
    %dma_start3A_1 = arith.constant 0 : i32
    %dma_start3A_2 = tpu.memref_slice %arg4[%dma_start3A, %dma_start3A_1] : memref<128x128xf32, #tpu.memory_space<hbm>> -> memref<128x128xf32, #tpu.memory_space<hbm>>
    %dma_start3A_3 = arith.constant 0 : i32
    %dma_start3A_4 = arith.constant 0 : i32
    %dma_start3A_5 = tpu.memref_slice %arg4[%dma_start3A_3, %dma_start3A_4] : memref<128x128xf32, #tpu.memory_space<hbm>> -> memref<128x128xf32, #tpu.memory_space<hbm>>
    tpu.enqueue_dma source(%dma_start3A_5 : memref<128x128xf32, #tpu.memory_space<hbm>>) target(%arg6 : memref<128x128xf32, #tpu.memory_space<vmem>>) target_semaphore(%arg10 : memref<!tpu.dma_semaphore, #tpu.memory_space<semaphore_mem>>)
    %dma_start3A_6 = arith.constant 0 : i32
    %dma_start3A_7 = arith.constant 0 : i32
    %dma_start3A_8 = tpu.memref_slice %arg2[%add3A, %dma_start3A_6, %dma_start3A_7] : memref<32x82x128xi32, #tpu.memory_space<hbm>> -> memref<1x82x128xi32, #tpu.memory_space<hbm>>
    %dma_start3A_9 = tpu.memref_squeeze %dma_start3A_8 : memref<1x82x128xi32, #tpu.memory_space<hbm>> -> memref<82x128xi32, #tpu.memory_space<hbm>>
    %dma_start3A_10 = arith.constant 0 : i32
    %dma_start3A_11 = arith.constant 0 : i32
    %dma_start3A_12 = tpu.memref_slice %arg2[%add3A, %dma_start3A_10, %dma_start3A_11] : memref<32x82x128xi32, #tpu.memory_space<hbm>> -> memref<1x82x128xi32, #tpu.memory_space<hbm>>
    %dma_start3A_13 = tpu.memref_squeeze %dma_start3A_12 : memref<1x82x128xi32, #tpu.memory_space<hbm>> -> memref<82x128xi32, #tpu.memory_space<hbm>>
    tpu.enqueue_dma source(%dma_start3A_13 : memref<82x128xi32, #tpu.memory_space<hbm>>) target(%arg7 : memref<82x128xi32, #tpu.memory_space<vmem>>) target_semaphore(%arg11 : memref<!tpu.dma_semaphore, #tpu.memory_space<semaphore_mem>>)
    %mul3A_14 = arith.constant 640 : i32
    %mul3A_15 = arith.muli %arg1, %mul3A_14 : i32
    %add3A_16 = arith.constant 0 : i32
    %add3A_17 = arith.addi %mul3A_15, %add3A_16 : i32
    %dma_start3A_18 = arith.constant 0 : i32
    %dma_start3A_19 = tpu.memref_slice %arg8[%add3A_17, %dma_start3A_18] : memref<10240x128xf32, #tpu.memory_space<vmem_shared>> -> memref<128x128xf32, #tpu.memory_space<vmem_shared>>
    %dma_start3A_20 = arith.constant 0 : i32
    %dma_start3A_21 = arith.constant 0 : i32
    %dma_start3A_22 = tpu.memref_slice %arg3[%dma_start3A_20, %dma_start3A_21] : memref<128x128xf32, #tpu.memory_space<hbm>> -> memref<128x128xf32, #tpu.memory_space<hbm>>
    tpu.enqueue_dma source(%dma_start3A_22 : memref<128x128xf32, #tpu.memory_space<hbm>>) target(%dma_start3A_19 : memref<128x128xf32, #tpu.memory_space<vmem_shared>>) target_semaphore(%arg12 : memref<!tpu.dma_semaphore, #tpu.memory_space<semaphore_mem>>)
    %mul3A_23 = arith.constant 640 : i32
    %mul3A_24 = arith.muli %arg1, %mul3A_23 : i32
    %add3A_25 = arith.constant 128 : i32
    %add3A_26 = arith.addi %mul3A_24, %add3A_25 : i32
    %dma_start3A_27 = arith.constant 0 : i32
    %dma_start3A_28 = tpu.memref_slice %arg8[%add3A_26, %dma_start3A_27] : memref<10240x128xf32, #tpu.memory_space<vmem_shared>> -> memref<128x128xf32, #tpu.memory_space<vmem_shared>>
    %dma_start3A_29 = arith.constant 0 : i32
    %dma_start3A_30 = arith.constant 0 : i32
    %dma_start3A_31 = tpu.memref_slice %arg3[%dma_start3A_29, %dma_start3A_30] : memref<128x128xf32, #tpu.memory_space<hbm>> -> memref<128x128xf32, #tpu.memory_space<hbm>>
    tpu.enqueue_dma source(%dma_start3A_31 : memref<128x128xf32, #tpu.memory_space<hbm>>) target(%dma_start3A_28 : memref<128x128xf32, #tpu.memory_space<vmem_shared>>) target_semaphore(%arg12 : memref<!tpu.dma_semaphore, #tpu.memory_space<semaphore_mem>>)
    %mul3A_32 = arith.constant 640 : i32
    %mul3A_33 = arith.muli %arg1, %mul3A_32 : i32
    %add3A_34 = arith.constant 256 : i32
    %add3A_35 = arith.addi %mul3A_33, %add3A_34 : i32
    %dma_start3A_36 = arith.constant 0 : i32
    %dma_start3A_37 = tpu.memref_slice %arg8[%add3A_35, %dma_start3A_36] : memref<10240x128xf32, #tpu.memory_space<vmem_shared>> -> memref<128x128xf32, #tpu.memory_space<vmem_shared>>
    %dma_start3A_38 = arith.constant 0 : i32
    %dma_start3A_39 = arith.constant 0 : i32
    %dma_start3A_40 = tpu.memref_slice %arg3[%dma_start3A_38, %dma_start3A_39] : memref<128x128xf32, #tpu.memory_space<hbm>> -> memref<128x128xf32, #tpu.memory_space<hbm>>
    tpu.enqueue_dma source(%dma_start3A_40 : memref<128x128xf32, #tpu.memory_space<hbm>>) target(%dma_start3A_37 : memref<128x128xf32, #tpu.memory_space<vmem_shared>>) target_semaphore(%arg12 : memref<!tpu.dma_semaphore, #tpu.memory_space<semaphore_mem>>)
    %mul3A_41 = arith.constant 640 : i32
    %mul3A_42 = arith.muli %arg1, %mul3A_41 : i32
    %add3A_43 = arith.constant 384 : i32
    %add3A_44 = arith.addi %mul3A_42, %add3A_43 : i32
    %dma_start3A_45 = arith.constant 0 : i32
    %dma_start3A_46 = tpu.memref_slice %arg8[%add3A_44, %dma_start3A_45] : memref<10240x128xf32, #tpu.memory_space<vmem_shared>> -> memref<128x128xf32, #tpu.memory_space<vmem_shared>>
    %dma_start3A_47 = arith.constant 0 : i32
    %dma_start3A_48 = arith.constant 0 : i32
    %dma_start3A_49 = tpu.memref_slice %arg3[%dma_start3A_47, %dma_start3A_48] : memref<128x128xf32, #tpu.memory_space<hbm>> -> memref<128x128xf32, #tpu.memory_space<hbm>>
    tpu.enqueue_dma source(%dma_start3A_49 : memref<128x128xf32, #tpu.memory_space<hbm>>) target(%dma_start3A_46 : memref<128x128xf32, #tpu.memory_space<vmem_shared>>) target_semaphore(%arg12 : memref<!tpu.dma_semaphore, #tpu.memory_space<semaphore_mem>>)
    %mul3A_50 = arith.constant 640 : i32
    %mul3A_51 = arith.muli %arg1, %mul3A_50 : i32
    %add3A_52 = arith.constant 512 : i32
    %add3A_53 = arith.addi %mul3A_51, %add3A_52 : i32
    %dma_start3A_54 = arith.constant 0 : i32
    %dma_start3A_55 = tpu.memref_slice %arg8[%add3A_53, %dma_start3A_54] : memref<10240x128xf32, #tpu.memory_space<vmem_shared>> -> memref<128x128xf32, #tpu.memory_space<vmem_shared>>
    %dma_start3A_56 = arith.constant 0 : i32
    %dma_start3A_57 = arith.constant 0 : i32
    %dma_start3A_58 = tpu.memref_slice %arg3[%dma_start3A_56, %dma_start3A_57] : memref<128x128xf32, #tpu.memory_space<hbm>> -> memref<128x128xf32, #tpu.memory_space<hbm>>
    tpu.enqueue_dma source(%dma_start3A_58 : memref<128x128xf32, #tpu.memory_space<hbm>>) target(%dma_start3A_55 : memref<128x128xf32, #tpu.memory_space<vmem_shared>>) target_semaphore(%arg12 : memref<!tpu.dma_semaphore, #tpu.memory_space<semaphore_mem>>)
    %mul3A_59 = arith.constant 640 : i32
    %mul3A_60 = arith.muli %arg1, %mul3A_59 : i32
    %add3A_61 = arith.constant 0 : i32
    %add3A_62 = arith.addi %mul3A_60, %add3A_61 : i32
    %dma_wait3A = arith.constant 0 : i32
    %dma_wait3A_63 = tpu.memref_slice %arg8[%add3A_62, %dma_wait3A] : memref<10240x128xf32, #tpu.memory_space<vmem_shared>> -> memref<128x128xf32, #tpu.memory_space<vmem_shared>>
    %dma_wait3A_64 = arith.constant 0 : i32
    %dma_wait3A_65 = arith.constant 0 : i32
    %dma_wait3A_66 = tpu.memref_slice %arg3[%dma_wait3A_64, %dma_wait3A_65] : memref<128x128xf32, #tpu.memory_space<hbm>> -> memref<128x128xf32, #tpu.memory_space<hbm>>
    tpu.wait_dma2 semaphore(%arg12 : memref<!tpu.dma_semaphore, #tpu.memory_space<semaphore_mem>>) src(%dma_wait3A_66 : memref<128x128xf32, #tpu.memory_space<hbm>>) dst(%dma_wait3A_63 : memref<128x128xf32, #tpu.memory_space<vmem_shared>>)
    %mul3A_67 = arith.constant 640 : i32
    %mul3A_68 = arith.muli %arg1, %mul3A_67 : i32
    %add3A_69 = arith.constant 128 : i32
    %add3A_70 = arith.addi %mul3A_68, %add3A_69 : i32
    %dma_wait3A_71 = arith.constant 0 : i32
    %dma_wait3A_72 = tpu.memref_slice %arg8[%add3A_70, %dma_wait3A_71] : memref<10240x128xf32, #tpu.memory_space<vmem_shared>> -> memref<128x128xf32, #tpu.memory_space<vmem_shared>>
    %dma_wait3A_73 = arith.constant 0 : i32
    %dma_wait3A_74 = arith.constant 0 : i32
    %dma_wait3A_75 = tpu.memref_slice %arg3[%dma_wait3A_73, %dma_wait3A_74] : memref<128x128xf32, #tpu.memory_space<hbm>> -> memref<128x128xf32, #tpu.memory_space<hbm>>
    tpu.wait_dma2 semaphore(%arg12 : memref<!tpu.dma_semaphore, #tpu.memory_space<semaphore_mem>>) src(%dma_wait3A_75 : memref<128x128xf32, #tpu.memory_space<hbm>>) dst(%dma_wait3A_72 : memref<128x128xf32, #tpu.memory_space<vmem_shared>>)
    %mul3A_76 = arith.constant 640 : i32
    %mul3A_77 = arith.muli %arg1, %mul3A_76 : i32
    %add3A_78 = arith.constant 256 : i32
    %add3A_79 = arith.addi %mul3A_77, %add3A_78 : i32
    %dma_wait3A_80 = arith.constant 0 : i32
    %dma_wait3A_81 = tpu.memref_slice %arg8[%add3A_79, %dma_wait3A_80] : memref<10240x128xf32, #tpu.memory_space<vmem_shared>> -> memref<128x128xf32, #tpu.memory_space<vmem_shared>>
    %dma_wait3A_82 = arith.constant 0 : i32
    %dma_wait3A_83 = arith.constant 0 : i32
    %dma_wait3A_84 = tpu.memref_slice %arg3[%dma_wait3A_82, %dma_wait3A_83] : memref<128x128xf32, #tpu.memory_space<hbm>> -> memref<128x128xf32, #tpu.memory_space<hbm>>
    tpu.wait_dma2 semaphore(%arg12 : memref<!tpu.dma_semaphore, #tpu.memory_space<semaphore_mem>>) src(%dma_wait3A_84 : memref<128x128xf32, #tpu.memory_space<hbm>>) dst(%dma_wait3A_81 : memref<128x128xf32, #tpu.memory_space<vmem_shared>>)
    %mul3A_85 = arith.constant 640 : i32
    %mul3A_86 = arith.muli %arg1, %mul3A_85 : i32
    %add3A_87 = arith.constant 384 : i32
    %add3A_88 = arith.addi %mul3A_86, %add3A_87 : i32
    %dma_wait3A_89 = arith.constant 0 : i32
    %dma_wait3A_90 = tpu.memref_slice %arg8[%add3A_88, %dma_wait3A_89] : memref<10240x128xf32, #tpu.memory_space<vmem_shared>> -> memref<128x128xf32, #tpu.memory_space<vmem_shared>>
    %dma_wait3A_91 = arith.constant 0 : i32
    %dma_wait3A_92 = arith.constant 0 : i32
    %dma_wait3A_93 = tpu.memref_slice %arg3[%dma_wait3A_91, %dma_wait3A_92] : memref<128x128xf32, #tpu.memory_space<hbm>> -> memref<128x128xf32, #tpu.memory_space<hbm>>
    tpu.wait_dma2 semaphore(%arg12 : memref<!tpu.dma_semaphore, #tpu.memory_space<semaphore_mem>>) src(%dma_wait3A_93 : memref<128x128xf32, #tpu.memory_space<hbm>>) dst(%dma_wait3A_90 : memref<128x128xf32, #tpu.memory_space<vmem_shared>>)
    %mul3A_94 = arith.constant 640 : i32
    %mul3A_95 = arith.muli %arg1, %mul3A_94 : i32
    %add3A_96 = arith.constant 512 : i32
    %add3A_97 = arith.addi %mul3A_95, %add3A_96 : i32
    %dma_wait3A_98 = arith.constant 0 : i32
    %dma_wait3A_99 = tpu.memref_slice %arg8[%add3A_97, %dma_wait3A_98] : memref<10240x128xf32, #tpu.memory_space<vmem_shared>> -> memref<128x128xf32, #tpu.memory_space<vmem_shared>>
    %dma_wait3A_100 = arith.constant 0 : i32
    %dma_wait3A_101 = arith.constant 0 : i32
    %dma_wait3A_102 = tpu.memref_slice %arg3[%dma_wait3A_100, %dma_wait3A_101] : memref<128x128xf32, #tpu.memory_space<hbm>> -> memref<128x128xf32, #tpu.memory_space<hbm>>
    tpu.wait_dma2 semaphore(%arg12 : memref<!tpu.dma_semaphore, #tpu.memory_space<semaphore_mem>>) src(%dma_wait3A_102 : memref<128x128xf32, #tpu.memory_space<hbm>>) dst(%dma_wait3A_99 : memref<128x128xf32, #tpu.memory_space<vmem_shared>>)
    %dma_wait3A_103 = arith.constant 0 : i32
    %dma_wait3A_104 = arith.constant 0 : i32
    %dma_wait3A_105 = tpu.memref_slice %arg4[%dma_wait3A_103, %dma_wait3A_104] : memref<128x128xf32, #tpu.memory_space<hbm>> -> memref<128x128xf32, #tpu.memory_space<hbm>>
    %dma_wait3A_106 = arith.constant 0 : i32
    %dma_wait3A_107 = arith.constant 0 : i32
    %dma_wait3A_108 = tpu.memref_slice %arg4[%dma_wait3A_106, %dma_wait3A_107] : memref<128x128xf32, #tpu.memory_space<hbm>> -> memref<128x128xf32, #tpu.memory_space<hbm>>
    tpu.wait_dma2 semaphore(%arg10 : memref<!tpu.dma_semaphore, #tpu.memory_space<semaphore_mem>>) src(%dma_wait3A_108 : memref<128x128xf32, #tpu.memory_space<hbm>>) dst(%arg6 : memref<128x128xf32, #tpu.memory_space<vmem>>)
    %dma_wait3A_109 = arith.constant 0 : i32
    %dma_wait3A_110 = arith.constant 0 : i32
    %dma_wait3A_111 = tpu.memref_slice %arg2[%add3A, %dma_wait3A_109, %dma_wait3A_110] : memref<32x82x128xi32, #tpu.memory_space<hbm>> -> memref<1x82x128xi32, #tpu.memory_space<hbm>>
    %dma_wait3A_112 = tpu.memref_squeeze %dma_wait3A_111 : memref<1x82x128xi32, #tpu.memory_space<hbm>> -> memref<82x128xi32, #tpu.memory_space<hbm>>
    %dma_wait3A_113 = arith.constant 0 : i32
    %dma_wait3A_114 = arith.constant 0 : i32
    %dma_wait3A_115 = tpu.memref_slice %arg2[%add3A, %dma_wait3A_113, %dma_wait3A_114] : memref<32x82x128xi32, #tpu.memory_space<hbm>> -> memref<1x82x128xi32, #tpu.memory_space<hbm>>
    %dma_wait3A_116 = tpu.memref_squeeze %dma_wait3A_115 : memref<1x82x128xi32, #tpu.memory_space<hbm>> -> memref<82x128xi32, #tpu.memory_space<hbm>>
    tpu.wait_dma2 semaphore(%arg11 : memref<!tpu.dma_semaphore, #tpu.memory_space<semaphore_mem>>) src(%dma_wait3A_116 : memref<82x128xi32, #tpu.memory_space<hbm>>) dst(%arg7 : memref<82x128xi32, #tpu.memory_space<vmem>>)
    %barrier3A = arith.constant 0 : index
    tpu.barrier barrier_id(%barrier3A)
    %scan3A = arith.constant 0 : i32
    %scan3A_117 = arith.constant 0 : i32
    %scan3A_118 = arith.constant 10 : i32
    %scan3A_119 = arith.addi %scan3A_117, %scan3A_118 : i32
    %scan3A_120 = arith.constant 1 : i32
    scf.for %scan3A_143 = %scan3A_117 to %scan3A_119 step %scan3A_120  : i32 {
      %mul3A_144 = arith.constant 8 : i32
      %mul3A_145 = arith.muli %scan3A_143, %mul3A_144 : i32
      %add3A_146 = arith.constant 0 : i32
      %add3A_147 = arith.addi %mul3A_145, %add3A_146 : i32
      %dma_start3A_148 = arith.constant 0 : i32
      %dma_start3A_149 = tpu.memref_slice %arg7[%add3A_147, %dma_start3A_148] : memref<82x128xi32, #tpu.memory_space<vmem>> -> memref<1x128xi32, #tpu.memory_space<vmem>>
      %dma_start3A_150 = tpu.memref_squeeze %dma_start3A_149 : memref<1x128xi32, #tpu.memory_space<vmem>> -> memref<128xi32, #tpu.memory_space<vmem>>
      %dma_start3A_151 = arith.constant 0 : i32
      %dma_start3A_152 = arith.constant 0 : i32
      %dma_start3A_153 = tpu.memref_slice %arg8[%dma_start3A_151, %dma_start3A_152] : memref<10240x128xf32, #tpu.memory_space<vmem_shared>> -> memref<10240x128xf32, #tpu.memory_space<vmem_shared>>
      tpu.enqueue_indirect_dma source(%arg6 : memref<128x128xf32, #tpu.memory_space<vmem>>) target(%dma_start3A_153 : memref<10240x128xf32, #tpu.memory_space<vmem_shared>>) offsets(%dma_start3A_150 : memref<128xi32, #tpu.memory_space<vmem>>) semaphore(%arg9 : memref<!tpu.dma_semaphore, #tpu.memory_space<semaphore_mem>>) {add = true}
      %mul3A_154 = arith.constant 8 : i32
      %mul3A_155 = arith.muli %scan3A_143, %mul3A_154 : i32
      %add3A_156 = arith.constant 1 : i32
      %add3A_157 = arith.addi %mul3A_155, %add3A_156 : i32
      %dma_start3A_158 = arith.constant 0 : i32
      %dma_start3A_159 = tpu.memref_slice %arg7[%add3A_157, %dma_start3A_158] : memref<82x128xi32, #tpu.memory_space<vmem>> -> memref<1x128xi32, #tpu.memory_space<vmem>>
      %dma_start3A_160 = tpu.memref_squeeze %dma_start3A_159 : memref<1x128xi32, #tpu.memory_space<vmem>> -> memref<128xi32, #tpu.memory_space<vmem>>
      %dma_start3A_161 = arith.constant 0 : i32
      %dma_start3A_162 = arith.constant 0 : i32
      %dma_start3A_163 = tpu.memref_slice %arg8[%dma_start3A_161, %dma_start3A_162] : memref<10240x128xf32, #tpu.memory_space<vmem_shared>> -> memref<10240x128xf32, #tpu.memory_space<vmem_shared>>
      tpu.enqueue_indirect_dma source(%arg6 : memref<128x128xf32, #tpu.memory_space<vmem>>) target(%dma_start3A_163 : memref<10240x128xf32, #tpu.memory_space<vmem_shared>>) offsets(%dma_start3A_160 : memref<128xi32, #tpu.memory_space<vmem>>) semaphore(%arg9 : memref<!tpu.dma_semaphore, #tpu.memory_space<semaphore_mem>>) {add = true}
      %mul3A_164 = arith.constant 8 : i32
      %mul3A_165 = arith.muli %scan3A_143, %mul3A_164 : i32
      %add3A_166 = arith.constant 2 : i32
      %add3A_167 = arith.addi %mul3A_165, %add3A_166 : i32
      %dma_start3A_168 = arith.constant 0 : i32
      %dma_start3A_169 = tpu.memref_slice %arg7[%add3A_167, %dma_start3A_168] : memref<82x128xi32, #tpu.memory_space<vmem>> -> memref<1x128xi32, #tpu.memory_space<vmem>>
      %dma_start3A_170 = tpu.memref_squeeze %dma_start3A_169 : memref<1x128xi32, #tpu.memory_space<vmem>> -> memref<128xi32, #tpu.memory_space<vmem>>
      %dma_start3A_171 = arith.constant 0 : i32
      %dma_start3A_172 = arith.constant 0 : i32
      %dma_start3A_173 = tpu.memref_slice %arg8[%dma_start3A_171, %dma_start3A_172] : memref<10240x128xf32, #tpu.memory_space<vmem_shared>> -> memref<10240x128xf32, #tpu.memory_space<vmem_shared>>
      tpu.enqueue_indirect_dma source(%arg6 : memref<128x128xf32, #tpu.memory_space<vmem>>) target(%dma_start3A_173 : memref<10240x128xf32, #tpu.memory_space<vmem_shared>>) offsets(%dma_start3A_170 : memref<128xi32, #tpu.memory_space<vmem>>) semaphore(%arg9 : memref<!tpu.dma_semaphore, #tpu.memory_space<semaphore_mem>>) {add = true}
      %mul3A_174 = arith.constant 8 : i32
      %mul3A_175 = arith.muli %scan3A_143, %mul3A_174 : i32
      %add3A_176 = arith.constant 3 : i32
      %add3A_177 = arith.addi %mul3A_175, %add3A_176 : i32
      %dma_start3A_178 = arith.constant 0 : i32
      %dma_start3A_179 = tpu.memref_slice %arg7[%add3A_177, %dma_start3A_178] : memref<82x128xi32, #tpu.memory_space<vmem>> -> memref<1x128xi32, #tpu.memory_space<vmem>>
      %dma_start3A_180 = tpu.memref_squeeze %dma_start3A_179 : memref<1x128xi32, #tpu.memory_space<vmem>> -> memref<128xi32, #tpu.memory_space<vmem>>
      %dma_start3A_181 = arith.constant 0 : i32
      %dma_start3A_182 = arith.constant 0 : i32
      %dma_start3A_183 = tpu.memref_slice %arg8[%dma_start3A_181, %dma_start3A_182] : memref<10240x128xf32, #tpu.memory_space<vmem_shared>> -> memref<10240x128xf32, #tpu.memory_space<vmem_shared>>
      tpu.enqueue_indirect_dma source(%arg6 : memref<128x128xf32, #tpu.memory_space<vmem>>) target(%dma_start3A_183 : memref<10240x128xf32, #tpu.memory_space<vmem_shared>>) offsets(%dma_start3A_180 : memref<128xi32, #tpu.memory_space<vmem>>) semaphore(%arg9 : memref<!tpu.dma_semaphore, #tpu.memory_space<semaphore_mem>>) {add = true}
      %mul3A_184 = arith.constant 8 : i32
      %mul3A_185 = arith.muli %scan3A_143, %mul3A_184 : i32
      %add3A_186 = arith.constant 4 : i32
      %add3A_187 = arith.addi %mul3A_185, %add3A_186 : i32
      %dma_start3A_188 = arith.constant 0 : i32
      %dma_start3A_189 = tpu.memref_slice %arg7[%add3A_187, %dma_start3A_188] : memref<82x128xi32, #tpu.memory_space<vmem>> -> memref<1x128xi32, #tpu.memory_space<vmem>>
      %dma_start3A_190 = tpu.memref_squeeze %dma_start3A_189 : memref<1x128xi32, #tpu.memory_space<vmem>> -> memref<128xi32, #tpu.memory_space<vmem>>
      %dma_start3A_191 = arith.constant 0 : i32
      %dma_start3A_192 = arith.constant 0 : i32
      %dma_start3A_193 = tpu.memref_slice %arg8[%dma_start3A_191, %dma_start3A_192] : memref<10240x128xf32, #tpu.memory_space<vmem_shared>> -> memref<10240x128xf32, #tpu.memory_space<vmem_shared>>
      tpu.enqueue_indirect_dma source(%arg6 : memref<128x128xf32, #tpu.memory_space<vmem>>) target(%dma_start3A_193 : memref<10240x128xf32, #tpu.memory_space<vmem_shared>>) offsets(%dma_start3A_190 : memref<128xi32, #tpu.memory_space<vmem>>) semaphore(%arg9 : memref<!tpu.dma_semaphore, #tpu.memory_space<semaphore_mem>>) {add = true}
      %mul3A_194 = arith.constant 8 : i32
      %mul3A_195 = arith.muli %scan3A_143, %mul3A_194 : i32
      %add3A_196 = arith.constant 5 : i32
      %add3A_197 = arith.addi %mul3A_195, %add3A_196 : i32
      %dma_start3A_198 = arith.constant 0 : i32
      %dma_start3A_199 = tpu.memref_slice %arg7[%add3A_197, %dma_start3A_198] : memref<82x128xi32, #tpu.memory_space<vmem>> -> memref<1x128xi32, #tpu.memory_space<vmem>>
      %dma_start3A_200 = tpu.memref_squeeze %dma_start3A_199 : memref<1x128xi32, #tpu.memory_space<vmem>> -> memref<128xi32, #tpu.memory_space<vmem>>
      %dma_start3A_201 = arith.constant 0 : i32
      %dma_start3A_202 = arith.constant 0 : i32
      %dma_start3A_203 = tpu.memref_slice %arg8[%dma_start3A_201, %dma_start3A_202] : memref<10240x128xf32, #tpu.memory_space<vmem_shared>> -> memref<10240x128xf32, #tpu.memory_space<vmem_shared>>
      tpu.enqueue_indirect_dma source(%arg6 : memref<128x128xf32, #tpu.memory_space<vmem>>) target(%dma_start3A_203 : memref<10240x128xf32, #tpu.memory_space<vmem_shared>>) offsets(%dma_start3A_200 : memref<128xi32, #tpu.memory_space<vmem>>) semaphore(%arg9 : memref<!tpu.dma_semaphore, #tpu.memory_space<semaphore_mem>>) {add = true}
      %mul3A_204 = arith.constant 8 : i32
      %mul3A_205 = arith.muli %scan3A_143, %mul3A_204 : i32
      %add3A_206 = arith.constant 6 : i32
      %add3A_207 = arith.addi %mul3A_205, %add3A_206 : i32
      %dma_start3A_208 = arith.constant 0 : i32
      %dma_start3A_209 = tpu.memref_slice %arg7[%add3A_207, %dma_start3A_208] : memref<82x128xi32, #tpu.memory_space<vmem>> -> memref<1x128xi32, #tpu.memory_space<vmem>>
      %dma_start3A_210 = tpu.memref_squeeze %dma_start3A_209 : memref<1x128xi32, #tpu.memory_space<vmem>> -> memref<128xi32, #tpu.memory_space<vmem>>
      %dma_start3A_211 = arith.constant 0 : i32
      %dma_start3A_212 = arith.constant 0 : i32
      %dma_start3A_213 = tpu.memref_slice %arg8[%dma_start3A_211, %dma_start3A_212] : memref<10240x128xf32, #tpu.memory_space<vmem_shared>> -> memref<10240x128xf32, #tpu.memory_space<vmem_shared>>
      tpu.enqueue_indirect_dma source(%arg6 : memref<128x128xf32, #tpu.memory_space<vmem>>) target(%dma_start3A_213 : memref<10240x128xf32, #tpu.memory_space<vmem_shared>>) offsets(%dma_start3A_210 : memref<128xi32, #tpu.memory_space<vmem>>) semaphore(%arg9 : memref<!tpu.dma_semaphore, #tpu.memory_space<semaphore_mem>>) {add = true}
      %mul3A_214 = arith.constant 8 : i32
      %mul3A_215 = arith.muli %scan3A_143, %mul3A_214 : i32
      %add3A_216 = arith.constant 7 : i32
      %add3A_217 = arith.addi %mul3A_215, %add3A_216 : i32
      %dma_start3A_218 = arith.constant 0 : i32
      %dma_start3A_219 = tpu.memref_slice %arg7[%add3A_217, %dma_start3A_218] : memref<82x128xi32, #tpu.memory_space<vmem>> -> memref<1x128xi32, #tpu.memory_space<vmem>>
      %dma_start3A_220 = tpu.memref_squeeze %dma_start3A_219 : memref<1x128xi32, #tpu.memory_space<vmem>> -> memref<128xi32, #tpu.memory_space<vmem>>
      %dma_start3A_221 = arith.constant 0 : i32
      %dma_start3A_222 = arith.constant 0 : i32
      %dma_start3A_223 = tpu.memref_slice %arg8[%dma_start3A_221, %dma_start3A_222] : memref<10240x128xf32, #tpu.memory_space<vmem_shared>> -> memref<10240x128xf32, #tpu.memory_space<vmem_shared>>
      tpu.enqueue_indirect_dma source(%arg6 : memref<128x128xf32, #tpu.memory_space<vmem>>) target(%dma_start3A_223 : memref<10240x128xf32, #tpu.memory_space<vmem_shared>>) offsets(%dma_start3A_220 : memref<128xi32, #tpu.memory_space<vmem>>) semaphore(%arg9 : memref<!tpu.dma_semaphore, #tpu.memory_space<semaphore_mem>>) {add = true}
      %mul3A_224 = arith.constant 8 : i32
      %mul3A_225 = arith.muli %scan3A_143, %mul3A_224 : i32
      %add3A_226 = arith.constant 0 : i32
      %add3A_227 = arith.addi %mul3A_225, %add3A_226 : i32
      %dma_wait3A_228 = arith.constant 0 : i32
      %dma_wait3A_229 = tpu.memref_slice %arg7[%add3A_227, %dma_wait3A_228] : memref<82x128xi32, #tpu.memory_space<vmem>> -> memref<1x128xi32, #tpu.memory_space<vmem>>
      %dma_wait3A_230 = tpu.memref_squeeze %dma_wait3A_229 : memref<1x128xi32, #tpu.memory_space<vmem>> -> memref<128xi32, #tpu.memory_space<vmem>>
      %dma_wait3A_231 = arith.constant 0 : i32
      %dma_wait3A_232 = arith.constant 0 : i32
      %dma_wait3A_233 = tpu.memref_slice %arg8[%dma_wait3A_231, %dma_wait3A_232] : memref<10240x128xf32, #tpu.memory_space<vmem_shared>> -> memref<10240x128xf32, #tpu.memory_space<vmem_shared>>
      tpu.wait_indirect_dma semaphore(%arg9 : memref<!tpu.dma_semaphore, #tpu.memory_space<semaphore_mem>>) src(%arg6 : memref<128x128xf32, #tpu.memory_space<vmem>>) dst(%dma_wait3A_233 : memref<10240x128xf32, #tpu.memory_space<vmem_shared>>)
      %mul3A_234 = arith.constant 8 : i32
      %mul3A_235 = arith.muli %scan3A_143, %mul3A_234 : i32
      %add3A_236 = arith.constant 1 : i32
      %add3A_237 = arith.addi %mul3A_235, %add3A_236 : i32
      %dma_wait3A_238 = arith.constant 0 : i32
      %dma_wait3A_239 = tpu.memref_slice %arg7[%add3A_237, %dma_wait3A_238] : memref<82x128xi32, #tpu.memory_space<vmem>> -> memref<1x128xi32, #tpu.memory_space<vmem>>
      %dma_wait3A_240 = tpu.memref_squeeze %dma_wait3A_239 : memref<1x128xi32, #tpu.memory_space<vmem>> -> memref<128xi32, #tpu.memory_space<vmem>>
      %dma_wait3A_241 = arith.constant 0 : i32
      %dma_wait3A_242 = arith.constant 0 : i32
      %dma_wait3A_243 = tpu.memref_slice %arg8[%dma_wait3A_241, %dma_wait3A_242] : memref<10240x128xf32, #tpu.memory_space<vmem_shared>> -> memref<10240x128xf32, #tpu.memory_space<vmem_shared>>
      tpu.wait_indirect_dma semaphore(%arg9 : memref<!tpu.dma_semaphore, #tpu.memory_space<semaphore_mem>>) src(%arg6 : memref<128x128xf32, #tpu.memory_space<vmem>>) dst(%dma_wait3A_243 : memref<10240x128xf32, #tpu.memory_space<vmem_shared>>)
      %mul3A_244 = arith.constant 8 : i32
      %mul3A_245 = arith.muli %scan3A_143, %mul3A_244 : i32
      %add3A_246 = arith.constant 2 : i32
      %add3A_247 = arith.addi %mul3A_245, %add3A_246 : i32
      %dma_wait3A_248 = arith.constant 0 : i32
      %dma_wait3A_249 = tpu.memref_slice %arg7[%add3A_247, %dma_wait3A_248] : memref<82x128xi32, #tpu.memory_space<vmem>> -> memref<1x128xi32, #tpu.memory_space<vmem>>
      %dma_wait3A_250 = tpu.memref_squeeze %dma_wait3A_249 : memref<1x128xi32, #tpu.memory_space<vmem>> -> memref<128xi32, #tpu.memory_space<vmem>>
      %dma_wait3A_251 = arith.constant 0 : i32
      %dma_wait3A_252 = arith.constant 0 : i32
      %dma_wait3A_253 = tpu.memref_slice %arg8[%dma_wait3A_251, %dma_wait3A_252] : memref<10240x128xf32, #tpu.memory_space<vmem_shared>> -> memref<10240x128xf32, #tpu.memory_space<vmem_shared>>
      tpu.wait_indirect_dma semaphore(%arg9 : memref<!tpu.dma_semaphore, #tpu.memory_space<semaphore_mem>>) src(%arg6 : memref<128x128xf32, #tpu.memory_space<vmem>>) dst(%dma_wait3A_253 : memref<10240x128xf32, #tpu.memory_space<vmem_shared>>)
      %mul3A_254 = arith.constant 8 : i32
      %mul3A_255 = arith.muli %scan3A_143, %mul3A_254 : i32
      %add3A_256 = arith.constant 3 : i32
      %add3A_257 = arith.addi %mul3A_255, %add3A_256 : i32
      %dma_wait3A_258 = arith.constant 0 : i32
      %dma_wait3A_259 = tpu.memref_slice %arg7[%add3A_257, %dma_wait3A_258] : memref<82x128xi32, #tpu.memory_space<vmem>> -> memref<1x128xi32, #tpu.memory_space<vmem>>
      %dma_wait3A_260 = tpu.memref_squeeze %dma_wait3A_259 : memref<1x128xi32, #tpu.memory_space<vmem>> -> memref<128xi32, #tpu.memory_space<vmem>>
      %dma_wait3A_261 = arith.constant 0 : i32
      %dma_wait3A_262 = arith.constant 0 : i32
      %dma_wait3A_263 = tpu.memref_slice %arg8[%dma_wait3A_261, %dma_wait3A_262] : memref<10240x128xf32, #tpu.memory_space<vmem_shared>> -> memref<10240x128xf32, #tpu.memory_space<vmem_shared>>
      tpu.wait_indirect_dma semaphore(%arg9 : memref<!tpu.dma_semaphore, #tpu.memory_space<semaphore_mem>>) src(%arg6 : memref<128x128xf32, #tpu.memory_space<vmem>>) dst(%dma_wait3A_263 : memref<10240x128xf32, #tpu.memory_space<vmem_shared>>)
      %mul3A_264 = arith.constant 8 : i32
      %mul3A_265 = arith.muli %scan3A_143, %mul3A_264 : i32
      %add3A_266 = arith.constant 4 : i32
      %add3A_267 = arith.addi %mul3A_265, %add3A_266 : i32
      %dma_wait3A_268 = arith.constant 0 : i32
      %dma_wait3A_269 = tpu.memref_slice %arg7[%add3A_267, %dma_wait3A_268] : memref<82x128xi32, #tpu.memory_space<vmem>> -> memref<1x128xi32, #tpu.memory_space<vmem>>
      %dma_wait3A_270 = tpu.memref_squeeze %dma_wait3A_269 : memref<1x128xi32, #tpu.memory_space<vmem>> -> memref<128xi32, #tpu.memory_space<vmem>>
      %dma_wait3A_271 = arith.constant 0 : i32
      %dma_wait3A_272 = arith.constant 0 : i32
      %dma_wait3A_273 = tpu.memref_slice %arg8[%dma_wait3A_271, %dma_wait3A_272] : memref<10240x128xf32, #tpu.memory_space<vmem_shared>> -> memref<10240x128xf32, #tpu.memory_space<vmem_shared>>
      tpu.wait_indirect_dma semaphore(%arg9 : memref<!tpu.dma_semaphore, #tpu.memory_space<semaphore_mem>>) src(%arg6 : memref<128x128xf32, #tpu.memory_space<vmem>>) dst(%dma_wait3A_273 : memref<10240x128xf32, #tpu.memory_space<vmem_shared>>)
      %mul3A_274 = arith.constant 8 : i32
      %mul3A_275 = arith.muli %scan3A_143, %mul3A_274 : i32
      %add3A_276 = arith.constant 5 : i32
      %add3A_277 = arith.addi %mul3A_275, %add3A_276 : i32
      %dma_wait3A_278 = arith.constant 0 : i32
      %dma_wait3A_279 = tpu.memref_slice %arg7[%add3A_277, %dma_wait3A_278] : memref<82x128xi32, #tpu.memory_space<vmem>> -> memref<1x128xi32, #tpu.memory_space<vmem>>
      %dma_wait3A_280 = tpu.memref_squeeze %dma_wait3A_279 : memref<1x128xi32, #tpu.memory_space<vmem>> -> memref<128xi32, #tpu.memory_space<vmem>>
      %dma_wait3A_281 = arith.constant 0 : i32
      %dma_wait3A_282 = arith.constant 0 : i32
      %dma_wait3A_283 = tpu.memref_slice %arg8[%dma_wait3A_281, %dma_wait3A_282] : memref<10240x128xf32, #tpu.memory_space<vmem_shared>> -> memref<10240x128xf32, #tpu.memory_space<vmem_shared>>
      tpu.wait_indirect_dma semaphore(%arg9 : memref<!tpu.dma_semaphore, #tpu.memory_space<semaphore_mem>>) src(%arg6 : memref<128x128xf32, #tpu.memory_space<vmem>>) dst(%dma_wait3A_283 : memref<10240x128xf32, #tpu.memory_space<vmem_shared>>)
      %mul3A_284 = arith.constant 8 : i32
      %mul3A_285 = arith.muli %scan3A_143, %mul3A_284 : i32
      %add3A_286 = arith.constant 6 : i32
      %add3A_287 = arith.addi %mul3A_285, %add3A_286 : i32
      %dma_wait3A_288 = arith.constant 0 : i32
      %dma_wait3A_289 = tpu.memref_slice %arg7[%add3A_287, %dma_wait3A_288] : memref<82x128xi32, #tpu.memory_space<vmem>> -> memref<1x128xi32, #tpu.memory_space<vmem>>
      %dma_wait3A_290 = tpu.memref_squeeze %dma_wait3A_289 : memref<1x128xi32, #tpu.memory_space<vmem>> -> memref<128xi32, #tpu.memory_space<vmem>>
      %dma_wait3A_291 = arith.constant 0 : i32
      %dma_wait3A_292 = arith.constant 0 : i32
      %dma_wait3A_293 = tpu.memref_slice %arg8[%dma_wait3A_291, %dma_wait3A_292] : memref<10240x128xf32, #tpu.memory_space<vmem_shared>> -> memref<10240x128xf32, #tpu.memory_space<vmem_shared>>
      tpu.wait_indirect_dma semaphore(%arg9 : memref<!tpu.dma_semaphore, #tpu.memory_space<semaphore_mem>>) src(%arg6 : memref<128x128xf32, #tpu.memory_space<vmem>>) dst(%dma_wait3A_293 : memref<10240x128xf32, #tpu.memory_space<vmem_shared>>)
      %mul3A_294 = arith.constant 8 : i32
      %mul3A_295 = arith.muli %scan3A_143, %mul3A_294 : i32
      %add3A_296 = arith.constant 7 : i32
      %add3A_297 = arith.addi %mul3A_295, %add3A_296 : i32
      %dma_wait3A_298 = arith.constant 0 : i32
      %dma_wait3A_299 = tpu.memref_slice %arg7[%add3A_297, %dma_wait3A_298] : memref<82x128xi32, #tpu.memory_space<vmem>> -> memref<1x128xi32, #tpu.memory_space<vmem>>
      %dma_wait3A_300 = tpu.memref_squeeze %dma_wait3A_299 : memref<1x128xi32, #tpu.memory_space<vmem>> -> memref<128xi32, #tpu.memory_space<vmem>>
      %dma_wait3A_301 = arith.constant 0 : i32
      %dma_wait3A_302 = arith.constant 0 : i32
      %dma_wait3A_303 = tpu.memref_slice %arg8[%dma_wait3A_301, %dma_wait3A_302] : memref<10240x128xf32, #tpu.memory_space<vmem_shared>> -> memref<10240x128xf32, #tpu.memory_space<vmem_shared>>
      tpu.wait_indirect_dma semaphore(%arg9 : memref<!tpu.dma_semaphore, #tpu.memory_space<semaphore_mem>>) src(%arg6 : memref<128x128xf32, #tpu.memory_space<vmem>>) dst(%dma_wait3A_303 : memref<10240x128xf32, #tpu.memory_space<vmem_shared>>)
    }
    %scan3A_121 = arith.constant 10 : i32
    %barrier3A_122 = arith.constant 0 : index
    tpu.barrier barrier_id(%barrier3A_122)
    %mul3A_123 = arith.constant 640 : i32
    %mul3A_124 = arith.muli %arg1, %mul3A_123 : i32
    %add3A_125 = arith.constant 0 : i32
    %add3A_126 = arith.addi %mul3A_124, %add3A_125 : i32
    "tpu.region"() ({
      %run_scoped3A = tpu.sem_alloc : memref<!tpu.dma_semaphore, #tpu.memory_space<semaphore_mem>>
      %dma_start3A_143 = arith.constant 0 : i32
      %dma_start3A_144 = tpu.memref_slice %arg5[%arg0, %add3A_126, %dma_start3A_143] : memref<2x10240x128xf32, #tpu.memory_space<hbm>> -> memref<1x128x128xf32, #tpu.memory_space<hbm>>
      %dma_start3A_145 = tpu.memref_squeeze %dma_start3A_144 : memref<1x128x128xf32, #tpu.memory_space<hbm>> -> memref<128x128xf32, #tpu.memory_space<hbm>>
      %dma_start3A_146 = arith.constant 0 : i32
      %dma_start3A_147 = tpu.memref_slice %arg8[%add3A_126, %dma_start3A_146] : memref<10240x128xf32, #tpu.memory_space<vmem_shared>> -> memref<128x128xf32, #tpu.memory_space<vmem_shared>>
      tpu.enqueue_dma source(%dma_start3A_147 : memref<128x128xf32, #tpu.memory_space<vmem_shared>>) target(%dma_start3A_145 : memref<128x128xf32, #tpu.memory_space<hbm>>) target_semaphore(%run_scoped3A : memref<!tpu.dma_semaphore, #tpu.memory_space<semaphore_mem>>)
      %dma_wait3A_148 = arith.constant 0 : i32
      %dma_wait3A_149 = tpu.memref_slice %arg5[%arg0, %add3A_126, %dma_wait3A_148] : memref<2x10240x128xf32, #tpu.memory_space<hbm>> -> memref<1x128x128xf32, #tpu.memory_space<hbm>>
      %dma_wait3A_150 = tpu.memref_squeeze %dma_wait3A_149 : memref<1x128x128xf32, #tpu.memory_space<hbm>> -> memref<128x128xf32, #tpu.memory_space<hbm>>
      %dma_wait3A_151 = arith.constant 0 : i32
      %dma_wait3A_152 = tpu.memref_slice %arg8[%add3A_126, %dma_wait3A_151] : memref<10240x128xf32, #tpu.memory_space<vmem_shared>> -> memref<128x128xf32, #tpu.memory_space<vmem_shared>>
      tpu.wait_dma2 semaphore(%run_scoped3A : memref<!tpu.dma_semaphore, #tpu.memory_space<semaphore_mem>>) src(%dma_wait3A_152 : memref<128x128xf32, #tpu.memory_space<vmem_shared>>) dst(%dma_wait3A_150 : memref<128x128xf32, #tpu.memory_space<hbm>>)
      tpu.yield
    }) : () -> ()
    %mul3A_127 = arith.constant 640 : i32
    %mul3A_128 = arith.muli %arg1, %mul3A_127 : i32
    %add3A_129 = arith.constant 128 : i32
    %add3A_130 = arith.addi %mul3A_128, %add3A_129 : i32
    "tpu.region"() ({
      %run_scoped3A = tpu.sem_alloc : memref<!tpu.dma_semaphore, #tpu.memory_space<semaphore_mem>>
      %dma_start3A_143 = arith.constant 0 : i32
      %dma_start3A_144 = tpu.memref_slice %arg5[%arg0, %add3A_130, %dma_start3A_143] : memref<2x10240x128xf32, #tpu.memory_space<hbm>> -> memref<1x128x128xf32, #tpu.memory_space<hbm>>
      %dma_start3A_145 = tpu.memref_squeeze %dma_start3A_144 : memref<1x128x128xf32, #tpu.memory_space<hbm>> -> memref<128x128xf32, #tpu.memory_space<hbm>>
      %dma_start3A_146 = arith.constant 0 : i32
      %dma_start3A_147 = tpu.memref_slice %arg8[%add3A_130, %dma_start3A_146] : memref<10240x128xf32, #tpu.memory_space<vmem_shared>> -> memref<128x128xf32, #tpu.memory_space<vmem_shared>>
      tpu.enqueue_dma source(%dma_start3A_147 : memref<128x128xf32, #tpu.memory_space<vmem_shared>>) target(%dma_start3A_145 : memref<128x128xf32, #tpu.memory_space<hbm>>) target_semaphore(%run_scoped3A : memref<!tpu.dma_semaphore, #tpu.memory_space<semaphore_mem>>)
      %dma_wait3A_148 = arith.constant 0 : i32
      %dma_wait3A_149 = tpu.memref_slice %arg5[%arg0, %add3A_130, %dma_wait3A_148] : memref<2x10240x128xf32, #tpu.memory_space<hbm>> -> memref<1x128x128xf32, #tpu.memory_space<hbm>>
      %dma_wait3A_150 = tpu.memref_squeeze %dma_wait3A_149 : memref<1x128x128xf32, #tpu.memory_space<hbm>> -> memref<128x128xf32, #tpu.memory_space<hbm>>
      %dma_wait3A_151 = arith.constant 0 : i32
      %dma_wait3A_152 = tpu.memref_slice %arg8[%add3A_130, %dma_wait3A_151] : memref<10240x128xf32, #tpu.memory_space<vmem_shared>> -> memref<128x128xf32, #tpu.memory_space<vmem_shared>>
      tpu.wait_dma2 semaphore(%run_scoped3A : memref<!tpu.dma_semaphore, #tpu.memory_space<semaphore_mem>>) src(%dma_wait3A_152 : memref<128x128xf32, #tpu.memory_space<vmem_shared>>) dst(%dma_wait3A_150 : memref<128x128xf32, #tpu.memory_space<hbm>>)
      tpu.yield
    }) : () -> ()
    %mul3A_131 = arith.constant 640 : i32
    %mul3A_132 = arith.muli %arg1, %mul3A_131 : i32
    %add3A_133 = arith.constant 256 : i32
    %add3A_134 = arith.addi %mul3A_132, %add3A_133 : i32
    "tpu.region"() ({
      %run_scoped3A = tpu.sem_alloc : memref<!tpu.dma_semaphore, #tpu.memory_space<semaphore_mem>>
      %dma_start3A_143 = arith.constant 0 : i32
      %dma_start3A_144 = tpu.memref_slice %arg5[%arg0, %add3A_134, %dma_start3A_143] : memref<2x10240x128xf32, #tpu.memory_space<hbm>> -> memref<1x128x128xf32, #tpu.memory_space<hbm>>
      %dma_start3A_145 = tpu.memref_squeeze %dma_start3A_144 : memref<1x128x128xf32, #tpu.memory_space<hbm>> -> memref<128x128xf32, #tpu.memory_space<hbm>>
      %dma_start3A_146 = arith.constant 0 : i32
      %dma_start3A_147 = tpu.memref_slice %arg8[%add3A_134, %dma_start3A_146] : memref<10240x128xf32, #tpu.memory_space<vmem_shared>> -> memref<128x128xf32, #tpu.memory_space<vmem_shared>>
      tpu.enqueue_dma source(%dma_start3A_147 : memref<128x128xf32, #tpu.memory_space<vmem_shared>>) target(%dma_start3A_145 : memref<128x128xf32, #tpu.memory_space<hbm>>) target_semaphore(%run_scoped3A : memref<!tpu.dma_semaphore, #tpu.memory_space<semaphore_mem>>)
      %dma_wait3A_148 = arith.constant 0 : i32
      %dma_wait3A_149 = tpu.memref_slice %arg5[%arg0, %add3A_134, %dma_wait3A_148] : memref<2x10240x128xf32, #tpu.memory_space<hbm>> -> memref<1x128x128xf32, #tpu.memory_space<hbm>>
      %dma_wait3A_150 = tpu.memref_squeeze %dma_wait3A_149 : memref<1x128x128xf32, #tpu.memory_space<hbm>> -> memref<128x128xf32, #tpu.memory_space<hbm>>
      %dma_wait3A_151 = arith.constant 0 : i32
      %dma_wait3A_152 = tpu.memref_slice %arg8[%add3A_134, %dma_wait3A_151] : memref<10240x128xf32, #tpu.memory_space<vmem_shared>> -> memref<128x128xf32, #tpu.memory_space<vmem_shared>>
      tpu.wait_dma2 semaphore(%run_scoped3A : memref<!tpu.dma_semaphore, #tpu.memory_space<semaphore_mem>>) src(%dma_wait3A_152 : memref<128x128xf32, #tpu.memory_space<vmem_shared>>) dst(%dma_wait3A_150 : memref<128x128xf32, #tpu.memory_space<hbm>>)
      tpu.yield
    }) : () -> ()
    %mul3A_135 = arith.constant 640 : i32
    %mul3A_136 = arith.muli %arg1, %mul3A_135 : i32
    %add3A_137 = arith.constant 384 : i32
    %add3A_138 = arith.addi %mul3A_136, %add3A_137 : i32
    "tpu.region"() ({
      %run_scoped3A = tpu.sem_alloc : memref<!tpu.dma_semaphore, #tpu.memory_space<semaphore_mem>>
      %dma_start3A_143 = arith.constant 0 : i32
      %dma_start3A_144 = tpu.memref_slice %arg5[%arg0, %add3A_138, %dma_start3A_143] : memref<2x10240x128xf32, #tpu.memory_space<hbm>> -> memref<1x128x128xf32, #tpu.memory_space<hbm>>
      %dma_start3A_145 = tpu.memref_squeeze %dma_start3A_144 : memref<1x128x128xf32, #tpu.memory_space<hbm>> -> memref<128x128xf32, #tpu.memory_space<hbm>>
      %dma_start3A_146 = arith.constant 0 : i32
      %dma_start3A_147 = tpu.memref_slice %arg8[%add3A_138, %dma_start3A_146] : memref<10240x128xf32, #tpu.memory_space<vmem_shared>> -> memref<128x128xf32, #tpu.memory_space<vmem_shared>>
      tpu.enqueue_dma source(%dma_start3A_147 : memref<128x128xf32, #tpu.memory_space<vmem_shared>>) target(%dma_start3A_145 : memref<128x128xf32, #tpu.memory_space<hbm>>) target_semaphore(%run_scoped3A : memref<!tpu.dma_semaphore, #tpu.memory_space<semaphore_mem>>)
      %dma_wait3A_148 = arith.constant 0 : i32
      %dma_wait3A_149 = tpu.memref_slice %arg5[%arg0, %add3A_138, %dma_wait3A_148] : memref<2x10240x128xf32, #tpu.memory_space<hbm>> -> memref<1x128x128xf32, #tpu.memory_space<hbm>>
      %dma_wait3A_150 = tpu.memref_squeeze %dma_wait3A_149 : memref<1x128x128xf32, #tpu.memory_space<hbm>> -> memref<128x128xf32, #tpu.memory_space<hbm>>
      %dma_wait3A_151 = arith.constant 0 : i32
      %dma_wait3A_152 = tpu.memref_slice %arg8[%add3A_138, %dma_wait3A_151] : memref<10240x128xf32, #tpu.memory_space<vmem_shared>> -> memref<128x128xf32, #tpu.memory_space<vmem_shared>>
      tpu.wait_dma2 semaphore(%run_scoped3A : memref<!tpu.dma_semaphore, #tpu.memory_space<semaphore_mem>>) src(%dma_wait3A_152 : memref<128x128xf32, #tpu.memory_space<vmem_shared>>) dst(%dma_wait3A_150 : memref<128x128xf32, #tpu.memory_space<hbm>>)
      tpu.yield
    }) : () -> ()
    %mul3A_139 = arith.constant 640 : i32
    %mul3A_140 = arith.muli %arg1, %mul3A_139 : i32
    %add3A_141 = arith.constant 512 : i32
    %add3A_142 = arith.addi %mul3A_140, %add3A_141 : i32
    "tpu.region"() ({
      %run_scoped3A = tpu.sem_alloc : memref<!tpu.dma_semaphore, #tpu.memory_space<semaphore_mem>>
      %dma_start3A_143 = arith.constant 0 : i32
      %dma_start3A_144 = tpu.memref_slice %arg5[%arg0, %add3A_142, %dma_start3A_143] : memref<2x10240x128xf32, #tpu.memory_space<hbm>> -> memref<1x128x128xf32, #tpu.memory_space<hbm>>
      %dma_start3A_145 = tpu.memref_squeeze %dma_start3A_144 : memref<1x128x128xf32, #tpu.memory_space<hbm>> -> memref<128x128xf32, #tpu.memory_space<hbm>>
      %dma_start3A_146 = arith.constant 0 : i32
      %dma_start3A_147 = tpu.memref_slice %arg8[%add3A_142, %dma_start3A_146] : memref<10240x128xf32, #tpu.memory_space<vmem_shared>> -> memref<128x128xf32, #tpu.memory_space<vmem_shared>>
      tpu.enqueue_dma source(%dma_start3A_147 : memref<128x128xf32, #tpu.memory_space<vmem_shared>>) target(%dma_start3A_145 : memref<128x128xf32, #tpu.memory_space<hbm>>) target_semaphore(%run_scoped3A : memref<!tpu.dma_semaphore, #tpu.memory_space<semaphore_mem>>)
      %dma_wait3A_148 = arith.constant 0 : i32
      %dma_wait3A_149 = tpu.memref_slice %arg5[%arg0, %add3A_142, %dma_wait3A_148] : memref<2x10240x128xf32, #tpu.memory_space<hbm>> -> memref<1x128x128xf32, #tpu.memory_space<hbm>>
      %dma_wait3A_150 = tpu.memref_squeeze %dma_wait3A_149 : memref<1x128x128xf32, #tpu.memory_space<hbm>> -> memref<128x128xf32, #tpu.memory_space<hbm>>
      %dma_wait3A_151 = arith.constant 0 : i32
      %dma_wait3A_152 = tpu.memref_slice %arg8[%add3A_142, %dma_wait3A_151] : memref<10240x128xf32, #tpu.memory_space<vmem_shared>> -> memref<128x128xf32, #tpu.memory_space<vmem_shared>>
      tpu.wait_dma2 semaphore(%run_scoped3A : memref<!tpu.dma_semaphore, #tpu.memory_space<semaphore_mem>>) src(%dma_wait3A_152 : memref<128x128xf32, #tpu.memory_space<vmem_shared>>) dst(%dma_wait3A_150 : memref<128x128xf32, #tpu.memory_space<hbm>>)
      tpu.yield
    }) : () -> ()
    return
  }
}

#map = affine_map<(d0, d1) -> (0, 0, 0)>
#map1 = affine_map<(d0, d1) -> (0, 0)>
module attributes {stable_mosaic.version = 14 : i64} {
  func.func @_scat_body(%arg0: i32, %arg1: i32, %arg2: memref<32x82x128xi32, #tpu.memory_space<hbm>>, %arg3: memref<32x82x128xi32, #tpu.memory_space<hbm>>, %arg4: memref<10000x128xf32, #tpu.memory_space<hbm>>, %arg5: memref<128x128xf32, #tpu.memory_space<hbm>>, %arg6: memref<2x10240x128xf32, #tpu.memory_space<hbm>>, %arg7: memref<128xi32, #tpu.memory_space<vmem>>, %arg8: memref<128xi32, #tpu.memory_space<vmem>>, %arg9: memref<128xi32, #tpu.memory_space<vmem>>, %arg10: memref<128xi32, #tpu.memory_space<vmem>>, %arg11: memref<128xi32, #tpu.memory_space<vmem>>, %arg12: memref<128xi32, #tpu.memory_space<vmem>>, %arg13: memref<128xi32, #tpu.memory_space<vmem>>, %arg14: memref<128xi32, #tpu.memory_space<vmem>>, %arg15: memref<128x128xf32, #tpu.memory_space<vmem>>, %arg16: memref<128x128xf32, #tpu.memory_space<vmem>>, %arg17: memref<10240x128xf32, #tpu.memory_space<vmem_shared>>, %arg18: memref<!tpu.dma_semaphore, #tpu.memory_space<semaphore_mem>>, %arg19: memref<!tpu.dma_semaphore, #tpu.memory_space<semaphore_mem>>, %arg20: memref<!tpu.dma_semaphore, #tpu.memory_space<semaphore_mem>>, %arg21: memref<!tpu.dma_semaphore, #tpu.memory_space<semaphore_mem>>, %arg22: memref<!tpu.dma_semaphore, #tpu.memory_space<semaphore_mem>>, %arg23: memref<!tpu.dma_semaphore, #tpu.memory_space<semaphore_mem>>, %arg24: memref<!tpu.dma_semaphore, #tpu.memory_space<semaphore_mem>>, %arg25: memref<!tpu.dma_semaphore, #tpu.memory_space<semaphore_mem>>) attributes {dimension_semantics = [#tpu.dimension_semantics<core_parallel>, #tpu.dimension_semantics<subcore_parallel>], iteration_bounds = array<i64: 2, 16>, scalar_prefetch = 0 : i64, scratch_operands = 19 : i64, tpu.core_type = #tpu.core_type<sc_vector_subcore>, window_params = [{transform_indices = #map}, {transform_indices = #map}, {transform_indices = #map1}, {transform_indices = #map1}, {transform_indices = #map}]} {
    %mul3A = arith.constant 16 : i32
    %mul3A_0 = arith.muli %arg0, %mul3A : i32
    %add3A = arith.addi %mul3A_0, %arg1 : i32
    %mul3A_1 = arith.constant 640 : i32
    %mul3A_2 = arith.muli %arg1, %mul3A_1 : i32
    %add3A_3 = arith.constant 0 : i32
    %add3A_4 = arith.addi %mul3A_2, %add3A_3 : i32
    %dma_start3A = arith.constant 0 : i32
    %dma_start3A_5 = tpu.memref_slice %arg17[%add3A_4, %dma_start3A] : memref<10240x128xf32, #tpu.memory_space<vmem_shared>> -> memref<128x128xf32, #tpu.memory_space<vmem_shared>>
    %dma_start3A_6 = arith.constant 0 : i32
    %dma_start3A_7 = arith.constant 0 : i32
    %dma_start3A_8 = tpu.memref_slice %arg5[%dma_start3A_6, %dma_start3A_7] : memref<128x128xf32, #tpu.memory_space<hbm>> -> memref<128x128xf32, #tpu.memory_space<hbm>>
    tpu.enqueue_dma source(%dma_start3A_8 : memref<128x128xf32, #tpu.memory_space<hbm>>) target(%dma_start3A_5 : memref<128x128xf32, #tpu.memory_space<vmem_shared>>) target_semaphore(%arg25 : memref<!tpu.dma_semaphore, #tpu.memory_space<semaphore_mem>>)
    %mul3A_9 = arith.constant 640 : i32
    %mul3A_10 = arith.muli %arg1, %mul3A_9 : i32
    %add3A_11 = arith.constant 128 : i32
    %add3A_12 = arith.addi %mul3A_10, %add3A_11 : i32
    %dma_start3A_13 = arith.constant 0 : i32
    %dma_start3A_14 = tpu.memref_slice %arg17[%add3A_12, %dma_start3A_13] : memref<10240x128xf32, #tpu.memory_space<vmem_shared>> -> memref<128x128xf32, #tpu.memory_space<vmem_shared>>
    %dma_start3A_15 = arith.constant 0 : i32
    %dma_start3A_16 = arith.constant 0 : i32
    %dma_start3A_17 = tpu.memref_slice %arg5[%dma_start3A_15, %dma_start3A_16] : memref<128x128xf32, #tpu.memory_space<hbm>> -> memref<128x128xf32, #tpu.memory_space<hbm>>
    tpu.enqueue_dma source(%dma_start3A_17 : memref<128x128xf32, #tpu.memory_space<hbm>>) target(%dma_start3A_14 : memref<128x128xf32, #tpu.memory_space<vmem_shared>>) target_semaphore(%arg25 : memref<!tpu.dma_semaphore, #tpu.memory_space<semaphore_mem>>)
    %mul3A_18 = arith.constant 640 : i32
    %mul3A_19 = arith.muli %arg1, %mul3A_18 : i32
    %add3A_20 = arith.constant 256 : i32
    %add3A_21 = arith.addi %mul3A_19, %add3A_20 : i32
    %dma_start3A_22 = arith.constant 0 : i32
    %dma_start3A_23 = tpu.memref_slice %arg17[%add3A_21, %dma_start3A_22] : memref<10240x128xf32, #tpu.memory_space<vmem_shared>> -> memref<128x128xf32, #tpu.memory_space<vmem_shared>>
    %dma_start3A_24 = arith.constant 0 : i32
    %dma_start3A_25 = arith.constant 0 : i32
    %dma_start3A_26 = tpu.memref_slice %arg5[%dma_start3A_24, %dma_start3A_25] : memref<128x128xf32, #tpu.memory_space<hbm>> -> memref<128x128xf32, #tpu.memory_space<hbm>>
    tpu.enqueue_dma source(%dma_start3A_26 : memref<128x128xf32, #tpu.memory_space<hbm>>) target(%dma_start3A_23 : memref<128x128xf32, #tpu.memory_space<vmem_shared>>) target_semaphore(%arg25 : memref<!tpu.dma_semaphore, #tpu.memory_space<semaphore_mem>>)
    %mul3A_27 = arith.constant 640 : i32
    %mul3A_28 = arith.muli %arg1, %mul3A_27 : i32
    %add3A_29 = arith.constant 384 : i32
    %add3A_30 = arith.addi %mul3A_28, %add3A_29 : i32
    %dma_start3A_31 = arith.constant 0 : i32
    %dma_start3A_32 = tpu.memref_slice %arg17[%add3A_30, %dma_start3A_31] : memref<10240x128xf32, #tpu.memory_space<vmem_shared>> -> memref<128x128xf32, #tpu.memory_space<vmem_shared>>
    %dma_start3A_33 = arith.constant 0 : i32
    %dma_start3A_34 = arith.constant 0 : i32
    %dma_start3A_35 = tpu.memref_slice %arg5[%dma_start3A_33, %dma_start3A_34] : memref<128x128xf32, #tpu.memory_space<hbm>> -> memref<128x128xf32, #tpu.memory_space<hbm>>
    tpu.enqueue_dma source(%dma_start3A_35 : memref<128x128xf32, #tpu.memory_space<hbm>>) target(%dma_start3A_32 : memref<128x128xf32, #tpu.memory_space<vmem_shared>>) target_semaphore(%arg25 : memref<!tpu.dma_semaphore, #tpu.memory_space<semaphore_mem>>)
    %mul3A_36 = arith.constant 640 : i32
    %mul3A_37 = arith.muli %arg1, %mul3A_36 : i32
    %add3A_38 = arith.constant 512 : i32
    %add3A_39 = arith.addi %mul3A_37, %add3A_38 : i32
    %dma_start3A_40 = arith.constant 0 : i32
    %dma_start3A_41 = tpu.memref_slice %arg17[%add3A_39, %dma_start3A_40] : memref<10240x128xf32, #tpu.memory_space<vmem_shared>> -> memref<128x128xf32, #tpu.memory_space<vmem_shared>>
    %dma_start3A_42 = arith.constant 0 : i32
    %dma_start3A_43 = arith.constant 0 : i32
    %dma_start3A_44 = tpu.memref_slice %arg5[%dma_start3A_42, %dma_start3A_43] : memref<128x128xf32, #tpu.memory_space<hbm>> -> memref<128x128xf32, #tpu.memory_space<hbm>>
    tpu.enqueue_dma source(%dma_start3A_44 : memref<128x128xf32, #tpu.memory_space<hbm>>) target(%dma_start3A_41 : memref<128x128xf32, #tpu.memory_space<vmem_shared>>) target_semaphore(%arg25 : memref<!tpu.dma_semaphore, #tpu.memory_space<semaphore_mem>>)
    %mul3A_45 = arith.constant 640 : i32
    %mul3A_46 = arith.muli %arg1, %mul3A_45 : i32
    %add3A_47 = arith.constant 0 : i32
    %add3A_48 = arith.addi %mul3A_46, %add3A_47 : i32
    %dma_wait3A = arith.constant 0 : i32
    %dma_wait3A_49 = tpu.memref_slice %arg17[%add3A_48, %dma_wait3A] : memref<10240x128xf32, #tpu.memory_space<vmem_shared>> -> memref<128x128xf32, #tpu.memory_space<vmem_shared>>
    %dma_wait3A_50 = arith.constant 0 : i32
    %dma_wait3A_51 = arith.constant 0 : i32
    %dma_wait3A_52 = tpu.memref_slice %arg5[%dma_wait3A_50, %dma_wait3A_51] : memref<128x128xf32, #tpu.memory_space<hbm>> -> memref<128x128xf32, #tpu.memory_space<hbm>>
    tpu.wait_dma2 semaphore(%arg25 : memref<!tpu.dma_semaphore, #tpu.memory_space<semaphore_mem>>) src(%dma_wait3A_52 : memref<128x128xf32, #tpu.memory_space<hbm>>) dst(%dma_wait3A_49 : memref<128x128xf32, #tpu.memory_space<vmem_shared>>)
    %mul3A_53 = arith.constant 640 : i32
    %mul3A_54 = arith.muli %arg1, %mul3A_53 : i32
    %add3A_55 = arith.constant 128 : i32
    %add3A_56 = arith.addi %mul3A_54, %add3A_55 : i32
    %dma_wait3A_57 = arith.constant 0 : i32
    %dma_wait3A_58 = tpu.memref_slice %arg17[%add3A_56, %dma_wait3A_57] : memref<10240x128xf32, #tpu.memory_space<vmem_shared>> -> memref<128x128xf32, #tpu.memory_space<vmem_shared>>
    %dma_wait3A_59 = arith.constant 0 : i32
    %dma_wait3A_60 = arith.constant 0 : i32
    %dma_wait3A_61 = tpu.memref_slice %arg5[%dma_wait3A_59, %dma_wait3A_60] : memref<128x128xf32, #tpu.memory_space<hbm>> -> memref<128x128xf32, #tpu.memory_space<hbm>>
    tpu.wait_dma2 semaphore(%arg25 : memref<!tpu.dma_semaphore, #tpu.memory_space<semaphore_mem>>) src(%dma_wait3A_61 : memref<128x128xf32, #tpu.memory_space<hbm>>) dst(%dma_wait3A_58 : memref<128x128xf32, #tpu.memory_space<vmem_shared>>)
    %mul3A_62 = arith.constant 640 : i32
    %mul3A_63 = arith.muli %arg1, %mul3A_62 : i32
    %add3A_64 = arith.constant 256 : i32
    %add3A_65 = arith.addi %mul3A_63, %add3A_64 : i32
    %dma_wait3A_66 = arith.constant 0 : i32
    %dma_wait3A_67 = tpu.memref_slice %arg17[%add3A_65, %dma_wait3A_66] : memref<10240x128xf32, #tpu.memory_space<vmem_shared>> -> memref<128x128xf32, #tpu.memory_space<vmem_shared>>
    %dma_wait3A_68 = arith.constant 0 : i32
    %dma_wait3A_69 = arith.constant 0 : i32
    %dma_wait3A_70 = tpu.memref_slice %arg5[%dma_wait3A_68, %dma_wait3A_69] : memref<128x128xf32, #tpu.memory_space<hbm>> -> memref<128x128xf32, #tpu.memory_space<hbm>>
    tpu.wait_dma2 semaphore(%arg25 : memref<!tpu.dma_semaphore, #tpu.memory_space<semaphore_mem>>) src(%dma_wait3A_70 : memref<128x128xf32, #tpu.memory_space<hbm>>) dst(%dma_wait3A_67 : memref<128x128xf32, #tpu.memory_space<vmem_shared>>)
    %mul3A_71 = arith.constant 640 : i32
    %mul3A_72 = arith.muli %arg1, %mul3A_71 : i32
    %add3A_73 = arith.constant 384 : i32
    %add3A_74 = arith.addi %mul3A_72, %add3A_73 : i32
    %dma_wait3A_75 = arith.constant 0 : i32
    %dma_wait3A_76 = tpu.memref_slice %arg17[%add3A_74, %dma_wait3A_75] : memref<10240x128xf32, #tpu.memory_space<vmem_shared>> -> memref<128x128xf32, #tpu.memory_space<vmem_shared>>
    %dma_wait3A_77 = arith.constant 0 : i32
    %dma_wait3A_78 = arith.constant 0 : i32
    %dma_wait3A_79 = tpu.memref_slice %arg5[%dma_wait3A_77, %dma_wait3A_78] : memref<128x128xf32, #tpu.memory_space<hbm>> -> memref<128x128xf32, #tpu.memory_space<hbm>>
    tpu.wait_dma2 semaphore(%arg25 : memref<!tpu.dma_semaphore, #tpu.memory_space<semaphore_mem>>) src(%dma_wait3A_79 : memref<128x128xf32, #tpu.memory_space<hbm>>) dst(%dma_wait3A_76 : memref<128x128xf32, #tpu.memory_space<vmem_shared>>)
    %mul3A_80 = arith.constant 640 : i32
    %mul3A_81 = arith.muli %arg1, %mul3A_80 : i32
    %add3A_82 = arith.constant 512 : i32
    %add3A_83 = arith.addi %mul3A_81, %add3A_82 : i32
    %dma_wait3A_84 = arith.constant 0 : i32
    %dma_wait3A_85 = tpu.memref_slice %arg17[%add3A_83, %dma_wait3A_84] : memref<10240x128xf32, #tpu.memory_space<vmem_shared>> -> memref<128x128xf32, #tpu.memory_space<vmem_shared>>
    %dma_wait3A_86 = arith.constant 0 : i32
    %dma_wait3A_87 = arith.constant 0 : i32
    %dma_wait3A_88 = tpu.memref_slice %arg5[%dma_wait3A_86, %dma_wait3A_87] : memref<128x128xf32, #tpu.memory_space<hbm>> -> memref<128x128xf32, #tpu.memory_space<hbm>>
    tpu.wait_dma2 semaphore(%arg25 : memref<!tpu.dma_semaphore, #tpu.memory_space<semaphore_mem>>) src(%dma_wait3A_88 : memref<128x128xf32, #tpu.memory_space<hbm>>) dst(%dma_wait3A_85 : memref<128x128xf32, #tpu.memory_space<vmem_shared>>)
    %barrier3A = arith.constant 0 : index
    tpu.barrier barrier_id(%barrier3A)
    %dma_start3A_89 = arith.constant 0 : i32
    %dma_start3A_90 = arith.constant 0 : i32
    %dma_start3A_91 = tpu.memref_slice %arg2[%add3A, %dma_start3A_89, %dma_start3A_90] : memref<32x82x128xi32, #tpu.memory_space<hbm>> -> memref<1x1x128xi32, #tpu.memory_space<hbm>>
    %dma_start3A_92 = tpu.memref_squeeze %dma_start3A_91 : memref<1x1x128xi32, #tpu.memory_space<hbm>> -> memref<128xi32, #tpu.memory_space<hbm>>
    %dma_start3A_93 = arith.constant 0 : i32
    %dma_start3A_94 = tpu.memref_slice %arg2[%add3A, %dma_start3A_89, %dma_start3A_93] : memref<32x82x128xi32, #tpu.memory_space<hbm>> -> memref<1x1x128xi32, #tpu.memory_space<hbm>>
    %dma_start3A_95 = tpu.memref_squeeze %dma_start3A_94 : memref<1x1x128xi32, #tpu.memory_space<hbm>> -> memref<128xi32, #tpu.memory_space<hbm>>
    tpu.enqueue_dma source(%dma_start3A_95 : memref<128xi32, #tpu.memory_space<hbm>>) target(%arg7 : memref<128xi32, #tpu.memory_space<vmem>>) target_semaphore(%arg18 : memref<!tpu.dma_semaphore, #tpu.memory_space<semaphore_mem>>)
    %dma_start3A_96 = arith.constant 0 : i32
    %dma_start3A_97 = arith.constant 0 : i32
    %dma_start3A_98 = tpu.memref_slice %arg3[%add3A, %dma_start3A_96, %dma_start3A_97] : memref<32x82x128xi32, #tpu.memory_space<hbm>> -> memref<1x1x128xi32, #tpu.memory_space<hbm>>
    %dma_start3A_99 = tpu.memref_squeeze %dma_start3A_98 : memref<1x1x128xi32, #tpu.memory_space<hbm>> -> memref<128xi32, #tpu.memory_space<hbm>>
    %dma_start3A_100 = arith.constant 0 : i32
    %dma_start3A_101 = tpu.memref_slice %arg3[%add3A, %dma_start3A_96, %dma_start3A_100] : memref<32x82x128xi32, #tpu.memory_space<hbm>> -> memref<1x1x128xi32, #tpu.memory_space<hbm>>
    %dma_start3A_102 = tpu.memref_squeeze %dma_start3A_101 : memref<1x1x128xi32, #tpu.memory_space<hbm>> -> memref<128xi32, #tpu.memory_space<hbm>>
    tpu.enqueue_dma source(%dma_start3A_102 : memref<128xi32, #tpu.memory_space<hbm>>) target(%arg8 : memref<128xi32, #tpu.memory_space<vmem>>) target_semaphore(%arg18 : memref<!tpu.dma_semaphore, #tpu.memory_space<semaphore_mem>>)
    %dma_start3A_103 = arith.constant 1 : i32
    %dma_start3A_104 = arith.constant 0 : i32
    %dma_start3A_105 = tpu.memref_slice %arg2[%add3A, %dma_start3A_103, %dma_start3A_104] : memref<32x82x128xi32, #tpu.memory_space<hbm>> -> memref<1x1x128xi32, #tpu.memory_space<hbm>>
    %dma_start3A_106 = tpu.memref_squeeze %dma_start3A_105 : memref<1x1x128xi32, #tpu.memory_space<hbm>> -> memref<128xi32, #tpu.memory_space<hbm>>
    %dma_start3A_107 = arith.constant 0 : i32
    %dma_start3A_108 = tpu.memref_slice %arg2[%add3A, %dma_start3A_103, %dma_start3A_107] : memref<32x82x128xi32, #tpu.memory_space<hbm>> -> memref<1x1x128xi32, #tpu.memory_space<hbm>>
    %dma_start3A_109 = tpu.memref_squeeze %dma_start3A_108 : memref<1x1x128xi32, #tpu.memory_space<hbm>> -> memref<128xi32, #tpu.memory_space<hbm>>
    tpu.enqueue_dma source(%dma_start3A_109 : memref<128xi32, #tpu.memory_space<hbm>>) target(%arg9 : memref<128xi32, #tpu.memory_space<vmem>>) target_semaphore(%arg19 : memref<!tpu.dma_semaphore, #tpu.memory_space<semaphore_mem>>)
    %dma_start3A_110 = arith.constant 1 : i32
    %dma_start3A_111 = arith.constant 0 : i32
    %dma_start3A_112 = tpu.memref_slice %arg3[%add3A, %dma_start3A_110, %dma_start3A_111] : memref<32x82x128xi32, #tpu.memory_space<hbm>> -> memref<1x1x128xi32, #tpu.memory_space<hbm>>
    %dma_start3A_113 = tpu.memref_squeeze %dma_start3A_112 : memref<1x1x128xi32, #tpu.memory_space<hbm>> -> memref<128xi32, #tpu.memory_space<hbm>>
    %dma_start3A_114 = arith.constant 0 : i32
    %dma_start3A_115 = tpu.memref_slice %arg3[%add3A, %dma_start3A_110, %dma_start3A_114] : memref<32x82x128xi32, #tpu.memory_space<hbm>> -> memref<1x1x128xi32, #tpu.memory_space<hbm>>
    %dma_start3A_116 = tpu.memref_squeeze %dma_start3A_115 : memref<1x1x128xi32, #tpu.memory_space<hbm>> -> memref<128xi32, #tpu.memory_space<hbm>>
    tpu.enqueue_dma source(%dma_start3A_116 : memref<128xi32, #tpu.memory_space<hbm>>) target(%arg10 : memref<128xi32, #tpu.memory_space<vmem>>) target_semaphore(%arg19 : memref<!tpu.dma_semaphore, #tpu.memory_space<semaphore_mem>>)
    %dma_wait3A_117 = arith.constant 0 : i32
    %dma_wait3A_118 = arith.constant 0 : i32
    %dma_wait3A_119 = tpu.memref_slice %arg2[%add3A, %dma_wait3A_117, %dma_wait3A_118] : memref<32x82x128xi32, #tpu.memory_space<hbm>> -> memref<1x1x128xi32, #tpu.memory_space<hbm>>
    %dma_wait3A_120 = tpu.memref_squeeze %dma_wait3A_119 : memref<1x1x128xi32, #tpu.memory_space<hbm>> -> memref<128xi32, #tpu.memory_space<hbm>>
    %dma_wait3A_121 = arith.constant 0 : i32
    %dma_wait3A_122 = tpu.memref_slice %arg2[%add3A, %dma_wait3A_117, %dma_wait3A_121] : memref<32x82x128xi32, #tpu.memory_space<hbm>> -> memref<1x1x128xi32, #tpu.memory_space<hbm>>
    %dma_wait3A_123 = tpu.memref_squeeze %dma_wait3A_122 : memref<1x1x128xi32, #tpu.memory_space<hbm>> -> memref<128xi32, #tpu.memory_space<hbm>>
    tpu.wait_dma2 semaphore(%arg18 : memref<!tpu.dma_semaphore, #tpu.memory_space<semaphore_mem>>) src(%dma_wait3A_123 : memref<128xi32, #tpu.memory_space<hbm>>) dst(%arg7 : memref<128xi32, #tpu.memory_space<vmem>>)
    %dma_wait3A_124 = arith.constant 0 : i32
    %dma_wait3A_125 = arith.constant 0 : i32
    %dma_wait3A_126 = tpu.memref_slice %arg3[%add3A, %dma_wait3A_124, %dma_wait3A_125] : memref<32x82x128xi32, #tpu.memory_space<hbm>> -> memref<1x1x128xi32, #tpu.memory_space<hbm>>
    %dma_wait3A_127 = tpu.memref_squeeze %dma_wait3A_126 : memref<1x1x128xi32, #tpu.memory_space<hbm>> -> memref<128xi32, #tpu.memory_space<hbm>>
    %dma_wait3A_128 = arith.constant 0 : i32
    %dma_wait3A_129 = tpu.memref_slice %arg3[%add3A, %dma_wait3A_124, %dma_wait3A_128] : memref<32x82x128xi32, #tpu.memory_space<hbm>> -> memref<1x1x128xi32, #tpu.memory_space<hbm>>
    %dma_wait3A_130 = tpu.memref_squeeze %dma_wait3A_129 : memref<1x1x128xi32, #tpu.memory_space<hbm>> -> memref<128xi32, #tpu.memory_space<hbm>>
    tpu.wait_dma2 semaphore(%arg18 : memref<!tpu.dma_semaphore, #tpu.memory_space<semaphore_mem>>) src(%dma_wait3A_130 : memref<128xi32, #tpu.memory_space<hbm>>) dst(%arg8 : memref<128xi32, #tpu.memory_space<vmem>>)
    %dma_start3A_131 = arith.constant 0 : i32
    %dma_start3A_132 = arith.constant 0 : i32
    %dma_start3A_133 = tpu.memref_slice %arg4[%dma_start3A_131, %dma_start3A_132] : memref<10000x128xf32, #tpu.memory_space<hbm>> -> memref<10000x128xf32, #tpu.memory_space<hbm>>
    tpu.enqueue_indirect_dma source(%dma_start3A_133 : memref<10000x128xf32, #tpu.memory_space<hbm>>) target(%arg15 : memref<128x128xf32, #tpu.memory_space<vmem>>) offsets(%arg7 : memref<128xi32, #tpu.memory_space<vmem>>) semaphore(%arg22 : memref<!tpu.dma_semaphore, #tpu.memory_space<semaphore_mem>>)
    %dma_wait3A_134 = arith.constant 0 : i32
    %dma_wait3A_135 = arith.constant 0 : i32
    %dma_wait3A_136 = tpu.memref_slice %arg2[%add3A, %dma_wait3A_134, %dma_wait3A_135] : memref<32x82x128xi32, #tpu.memory_space<hbm>> -> memref<1x1x128xi32, #tpu.memory_space<hbm>>
    %dma_wait3A_137 = tpu.memref_squeeze %dma_wait3A_136 : memref<1x1x128xi32, #tpu.memory_space<hbm>> -> memref<128xi32, #tpu.memory_space<hbm>>
    %dma_wait3A_138 = arith.constant 0 : i32
    %dma_wait3A_139 = tpu.memref_slice %arg2[%add3A, %dma_wait3A_134, %dma_wait3A_138] : memref<32x82x128xi32, #tpu.memory_space<hbm>> -> memref<1x1x128xi32, #tpu.memory_space<hbm>>
    %dma_wait3A_140 = tpu.memref_squeeze %dma_wait3A_139 : memref<1x1x128xi32, #tpu.memory_space<hbm>> -> memref<128xi32, #tpu.memory_space<hbm>>
    tpu.wait_dma2 semaphore(%arg19 : memref<!tpu.dma_semaphore, #tpu.memory_space<semaphore_mem>>) src(%dma_wait3A_140 : memref<128xi32, #tpu.memory_space<hbm>>) dst(%arg9 : memref<128xi32, #tpu.memory_space<vmem>>)
    %dma_wait3A_141 = arith.constant 0 : i32
    %dma_wait3A_142 = arith.constant 0 : i32
    %dma_wait3A_143 = tpu.memref_slice %arg3[%add3A, %dma_wait3A_141, %dma_wait3A_142] : memref<32x82x128xi32, #tpu.memory_space<hbm>> -> memref<1x1x128xi32, #tpu.memory_space<hbm>>
    %dma_wait3A_144 = tpu.memref_squeeze %dma_wait3A_143 : memref<1x1x128xi32, #tpu.memory_space<hbm>> -> memref<128xi32, #tpu.memory_space<hbm>>
    %dma_wait3A_145 = arith.constant 0 : i32
    %dma_wait3A_146 = tpu.memref_slice %arg3[%add3A, %dma_wait3A_141, %dma_wait3A_145] : memref<32x82x128xi32, #tpu.memory_space<hbm>> -> memref<1x1x128xi32, #tpu.memory_space<hbm>>
    %dma_wait3A_147 = tpu.memref_squeeze %dma_wait3A_146 : memref<1x1x128xi32, #tpu.memory_space<hbm>> -> memref<128xi32, #tpu.memory_space<hbm>>
    tpu.wait_dma2 semaphore(%arg19 : memref<!tpu.dma_semaphore, #tpu.memory_space<semaphore_mem>>) src(%dma_wait3A_147 : memref<128xi32, #tpu.memory_space<hbm>>) dst(%arg10 : memref<128xi32, #tpu.memory_space<vmem>>)
    %dma_start3A_148 = arith.constant 0 : i32
    %dma_start3A_149 = arith.constant 0 : i32
    %dma_start3A_150 = tpu.memref_slice %arg4[%dma_start3A_148, %dma_start3A_149] : memref<10000x128xf32, #tpu.memory_space<hbm>> -> memref<10000x128xf32, #tpu.memory_space<hbm>>
    tpu.enqueue_indirect_dma source(%dma_start3A_150 : memref<10000x128xf32, #tpu.memory_space<hbm>>) target(%arg16 : memref<128x128xf32, #tpu.memory_space<vmem>>) offsets(%arg9 : memref<128xi32, #tpu.memory_space<vmem>>) semaphore(%arg23 : memref<!tpu.dma_semaphore, #tpu.memory_space<semaphore_mem>>)
    %dma_start3A_151 = arith.constant 2 : i32
    %dma_start3A_152 = arith.constant 0 : i32
    %dma_start3A_153 = tpu.memref_slice %arg2[%add3A, %dma_start3A_151, %dma_start3A_152] : memref<32x82x128xi32, #tpu.memory_space<hbm>> -> memref<1x1x128xi32, #tpu.memory_space<hbm>>
    %dma_start3A_154 = tpu.memref_squeeze %dma_start3A_153 : memref<1x1x128xi32, #tpu.memory_space<hbm>> -> memref<128xi32, #tpu.memory_space<hbm>>
    %dma_start3A_155 = arith.constant 0 : i32
    %dma_start3A_156 = tpu.memref_slice %arg2[%add3A, %dma_start3A_151, %dma_start3A_155] : memref<32x82x128xi32, #tpu.memory_space<hbm>> -> memref<1x1x128xi32, #tpu.memory_space<hbm>>
    %dma_start3A_157 = tpu.memref_squeeze %dma_start3A_156 : memref<1x1x128xi32, #tpu.memory_space<hbm>> -> memref<128xi32, #tpu.memory_space<hbm>>
    tpu.enqueue_dma source(%dma_start3A_157 : memref<128xi32, #tpu.memory_space<hbm>>) target(%arg11 : memref<128xi32, #tpu.memory_space<vmem>>) target_semaphore(%arg20 : memref<!tpu.dma_semaphore, #tpu.memory_space<semaphore_mem>>)
    %dma_start3A_158 = arith.constant 2 : i32
    %dma_start3A_159 = arith.constant 0 : i32
    %dma_start3A_160 = tpu.memref_slice %arg3[%add3A, %dma_start3A_158, %dma_start3A_159] : memref<32x82x128xi32, #tpu.memory_space<hbm>> -> memref<1x1x128xi32, #tpu.memory_space<hbm>>
    %dma_start3A_161 = tpu.memref_squeeze %dma_start3A_160 : memref<1x1x128xi32, #tpu.memory_space<hbm>> -> memref<128xi32, #tpu.memory_space<hbm>>
    %dma_start3A_162 = arith.constant 0 : i32
    %dma_start3A_163 = tpu.memref_slice %arg3[%add3A, %dma_start3A_158, %dma_start3A_162] : memref<32x82x128xi32, #tpu.memory_space<hbm>> -> memref<1x1x128xi32, #tpu.memory_space<hbm>>
    %dma_start3A_164 = tpu.memref_squeeze %dma_start3A_163 : memref<1x1x128xi32, #tpu.memory_space<hbm>> -> memref<128xi32, #tpu.memory_space<hbm>>
    tpu.enqueue_dma source(%dma_start3A_164 : memref<128xi32, #tpu.memory_space<hbm>>) target(%arg12 : memref<128xi32, #tpu.memory_space<vmem>>) target_semaphore(%arg20 : memref<!tpu.dma_semaphore, #tpu.memory_space<semaphore_mem>>)
    %dma_wait3A_165 = arith.constant 0 : i32
    %dma_wait3A_166 = arith.constant 0 : i32
    %dma_wait3A_167 = tpu.memref_slice %arg4[%dma_wait3A_165, %dma_wait3A_166] : memref<10000x128xf32, #tpu.memory_space<hbm>> -> memref<10000x128xf32, #tpu.memory_space<hbm>>
    tpu.wait_indirect_dma semaphore(%arg22 : memref<!tpu.dma_semaphore, #tpu.memory_space<semaphore_mem>>) src(%dma_wait3A_167 : memref<10000x128xf32, #tpu.memory_space<hbm>>) dst(%arg15 : memref<128x128xf32, #tpu.memory_space<vmem>>)
    %dma_start3A_168 = arith.constant 0 : i32
    %dma_start3A_169 = arith.constant 0 : i32
    %dma_start3A_170 = tpu.memref_slice %arg17[%dma_start3A_168, %dma_start3A_169] : memref<10240x128xf32, #tpu.memory_space<vmem_shared>> -> memref<10240x128xf32, #tpu.memory_space<vmem_shared>>
    tpu.enqueue_indirect_dma source(%arg15 : memref<128x128xf32, #tpu.memory_space<vmem>>) target(%dma_start3A_170 : memref<10240x128xf32, #tpu.memory_space<vmem_shared>>) offsets(%arg8 : memref<128xi32, #tpu.memory_space<vmem>>) semaphore(%arg24 : memref<!tpu.dma_semaphore, #tpu.memory_space<semaphore_mem>>) {add = true}
    %dma_wait3A_171 = arith.constant 0 : i32
    %dma_wait3A_172 = arith.constant 0 : i32
    %dma_wait3A_173 = tpu.memref_slice %arg2[%add3A, %dma_wait3A_171, %dma_wait3A_172] : memref<32x82x128xi32, #tpu.memory_space<hbm>> -> memref<1x1x128xi32, #tpu.memory_space<hbm>>
    %dma_wait3A_174 = tpu.memref_squeeze %dma_wait3A_173 : memref<1x1x128xi32, #tpu.memory_space<hbm>> -> memref<128xi32, #tpu.memory_space<hbm>>
    %dma_wait3A_175 = arith.constant 0 : i32
    %dma_wait3A_176 = tpu.memref_slice %arg2[%add3A, %dma_wait3A_171, %dma_wait3A_175] : memref<32x82x128xi32, #tpu.memory_space<hbm>> -> memref<1x1x128xi32, #tpu.memory_space<hbm>>
    %dma_wait3A_177 = tpu.memref_squeeze %dma_wait3A_176 : memref<1x1x128xi32, #tpu.memory_space<hbm>> -> memref<128xi32, #tpu.memory_space<hbm>>
    tpu.wait_dma2 semaphore(%arg20 : memref<!tpu.dma_semaphore, #tpu.memory_space<semaphore_mem>>) src(%dma_wait3A_177 : memref<128xi32, #tpu.memory_space<hbm>>) dst(%arg11 : memref<128xi32, #tpu.memory_space<vmem>>)
    %dma_wait3A_178 = arith.constant 0 : i32
    %dma_wait3A_179 = arith.constant 0 : i32
    %dma_wait3A_180 = tpu.memref_slice %arg3[%add3A, %dma_wait3A_178, %dma_wait3A_179] : memref<32x82x128xi32, #tpu.memory_space<hbm>> -> memref<1x1x128xi32, #tpu.memory_space<hbm>>
    %dma_wait3A_181 = tpu.memref_squeeze %dma_wait3A_180 : memref<1x1x128xi32, #tpu.memory_space<hbm>> -> memref<128xi32, #tpu.memory_space<hbm>>
    %dma_wait3A_182 = arith.constant 0 : i32
    %dma_wait3A_183 = tpu.memref_slice %arg3[%add3A, %dma_wait3A_178, %dma_wait3A_182] : memref<32x82x128xi32, #tpu.memory_space<hbm>> -> memref<1x1x128xi32, #tpu.memory_space<hbm>>
    %dma_wait3A_184 = tpu.memref_squeeze %dma_wait3A_183 : memref<1x1x128xi32, #tpu.memory_space<hbm>> -> memref<128xi32, #tpu.memory_space<hbm>>
    tpu.wait_dma2 semaphore(%arg20 : memref<!tpu.dma_semaphore, #tpu.memory_space<semaphore_mem>>) src(%dma_wait3A_184 : memref<128xi32, #tpu.memory_space<hbm>>) dst(%arg12 : memref<128xi32, #tpu.memory_space<vmem>>)
    %dma_wait3A_185 = arith.constant 0 : i32
    %dma_wait3A_186 = arith.constant 0 : i32
    %dma_wait3A_187 = tpu.memref_slice %arg17[%dma_wait3A_185, %dma_wait3A_186] : memref<10240x128xf32, #tpu.memory_space<vmem_shared>> -> memref<10240x128xf32, #tpu.memory_space<vmem_shared>>
    tpu.wait_indirect_dma semaphore(%arg24 : memref<!tpu.dma_semaphore, #tpu.memory_space<semaphore_mem>>) src(%arg15 : memref<128x128xf32, #tpu.memory_space<vmem>>) dst(%dma_wait3A_187 : memref<10240x128xf32, #tpu.memory_space<vmem_shared>>)
    %dma_start3A_188 = arith.constant 0 : i32
    %dma_start3A_189 = arith.constant 0 : i32
    %dma_start3A_190 = tpu.memref_slice %arg4[%dma_start3A_188, %dma_start3A_189] : memref<10000x128xf32, #tpu.memory_space<hbm>> -> memref<10000x128xf32, #tpu.memory_space<hbm>>
    tpu.enqueue_indirect_dma source(%dma_start3A_190 : memref<10000x128xf32, #tpu.memory_space<hbm>>) target(%arg15 : memref<128x128xf32, #tpu.memory_space<vmem>>) offsets(%arg11 : memref<128xi32, #tpu.memory_space<vmem>>) semaphore(%arg22 : memref<!tpu.dma_semaphore, #tpu.memory_space<semaphore_mem>>)
    %dma_wait3A_191 = arith.constant 0 : i32
    %dma_wait3A_192 = arith.constant 0 : i32
    %dma_wait3A_193 = tpu.memref_slice %arg4[%dma_wait3A_191, %dma_wait3A_192] : memref<10000x128xf32, #tpu.memory_space<hbm>> -> memref<10000x128xf32, #tpu.memory_space<hbm>>
    tpu.wait_indirect_dma semaphore(%arg23 : memref<!tpu.dma_semaphore, #tpu.memory_space<semaphore_mem>>) src(%dma_wait3A_193 : memref<10000x128xf32, #tpu.memory_space<hbm>>) dst(%arg16 : memref<128x128xf32, #tpu.memory_space<vmem>>)
    %dma_start3A_194 = arith.constant 0 : i32
    %dma_start3A_195 = arith.constant 0 : i32
    %dma_start3A_196 = tpu.memref_slice %arg17[%dma_start3A_194, %dma_start3A_195] : memref<10240x128xf32, #tpu.memory_space<vmem_shared>> -> memref<10240x128xf32, #tpu.memory_space<vmem_shared>>
    tpu.enqueue_indirect_dma source(%arg16 : memref<128x128xf32, #tpu.memory_space<vmem>>) target(%dma_start3A_196 : memref<10240x128xf32, #tpu.memory_space<vmem_shared>>) offsets(%arg10 : memref<128xi32, #tpu.memory_space<vmem>>) semaphore(%arg24 : memref<!tpu.dma_semaphore, #tpu.memory_space<semaphore_mem>>) {add = true}
    %dma_start3A_197 = arith.constant 3 : i32
    %dma_start3A_198 = arith.constant 0 : i32
    %dma_start3A_199 = tpu.memref_slice %arg2[%add3A, %dma_start3A_197, %dma_start3A_198] : memref<32x82x128xi32, #tpu.memory_space<hbm>> -> memref<1x1x128xi32, #tpu.memory_space<hbm>>
    %dma_start3A_200 = tpu.memref_squeeze %dma_start3A_199 : memref<1x1x128xi32, #tpu.memory_space<hbm>> -> memref<128xi32, #tpu.memory_space<hbm>>
    %dma_start3A_201 = arith.constant 0 : i32
    %dma_start3A_202 = tpu.memref_slice %arg2[%add3A, %dma_start3A_197, %dma_start3A_201] : memref<32x82x128xi32, #tpu.memory_space<hbm>> -> memref<1x1x128xi32, #tpu.memory_space<hbm>>
    %dma_start3A_203 = tpu.memref_squeeze %dma_start3A_202 : memref<1x1x128xi32, #tpu.memory_space<hbm>> -> memref<128xi32, #tpu.memory_space<hbm>>
    tpu.enqueue_dma source(%dma_start3A_203 : memref<128xi32, #tpu.memory_space<hbm>>) target(%arg13 : memref<128xi32, #tpu.memory_space<vmem>>) target_semaphore(%arg21 : memref<!tpu.dma_semaphore, #tpu.memory_space<semaphore_mem>>)
    %dma_start3A_204 = arith.constant 3 : i32
    %dma_start3A_205 = arith.constant 0 : i32
    %dma_start3A_206 = tpu.memref_slice %arg3[%add3A, %dma_start3A_204, %dma_start3A_205] : memref<32x82x128xi32, #tpu.memory_space<hbm>> -> memref<1x1x128xi32, #tpu.memory_space<hbm>>
    %dma_start3A_207 = tpu.memref_squeeze %dma_start3A_206 : memref<1x1x128xi32, #tpu.memory_space<hbm>> -> memref<128xi32, #tpu.memory_space<hbm>>
    %dma_start3A_208 = arith.constant 0 : i32
    %dma_start3A_209 = tpu.memref_slice %arg3[%add3A, %dma_start3A_204, %dma_start3A_208] : memref<32x82x128xi32, #tpu.memory_space<hbm>> -> memref<1x1x128xi32, #tpu.memory_space<hbm>>
    %dma_start3A_210 = tpu.memref_squeeze %dma_start3A_209 : memref<1x1x128xi32, #tpu.memory_space<hbm>> -> memref<128xi32, #tpu.memory_space<hbm>>
    tpu.enqueue_dma source(%dma_start3A_210 : memref<128xi32, #tpu.memory_space<hbm>>) target(%arg14 : memref<128xi32, #tpu.memory_space<vmem>>) target_semaphore(%arg21 : memref<!tpu.dma_semaphore, #tpu.memory_space<semaphore_mem>>)
    %dma_wait3A_211 = arith.constant 0 : i32
    %dma_wait3A_212 = arith.constant 0 : i32
    %dma_wait3A_213 = tpu.memref_slice %arg2[%add3A, %dma_wait3A_211, %dma_wait3A_212] : memref<32x82x128xi32, #tpu.memory_space<hbm>> -> memref<1x1x128xi32, #tpu.memory_space<hbm>>
    %dma_wait3A_214 = tpu.memref_squeeze %dma_wait3A_213 : memref<1x1x128xi32, #tpu.memory_space<hbm>> -> memref<128xi32, #tpu.memory_space<hbm>>
    %dma_wait3A_215 = arith.constant 0 : i32
    %dma_wait3A_216 = tpu.memref_slice %arg2[%add3A, %dma_wait3A_211, %dma_wait3A_215] : memref<32x82x128xi32, #tpu.memory_space<hbm>> -> memref<1x1x128xi32, #tpu.memory_space<hbm>>
    %dma_wait3A_217 = tpu.memref_squeeze %dma_wait3A_216 : memref<1x1x128xi32, #tpu.memory_space<hbm>> -> memref<128xi32, #tpu.memory_space<hbm>>
    tpu.wait_dma2 semaphore(%arg21 : memref<!tpu.dma_semaphore, #tpu.memory_space<semaphore_mem>>) src(%dma_wait3A_217 : memref<128xi32, #tpu.memory_space<hbm>>) dst(%arg13 : memref<128xi32, #tpu.memory_space<vmem>>)
    %dma_wait3A_218 = arith.constant 0 : i32
    %dma_wait3A_219 = arith.constant 0 : i32
    %dma_wait3A_220 = tpu.memref_slice %arg3[%add3A, %dma_wait3A_218, %dma_wait3A_219] : memref<32x82x128xi32, #tpu.memory_space<hbm>> -> memref<1x1x128xi32, #tpu.memory_space<hbm>>
    %dma_wait3A_221 = tpu.memref_squeeze %dma_wait3A_220 : memref<1x1x128xi32, #tpu.memory_space<hbm>> -> memref<128xi32, #tpu.memory_space<hbm>>
    %dma_wait3A_222 = arith.constant 0 : i32
    %dma_wait3A_223 = tpu.memref_slice %arg3[%add3A, %dma_wait3A_218, %dma_wait3A_222] : memref<32x82x128xi32, #tpu.memory_space<hbm>> -> memref<1x1x128xi32, #tpu.memory_space<hbm>>
    %dma_wait3A_224 = tpu.memref_squeeze %dma_wait3A_223 : memref<1x1x128xi32, #tpu.memory_space<hbm>> -> memref<128xi32, #tpu.memory_space<hbm>>
    tpu.wait_dma2 semaphore(%arg21 : memref<!tpu.dma_semaphore, #tpu.memory_space<semaphore_mem>>) src(%dma_wait3A_224 : memref<128xi32, #tpu.memory_space<hbm>>) dst(%arg14 : memref<128xi32, #tpu.memory_space<vmem>>)
    %dma_wait3A_225 = arith.constant 0 : i32
    %dma_wait3A_226 = arith.constant 0 : i32
    %dma_wait3A_227 = tpu.memref_slice %arg17[%dma_wait3A_225, %dma_wait3A_226] : memref<10240x128xf32, #tpu.memory_space<vmem_shared>> -> memref<10240x128xf32, #tpu.memory_space<vmem_shared>>
    tpu.wait_indirect_dma semaphore(%arg24 : memref<!tpu.dma_semaphore, #tpu.memory_space<semaphore_mem>>) src(%arg16 : memref<128x128xf32, #tpu.memory_space<vmem>>) dst(%dma_wait3A_227 : memref<10240x128xf32, #tpu.memory_space<vmem_shared>>)
    %dma_start3A_228 = arith.constant 0 : i32
    %dma_start3A_229 = arith.constant 0 : i32
    %dma_start3A_230 = tpu.memref_slice %arg4[%dma_start3A_228, %dma_start3A_229] : memref<10000x128xf32, #tpu.memory_space<hbm>> -> memref<10000x128xf32, #tpu.memory_space<hbm>>
    tpu.enqueue_indirect_dma source(%dma_start3A_230 : memref<10000x128xf32, #tpu.memory_space<hbm>>) target(%arg16 : memref<128x128xf32, #tpu.memory_space<vmem>>) offsets(%arg13 : memref<128xi32, #tpu.memory_space<vmem>>) semaphore(%arg23 : memref<!tpu.dma_semaphore, #tpu.memory_space<semaphore_mem>>)
    %dma_wait3A_231 = arith.constant 0 : i32
    %dma_wait3A_232 = arith.constant 0 : i32
    %dma_wait3A_233 = tpu.memref_slice %arg4[%dma_wait3A_231, %dma_wait3A_232] : memref<10000x128xf32, #tpu.memory_space<hbm>> -> memref<10000x128xf32, #tpu.memory_space<hbm>>
    tpu.wait_indirect_dma semaphore(%arg22 : memref<!tpu.dma_semaphore, #tpu.memory_space<semaphore_mem>>) src(%dma_wait3A_233 : memref<10000x128xf32, #tpu.memory_space<hbm>>) dst(%arg15 : memref<128x128xf32, #tpu.memory_space<vmem>>)
    %dma_start3A_234 = arith.constant 0 : i32
    %dma_start3A_235 = arith.constant 0 : i32
    %dma_start3A_236 = tpu.memref_slice %arg17[%dma_start3A_234, %dma_start3A_235] : memref<10240x128xf32, #tpu.memory_space<vmem_shared>> -> memref<10240x128xf32, #tpu.memory_space<vmem_shared>>
    tpu.enqueue_indirect_dma source(%arg15 : memref<128x128xf32, #tpu.memory_space<vmem>>) target(%dma_start3A_236 : memref<10240x128xf32, #tpu.memory_space<vmem_shared>>) offsets(%arg12 : memref<128xi32, #tpu.memory_space<vmem>>) semaphore(%arg24 : memref<!tpu.dma_semaphore, #tpu.memory_space<semaphore_mem>>) {add = true}
    %dma_start3A_237 = arith.constant 4 : i32
    %dma_start3A_238 = arith.constant 0 : i32
    %dma_start3A_239 = tpu.memref_slice %arg2[%add3A, %dma_start3A_237, %dma_start3A_238] : memref<32x82x128xi32, #tpu.memory_space<hbm>> -> memref<1x1x128xi32, #tpu.memory_space<hbm>>
    %dma_start3A_240 = tpu.memref_squeeze %dma_start3A_239 : memref<1x1x128xi32, #tpu.memory_space<hbm>> -> memref<128xi32, #tpu.memory_space<hbm>>
    %dma_start3A_241 = arith.constant 0 : i32
    %dma_start3A_242 = tpu.memref_slice %arg2[%add3A, %dma_start3A_237, %dma_start3A_241] : memref<32x82x128xi32, #tpu.memory_space<hbm>> -> memref<1x1x128xi32, #tpu.memory_space<hbm>>
    %dma_start3A_243 = tpu.memref_squeeze %dma_start3A_242 : memref<1x1x128xi32, #tpu.memory_space<hbm>> -> memref<128xi32, #tpu.memory_space<hbm>>
    tpu.enqueue_dma source(%dma_start3A_243 : memref<128xi32, #tpu.memory_space<hbm>>) target(%arg7 : memref<128xi32, #tpu.memory_space<vmem>>) target_semaphore(%arg18 : memref<!tpu.dma_semaphore, #tpu.memory_space<semaphore_mem>>)
    %dma_start3A_244 = arith.constant 4 : i32
    %dma_start3A_245 = arith.constant 0 : i32
    %dma_start3A_246 = tpu.memref_slice %arg3[%add3A, %dma_start3A_244, %dma_start3A_245] : memref<32x82x128xi32, #tpu.memory_space<hbm>> -> memref<1x1x128xi32, #tpu.memory_space<hbm>>
    %dma_start3A_247 = tpu.memref_squeeze %dma_start3A_246 : memref<1x1x128xi32, #tpu.memory_space<hbm>> -> memref<128xi32, #tpu.memory_space<hbm>>
    %dma_start3A_248 = arith.constant 0 : i32
    %dma_start3A_249 = tpu.memref_slice %arg3[%add3A, %dma_start3A_244, %dma_start3A_248] : memref<32x82x128xi32, #tpu.memory_space<hbm>> -> memref<1x1x128xi32, #tpu.memory_space<hbm>>
    %dma_start3A_250 = tpu.memref_squeeze %dma_start3A_249 : memref<1x1x128xi32, #tpu.memory_space<hbm>> -> memref<128xi32, #tpu.memory_space<hbm>>
    tpu.enqueue_dma source(%dma_start3A_250 : memref<128xi32, #tpu.memory_space<hbm>>) target(%arg8 : memref<128xi32, #tpu.memory_space<vmem>>) target_semaphore(%arg18 : memref<!tpu.dma_semaphore, #tpu.memory_space<semaphore_mem>>)
    %scan3A = arith.constant 0 : i32
    %scan3A_251 = arith.constant 0 : i32
    %scan3A_252 = arith.constant 19 : i32
    %scan3A_253 = arith.addi %scan3A_251, %scan3A_252 : i32
    %scan3A_254 = arith.constant 1 : i32
    scf.for %scan3A_303 = %scan3A_251 to %scan3A_253 step %scan3A_254  : i32 {
      %mul3A_304 = arith.constant 4 : i32
      %mul3A_305 = arith.muli %mul3A_304, %scan3A_303 : i32
      %add3A_306 = arith.constant 3 : i32
      %add3A_307 = arith.addi %mul3A_305, %add3A_306 : i32
      %dma_wait3A_308 = arith.constant 0 : i32
      %dma_wait3A_309 = arith.constant 0 : i32
      %dma_wait3A_310 = tpu.memref_slice %arg2[%add3A, %dma_wait3A_308, %dma_wait3A_309] : memref<32x82x128xi32, #tpu.memory_space<hbm>> -> memref<1x1x128xi32, #tpu.memory_space<hbm>>
      %dma_wait3A_311 = tpu.memref_squeeze %dma_wait3A_310 : memref<1x1x128xi32, #tpu.memory_space<hbm>> -> memref<128xi32, #tpu.memory_space<hbm>>
      %dma_wait3A_312 = arith.constant 0 : i32
      %dma_wait3A_313 = tpu.memref_slice %arg2[%add3A, %dma_wait3A_308, %dma_wait3A_312] : memref<32x82x128xi32, #tpu.memory_space<hbm>> -> memref<1x1x128xi32, #tpu.memory_space<hbm>>
      %dma_wait3A_314 = tpu.memref_squeeze %dma_wait3A_313 : memref<1x1x128xi32, #tpu.memory_space<hbm>> -> memref<128xi32, #tpu.memory_space<hbm>>
      tpu.wait_dma2 semaphore(%arg18 : memref<!tpu.dma_semaphore, #tpu.memory_space<semaphore_mem>>) src(%dma_wait3A_314 : memref<128xi32, #tpu.memory_space<hbm>>) dst(%arg7 : memref<128xi32, #tpu.memory_space<vmem>>)
      %dma_wait3A_315 = arith.constant 0 : i32
      %dma_wait3A_316 = arith.constant 0 : i32
      %dma_wait3A_317 = tpu.memref_slice %arg3[%add3A, %dma_wait3A_315, %dma_wait3A_316] : memref<32x82x128xi32, #tpu.memory_space<hbm>> -> memref<1x1x128xi32, #tpu.memory_space<hbm>>
      %dma_wait3A_318 = tpu.memref_squeeze %dma_wait3A_317 : memref<1x1x128xi32, #tpu.memory_space<hbm>> -> memref<128xi32, #tpu.memory_space<hbm>>
      %dma_wait3A_319 = arith.constant 0 : i32
      %dma_wait3A_320 = tpu.memref_slice %arg3[%add3A, %dma_wait3A_315, %dma_wait3A_319] : memref<32x82x128xi32, #tpu.memory_space<hbm>> -> memref<1x1x128xi32, #tpu.memory_space<hbm>>
      %dma_wait3A_321 = tpu.memref_squeeze %dma_wait3A_320 : memref<1x1x128xi32, #tpu.memory_space<hbm>> -> memref<128xi32, #tpu.memory_space<hbm>>
      tpu.wait_dma2 semaphore(%arg18 : memref<!tpu.dma_semaphore, #tpu.memory_space<semaphore_mem>>) src(%dma_wait3A_321 : memref<128xi32, #tpu.memory_space<hbm>>) dst(%arg8 : memref<128xi32, #tpu.memory_space<vmem>>)
      %dma_wait3A_322 = arith.constant 0 : i32
      %dma_wait3A_323 = arith.constant 0 : i32
      %dma_wait3A_324 = tpu.memref_slice %arg17[%dma_wait3A_322, %dma_wait3A_323] : memref<10240x128xf32, #tpu.memory_space<vmem_shared>> -> memref<10240x128xf32, #tpu.memory_space<vmem_shared>>
      tpu.wait_indirect_dma semaphore(%arg24 : memref<!tpu.dma_semaphore, #tpu.memory_space<semaphore_mem>>) src(%arg15 : memref<128x128xf32, #tpu.memory_space<vmem>>) dst(%dma_wait3A_324 : memref<10240x128xf32, #tpu.memory_space<vmem_shared>>)
      %dma_start3A_325 = arith.constant 0 : i32
      %dma_start3A_326 = arith.constant 0 : i32
      %dma_start3A_327 = tpu.memref_slice %arg4[%dma_start3A_325, %dma_start3A_326] : memref<10000x128xf32, #tpu.memory_space<hbm>> -> memref<10000x128xf32, #tpu.memory_space<hbm>>
      tpu.enqueue_indirect_dma source(%dma_start3A_327 : memref<10000x128xf32, #tpu.memory_space<hbm>>) target(%arg15 : memref<128x128xf32, #tpu.memory_space<vmem>>) offsets(%arg7 : memref<128xi32, #tpu.memory_space<vmem>>) semaphore(%arg22 : memref<!tpu.dma_semaphore, #tpu.memory_space<semaphore_mem>>)
      %dma_wait3A_328 = arith.constant 0 : i32
      %dma_wait3A_329 = arith.constant 0 : i32
      %dma_wait3A_330 = tpu.memref_slice %arg4[%dma_wait3A_328, %dma_wait3A_329] : memref<10000x128xf32, #tpu.memory_space<hbm>> -> memref<10000x128xf32, #tpu.memory_space<hbm>>
      tpu.wait_indirect_dma semaphore(%arg23 : memref<!tpu.dma_semaphore, #tpu.memory_space<semaphore_mem>>) src(%dma_wait3A_330 : memref<10000x128xf32, #tpu.memory_space<hbm>>) dst(%arg16 : memref<128x128xf32, #tpu.memory_space<vmem>>)
      %dma_start3A_331 = arith.constant 0 : i32
      %dma_start3A_332 = arith.constant 0 : i32
      %dma_start3A_333 = tpu.memref_slice %arg17[%dma_start3A_331, %dma_start3A_332] : memref<10240x128xf32, #tpu.memory_space<vmem_shared>> -> memref<10240x128xf32, #tpu.memory_space<vmem_shared>>
      tpu.enqueue_indirect_dma source(%arg16 : memref<128x128xf32, #tpu.memory_space<vmem>>) target(%dma_start3A_333 : memref<10240x128xf32, #tpu.memory_space<vmem_shared>>) offsets(%arg14 : memref<128xi32, #tpu.memory_space<vmem>>) semaphore(%arg24 : memref<!tpu.dma_semaphore, #tpu.memory_space<semaphore_mem>>) {add = true}
      %add3A_334 = arith.constant 2 : i32
      %add3A_335 = arith.addi %add3A_307, %add3A_334 : i32
      %dma_start3A_336 = arith.constant 0 : i32
      %dma_start3A_337 = tpu.memref_slice %arg2[%add3A, %add3A_335, %dma_start3A_336] : memref<32x82x128xi32, #tpu.memory_space<hbm>> -> memref<1x1x128xi32, #tpu.memory_space<hbm>>
      %dma_start3A_338 = tpu.memref_squeeze %dma_start3A_337 : memref<1x1x128xi32, #tpu.memory_space<hbm>> -> memref<128xi32, #tpu.memory_space<hbm>>
      %dma_start3A_339 = arith.constant 0 : i32
      %dma_start3A_340 = tpu.memref_slice %arg2[%add3A, %add3A_335, %dma_start3A_339] : memref<32x82x128xi32, #tpu.memory_space<hbm>> -> memref<1x1x128xi32, #tpu.memory_space<hbm>>
      %dma_start3A_341 = tpu.memref_squeeze %dma_start3A_340 : memref<1x1x128xi32, #tpu.memory_space<hbm>> -> memref<128xi32, #tpu.memory_space<hbm>>
      tpu.enqueue_dma source(%dma_start3A_341 : memref<128xi32, #tpu.memory_space<hbm>>) target(%arg9 : memref<128xi32, #tpu.memory_space<vmem>>) target_semaphore(%arg19 : memref<!tpu.dma_semaphore, #tpu.memory_space<semaphore_mem>>)
      %dma_start3A_342 = arith.constant 0 : i32
      %dma_start3A_343 = tpu.memref_slice %arg3[%add3A, %add3A_335, %dma_start3A_342] : memref<32x82x128xi32, #tpu.memory_space<hbm>> -> memref<1x1x128xi32, #tpu.memory_space<hbm>>
      %dma_start3A_344 = tpu.memref_squeeze %dma_start3A_343 : memref<1x1x128xi32, #tpu.memory_space<hbm>> -> memref<128xi32, #tpu.memory_space<hbm>>
      %dma_start3A_345 = arith.constant 0 : i32
      %dma_start3A_346 = tpu.memref_slice %arg3[%add3A, %add3A_335, %dma_start3A_345] : memref<32x82x128xi32, #tpu.memory_space<hbm>> -> memref<1x1x128xi32, #tpu.memory_space<hbm>>
      %dma_start3A_347 = tpu.memref_squeeze %dma_start3A_346 : memref<1x1x128xi32, #tpu.memory_space<hbm>> -> memref<128xi32, #tpu.memory_space<hbm>>
      tpu.enqueue_dma source(%dma_start3A_347 : memref<128xi32, #tpu.memory_space<hbm>>) target(%arg10 : memref<128xi32, #tpu.memory_space<vmem>>) target_semaphore(%arg19 : memref<!tpu.dma_semaphore, #tpu.memory_space<semaphore_mem>>)
      %add3A_348 = arith.constant 1 : i32
      %add3A_349 = arith.addi %add3A_307, %add3A_348 : i32
      %dma_wait3A_350 = arith.constant 0 : i32
      %dma_wait3A_351 = arith.constant 0 : i32
      %dma_wait3A_352 = tpu.memref_slice %arg2[%add3A, %dma_wait3A_350, %dma_wait3A_351] : memref<32x82x128xi32, #tpu.memory_space<hbm>> -> memref<1x1x128xi32, #tpu.memory_space<hbm>>
      %dma_wait3A_353 = tpu.memref_squeeze %dma_wait3A_352 : memref<1x1x128xi32, #tpu.memory_space<hbm>> -> memref<128xi32, #tpu.memory_space<hbm>>
      %dma_wait3A_354 = arith.constant 0 : i32
      %dma_wait3A_355 = tpu.memref_slice %arg2[%add3A, %dma_wait3A_350, %dma_wait3A_354] : memref<32x82x128xi32, #tpu.memory_space<hbm>> -> memref<1x1x128xi32, #tpu.memory_space<hbm>>
      %dma_wait3A_356 = tpu.memref_squeeze %dma_wait3A_355 : memref<1x1x128xi32, #tpu.memory_space<hbm>> -> memref<128xi32, #tpu.memory_space<hbm>>
      tpu.wait_dma2 semaphore(%arg19 : memref<!tpu.dma_semaphore, #tpu.memory_space<semaphore_mem>>) src(%dma_wait3A_356 : memref<128xi32, #tpu.memory_space<hbm>>) dst(%arg9 : memref<128xi32, #tpu.memory_space<vmem>>)
      %dma_wait3A_357 = arith.constant 0 : i32
      %dma_wait3A_358 = arith.constant 0 : i32
      %dma_wait3A_359 = tpu.memref_slice %arg3[%add3A, %dma_wait3A_357, %dma_wait3A_358] : memref<32x82x128xi32, #tpu.memory_space<hbm>> -> memref<1x1x128xi32, #tpu.memory_space<hbm>>
      %dma_wait3A_360 = tpu.memref_squeeze %dma_wait3A_359 : memref<1x1x128xi32, #tpu.memory_space<hbm>> -> memref<128xi32, #tpu.memory_space<hbm>>
      %dma_wait3A_361 = arith.constant 0 : i32
      %dma_wait3A_362 = tpu.memref_slice %arg3[%add3A, %dma_wait3A_357, %dma_wait3A_361] : memref<32x82x128xi32, #tpu.memory_space<hbm>> -> memref<1x1x128xi32, #tpu.memory_space<hbm>>
      %dma_wait3A_363 = tpu.memref_squeeze %dma_wait3A_362 : memref<1x1x128xi32, #tpu.memory_space<hbm>> -> memref<128xi32, #tpu.memory_space<hbm>>
      tpu.wait_dma2 semaphore(%arg19 : memref<!tpu.dma_semaphore, #tpu.memory_space<semaphore_mem>>) src(%dma_wait3A_363 : memref<128xi32, #tpu.memory_space<hbm>>) dst(%arg10 : memref<128xi32, #tpu.memory_space<vmem>>)
      %dma_wait3A_364 = arith.constant 0 : i32
      %dma_wait3A_365 = arith.constant 0 : i32
      %dma_wait3A_366 = tpu.memref_slice %arg17[%dma_wait3A_364, %dma_wait3A_365] : memref<10240x128xf32, #tpu.memory_space<vmem_shared>> -> memref<10240x128xf32, #tpu.memory_space<vmem_shared>>
      tpu.wait_indirect_dma semaphore(%arg24 : memref<!tpu.dma_semaphore, #tpu.memory_space<semaphore_mem>>) src(%arg16 : memref<128x128xf32, #tpu.memory_space<vmem>>) dst(%dma_wait3A_366 : memref<10240x128xf32, #tpu.memory_space<vmem_shared>>)
      %dma_start3A_367 = arith.constant 0 : i32
      %dma_start3A_368 = arith.constant 0 : i32
      %dma_start3A_369 = tpu.memref_slice %arg4[%dma_start3A_367, %dma_start3A_368] : memref<10000x128xf32, #tpu.memory_space<hbm>> -> memref<10000x128xf32, #tpu.memory_space<hbm>>
      tpu.enqueue_indirect_dma source(%dma_start3A_369 : memref<10000x128xf32, #tpu.memory_space<hbm>>) target(%arg16 : memref<128x128xf32, #tpu.memory_space<vmem>>) offsets(%arg9 : memref<128xi32, #tpu.memory_space<vmem>>) semaphore(%arg23 : memref<!tpu.dma_semaphore, #tpu.memory_space<semaphore_mem>>)
      %dma_wait3A_370 = arith.constant 0 : i32
      %dma_wait3A_371 = arith.constant 0 : i32
      %dma_wait3A_372 = tpu.memref_slice %arg4[%dma_wait3A_370, %dma_wait3A_371] : memref<10000x128xf32, #tpu.memory_space<hbm>> -> memref<10000x128xf32, #tpu.memory_space<hbm>>
      tpu.wait_indirect_dma semaphore(%arg22 : memref<!tpu.dma_semaphore, #tpu.memory_space<semaphore_mem>>) src(%dma_wait3A_372 : memref<10000x128xf32, #tpu.memory_space<hbm>>) dst(%arg15 : memref<128x128xf32, #tpu.memory_space<vmem>>)
      %dma_start3A_373 = arith.constant 0 : i32
      %dma_start3A_374 = arith.constant 0 : i32
      %dma_start3A_375 = tpu.memref_slice %arg17[%dma_start3A_373, %dma_start3A_374] : memref<10240x128xf32, #tpu.memory_space<vmem_shared>> -> memref<10240x128xf32, #tpu.memory_space<vmem_shared>>
      tpu.enqueue_indirect_dma source(%arg15 : memref<128x128xf32, #tpu.memory_space<vmem>>) target(%dma_start3A_375 : memref<10240x128xf32, #tpu.memory_space<vmem_shared>>) offsets(%arg8 : memref<128xi32, #tpu.memory_space<vmem>>) semaphore(%arg24 : memref<!tpu.dma_semaphore, #tpu.memory_space<semaphore_mem>>) {add = true}
      %add3A_376 = arith.constant 2 : i32
      %add3A_377 = arith.addi %add3A_349, %add3A_376 : i32
      %dma_start3A_378 = arith.constant 0 : i32
      %dma_start3A_379 = tpu.memref_slice %arg2[%add3A, %add3A_377, %dma_start3A_378] : memref<32x82x128xi32, #tpu.memory_space<hbm>> -> memref<1x1x128xi32, #tpu.memory_space<hbm>>
      %dma_start3A_380 = tpu.memref_squeeze %dma_start3A_379 : memref<1x1x128xi32, #tpu.memory_space<hbm>> -> memref<128xi32, #tpu.memory_space<hbm>>
      %dma_start3A_381 = arith.constant 0 : i32
      %dma_start3A_382 = tpu.memref_slice %arg2[%add3A, %add3A_377, %dma_start3A_381] : memref<32x82x128xi32, #tpu.memory_space<hbm>> -> memref<1x1x128xi32, #tpu.memory_space<hbm>>
      %dma_start3A_383 = tpu.memref_squeeze %dma_start3A_382 : memref<1x1x128xi32, #tpu.memory_space<hbm>> -> memref<128xi32, #tpu.memory_space<hbm>>
      tpu.enqueue_dma source(%dma_start3A_383 : memref<128xi32, #tpu.memory_space<hbm>>) target(%arg11 : memref<128xi32, #tpu.memory_space<vmem>>) target_semaphore(%arg20 : memref<!tpu.dma_semaphore, #tpu.memory_space<semaphore_mem>>)
      %dma_start3A_384 = arith.constant 0 : i32
      %dma_start3A_385 = tpu.memref_slice %arg3[%add3A, %add3A_377, %dma_start3A_384] : memref<32x82x128xi32, #tpu.memory_space<hbm>> -> memref<1x1x128xi32, #tpu.memory_space<hbm>>
      %dma_start3A_386 = tpu.memref_squeeze %dma_start3A_385 : memref<1x1x128xi32, #tpu.memory_space<hbm>> -> memref<128xi32, #tpu.memory_space<hbm>>
      %dma_start3A_387 = arith.constant 0 : i32
      %dma_start3A_388 = tpu.memref_slice %arg3[%add3A, %add3A_377, %dma_start3A_387] : memref<32x82x128xi32, #tpu.memory_space<hbm>> -> memref<1x1x128xi32, #tpu.memory_space<hbm>>
      %dma_start3A_389 = tpu.memref_squeeze %dma_start3A_388 : memref<1x1x128xi32, #tpu.memory_space<hbm>> -> memref<128xi32, #tpu.memory_space<hbm>>
      tpu.enqueue_dma source(%dma_start3A_389 : memref<128xi32, #tpu.memory_space<hbm>>) target(%arg12 : memref<128xi32, #tpu.memory_space<vmem>>) target_semaphore(%arg20 : memref<!tpu.dma_semaphore, #tpu.memory_space<semaphore_mem>>)
      %add3A_390 = arith.constant 2 : i32
      %add3A_391 = arith.addi %add3A_307, %add3A_390 : i32
      %dma_wait3A_392 = arith.constant 0 : i32
      %dma_wait3A_393 = arith.constant 0 : i32
      %dma_wait3A_394 = tpu.memref_slice %arg2[%add3A, %dma_wait3A_392, %dma_wait3A_393] : memref<32x82x128xi32, #tpu.memory_space<hbm>> -> memref<1x1x128xi32, #tpu.memory_space<hbm>>
      %dma_wait3A_395 = tpu.memref_squeeze %dma_wait3A_394 : memref<1x1x128xi32, #tpu.memory_space<hbm>> -> memref<128xi32, #tpu.memory_space<hbm>>
      %dma_wait3A_396 = arith.constant 0 : i32
      %dma_wait3A_397 = tpu.memref_slice %arg2[%add3A, %dma_wait3A_392, %dma_wait3A_396] : memref<32x82x128xi32, #tpu.memory_space<hbm>> -> memref<1x1x128xi32, #tpu.memory_space<hbm>>
      %dma_wait3A_398 = tpu.memref_squeeze %dma_wait3A_397 : memref<1x1x128xi32, #tpu.memory_space<hbm>> -> memref<128xi32, #tpu.memory_space<hbm>>
      tpu.wait_dma2 semaphore(%arg20 : memref<!tpu.dma_semaphore, #tpu.memory_space<semaphore_mem>>) src(%dma_wait3A_398 : memref<128xi32, #tpu.memory_space<hbm>>) dst(%arg11 : memref<128xi32, #tpu.memory_space<vmem>>)
      %dma_wait3A_399 = arith.constant 0 : i32
      %dma_wait3A_400 = arith.constant 0 : i32
      %dma_wait3A_401 = tpu.memref_slice %arg3[%add3A, %dma_wait3A_399, %dma_wait3A_400] : memref<32x82x128xi32, #tpu.memory_space<hbm>> -> memref<1x1x128xi32, #tpu.memory_space<hbm>>
      %dma_wait3A_402 = tpu.memref_squeeze %dma_wait3A_401 : memref<1x1x128xi32, #tpu.memory_space<hbm>> -> memref<128xi32, #tpu.memory_space<hbm>>
      %dma_wait3A_403 = arith.constant 0 : i32
      %dma_wait3A_404 = tpu.memref_slice %arg3[%add3A, %dma_wait3A_399, %dma_wait3A_403] : memref<32x82x128xi32, #tpu.memory_space<hbm>> -> memref<1x1x128xi32, #tpu.memory_space<hbm>>
      %dma_wait3A_405 = tpu.memref_squeeze %dma_wait3A_404 : memref<1x1x128xi32, #tpu.memory_space<hbm>> -> memref<128xi32, #tpu.memory_space<hbm>>
      tpu.wait_dma2 semaphore(%arg20 : memref<!tpu.dma_semaphore, #tpu.memory_space<semaphore_mem>>) src(%dma_wait3A_405 : memref<128xi32, #tpu.memory_space<hbm>>) dst(%arg12 : memref<128xi32, #tpu.memory_space<vmem>>)
      %dma_wait3A_406 = arith.constant 0 : i32
      %dma_wait3A_407 = arith.constant 0 : i32
      %dma_wait3A_408 = tpu.memref_slice %arg17[%dma_wait3A_406, %dma_wait3A_407] : memref<10240x128xf32, #tpu.memory_space<vmem_shared>> -> memref<10240x128xf32, #tpu.memory_space<vmem_shared>>
      tpu.wait_indirect_dma semaphore(%arg24 : memref<!tpu.dma_semaphore, #tpu.memory_space<semaphore_mem>>) src(%arg15 : memref<128x128xf32, #tpu.memory_space<vmem>>) dst(%dma_wait3A_408 : memref<10240x128xf32, #tpu.memory_space<vmem_shared>>)
      %dma_start3A_409 = arith.constant 0 : i32
      %dma_start3A_410 = arith.constant 0 : i32
      %dma_start3A_411 = tpu.memref_slice %arg4[%dma_start3A_409, %dma_start3A_410] : memref<10000x128xf32, #tpu.memory_space<hbm>> -> memref<10000x128xf32, #tpu.memory_space<hbm>>
      tpu.enqueue_indirect_dma source(%dma_start3A_411 : memref<10000x128xf32, #tpu.memory_space<hbm>>) target(%arg15 : memref<128x128xf32, #tpu.memory_space<vmem>>) offsets(%arg11 : memref<128xi32, #tpu.memory_space<vmem>>) semaphore(%arg22 : memref<!tpu.dma_semaphore, #tpu.memory_space<semaphore_mem>>)
      %dma_wait3A_412 = arith.constant 0 : i32
      %dma_wait3A_413 = arith.constant 0 : i32
      %dma_wait3A_414 = tpu.memref_slice %arg4[%dma_wait3A_412, %dma_wait3A_413] : memref<10000x128xf32, #tpu.memory_space<hbm>> -> memref<10000x128xf32, #tpu.memory_space<hbm>>
      tpu.wait_indirect_dma semaphore(%arg23 : memref<!tpu.dma_semaphore, #tpu.memory_space<semaphore_mem>>) src(%dma_wait3A_414 : memref<10000x128xf32, #tpu.memory_space<hbm>>) dst(%arg16 : memref<128x128xf32, #tpu.memory_space<vmem>>)
      %dma_start3A_415 = arith.constant 0 : i32
      %dma_start3A_416 = arith.constant 0 : i32
      %dma_start3A_417 = tpu.memref_slice %arg17[%dma_start3A_415, %dma_start3A_416] : memref<10240x128xf32, #tpu.memory_space<vmem_shared>> -> memref<10240x128xf32, #tpu.memory_space<vmem_shared>>
      tpu.enqueue_indirect_dma source(%arg16 : memref<128x128xf32, #tpu.memory_space<vmem>>) target(%dma_start3A_417 : memref<10240x128xf32, #tpu.memory_space<vmem_shared>>) offsets(%arg10 : memref<128xi32, #tpu.memory_space<vmem>>) semaphore(%arg24 : memref<!tpu.dma_semaphore, #tpu.memory_space<semaphore_mem>>) {add = true}
      %add3A_418 = arith.constant 2 : i32
      %add3A_419 = arith.addi %add3A_391, %add3A_418 : i32
      %dma_start3A_420 = arith.constant 0 : i32
      %dma_start3A_421 = tpu.memref_slice %arg2[%add3A, %add3A_419, %dma_start3A_420] : memref<32x82x128xi32, #tpu.memory_space<hbm>> -> memref<1x1x128xi32, #tpu.memory_space<hbm>>
      %dma_start3A_422 = tpu.memref_squeeze %dma_start3A_421 : memref<1x1x128xi32, #tpu.memory_space<hbm>> -> memref<128xi32, #tpu.memory_space<hbm>>
      %dma_start3A_423 = arith.constant 0 : i32
      %dma_start3A_424 = tpu.memref_slice %arg2[%add3A, %add3A_419, %dma_start3A_423] : memref<32x82x128xi32, #tpu.memory_space<hbm>> -> memref<1x1x128xi32, #tpu.memory_space<hbm>>
      %dma_start3A_425 = tpu.memref_squeeze %dma_start3A_424 : memref<1x1x128xi32, #tpu.memory_space<hbm>> -> memref<128xi32, #tpu.memory_space<hbm>>
      tpu.enqueue_dma source(%dma_start3A_425 : memref<128xi32, #tpu.memory_space<hbm>>) target(%arg13 : memref<128xi32, #tpu.memory_space<vmem>>) target_semaphore(%arg21 : memref<!tpu.dma_semaphore, #tpu.memory_space<semaphore_mem>>)
      %dma_start3A_426 = arith.constant 0 : i32
      %dma_start3A_427 = tpu.memref_slice %arg3[%add3A, %add3A_419, %dma_start3A_426] : memref<32x82x128xi32, #tpu.memory_space<hbm>> -> memref<1x1x128xi32, #tpu.memory_space<hbm>>
      %dma_start3A_428 = tpu.memref_squeeze %dma_start3A_427 : memref<1x1x128xi32, #tpu.memory_space<hbm>> -> memref<128xi32, #tpu.memory_space<hbm>>
      %dma_start3A_429 = arith.constant 0 : i32
      %dma_start3A_430 = tpu.memref_slice %arg3[%add3A, %add3A_419, %dma_start3A_429] : memref<32x82x128xi32, #tpu.memory_space<hbm>> -> memref<1x1x128xi32, #tpu.memory_space<hbm>>
      %dma_start3A_431 = tpu.memref_squeeze %dma_start3A_430 : memref<1x1x128xi32, #tpu.memory_space<hbm>> -> memref<128xi32, #tpu.memory_space<hbm>>
      tpu.enqueue_dma source(%dma_start3A_431 : memref<128xi32, #tpu.memory_space<hbm>>) target(%arg14 : memref<128xi32, #tpu.memory_space<vmem>>) target_semaphore(%arg21 : memref<!tpu.dma_semaphore, #tpu.memory_space<semaphore_mem>>)
      %add3A_432 = arith.constant 3 : i32
      %add3A_433 = arith.addi %add3A_307, %add3A_432 : i32
      %dma_wait3A_434 = arith.constant 0 : i32
      %dma_wait3A_435 = arith.constant 0 : i32
      %dma_wait3A_436 = tpu.memref_slice %arg2[%add3A, %dma_wait3A_434, %dma_wait3A_435] : memref<32x82x128xi32, #tpu.memory_space<hbm>> -> memref<1x1x128xi32, #tpu.memory_space<hbm>>
      %dma_wait3A_437 = tpu.memref_squeeze %dma_wait3A_436 : memref<1x1x128xi32, #tpu.memory_space<hbm>> -> memref<128xi32, #tpu.memory_space<hbm>>
      %dma_wait3A_438 = arith.constant 0 : i32
      %dma_wait3A_439 = tpu.memref_slice %arg2[%add3A, %dma_wait3A_434, %dma_wait3A_438] : memref<32x82x128xi32, #tpu.memory_space<hbm>> -> memref<1x1x128xi32, #tpu.memory_space<hbm>>
      %dma_wait3A_440 = tpu.memref_squeeze %dma_wait3A_439 : memref<1x1x128xi32, #tpu.memory_space<hbm>> -> memref<128xi32, #tpu.memory_space<hbm>>
      tpu.wait_dma2 semaphore(%arg21 : memref<!tpu.dma_semaphore, #tpu.memory_space<semaphore_mem>>) src(%dma_wait3A_440 : memref<128xi32, #tpu.memory_space<hbm>>) dst(%arg13 : memref<128xi32, #tpu.memory_space<vmem>>)
      %dma_wait3A_441 = arith.constant 0 : i32
      %dma_wait3A_442 = arith.constant 0 : i32
      %dma_wait3A_443 = tpu.memref_slice %arg3[%add3A, %dma_wait3A_441, %dma_wait3A_442] : memref<32x82x128xi32, #tpu.memory_space<hbm>> -> memref<1x1x128xi32, #tpu.memory_space<hbm>>
      %dma_wait3A_444 = tpu.memref_squeeze %dma_wait3A_443 : memref<1x1x128xi32, #tpu.memory_space<hbm>> -> memref<128xi32, #tpu.memory_space<hbm>>
      %dma_wait3A_445 = arith.constant 0 : i32
      %dma_wait3A_446 = tpu.memref_slice %arg3[%add3A, %dma_wait3A_441, %dma_wait3A_445] : memref<32x82x128xi32, #tpu.memory_space<hbm>> -> memref<1x1x128xi32, #tpu.memory_space<hbm>>
      %dma_wait3A_447 = tpu.memref_squeeze %dma_wait3A_446 : memref<1x1x128xi32, #tpu.memory_space<hbm>> -> memref<128xi32, #tpu.memory_space<hbm>>
      tpu.wait_dma2 semaphore(%arg21 : memref<!tpu.dma_semaphore, #tpu.memory_space<semaphore_mem>>) src(%dma_wait3A_447 : memref<128xi32, #tpu.memory_space<hbm>>) dst(%arg14 : memref<128xi32, #tpu.memory_space<vmem>>)
      %dma_wait3A_448 = arith.constant 0 : i32
      %dma_wait3A_449 = arith.constant 0 : i32
      %dma_wait3A_450 = tpu.memref_slice %arg17[%dma_wait3A_448, %dma_wait3A_449] : memref<10240x128xf32, #tpu.memory_space<vmem_shared>> -> memref<10240x128xf32, #tpu.memory_space<vmem_shared>>
      tpu.wait_indirect_dma semaphore(%arg24 : memref<!tpu.dma_semaphore, #tpu.memory_space<semaphore_mem>>) src(%arg16 : memref<128x128xf32, #tpu.memory_space<vmem>>) dst(%dma_wait3A_450 : memref<10240x128xf32, #tpu.memory_space<vmem_shared>>)
      %dma_start3A_451 = arith.constant 0 : i32
      %dma_start3A_452 = arith.constant 0 : i32
      %dma_start3A_453 = tpu.memref_slice %arg4[%dma_start3A_451, %dma_start3A_452] : memref<10000x128xf32, #tpu.memory_space<hbm>> -> memref<10000x128xf32, #tpu.memory_space<hbm>>
      tpu.enqueue_indirect_dma source(%dma_start3A_453 : memref<10000x128xf32, #tpu.memory_space<hbm>>) target(%arg16 : memref<128x128xf32, #tpu.memory_space<vmem>>) offsets(%arg13 : memref<128xi32, #tpu.memory_space<vmem>>) semaphore(%arg23 : memref<!tpu.dma_semaphore, #tpu.memory_space<semaphore_mem>>)
      %dma_wait3A_454 = arith.constant 0 : i32
      %dma_wait3A_455 = arith.constant 0 : i32
      %dma_wait3A_456 = tpu.memref_slice %arg4[%dma_wait3A_454, %dma_wait3A_455] : memref<10000x128xf32, #tpu.memory_space<hbm>> -> memref<10000x128xf32, #tpu.memory_space<hbm>>
      tpu.wait_indirect_dma semaphore(%arg22 : memref<!tpu.dma_semaphore, #tpu.memory_space<semaphore_mem>>) src(%dma_wait3A_456 : memref<10000x128xf32, #tpu.memory_space<hbm>>) dst(%arg15 : memref<128x128xf32, #tpu.memory_space<vmem>>)
      %dma_start3A_457 = arith.constant 0 : i32
      %dma_start3A_458 = arith.constant 0 : i32
      %dma_start3A_459 = tpu.memref_slice %arg17[%dma_start3A_457, %dma_start3A_458] : memref<10240x128xf32, #tpu.memory_space<vmem_shared>> -> memref<10240x128xf32, #tpu.memory_space<vmem_shared>>
      tpu.enqueue_indirect_dma source(%arg15 : memref<128x128xf32, #tpu.memory_space<vmem>>) target(%dma_start3A_459 : memref<10240x128xf32, #tpu.memory_space<vmem_shared>>) offsets(%arg12 : memref<128xi32, #tpu.memory_space<vmem>>) semaphore(%arg24 : memref<!tpu.dma_semaphore, #tpu.memory_space<semaphore_mem>>) {add = true}
      %add3A_460 = arith.constant 2 : i32
      %add3A_461 = arith.addi %add3A_433, %add3A_460 : i32
      %dma_start3A_462 = arith.constant 0 : i32
      %dma_start3A_463 = tpu.memref_slice %arg2[%add3A, %add3A_461, %dma_start3A_462] : memref<32x82x128xi32, #tpu.memory_space<hbm>> -> memref<1x1x128xi32, #tpu.memory_space<hbm>>
      %dma_start3A_464 = tpu.memref_squeeze %dma_start3A_463 : memref<1x1x128xi32, #tpu.memory_space<hbm>> -> memref<128xi32, #tpu.memory_space<hbm>>
      %dma_start3A_465 = arith.constant 0 : i32
      %dma_start3A_466 = tpu.memref_slice %arg2[%add3A, %add3A_461, %dma_start3A_465] : memref<32x82x128xi32, #tpu.memory_space<hbm>> -> memref<1x1x128xi32, #tpu.memory_space<hbm>>
      %dma_start3A_467 = tpu.memref_squeeze %dma_start3A_466 : memref<1x1x128xi32, #tpu.memory_space<hbm>> -> memref<128xi32, #tpu.memory_space<hbm>>
      tpu.enqueue_dma source(%dma_start3A_467 : memref<128xi32, #tpu.memory_space<hbm>>) target(%arg7 : memref<128xi32, #tpu.memory_space<vmem>>) target_semaphore(%arg18 : memref<!tpu.dma_semaphore, #tpu.memory_space<semaphore_mem>>)
      %dma_start3A_468 = arith.constant 0 : i32
      %dma_start3A_469 = tpu.memref_slice %arg3[%add3A, %add3A_461, %dma_start3A_468] : memref<32x82x128xi32, #tpu.memory_space<hbm>> -> memref<1x1x128xi32, #tpu.memory_space<hbm>>
      %dma_start3A_470 = tpu.memref_squeeze %dma_start3A_469 : memref<1x1x128xi32, #tpu.memory_space<hbm>> -> memref<128xi32, #tpu.memory_space<hbm>>
      %dma_start3A_471 = arith.constant 0 : i32
      %dma_start3A_472 = tpu.memref_slice %arg3[%add3A, %add3A_461, %dma_start3A_471] : memref<32x82x128xi32, #tpu.memory_space<hbm>> -> memref<1x1x128xi32, #tpu.memory_space<hbm>>
      %dma_start3A_473 = tpu.memref_squeeze %dma_start3A_472 : memref<1x1x128xi32, #tpu.memory_space<hbm>> -> memref<128xi32, #tpu.memory_space<hbm>>
      tpu.enqueue_dma source(%dma_start3A_473 : memref<128xi32, #tpu.memory_space<hbm>>) target(%arg8 : memref<128xi32, #tpu.memory_space<vmem>>) target_semaphore(%arg18 : memref<!tpu.dma_semaphore, #tpu.memory_space<semaphore_mem>>)
    }
    %scan3A_255 = arith.constant 19 : i32
    %dma_wait3A_256 = arith.constant 0 : i32
    %dma_wait3A_257 = arith.constant 0 : i32
    %dma_wait3A_258 = tpu.memref_slice %arg2[%add3A, %dma_wait3A_256, %dma_wait3A_257] : memref<32x82x128xi32, #tpu.memory_space<hbm>> -> memref<1x1x128xi32, #tpu.memory_space<hbm>>
    %dma_wait3A_259 = tpu.memref_squeeze %dma_wait3A_258 : memref<1x1x128xi32, #tpu.memory_space<hbm>> -> memref<128xi32, #tpu.memory_space<hbm>>
    %dma_wait3A_260 = arith.constant 0 : i32
    %dma_wait3A_261 = tpu.memref_slice %arg2[%add3A, %dma_wait3A_256, %dma_wait3A_260] : memref<32x82x128xi32, #tpu.memory_space<hbm>> -> memref<1x1x128xi32, #tpu.memory_space<hbm>>
    %dma_wait3A_262 = tpu.memref_squeeze %dma_wait3A_261 : memref<1x1x128xi32, #tpu.memory_space<hbm>> -> memref<128xi32, #tpu.memory_space<hbm>>
    tpu.wait_dma2 semaphore(%arg18 : memref<!tpu.dma_semaphore, #tpu.memory_space<semaphore_mem>>) src(%dma_wait3A_262 : memref<128xi32, #tpu.memory_space<hbm>>) dst(%arg7 : memref<128xi32, #tpu.memory_space<vmem>>)
    %dma_wait3A_263 = arith.constant 0 : i32
    %dma_wait3A_264 = arith.constant 0 : i32
    %dma_wait3A_265 = tpu.memref_slice %arg3[%add3A, %dma_wait3A_263, %dma_wait3A_264] : memref<32x82x128xi32, #tpu.memory_space<hbm>> -> memref<1x1x128xi32, #tpu.memory_space<hbm>>
    %dma_wait3A_266 = tpu.memref_squeeze %dma_wait3A_265 : memref<1x1x128xi32, #tpu.memory_space<hbm>> -> memref<128xi32, #tpu.memory_space<hbm>>
    %dma_wait3A_267 = arith.constant 0 : i32
    %dma_wait3A_268 = tpu.memref_slice %arg3[%add3A, %dma_wait3A_263, %dma_wait3A_267] : memref<32x82x128xi32, #tpu.memory_space<hbm>> -> memref<1x1x128xi32, #tpu.memory_space<hbm>>
    %dma_wait3A_269 = tpu.memref_squeeze %dma_wait3A_268 : memref<1x1x128xi32, #tpu.memory_space<hbm>> -> memref<128xi32, #tpu.memory_space<hbm>>
    tpu.wait_dma2 semaphore(%arg18 : memref<!tpu.dma_semaphore, #tpu.memory_space<semaphore_mem>>) src(%dma_wait3A_269 : memref<128xi32, #tpu.memory_space<hbm>>) dst(%arg8 : memref<128xi32, #tpu.memory_space<vmem>>)
    %dma_wait3A_270 = arith.constant 0 : i32
    %dma_wait3A_271 = arith.constant 0 : i32
    %dma_wait3A_272 = tpu.memref_slice %arg17[%dma_wait3A_270, %dma_wait3A_271] : memref<10240x128xf32, #tpu.memory_space<vmem_shared>> -> memref<10240x128xf32, #tpu.memory_space<vmem_shared>>
    tpu.wait_indirect_dma semaphore(%arg24 : memref<!tpu.dma_semaphore, #tpu.memory_space<semaphore_mem>>) src(%arg15 : memref<128x128xf32, #tpu.memory_space<vmem>>) dst(%dma_wait3A_272 : memref<10240x128xf32, #tpu.memory_space<vmem_shared>>)
    %dma_wait3A_273 = arith.constant 0 : i32
    %dma_wait3A_274 = arith.constant 0 : i32
    %dma_wait3A_275 = tpu.memref_slice %arg4[%dma_wait3A_273, %dma_wait3A_274] : memref<10000x128xf32, #tpu.memory_space<hbm>> -> memref<10000x128xf32, #tpu.memory_space<hbm>>
    tpu.wait_indirect_dma semaphore(%arg23 : memref<!tpu.dma_semaphore, #tpu.memory_space<semaphore_mem>>) src(%dma_wait3A_275 : memref<10000x128xf32, #tpu.memory_space<hbm>>) dst(%arg16 : memref<128x128xf32, #tpu.memory_space<vmem>>)
    %dma_start3A_276 = arith.constant 0 : i32
    %dma_start3A_277 = arith.constant 0 : i32
    %dma_start3A_278 = tpu.memref_slice %arg17[%dma_start3A_276, %dma_start3A_277] : memref<10240x128xf32, #tpu.memory_space<vmem_shared>> -> memref<10240x128xf32, #tpu.memory_space<vmem_shared>>
    tpu.enqueue_indirect_dma source(%arg16 : memref<128x128xf32, #tpu.memory_space<vmem>>) target(%dma_start3A_278 : memref<10240x128xf32, #tpu.memory_space<vmem_shared>>) offsets(%arg14 : memref<128xi32, #tpu.memory_space<vmem>>) semaphore(%arg24 : memref<!tpu.dma_semaphore, #tpu.memory_space<semaphore_mem>>) {add = true}
    %dma_wait3A_279 = arith.constant 0 : i32
    %dma_wait3A_280 = arith.constant 0 : i32
    %dma_wait3A_281 = tpu.memref_slice %arg17[%dma_wait3A_279, %dma_wait3A_280] : memref<10240x128xf32, #tpu.memory_space<vmem_shared>> -> memref<10240x128xf32, #tpu.memory_space<vmem_shared>>
    tpu.wait_indirect_dma semaphore(%arg24 : memref<!tpu.dma_semaphore, #tpu.memory_space<semaphore_mem>>) src(%arg16 : memref<128x128xf32, #tpu.memory_space<vmem>>) dst(%dma_wait3A_281 : memref<10240x128xf32, #tpu.memory_space<vmem_shared>>)
    %barrier3A_282 = arith.constant 0 : index
    tpu.barrier barrier_id(%barrier3A_282)
    %mul3A_283 = arith.constant 640 : i32
    %mul3A_284 = arith.muli %arg1, %mul3A_283 : i32
    %add3A_285 = arith.constant 0 : i32
    %add3A_286 = arith.addi %mul3A_284, %add3A_285 : i32
    "tpu.region"() ({
      %run_scoped3A = tpu.sem_alloc : memref<!tpu.dma_semaphore, #tpu.memory_space<semaphore_mem>>
      %dma_start3A_303 = arith.constant 0 : i32
      %dma_start3A_304 = tpu.memref_slice %arg6[%arg0, %add3A_286, %dma_start3A_303] : memref<2x10240x128xf32, #tpu.memory_space<hbm>> -> memref<1x128x128xf32, #tpu.memory_space<hbm>>
      %dma_start3A_305 = tpu.memref_squeeze %dma_start3A_304 : memref<1x128x128xf32, #tpu.memory_space<hbm>> -> memref<128x128xf32, #tpu.memory_space<hbm>>
      %dma_start3A_306 = arith.constant 0 : i32
      %dma_start3A_307 = tpu.memref_slice %arg17[%add3A_286, %dma_start3A_306] : memref<10240x128xf32, #tpu.memory_space<vmem_shared>> -> memref<128x128xf32, #tpu.memory_space<vmem_shared>>
      tpu.enqueue_dma source(%dma_start3A_307 : memref<128x128xf32, #tpu.memory_space<vmem_shared>>) target(%dma_start3A_305 : memref<128x128xf32, #tpu.memory_space<hbm>>) target_semaphore(%run_scoped3A : memref<!tpu.dma_semaphore, #tpu.memory_space<semaphore_mem>>)
      %dma_wait3A_308 = arith.constant 0 : i32
      %dma_wait3A_309 = tpu.memref_slice %arg6[%arg0, %add3A_286, %dma_wait3A_308] : memref<2x10240x128xf32, #tpu.memory_space<hbm>> -> memref<1x128x128xf32, #tpu.memory_space<hbm>>
      %dma_wait3A_310 = tpu.memref_squeeze %dma_wait3A_309 : memref<1x128x128xf32, #tpu.memory_space<hbm>> -> memref<128x128xf32, #tpu.memory_space<hbm>>
      %dma_wait3A_311 = arith.constant 0 : i32
      %dma_wait3A_312 = tpu.memref_slice %arg17[%add3A_286, %dma_wait3A_311] : memref<10240x128xf32, #tpu.memory_space<vmem_shared>> -> memref<128x128xf32, #tpu.memory_space<vmem_shared>>
      tpu.wait_dma2 semaphore(%run_scoped3A : memref<!tpu.dma_semaphore, #tpu.memory_space<semaphore_mem>>) src(%dma_wait3A_312 : memref<128x128xf32, #tpu.memory_space<vmem_shared>>) dst(%dma_wait3A_310 : memref<128x128xf32, #tpu.memory_space<hbm>>)
      tpu.yield
    }) : () -> ()
    %mul3A_287 = arith.constant 640 : i32
    %mul3A_288 = arith.muli %arg1, %mul3A_287 : i32
    %add3A_289 = arith.constant 128 : i32
    %add3A_290 = arith.addi %mul3A_288, %add3A_289 : i32
    "tpu.region"() ({
      %run_scoped3A = tpu.sem_alloc : memref<!tpu.dma_semaphore, #tpu.memory_space<semaphore_mem>>
      %dma_start3A_303 = arith.constant 0 : i32
      %dma_start3A_304 = tpu.memref_slice %arg6[%arg0, %add3A_290, %dma_start3A_303] : memref<2x10240x128xf32, #tpu.memory_space<hbm>> -> memref<1x128x128xf32, #tpu.memory_space<hbm>>
      %dma_start3A_305 = tpu.memref_squeeze %dma_start3A_304 : memref<1x128x128xf32, #tpu.memory_space<hbm>> -> memref<128x128xf32, #tpu.memory_space<hbm>>
      %dma_start3A_306 = arith.constant 0 : i32
      %dma_start3A_307 = tpu.memref_slice %arg17[%add3A_290, %dma_start3A_306] : memref<10240x128xf32, #tpu.memory_space<vmem_shared>> -> memref<128x128xf32, #tpu.memory_space<vmem_shared>>
      tpu.enqueue_dma source(%dma_start3A_307 : memref<128x128xf32, #tpu.memory_space<vmem_shared>>) target(%dma_start3A_305 : memref<128x128xf32, #tpu.memory_space<hbm>>) target_semaphore(%run_scoped3A : memref<!tpu.dma_semaphore, #tpu.memory_space<semaphore_mem>>)
      %dma_wait3A_308 = arith.constant 0 : i32
      %dma_wait3A_309 = tpu.memref_slice %arg6[%arg0, %add3A_290, %dma_wait3A_308] : memref<2x10240x128xf32, #tpu.memory_space<hbm>> -> memref<1x128x128xf32, #tpu.memory_space<hbm>>
      %dma_wait3A_310 = tpu.memref_squeeze %dma_wait3A_309 : memref<1x128x128xf32, #tpu.memory_space<hbm>> -> memref<128x128xf32, #tpu.memory_space<hbm>>
      %dma_wait3A_311 = arith.constant 0 : i32
      %dma_wait3A_312 = tpu.memref_slice %arg17[%add3A_290, %dma_wait3A_311] : memref<10240x128xf32, #tpu.memory_space<vmem_shared>> -> memref<128x128xf32, #tpu.memory_space<vmem_shared>>
      tpu.wait_dma2 semaphore(%run_scoped3A : memref<!tpu.dma_semaphore, #tpu.memory_space<semaphore_mem>>) src(%dma_wait3A_312 : memref<128x128xf32, #tpu.memory_space<vmem_shared>>) dst(%dma_wait3A_310 : memref<128x128xf32, #tpu.memory_space<hbm>>)
      tpu.yield
    }) : () -> ()
    %mul3A_291 = arith.constant 640 : i32
    %mul3A_292 = arith.muli %arg1, %mul3A_291 : i32
    %add3A_293 = arith.constant 256 : i32
    %add3A_294 = arith.addi %mul3A_292, %add3A_293 : i32
    "tpu.region"() ({
      %run_scoped3A = tpu.sem_alloc : memref<!tpu.dma_semaphore, #tpu.memory_space<semaphore_mem>>
      %dma_start3A_303 = arith.constant 0 : i32
      %dma_start3A_304 = tpu.memref_slice %arg6[%arg0, %add3A_294, %dma_start3A_303] : memref<2x10240x128xf32, #tpu.memory_space<hbm>> -> memref<1x128x128xf32, #tpu.memory_space<hbm>>
      %dma_start3A_305 = tpu.memref_squeeze %dma_start3A_304 : memref<1x128x128xf32, #tpu.memory_space<hbm>> -> memref<128x128xf32, #tpu.memory_space<hbm>>
      %dma_start3A_306 = arith.constant 0 : i32
      %dma_start3A_307 = tpu.memref_slice %arg17[%add3A_294, %dma_start3A_306] : memref<10240x128xf32, #tpu.memory_space<vmem_shared>> -> memref<128x128xf32, #tpu.memory_space<vmem_shared>>
      tpu.enqueue_dma source(%dma_start3A_307 : memref<128x128xf32, #tpu.memory_space<vmem_shared>>) target(%dma_start3A_305 : memref<128x128xf32, #tpu.memory_space<hbm>>) target_semaphore(%run_scoped3A : memref<!tpu.dma_semaphore, #tpu.memory_space<semaphore_mem>>)
      %dma_wait3A_308 = arith.constant 0 : i32
      %dma_wait3A_309 = tpu.memref_slice %arg6[%arg0, %add3A_294, %dma_wait3A_308] : memref<2x10240x128xf32, #tpu.memory_space<hbm>> -> memref<1x128x128xf32, #tpu.memory_space<hbm>>
      %dma_wait3A_310 = tpu.memref_squeeze %dma_wait3A_309 : memref<1x128x128xf32, #tpu.memory_space<hbm>> -> memref<128x128xf32, #tpu.memory_space<hbm>>
      %dma_wait3A_311 = arith.constant 0 : i32
      %dma_wait3A_312 = tpu.memref_slice %arg17[%add3A_294, %dma_wait3A_311] : memref<10240x128xf32, #tpu.memory_space<vmem_shared>> -> memref<128x128xf32, #tpu.memory_space<vmem_shared>>
      tpu.wait_dma2 semaphore(%run_scoped3A : memref<!tpu.dma_semaphore, #tpu.memory_space<semaphore_mem>>) src(%dma_wait3A_312 : memref<128x128xf32, #tpu.memory_space<vmem_shared>>) dst(%dma_wait3A_310 : memref<128x128xf32, #tpu.memory_space<hbm>>)
      tpu.yield
    }) : () -> ()
    %mul3A_295 = arith.constant 640 : i32
    %mul3A_296 = arith.muli %arg1, %mul3A_295 : i32
    %add3A_297 = arith.constant 384 : i32
    %add3A_298 = arith.addi %mul3A_296, %add3A_297 : i32
    "tpu.region"() ({
      %run_scoped3A = tpu.sem_alloc : memref<!tpu.dma_semaphore, #tpu.memory_space<semaphore_mem>>
      %dma_start3A_303 = arith.constant 0 : i32
      %dma_start3A_304 = tpu.memref_slice %arg6[%arg0, %add3A_298, %dma_start3A_303] : memref<2x10240x128xf32, #tpu.memory_space<hbm>> -> memref<1x128x128xf32, #tpu.memory_space<hbm>>
      %dma_start3A_305 = tpu.memref_squeeze %dma_start3A_304 : memref<1x128x128xf32, #tpu.memory_space<hbm>> -> memref<128x128xf32, #tpu.memory_space<hbm>>
      %dma_start3A_306 = arith.constant 0 : i32
      %dma_start3A_307 = tpu.memref_slice %arg17[%add3A_298, %dma_start3A_306] : memref<10240x128xf32, #tpu.memory_space<vmem_shared>> -> memref<128x128xf32, #tpu.memory_space<vmem_shared>>
      tpu.enqueue_dma source(%dma_start3A_307 : memref<128x128xf32, #tpu.memory_space<vmem_shared>>) target(%dma_start3A_305 : memref<128x128xf32, #tpu.memory_space<hbm>>) target_semaphore(%run_scoped3A : memref<!tpu.dma_semaphore, #tpu.memory_space<semaphore_mem>>)
      %dma_wait3A_308 = arith.constant 0 : i32
      %dma_wait3A_309 = tpu.memref_slice %arg6[%arg0, %add3A_298, %dma_wait3A_308] : memref<2x10240x128xf32, #tpu.memory_space<hbm>> -> memref<1x128x128xf32, #tpu.memory_space<hbm>>
      %dma_wait3A_310 = tpu.memref_squeeze %dma_wait3A_309 : memref<1x128x128xf32, #tpu.memory_space<hbm>> -> memref<128x128xf32, #tpu.memory_space<hbm>>
      %dma_wait3A_311 = arith.constant 0 : i32
      %dma_wait3A_312 = tpu.memref_slice %arg17[%add3A_298, %dma_wait3A_311] : memref<10240x128xf32, #tpu.memory_space<vmem_shared>> -> memref<128x128xf32, #tpu.memory_space<vmem_shared>>
      tpu.wait_dma2 semaphore(%run_scoped3A : memref<!tpu.dma_semaphore, #tpu.memory_space<semaphore_mem>>) src(%dma_wait3A_312 : memref<128x128xf32, #tpu.memory_space<vmem_shared>>) dst(%dma_wait3A_310 : memref<128x128xf32, #tpu.memory_space<hbm>>)
      tpu.yield
    }) : () -> ()
    %mul3A_299 = arith.constant 640 : i32
    %mul3A_300 = arith.muli %arg1, %mul3A_299 : i32
    %add3A_301 = arith.constant 512 : i32
    %add3A_302 = arith.addi %mul3A_300, %add3A_301 : i32
    "tpu.region"() ({
      %run_scoped3A = tpu.sem_alloc : memref<!tpu.dma_semaphore, #tpu.memory_space<semaphore_mem>>
      %dma_start3A_303 = arith.constant 0 : i32
      %dma_start3A_304 = tpu.memref_slice %arg6[%arg0, %add3A_302, %dma_start3A_303] : memref<2x10240x128xf32, #tpu.memory_space<hbm>> -> memref<1x128x128xf32, #tpu.memory_space<hbm>>
      %dma_start3A_305 = tpu.memref_squeeze %dma_start3A_304 : memref<1x128x128xf32, #tpu.memory_space<hbm>> -> memref<128x128xf32, #tpu.memory_space<hbm>>
      %dma_start3A_306 = arith.constant 0 : i32
      %dma_start3A_307 = tpu.memref_slice %arg17[%add3A_302, %dma_start3A_306] : memref<10240x128xf32, #tpu.memory_space<vmem_shared>> -> memref<128x128xf32, #tpu.memory_space<vmem_shared>>
      tpu.enqueue_dma source(%dma_start3A_307 : memref<128x128xf32, #tpu.memory_space<vmem_shared>>) target(%dma_start3A_305 : memref<128x128xf32, #tpu.memory_space<hbm>>) target_semaphore(%run_scoped3A : memref<!tpu.dma_semaphore, #tpu.memory_space<semaphore_mem>>)
      %dma_wait3A_308 = arith.constant 0 : i32
      %dma_wait3A_309 = tpu.memref_slice %arg6[%arg0, %add3A_302, %dma_wait3A_308] : memref<2x10240x128xf32, #tpu.memory_space<hbm>> -> memref<1x128x128xf32, #tpu.memory_space<hbm>>
      %dma_wait3A_310 = tpu.memref_squeeze %dma_wait3A_309 : memref<1x128x128xf32, #tpu.memory_space<hbm>> -> memref<128x128xf32, #tpu.memory_space<hbm>>
      %dma_wait3A_311 = arith.constant 0 : i32
      %dma_wait3A_312 = tpu.memref_slice %arg17[%add3A_302, %dma_wait3A_311] : memref<10240x128xf32, #tpu.memory_space<vmem_shared>> -> memref<128x128xf32, #tpu.memory_space<vmem_shared>>
      tpu.wait_dma2 semaphore(%run_scoped3A : memref<!tpu.dma_semaphore, #tpu.memory_space<semaphore_mem>>) src(%dma_wait3A_312 : memref<128x128xf32, #tpu.memory_space<vmem_shared>>) dst(%dma_wait3A_310 : memref<128x128xf32, #tpu.memory_space<hbm>>)
      tpu.yield
    }) : () -> ()
    return
  }
}

#map = affine_map<(d0, d1) -> (0, 0, 0)>
#map1 = affine_map<(d0, d1) -> (0, 0)>
module attributes {stable_mosaic.version = 14 : i64} {
  func.func @_scat_body(%arg0: i32, %arg1: i32, %arg2: memref<32x82x128xi32, #tpu.memory_space<hbm>>, %arg3: memref<32x82x128xi32, #tpu.memory_space<hbm>>, %arg4: memref<10000x128xf32, #tpu.memory_space<hbm>>, %arg5: memref<128x128xf32, #tpu.memory_space<hbm>>, %arg6: memref<2x10240x128xf32, #tpu.memory_space<hbm>>, %arg7: memref<128xi32, #tpu.memory_space<vmem>>, %arg8: memref<128xi32, #tpu.memory_space<vmem>>, %arg9: memref<128xi32, #tpu.memory_space<vmem>>, %arg10: memref<128xi32, #tpu.memory_space<vmem>>, %arg11: memref<128xi32, #tpu.memory_space<vmem>>, %arg12: memref<128xi32, #tpu.memory_space<vmem>>, %arg13: memref<128xi32, #tpu.memory_space<vmem>>, %arg14: memref<128xi32, #tpu.memory_space<vmem>>, %arg15: memref<128x128xf32, #tpu.memory_space<vmem>>, %arg16: memref<128x128xf32, #tpu.memory_space<vmem>>, %arg17: memref<10240x128xf32, #tpu.memory_space<vmem_shared>>, %arg18: memref<!tpu.dma_semaphore, #tpu.memory_space<semaphore_mem>>, %arg19: memref<!tpu.dma_semaphore, #tpu.memory_space<semaphore_mem>>, %arg20: memref<!tpu.dma_semaphore, #tpu.memory_space<semaphore_mem>>, %arg21: memref<!tpu.dma_semaphore, #tpu.memory_space<semaphore_mem>>, %arg22: memref<!tpu.dma_semaphore, #tpu.memory_space<semaphore_mem>>, %arg23: memref<!tpu.dma_semaphore, #tpu.memory_space<semaphore_mem>>, %arg24: memref<!tpu.dma_semaphore, #tpu.memory_space<semaphore_mem>>, %arg25: memref<!tpu.dma_semaphore, #tpu.memory_space<semaphore_mem>>) attributes {dimension_semantics = [#tpu.dimension_semantics<core_parallel>, #tpu.dimension_semantics<subcore_parallel>], iteration_bounds = array<i64: 2, 16>, scalar_prefetch = 0 : i64, scratch_operands = 19 : i64, tpu.core_type = #tpu.core_type<sc_vector_subcore>, window_params = [{transform_indices = #map}, {transform_indices = #map}, {transform_indices = #map1}, {transform_indices = #map1}, {transform_indices = #map}]} {
    %mul3A = arith.constant 16 : i32
    %mul3A_0 = arith.muli %arg0, %mul3A : i32
    %add3A = arith.addi %mul3A_0, %arg1 : i32
    %mul3A_1 = arith.constant 640 : i32
    %mul3A_2 = arith.muli %arg1, %mul3A_1 : i32
    %add3A_3 = arith.constant 0 : i32
    %add3A_4 = arith.addi %mul3A_2, %add3A_3 : i32
    %dma_start3A = arith.constant 0 : i32
    %dma_start3A_5 = tpu.memref_slice %arg17[%add3A_4, %dma_start3A] : memref<10240x128xf32, #tpu.memory_space<vmem_shared>> -> memref<128x128xf32, #tpu.memory_space<vmem_shared>>
    %dma_start3A_6 = arith.constant 0 : i32
    %dma_start3A_7 = arith.constant 0 : i32
    %dma_start3A_8 = tpu.memref_slice %arg5[%dma_start3A_6, %dma_start3A_7] : memref<128x128xf32, #tpu.memory_space<hbm>> -> memref<128x128xf32, #tpu.memory_space<hbm>>
    tpu.enqueue_dma source(%dma_start3A_8 : memref<128x128xf32, #tpu.memory_space<hbm>>) target(%dma_start3A_5 : memref<128x128xf32, #tpu.memory_space<vmem_shared>>) target_semaphore(%arg25 : memref<!tpu.dma_semaphore, #tpu.memory_space<semaphore_mem>>)
    %mul3A_9 = arith.constant 640 : i32
    %mul3A_10 = arith.muli %arg1, %mul3A_9 : i32
    %add3A_11 = arith.constant 128 : i32
    %add3A_12 = arith.addi %mul3A_10, %add3A_11 : i32
    %dma_start3A_13 = arith.constant 0 : i32
    %dma_start3A_14 = tpu.memref_slice %arg17[%add3A_12, %dma_start3A_13] : memref<10240x128xf32, #tpu.memory_space<vmem_shared>> -> memref<128x128xf32, #tpu.memory_space<vmem_shared>>
    %dma_start3A_15 = arith.constant 0 : i32
    %dma_start3A_16 = arith.constant 0 : i32
    %dma_start3A_17 = tpu.memref_slice %arg5[%dma_start3A_15, %dma_start3A_16] : memref<128x128xf32, #tpu.memory_space<hbm>> -> memref<128x128xf32, #tpu.memory_space<hbm>>
    tpu.enqueue_dma source(%dma_start3A_17 : memref<128x128xf32, #tpu.memory_space<hbm>>) target(%dma_start3A_14 : memref<128x128xf32, #tpu.memory_space<vmem_shared>>) target_semaphore(%arg25 : memref<!tpu.dma_semaphore, #tpu.memory_space<semaphore_mem>>)
    %mul3A_18 = arith.constant 640 : i32
    %mul3A_19 = arith.muli %arg1, %mul3A_18 : i32
    %add3A_20 = arith.constant 256 : i32
    %add3A_21 = arith.addi %mul3A_19, %add3A_20 : i32
    %dma_start3A_22 = arith.constant 0 : i32
    %dma_start3A_23 = tpu.memref_slice %arg17[%add3A_21, %dma_start3A_22] : memref<10240x128xf32, #tpu.memory_space<vmem_shared>> -> memref<128x128xf32, #tpu.memory_space<vmem_shared>>
    %dma_start3A_24 = arith.constant 0 : i32
    %dma_start3A_25 = arith.constant 0 : i32
    %dma_start3A_26 = tpu.memref_slice %arg5[%dma_start3A_24, %dma_start3A_25] : memref<128x128xf32, #tpu.memory_space<hbm>> -> memref<128x128xf32, #tpu.memory_space<hbm>>
    tpu.enqueue_dma source(%dma_start3A_26 : memref<128x128xf32, #tpu.memory_space<hbm>>) target(%dma_start3A_23 : memref<128x128xf32, #tpu.memory_space<vmem_shared>>) target_semaphore(%arg25 : memref<!tpu.dma_semaphore, #tpu.memory_space<semaphore_mem>>)
    %mul3A_27 = arith.constant 640 : i32
    %mul3A_28 = arith.muli %arg1, %mul3A_27 : i32
    %add3A_29 = arith.constant 384 : i32
    %add3A_30 = arith.addi %mul3A_28, %add3A_29 : i32
    %dma_start3A_31 = arith.constant 0 : i32
    %dma_start3A_32 = tpu.memref_slice %arg17[%add3A_30, %dma_start3A_31] : memref<10240x128xf32, #tpu.memory_space<vmem_shared>> -> memref<128x128xf32, #tpu.memory_space<vmem_shared>>
    %dma_start3A_33 = arith.constant 0 : i32
    %dma_start3A_34 = arith.constant 0 : i32
    %dma_start3A_35 = tpu.memref_slice %arg5[%dma_start3A_33, %dma_start3A_34] : memref<128x128xf32, #tpu.memory_space<hbm>> -> memref<128x128xf32, #tpu.memory_space<hbm>>
    tpu.enqueue_dma source(%dma_start3A_35 : memref<128x128xf32, #tpu.memory_space<hbm>>) target(%dma_start3A_32 : memref<128x128xf32, #tpu.memory_space<vmem_shared>>) target_semaphore(%arg25 : memref<!tpu.dma_semaphore, #tpu.memory_space<semaphore_mem>>)
    %mul3A_36 = arith.constant 640 : i32
    %mul3A_37 = arith.muli %arg1, %mul3A_36 : i32
    %add3A_38 = arith.constant 512 : i32
    %add3A_39 = arith.addi %mul3A_37, %add3A_38 : i32
    %dma_start3A_40 = arith.constant 0 : i32
    %dma_start3A_41 = tpu.memref_slice %arg17[%add3A_39, %dma_start3A_40] : memref<10240x128xf32, #tpu.memory_space<vmem_shared>> -> memref<128x128xf32, #tpu.memory_space<vmem_shared>>
    %dma_start3A_42 = arith.constant 0 : i32
    %dma_start3A_43 = arith.constant 0 : i32
    %dma_start3A_44 = tpu.memref_slice %arg5[%dma_start3A_42, %dma_start3A_43] : memref<128x128xf32, #tpu.memory_space<hbm>> -> memref<128x128xf32, #tpu.memory_space<hbm>>
    tpu.enqueue_dma source(%dma_start3A_44 : memref<128x128xf32, #tpu.memory_space<hbm>>) target(%dma_start3A_41 : memref<128x128xf32, #tpu.memory_space<vmem_shared>>) target_semaphore(%arg25 : memref<!tpu.dma_semaphore, #tpu.memory_space<semaphore_mem>>)
    %mul3A_45 = arith.constant 640 : i32
    %mul3A_46 = arith.muli %arg1, %mul3A_45 : i32
    %add3A_47 = arith.constant 0 : i32
    %add3A_48 = arith.addi %mul3A_46, %add3A_47 : i32
    %dma_wait3A = arith.constant 0 : i32
    %dma_wait3A_49 = tpu.memref_slice %arg17[%add3A_48, %dma_wait3A] : memref<10240x128xf32, #tpu.memory_space<vmem_shared>> -> memref<128x128xf32, #tpu.memory_space<vmem_shared>>
    %dma_wait3A_50 = arith.constant 0 : i32
    %dma_wait3A_51 = arith.constant 0 : i32
    %dma_wait3A_52 = tpu.memref_slice %arg5[%dma_wait3A_50, %dma_wait3A_51] : memref<128x128xf32, #tpu.memory_space<hbm>> -> memref<128x128xf32, #tpu.memory_space<hbm>>
    tpu.wait_dma2 semaphore(%arg25 : memref<!tpu.dma_semaphore, #tpu.memory_space<semaphore_mem>>) src(%dma_wait3A_52 : memref<128x128xf32, #tpu.memory_space<hbm>>) dst(%dma_wait3A_49 : memref<128x128xf32, #tpu.memory_space<vmem_shared>>)
    %mul3A_53 = arith.constant 640 : i32
    %mul3A_54 = arith.muli %arg1, %mul3A_53 : i32
    %add3A_55 = arith.constant 128 : i32
    %add3A_56 = arith.addi %mul3A_54, %add3A_55 : i32
    %dma_wait3A_57 = arith.constant 0 : i32
    %dma_wait3A_58 = tpu.memref_slice %arg17[%add3A_56, %dma_wait3A_57] : memref<10240x128xf32, #tpu.memory_space<vmem_shared>> -> memref<128x128xf32, #tpu.memory_space<vmem_shared>>
    %dma_wait3A_59 = arith.constant 0 : i32
    %dma_wait3A_60 = arith.constant 0 : i32
    %dma_wait3A_61 = tpu.memref_slice %arg5[%dma_wait3A_59, %dma_wait3A_60] : memref<128x128xf32, #tpu.memory_space<hbm>> -> memref<128x128xf32, #tpu.memory_space<hbm>>
    tpu.wait_dma2 semaphore(%arg25 : memref<!tpu.dma_semaphore, #tpu.memory_space<semaphore_mem>>) src(%dma_wait3A_61 : memref<128x128xf32, #tpu.memory_space<hbm>>) dst(%dma_wait3A_58 : memref<128x128xf32, #tpu.memory_space<vmem_shared>>)
    %mul3A_62 = arith.constant 640 : i32
    %mul3A_63 = arith.muli %arg1, %mul3A_62 : i32
    %add3A_64 = arith.constant 256 : i32
    %add3A_65 = arith.addi %mul3A_63, %add3A_64 : i32
    %dma_wait3A_66 = arith.constant 0 : i32
    %dma_wait3A_67 = tpu.memref_slice %arg17[%add3A_65, %dma_wait3A_66] : memref<10240x128xf32, #tpu.memory_space<vmem_shared>> -> memref<128x128xf32, #tpu.memory_space<vmem_shared>>
    %dma_wait3A_68 = arith.constant 0 : i32
    %dma_wait3A_69 = arith.constant 0 : i32
    %dma_wait3A_70 = tpu.memref_slice %arg5[%dma_wait3A_68, %dma_wait3A_69] : memref<128x128xf32, #tpu.memory_space<hbm>> -> memref<128x128xf32, #tpu.memory_space<hbm>>
    tpu.wait_dma2 semaphore(%arg25 : memref<!tpu.dma_semaphore, #tpu.memory_space<semaphore_mem>>) src(%dma_wait3A_70 : memref<128x128xf32, #tpu.memory_space<hbm>>) dst(%dma_wait3A_67 : memref<128x128xf32, #tpu.memory_space<vmem_shared>>)
    %mul3A_71 = arith.constant 640 : i32
    %mul3A_72 = arith.muli %arg1, %mul3A_71 : i32
    %add3A_73 = arith.constant 384 : i32
    %add3A_74 = arith.addi %mul3A_72, %add3A_73 : i32
    %dma_wait3A_75 = arith.constant 0 : i32
    %dma_wait3A_76 = tpu.memref_slice %arg17[%add3A_74, %dma_wait3A_75] : memref<10240x128xf32, #tpu.memory_space<vmem_shared>> -> memref<128x128xf32, #tpu.memory_space<vmem_shared>>
    %dma_wait3A_77 = arith.constant 0 : i32
    %dma_wait3A_78 = arith.constant 0 : i32
    %dma_wait3A_79 = tpu.memref_slice %arg5[%dma_wait3A_77, %dma_wait3A_78] : memref<128x128xf32, #tpu.memory_space<hbm>> -> memref<128x128xf32, #tpu.memory_space<hbm>>
    tpu.wait_dma2 semaphore(%arg25 : memref<!tpu.dma_semaphore, #tpu.memory_space<semaphore_mem>>) src(%dma_wait3A_79 : memref<128x128xf32, #tpu.memory_space<hbm>>) dst(%dma_wait3A_76 : memref<128x128xf32, #tpu.memory_space<vmem_shared>>)
    %mul3A_80 = arith.constant 640 : i32
    %mul3A_81 = arith.muli %arg1, %mul3A_80 : i32
    %add3A_82 = arith.constant 512 : i32
    %add3A_83 = arith.addi %mul3A_81, %add3A_82 : i32
    %dma_wait3A_84 = arith.constant 0 : i32
    %dma_wait3A_85 = tpu.memref_slice %arg17[%add3A_83, %dma_wait3A_84] : memref<10240x128xf32, #tpu.memory_space<vmem_shared>> -> memref<128x128xf32, #tpu.memory_space<vmem_shared>>
    %dma_wait3A_86 = arith.constant 0 : i32
    %dma_wait3A_87 = arith.constant 0 : i32
    %dma_wait3A_88 = tpu.memref_slice %arg5[%dma_wait3A_86, %dma_wait3A_87] : memref<128x128xf32, #tpu.memory_space<hbm>> -> memref<128x128xf32, #tpu.memory_space<hbm>>
    tpu.wait_dma2 semaphore(%arg25 : memref<!tpu.dma_semaphore, #tpu.memory_space<semaphore_mem>>) src(%dma_wait3A_88 : memref<128x128xf32, #tpu.memory_space<hbm>>) dst(%dma_wait3A_85 : memref<128x128xf32, #tpu.memory_space<vmem_shared>>)
    %barrier3A = arith.constant 0 : index
    tpu.barrier barrier_id(%barrier3A)
    %dma_start3A_89 = arith.constant 0 : i32
    %dma_start3A_90 = arith.constant 0 : i32
    %dma_start3A_91 = tpu.memref_slice %arg2[%add3A, %dma_start3A_89, %dma_start3A_90] : memref<32x82x128xi32, #tpu.memory_space<hbm>> -> memref<1x1x128xi32, #tpu.memory_space<hbm>>
    %dma_start3A_92 = tpu.memref_squeeze %dma_start3A_91 : memref<1x1x128xi32, #tpu.memory_space<hbm>> -> memref<128xi32, #tpu.memory_space<hbm>>
    %dma_start3A_93 = arith.constant 0 : i32
    %dma_start3A_94 = tpu.memref_slice %arg2[%add3A, %dma_start3A_89, %dma_start3A_93] : memref<32x82x128xi32, #tpu.memory_space<hbm>> -> memref<1x1x128xi32, #tpu.memory_space<hbm>>
    %dma_start3A_95 = tpu.memref_squeeze %dma_start3A_94 : memref<1x1x128xi32, #tpu.memory_space<hbm>> -> memref<128xi32, #tpu.memory_space<hbm>>
    tpu.enqueue_dma source(%dma_start3A_95 : memref<128xi32, #tpu.memory_space<hbm>>) target(%arg7 : memref<128xi32, #tpu.memory_space<vmem>>) target_semaphore(%arg18 : memref<!tpu.dma_semaphore, #tpu.memory_space<semaphore_mem>>)
    %dma_start3A_96 = arith.constant 0 : i32
    %dma_start3A_97 = arith.constant 0 : i32
    %dma_start3A_98 = tpu.memref_slice %arg3[%add3A, %dma_start3A_96, %dma_start3A_97] : memref<32x82x128xi32, #tpu.memory_space<hbm>> -> memref<1x1x128xi32, #tpu.memory_space<hbm>>
    %dma_start3A_99 = tpu.memref_squeeze %dma_start3A_98 : memref<1x1x128xi32, #tpu.memory_space<hbm>> -> memref<128xi32, #tpu.memory_space<hbm>>
    %dma_start3A_100 = arith.constant 0 : i32
    %dma_start3A_101 = tpu.memref_slice %arg3[%add3A, %dma_start3A_96, %dma_start3A_100] : memref<32x82x128xi32, #tpu.memory_space<hbm>> -> memref<1x1x128xi32, #tpu.memory_space<hbm>>
    %dma_start3A_102 = tpu.memref_squeeze %dma_start3A_101 : memref<1x1x128xi32, #tpu.memory_space<hbm>> -> memref<128xi32, #tpu.memory_space<hbm>>
    tpu.enqueue_dma source(%dma_start3A_102 : memref<128xi32, #tpu.memory_space<hbm>>) target(%arg8 : memref<128xi32, #tpu.memory_space<vmem>>) target_semaphore(%arg18 : memref<!tpu.dma_semaphore, #tpu.memory_space<semaphore_mem>>)
    %dma_start3A_103 = arith.constant 1 : i32
    %dma_start3A_104 = arith.constant 0 : i32
    %dma_start3A_105 = tpu.memref_slice %arg2[%add3A, %dma_start3A_103, %dma_start3A_104] : memref<32x82x128xi32, #tpu.memory_space<hbm>> -> memref<1x1x128xi32, #tpu.memory_space<hbm>>
    %dma_start3A_106 = tpu.memref_squeeze %dma_start3A_105 : memref<1x1x128xi32, #tpu.memory_space<hbm>> -> memref<128xi32, #tpu.memory_space<hbm>>
    %dma_start3A_107 = arith.constant 0 : i32
    %dma_start3A_108 = tpu.memref_slice %arg2[%add3A, %dma_start3A_103, %dma_start3A_107] : memref<32x82x128xi32, #tpu.memory_space<hbm>> -> memref<1x1x128xi32, #tpu.memory_space<hbm>>
    %dma_start3A_109 = tpu.memref_squeeze %dma_start3A_108 : memref<1x1x128xi32, #tpu.memory_space<hbm>> -> memref<128xi32, #tpu.memory_space<hbm>>
    tpu.enqueue_dma source(%dma_start3A_109 : memref<128xi32, #tpu.memory_space<hbm>>) target(%arg9 : memref<128xi32, #tpu.memory_space<vmem>>) target_semaphore(%arg19 : memref<!tpu.dma_semaphore, #tpu.memory_space<semaphore_mem>>)
    %dma_start3A_110 = arith.constant 1 : i32
    %dma_start3A_111 = arith.constant 0 : i32
    %dma_start3A_112 = tpu.memref_slice %arg3[%add3A, %dma_start3A_110, %dma_start3A_111] : memref<32x82x128xi32, #tpu.memory_space<hbm>> -> memref<1x1x128xi32, #tpu.memory_space<hbm>>
    %dma_start3A_113 = tpu.memref_squeeze %dma_start3A_112 : memref<1x1x128xi32, #tpu.memory_space<hbm>> -> memref<128xi32, #tpu.memory_space<hbm>>
    %dma_start3A_114 = arith.constant 0 : i32
    %dma_start3A_115 = tpu.memref_slice %arg3[%add3A, %dma_start3A_110, %dma_start3A_114] : memref<32x82x128xi32, #tpu.memory_space<hbm>> -> memref<1x1x128xi32, #tpu.memory_space<hbm>>
    %dma_start3A_116 = tpu.memref_squeeze %dma_start3A_115 : memref<1x1x128xi32, #tpu.memory_space<hbm>> -> memref<128xi32, #tpu.memory_space<hbm>>
    tpu.enqueue_dma source(%dma_start3A_116 : memref<128xi32, #tpu.memory_space<hbm>>) target(%arg10 : memref<128xi32, #tpu.memory_space<vmem>>) target_semaphore(%arg19 : memref<!tpu.dma_semaphore, #tpu.memory_space<semaphore_mem>>)
    %dma_wait3A_117 = arith.constant 0 : i32
    %dma_wait3A_118 = arith.constant 0 : i32
    %dma_wait3A_119 = tpu.memref_slice %arg2[%add3A, %dma_wait3A_117, %dma_wait3A_118] : memref<32x82x128xi32, #tpu.memory_space<hbm>> -> memref<1x1x128xi32, #tpu.memory_space<hbm>>
    %dma_wait3A_120 = tpu.memref_squeeze %dma_wait3A_119 : memref<1x1x128xi32, #tpu.memory_space<hbm>> -> memref<128xi32, #tpu.memory_space<hbm>>
    %dma_wait3A_121 = arith.constant 0 : i32
    %dma_wait3A_122 = tpu.memref_slice %arg2[%add3A, %dma_wait3A_117, %dma_wait3A_121] : memref<32x82x128xi32, #tpu.memory_space<hbm>> -> memref<1x1x128xi32, #tpu.memory_space<hbm>>
    %dma_wait3A_123 = tpu.memref_squeeze %dma_wait3A_122 : memref<1x1x128xi32, #tpu.memory_space<hbm>> -> memref<128xi32, #tpu.memory_space<hbm>>
    tpu.wait_dma2 semaphore(%arg18 : memref<!tpu.dma_semaphore, #tpu.memory_space<semaphore_mem>>) src(%dma_wait3A_123 : memref<128xi32, #tpu.memory_space<hbm>>) dst(%arg7 : memref<128xi32, #tpu.memory_space<vmem>>)
    %dma_wait3A_124 = arith.constant 0 : i32
    %dma_wait3A_125 = arith.constant 0 : i32
    %dma_wait3A_126 = tpu.memref_slice %arg3[%add3A, %dma_wait3A_124, %dma_wait3A_125] : memref<32x82x128xi32, #tpu.memory_space<hbm>> -> memref<1x1x128xi32, #tpu.memory_space<hbm>>
    %dma_wait3A_127 = tpu.memref_squeeze %dma_wait3A_126 : memref<1x1x128xi32, #tpu.memory_space<hbm>> -> memref<128xi32, #tpu.memory_space<hbm>>
    %dma_wait3A_128 = arith.constant 0 : i32
    %dma_wait3A_129 = tpu.memref_slice %arg3[%add3A, %dma_wait3A_124, %dma_wait3A_128] : memref<32x82x128xi32, #tpu.memory_space<hbm>> -> memref<1x1x128xi32, #tpu.memory_space<hbm>>
    %dma_wait3A_130 = tpu.memref_squeeze %dma_wait3A_129 : memref<1x1x128xi32, #tpu.memory_space<hbm>> -> memref<128xi32, #tpu.memory_space<hbm>>
    tpu.wait_dma2 semaphore(%arg18 : memref<!tpu.dma_semaphore, #tpu.memory_space<semaphore_mem>>) src(%dma_wait3A_130 : memref<128xi32, #tpu.memory_space<hbm>>) dst(%arg8 : memref<128xi32, #tpu.memory_space<vmem>>)
    %dma_start3A_131 = arith.constant 0 : i32
    %dma_start3A_132 = arith.constant 0 : i32
    %dma_start3A_133 = tpu.memref_slice %arg4[%dma_start3A_131, %dma_start3A_132] : memref<10000x128xf32, #tpu.memory_space<hbm>> -> memref<10000x128xf32, #tpu.memory_space<hbm>>
    tpu.enqueue_indirect_dma source(%dma_start3A_133 : memref<10000x128xf32, #tpu.memory_space<hbm>>) target(%arg15 : memref<128x128xf32, #tpu.memory_space<vmem>>) offsets(%arg7 : memref<128xi32, #tpu.memory_space<vmem>>) semaphore(%arg22 : memref<!tpu.dma_semaphore, #tpu.memory_space<semaphore_mem>>)
    %dma_wait3A_134 = arith.constant 0 : i32
    %dma_wait3A_135 = arith.constant 0 : i32
    %dma_wait3A_136 = tpu.memref_slice %arg2[%add3A, %dma_wait3A_134, %dma_wait3A_135] : memref<32x82x128xi32, #tpu.memory_space<hbm>> -> memref<1x1x128xi32, #tpu.memory_space<hbm>>
    %dma_wait3A_137 = tpu.memref_squeeze %dma_wait3A_136 : memref<1x1x128xi32, #tpu.memory_space<hbm>> -> memref<128xi32, #tpu.memory_space<hbm>>
    %dma_wait3A_138 = arith.constant 0 : i32
    %dma_wait3A_139 = tpu.memref_slice %arg2[%add3A, %dma_wait3A_134, %dma_wait3A_138] : memref<32x82x128xi32, #tpu.memory_space<hbm>> -> memref<1x1x128xi32, #tpu.memory_space<hbm>>
    %dma_wait3A_140 = tpu.memref_squeeze %dma_wait3A_139 : memref<1x1x128xi32, #tpu.memory_space<hbm>> -> memref<128xi32, #tpu.memory_space<hbm>>
    tpu.wait_dma2 semaphore(%arg19 : memref<!tpu.dma_semaphore, #tpu.memory_space<semaphore_mem>>) src(%dma_wait3A_140 : memref<128xi32, #tpu.memory_space<hbm>>) dst(%arg9 : memref<128xi32, #tpu.memory_space<vmem>>)
    %dma_wait3A_141 = arith.constant 0 : i32
    %dma_wait3A_142 = arith.constant 0 : i32
    %dma_wait3A_143 = tpu.memref_slice %arg3[%add3A, %dma_wait3A_141, %dma_wait3A_142] : memref<32x82x128xi32, #tpu.memory_space<hbm>> -> memref<1x1x128xi32, #tpu.memory_space<hbm>>
    %dma_wait3A_144 = tpu.memref_squeeze %dma_wait3A_143 : memref<1x1x128xi32, #tpu.memory_space<hbm>> -> memref<128xi32, #tpu.memory_space<hbm>>
    %dma_wait3A_145 = arith.constant 0 : i32
    %dma_wait3A_146 = tpu.memref_slice %arg3[%add3A, %dma_wait3A_141, %dma_wait3A_145] : memref<32x82x128xi32, #tpu.memory_space<hbm>> -> memref<1x1x128xi32, #tpu.memory_space<hbm>>
    %dma_wait3A_147 = tpu.memref_squeeze %dma_wait3A_146 : memref<1x1x128xi32, #tpu.memory_space<hbm>> -> memref<128xi32, #tpu.memory_space<hbm>>
    tpu.wait_dma2 semaphore(%arg19 : memref<!tpu.dma_semaphore, #tpu.memory_space<semaphore_mem>>) src(%dma_wait3A_147 : memref<128xi32, #tpu.memory_space<hbm>>) dst(%arg10 : memref<128xi32, #tpu.memory_space<vmem>>)
    %dma_start3A_148 = arith.constant 0 : i32
    %dma_start3A_149 = arith.constant 0 : i32
    %dma_start3A_150 = tpu.memref_slice %arg4[%dma_start3A_148, %dma_start3A_149] : memref<10000x128xf32, #tpu.memory_space<hbm>> -> memref<10000x128xf32, #tpu.memory_space<hbm>>
    tpu.enqueue_indirect_dma source(%dma_start3A_150 : memref<10000x128xf32, #tpu.memory_space<hbm>>) target(%arg16 : memref<128x128xf32, #tpu.memory_space<vmem>>) offsets(%arg9 : memref<128xi32, #tpu.memory_space<vmem>>) semaphore(%arg23 : memref<!tpu.dma_semaphore, #tpu.memory_space<semaphore_mem>>)
    %dma_start3A_151 = arith.constant 2 : i32
    %dma_start3A_152 = arith.constant 0 : i32
    %dma_start3A_153 = tpu.memref_slice %arg2[%add3A, %dma_start3A_151, %dma_start3A_152] : memref<32x82x128xi32, #tpu.memory_space<hbm>> -> memref<1x1x128xi32, #tpu.memory_space<hbm>>
    %dma_start3A_154 = tpu.memref_squeeze %dma_start3A_153 : memref<1x1x128xi32, #tpu.memory_space<hbm>> -> memref<128xi32, #tpu.memory_space<hbm>>
    %dma_start3A_155 = arith.constant 0 : i32
    %dma_start3A_156 = tpu.memref_slice %arg2[%add3A, %dma_start3A_151, %dma_start3A_155] : memref<32x82x128xi32, #tpu.memory_space<hbm>> -> memref<1x1x128xi32, #tpu.memory_space<hbm>>
    %dma_start3A_157 = tpu.memref_squeeze %dma_start3A_156 : memref<1x1x128xi32, #tpu.memory_space<hbm>> -> memref<128xi32, #tpu.memory_space<hbm>>
    tpu.enqueue_dma source(%dma_start3A_157 : memref<128xi32, #tpu.memory_space<hbm>>) target(%arg11 : memref<128xi32, #tpu.memory_space<vmem>>) target_semaphore(%arg20 : memref<!tpu.dma_semaphore, #tpu.memory_space<semaphore_mem>>)
    %dma_start3A_158 = arith.constant 2 : i32
    %dma_start3A_159 = arith.constant 0 : i32
    %dma_start3A_160 = tpu.memref_slice %arg3[%add3A, %dma_start3A_158, %dma_start3A_159] : memref<32x82x128xi32, #tpu.memory_space<hbm>> -> memref<1x1x128xi32, #tpu.memory_space<hbm>>
    %dma_start3A_161 = tpu.memref_squeeze %dma_start3A_160 : memref<1x1x128xi32, #tpu.memory_space<hbm>> -> memref<128xi32, #tpu.memory_space<hbm>>
    %dma_start3A_162 = arith.constant 0 : i32
    %dma_start3A_163 = tpu.memref_slice %arg3[%add3A, %dma_start3A_158, %dma_start3A_162] : memref<32x82x128xi32, #tpu.memory_space<hbm>> -> memref<1x1x128xi32, #tpu.memory_space<hbm>>
    %dma_start3A_164 = tpu.memref_squeeze %dma_start3A_163 : memref<1x1x128xi32, #tpu.memory_space<hbm>> -> memref<128xi32, #tpu.memory_space<hbm>>
    tpu.enqueue_dma source(%dma_start3A_164 : memref<128xi32, #tpu.memory_space<hbm>>) target(%arg12 : memref<128xi32, #tpu.memory_space<vmem>>) target_semaphore(%arg20 : memref<!tpu.dma_semaphore, #tpu.memory_space<semaphore_mem>>)
    %dma_wait3A_165 = arith.constant 0 : i32
    %dma_wait3A_166 = arith.constant 0 : i32
    %dma_wait3A_167 = tpu.memref_slice %arg4[%dma_wait3A_165, %dma_wait3A_166] : memref<10000x128xf32, #tpu.memory_space<hbm>> -> memref<10000x128xf32, #tpu.memory_space<hbm>>
    tpu.wait_indirect_dma semaphore(%arg22 : memref<!tpu.dma_semaphore, #tpu.memory_space<semaphore_mem>>) src(%dma_wait3A_167 : memref<10000x128xf32, #tpu.memory_space<hbm>>) dst(%arg15 : memref<128x128xf32, #tpu.memory_space<vmem>>)
    %dma_start3A_168 = arith.constant 0 : i32
    %dma_start3A_169 = arith.constant 0 : i32
    %dma_start3A_170 = tpu.memref_slice %arg17[%dma_start3A_168, %dma_start3A_169] : memref<10240x128xf32, #tpu.memory_space<vmem_shared>> -> memref<10240x128xf32, #tpu.memory_space<vmem_shared>>
    tpu.enqueue_indirect_dma source(%arg15 : memref<128x128xf32, #tpu.memory_space<vmem>>) target(%dma_start3A_170 : memref<10240x128xf32, #tpu.memory_space<vmem_shared>>) offsets(%arg8 : memref<128xi32, #tpu.memory_space<vmem>>) semaphore(%arg24 : memref<!tpu.dma_semaphore, #tpu.memory_space<semaphore_mem>>) {add = true}
    %dma_wait3A_171 = arith.constant 0 : i32
    %dma_wait3A_172 = arith.constant 0 : i32
    %dma_wait3A_173 = tpu.memref_slice %arg2[%add3A, %dma_wait3A_171, %dma_wait3A_172] : memref<32x82x128xi32, #tpu.memory_space<hbm>> -> memref<1x1x128xi32, #tpu.memory_space<hbm>>
    %dma_wait3A_174 = tpu.memref_squeeze %dma_wait3A_173 : memref<1x1x128xi32, #tpu.memory_space<hbm>> -> memref<128xi32, #tpu.memory_space<hbm>>
    %dma_wait3A_175 = arith.constant 0 : i32
    %dma_wait3A_176 = tpu.memref_slice %arg2[%add3A, %dma_wait3A_171, %dma_wait3A_175] : memref<32x82x128xi32, #tpu.memory_space<hbm>> -> memref<1x1x128xi32, #tpu.memory_space<hbm>>
    %dma_wait3A_177 = tpu.memref_squeeze %dma_wait3A_176 : memref<1x1x128xi32, #tpu.memory_space<hbm>> -> memref<128xi32, #tpu.memory_space<hbm>>
    tpu.wait_dma2 semaphore(%arg20 : memref<!tpu.dma_semaphore, #tpu.memory_space<semaphore_mem>>) src(%dma_wait3A_177 : memref<128xi32, #tpu.memory_space<hbm>>) dst(%arg11 : memref<128xi32, #tpu.memory_space<vmem>>)
    %dma_wait3A_178 = arith.constant 0 : i32
    %dma_wait3A_179 = arith.constant 0 : i32
    %dma_wait3A_180 = tpu.memref_slice %arg3[%add3A, %dma_wait3A_178, %dma_wait3A_179] : memref<32x82x128xi32, #tpu.memory_space<hbm>> -> memref<1x1x128xi32, #tpu.memory_space<hbm>>
    %dma_wait3A_181 = tpu.memref_squeeze %dma_wait3A_180 : memref<1x1x128xi32, #tpu.memory_space<hbm>> -> memref<128xi32, #tpu.memory_space<hbm>>
    %dma_wait3A_182 = arith.constant 0 : i32
    %dma_wait3A_183 = tpu.memref_slice %arg3[%add3A, %dma_wait3A_178, %dma_wait3A_182] : memref<32x82x128xi32, #tpu.memory_space<hbm>> -> memref<1x1x128xi32, #tpu.memory_space<hbm>>
    %dma_wait3A_184 = tpu.memref_squeeze %dma_wait3A_183 : memref<1x1x128xi32, #tpu.memory_space<hbm>> -> memref<128xi32, #tpu.memory_space<hbm>>
    tpu.wait_dma2 semaphore(%arg20 : memref<!tpu.dma_semaphore, #tpu.memory_space<semaphore_mem>>) src(%dma_wait3A_184 : memref<128xi32, #tpu.memory_space<hbm>>) dst(%arg12 : memref<128xi32, #tpu.memory_space<vmem>>)
    %dma_wait3A_185 = arith.constant 0 : i32
    %dma_wait3A_186 = arith.constant 0 : i32
    %dma_wait3A_187 = tpu.memref_slice %arg17[%dma_wait3A_185, %dma_wait3A_186] : memref<10240x128xf32, #tpu.memory_space<vmem_shared>> -> memref<10240x128xf32, #tpu.memory_space<vmem_shared>>
    tpu.wait_indirect_dma semaphore(%arg24 : memref<!tpu.dma_semaphore, #tpu.memory_space<semaphore_mem>>) src(%arg15 : memref<128x128xf32, #tpu.memory_space<vmem>>) dst(%dma_wait3A_187 : memref<10240x128xf32, #tpu.memory_space<vmem_shared>>)
    %dma_start3A_188 = arith.constant 0 : i32
    %dma_start3A_189 = arith.constant 0 : i32
    %dma_start3A_190 = tpu.memref_slice %arg4[%dma_start3A_188, %dma_start3A_189] : memref<10000x128xf32, #tpu.memory_space<hbm>> -> memref<10000x128xf32, #tpu.memory_space<hbm>>
    tpu.enqueue_indirect_dma source(%dma_start3A_190 : memref<10000x128xf32, #tpu.memory_space<hbm>>) target(%arg15 : memref<128x128xf32, #tpu.memory_space<vmem>>) offsets(%arg11 : memref<128xi32, #tpu.memory_space<vmem>>) semaphore(%arg22 : memref<!tpu.dma_semaphore, #tpu.memory_space<semaphore_mem>>)
    %dma_wait3A_191 = arith.constant 0 : i32
    %dma_wait3A_192 = arith.constant 0 : i32
    %dma_wait3A_193 = tpu.memref_slice %arg4[%dma_wait3A_191, %dma_wait3A_192] : memref<10000x128xf32, #tpu.memory_space<hbm>> -> memref<10000x128xf32, #tpu.memory_space<hbm>>
    tpu.wait_indirect_dma semaphore(%arg23 : memref<!tpu.dma_semaphore, #tpu.memory_space<semaphore_mem>>) src(%dma_wait3A_193 : memref<10000x128xf32, #tpu.memory_space<hbm>>) dst(%arg16 : memref<128x128xf32, #tpu.memory_space<vmem>>)
    %dma_start3A_194 = arith.constant 0 : i32
    %dma_start3A_195 = arith.constant 0 : i32
    %dma_start3A_196 = tpu.memref_slice %arg17[%dma_start3A_194, %dma_start3A_195] : memref<10240x128xf32, #tpu.memory_space<vmem_shared>> -> memref<10240x128xf32, #tpu.memory_space<vmem_shared>>
    tpu.enqueue_indirect_dma source(%arg16 : memref<128x128xf32, #tpu.memory_space<vmem>>) target(%dma_start3A_196 : memref<10240x128xf32, #tpu.memory_space<vmem_shared>>) offsets(%arg10 : memref<128xi32, #tpu.memory_space<vmem>>) semaphore(%arg24 : memref<!tpu.dma_semaphore, #tpu.memory_space<semaphore_mem>>) {add = true}
    %dma_start3A_197 = arith.constant 3 : i32
    %dma_start3A_198 = arith.constant 0 : i32
    %dma_start3A_199 = tpu.memref_slice %arg2[%add3A, %dma_start3A_197, %dma_start3A_198] : memref<32x82x128xi32, #tpu.memory_space<hbm>> -> memref<1x1x128xi32, #tpu.memory_space<hbm>>
    %dma_start3A_200 = tpu.memref_squeeze %dma_start3A_199 : memref<1x1x128xi32, #tpu.memory_space<hbm>> -> memref<128xi32, #tpu.memory_space<hbm>>
    %dma_start3A_201 = arith.constant 0 : i32
    %dma_start3A_202 = tpu.memref_slice %arg2[%add3A, %dma_start3A_197, %dma_start3A_201] : memref<32x82x128xi32, #tpu.memory_space<hbm>> -> memref<1x1x128xi32, #tpu.memory_space<hbm>>
    %dma_start3A_203 = tpu.memref_squeeze %dma_start3A_202 : memref<1x1x128xi32, #tpu.memory_space<hbm>> -> memref<128xi32, #tpu.memory_space<hbm>>
    tpu.enqueue_dma source(%dma_start3A_203 : memref<128xi32, #tpu.memory_space<hbm>>) target(%arg13 : memref<128xi32, #tpu.memory_space<vmem>>) target_semaphore(%arg21 : memref<!tpu.dma_semaphore, #tpu.memory_space<semaphore_mem>>)
    %dma_start3A_204 = arith.constant 3 : i32
    %dma_start3A_205 = arith.constant 0 : i32
    %dma_start3A_206 = tpu.memref_slice %arg3[%add3A, %dma_start3A_204, %dma_start3A_205] : memref<32x82x128xi32, #tpu.memory_space<hbm>> -> memref<1x1x128xi32, #tpu.memory_space<hbm>>
    %dma_start3A_207 = tpu.memref_squeeze %dma_start3A_206 : memref<1x1x128xi32, #tpu.memory_space<hbm>> -> memref<128xi32, #tpu.memory_space<hbm>>
    %dma_start3A_208 = arith.constant 0 : i32
    %dma_start3A_209 = tpu.memref_slice %arg3[%add3A, %dma_start3A_204, %dma_start3A_208] : memref<32x82x128xi32, #tpu.memory_space<hbm>> -> memref<1x1x128xi32, #tpu.memory_space<hbm>>
    %dma_start3A_210 = tpu.memref_squeeze %dma_start3A_209 : memref<1x1x128xi32, #tpu.memory_space<hbm>> -> memref<128xi32, #tpu.memory_space<hbm>>
    tpu.enqueue_dma source(%dma_start3A_210 : memref<128xi32, #tpu.memory_space<hbm>>) target(%arg14 : memref<128xi32, #tpu.memory_space<vmem>>) target_semaphore(%arg21 : memref<!tpu.dma_semaphore, #tpu.memory_space<semaphore_mem>>)
    %dma_wait3A_211 = arith.constant 0 : i32
    %dma_wait3A_212 = arith.constant 0 : i32
    %dma_wait3A_213 = tpu.memref_slice %arg2[%add3A, %dma_wait3A_211, %dma_wait3A_212] : memref<32x82x128xi32, #tpu.memory_space<hbm>> -> memref<1x1x128xi32, #tpu.memory_space<hbm>>
    %dma_wait3A_214 = tpu.memref_squeeze %dma_wait3A_213 : memref<1x1x128xi32, #tpu.memory_space<hbm>> -> memref<128xi32, #tpu.memory_space<hbm>>
    %dma_wait3A_215 = arith.constant 0 : i32
    %dma_wait3A_216 = tpu.memref_slice %arg2[%add3A, %dma_wait3A_211, %dma_wait3A_215] : memref<32x82x128xi32, #tpu.memory_space<hbm>> -> memref<1x1x128xi32, #tpu.memory_space<hbm>>
    %dma_wait3A_217 = tpu.memref_squeeze %dma_wait3A_216 : memref<1x1x128xi32, #tpu.memory_space<hbm>> -> memref<128xi32, #tpu.memory_space<hbm>>
    tpu.wait_dma2 semaphore(%arg21 : memref<!tpu.dma_semaphore, #tpu.memory_space<semaphore_mem>>) src(%dma_wait3A_217 : memref<128xi32, #tpu.memory_space<hbm>>) dst(%arg13 : memref<128xi32, #tpu.memory_space<vmem>>)
    %dma_wait3A_218 = arith.constant 0 : i32
    %dma_wait3A_219 = arith.constant 0 : i32
    %dma_wait3A_220 = tpu.memref_slice %arg3[%add3A, %dma_wait3A_218, %dma_wait3A_219] : memref<32x82x128xi32, #tpu.memory_space<hbm>> -> memref<1x1x128xi32, #tpu.memory_space<hbm>>
    %dma_wait3A_221 = tpu.memref_squeeze %dma_wait3A_220 : memref<1x1x128xi32, #tpu.memory_space<hbm>> -> memref<128xi32, #tpu.memory_space<hbm>>
    %dma_wait3A_222 = arith.constant 0 : i32
    %dma_wait3A_223 = tpu.memref_slice %arg3[%add3A, %dma_wait3A_218, %dma_wait3A_222] : memref<32x82x128xi32, #tpu.memory_space<hbm>> -> memref<1x1x128xi32, #tpu.memory_space<hbm>>
    %dma_wait3A_224 = tpu.memref_squeeze %dma_wait3A_223 : memref<1x1x128xi32, #tpu.memory_space<hbm>> -> memref<128xi32, #tpu.memory_space<hbm>>
    tpu.wait_dma2 semaphore(%arg21 : memref<!tpu.dma_semaphore, #tpu.memory_space<semaphore_mem>>) src(%dma_wait3A_224 : memref<128xi32, #tpu.memory_space<hbm>>) dst(%arg14 : memref<128xi32, #tpu.memory_space<vmem>>)
    %dma_wait3A_225 = arith.constant 0 : i32
    %dma_wait3A_226 = arith.constant 0 : i32
    %dma_wait3A_227 = tpu.memref_slice %arg17[%dma_wait3A_225, %dma_wait3A_226] : memref<10240x128xf32, #tpu.memory_space<vmem_shared>> -> memref<10240x128xf32, #tpu.memory_space<vmem_shared>>
    tpu.wait_indirect_dma semaphore(%arg24 : memref<!tpu.dma_semaphore, #tpu.memory_space<semaphore_mem>>) src(%arg16 : memref<128x128xf32, #tpu.memory_space<vmem>>) dst(%dma_wait3A_227 : memref<10240x128xf32, #tpu.memory_space<vmem_shared>>)
    %dma_start3A_228 = arith.constant 0 : i32
    %dma_start3A_229 = arith.constant 0 : i32
    %dma_start3A_230 = tpu.memref_slice %arg4[%dma_start3A_228, %dma_start3A_229] : memref<10000x128xf32, #tpu.memory_space<hbm>> -> memref<10000x128xf32, #tpu.memory_space<hbm>>
    tpu.enqueue_indirect_dma source(%dma_start3A_230 : memref<10000x128xf32, #tpu.memory_space<hbm>>) target(%arg16 : memref<128x128xf32, #tpu.memory_space<vmem>>) offsets(%arg13 : memref<128xi32, #tpu.memory_space<vmem>>) semaphore(%arg23 : memref<!tpu.dma_semaphore, #tpu.memory_space<semaphore_mem>>)
    %dma_wait3A_231 = arith.constant 0 : i32
    %dma_wait3A_232 = arith.constant 0 : i32
    %dma_wait3A_233 = tpu.memref_slice %arg4[%dma_wait3A_231, %dma_wait3A_232] : memref<10000x128xf32, #tpu.memory_space<hbm>> -> memref<10000x128xf32, #tpu.memory_space<hbm>>
    tpu.wait_indirect_dma semaphore(%arg22 : memref<!tpu.dma_semaphore, #tpu.memory_space<semaphore_mem>>) src(%dma_wait3A_233 : memref<10000x128xf32, #tpu.memory_space<hbm>>) dst(%arg15 : memref<128x128xf32, #tpu.memory_space<vmem>>)
    %dma_start3A_234 = arith.constant 0 : i32
    %dma_start3A_235 = arith.constant 0 : i32
    %dma_start3A_236 = tpu.memref_slice %arg17[%dma_start3A_234, %dma_start3A_235] : memref<10240x128xf32, #tpu.memory_space<vmem_shared>> -> memref<10240x128xf32, #tpu.memory_space<vmem_shared>>
    tpu.enqueue_indirect_dma source(%arg15 : memref<128x128xf32, #tpu.memory_space<vmem>>) target(%dma_start3A_236 : memref<10240x128xf32, #tpu.memory_space<vmem_shared>>) offsets(%arg12 : memref<128xi32, #tpu.memory_space<vmem>>) semaphore(%arg24 : memref<!tpu.dma_semaphore, #tpu.memory_space<semaphore_mem>>) {add = true}
    %dma_start3A_237 = arith.constant 4 : i32
    %dma_start3A_238 = arith.constant 0 : i32
    %dma_start3A_239 = tpu.memref_slice %arg2[%add3A, %dma_start3A_237, %dma_start3A_238] : memref<32x82x128xi32, #tpu.memory_space<hbm>> -> memref<1x1x128xi32, #tpu.memory_space<hbm>>
    %dma_start3A_240 = tpu.memref_squeeze %dma_start3A_239 : memref<1x1x128xi32, #tpu.memory_space<hbm>> -> memref<128xi32, #tpu.memory_space<hbm>>
    %dma_start3A_241 = arith.constant 0 : i32
    %dma_start3A_242 = tpu.memref_slice %arg2[%add3A, %dma_start3A_237, %dma_start3A_241] : memref<32x82x128xi32, #tpu.memory_space<hbm>> -> memref<1x1x128xi32, #tpu.memory_space<hbm>>
    %dma_start3A_243 = tpu.memref_squeeze %dma_start3A_242 : memref<1x1x128xi32, #tpu.memory_space<hbm>> -> memref<128xi32, #tpu.memory_space<hbm>>
    tpu.enqueue_dma source(%dma_start3A_243 : memref<128xi32, #tpu.memory_space<hbm>>) target(%arg7 : memref<128xi32, #tpu.memory_space<vmem>>) target_semaphore(%arg18 : memref<!tpu.dma_semaphore, #tpu.memory_space<semaphore_mem>>)
    %dma_start3A_244 = arith.constant 4 : i32
    %dma_start3A_245 = arith.constant 0 : i32
    %dma_start3A_246 = tpu.memref_slice %arg3[%add3A, %dma_start3A_244, %dma_start3A_245] : memref<32x82x128xi32, #tpu.memory_space<hbm>> -> memref<1x1x128xi32, #tpu.memory_space<hbm>>
    %dma_start3A_247 = tpu.memref_squeeze %dma_start3A_246 : memref<1x1x128xi32, #tpu.memory_space<hbm>> -> memref<128xi32, #tpu.memory_space<hbm>>
    %dma_start3A_248 = arith.constant 0 : i32
    %dma_start3A_249 = tpu.memref_slice %arg3[%add3A, %dma_start3A_244, %dma_start3A_248] : memref<32x82x128xi32, #tpu.memory_space<hbm>> -> memref<1x1x128xi32, #tpu.memory_space<hbm>>
    %dma_start3A_250 = tpu.memref_squeeze %dma_start3A_249 : memref<1x1x128xi32, #tpu.memory_space<hbm>> -> memref<128xi32, #tpu.memory_space<hbm>>
    tpu.enqueue_dma source(%dma_start3A_250 : memref<128xi32, #tpu.memory_space<hbm>>) target(%arg8 : memref<128xi32, #tpu.memory_space<vmem>>) target_semaphore(%arg18 : memref<!tpu.dma_semaphore, #tpu.memory_space<semaphore_mem>>)
    %scan3A = arith.constant 0 : i32
    %scan3A_251 = arith.constant 0 : i32
    %scan3A_252 = arith.constant 19 : i32
    %scan3A_253 = arith.addi %scan3A_251, %scan3A_252 : i32
    %scan3A_254 = arith.constant 1 : i32
    scf.for %scan3A_303 = %scan3A_251 to %scan3A_253 step %scan3A_254  : i32 {
      %mul3A_304 = arith.constant 4 : i32
      %mul3A_305 = arith.muli %mul3A_304, %scan3A_303 : i32
      %add3A_306 = arith.constant 3 : i32
      %add3A_307 = arith.addi %mul3A_305, %add3A_306 : i32
      %dma_wait3A_308 = arith.constant 0 : i32
      %dma_wait3A_309 = arith.constant 0 : i32
      %dma_wait3A_310 = tpu.memref_slice %arg2[%add3A, %dma_wait3A_308, %dma_wait3A_309] : memref<32x82x128xi32, #tpu.memory_space<hbm>> -> memref<1x1x128xi32, #tpu.memory_space<hbm>>
      %dma_wait3A_311 = tpu.memref_squeeze %dma_wait3A_310 : memref<1x1x128xi32, #tpu.memory_space<hbm>> -> memref<128xi32, #tpu.memory_space<hbm>>
      %dma_wait3A_312 = arith.constant 0 : i32
      %dma_wait3A_313 = tpu.memref_slice %arg2[%add3A, %dma_wait3A_308, %dma_wait3A_312] : memref<32x82x128xi32, #tpu.memory_space<hbm>> -> memref<1x1x128xi32, #tpu.memory_space<hbm>>
      %dma_wait3A_314 = tpu.memref_squeeze %dma_wait3A_313 : memref<1x1x128xi32, #tpu.memory_space<hbm>> -> memref<128xi32, #tpu.memory_space<hbm>>
      tpu.wait_dma2 semaphore(%arg18 : memref<!tpu.dma_semaphore, #tpu.memory_space<semaphore_mem>>) src(%dma_wait3A_314 : memref<128xi32, #tpu.memory_space<hbm>>) dst(%arg7 : memref<128xi32, #tpu.memory_space<vmem>>)
      %dma_wait3A_315 = arith.constant 0 : i32
      %dma_wait3A_316 = arith.constant 0 : i32
      %dma_wait3A_317 = tpu.memref_slice %arg3[%add3A, %dma_wait3A_315, %dma_wait3A_316] : memref<32x82x128xi32, #tpu.memory_space<hbm>> -> memref<1x1x128xi32, #tpu.memory_space<hbm>>
      %dma_wait3A_318 = tpu.memref_squeeze %dma_wait3A_317 : memref<1x1x128xi32, #tpu.memory_space<hbm>> -> memref<128xi32, #tpu.memory_space<hbm>>
      %dma_wait3A_319 = arith.constant 0 : i32
      %dma_wait3A_320 = tpu.memref_slice %arg3[%add3A, %dma_wait3A_315, %dma_wait3A_319] : memref<32x82x128xi32, #tpu.memory_space<hbm>> -> memref<1x1x128xi32, #tpu.memory_space<hbm>>
      %dma_wait3A_321 = tpu.memref_squeeze %dma_wait3A_320 : memref<1x1x128xi32, #tpu.memory_space<hbm>> -> memref<128xi32, #tpu.memory_space<hbm>>
      tpu.wait_dma2 semaphore(%arg18 : memref<!tpu.dma_semaphore, #tpu.memory_space<semaphore_mem>>) src(%dma_wait3A_321 : memref<128xi32, #tpu.memory_space<hbm>>) dst(%arg8 : memref<128xi32, #tpu.memory_space<vmem>>)
      %dma_wait3A_322 = arith.constant 0 : i32
      %dma_wait3A_323 = arith.constant 0 : i32
      %dma_wait3A_324 = tpu.memref_slice %arg17[%dma_wait3A_322, %dma_wait3A_323] : memref<10240x128xf32, #tpu.memory_space<vmem_shared>> -> memref<10240x128xf32, #tpu.memory_space<vmem_shared>>
      tpu.wait_indirect_dma semaphore(%arg24 : memref<!tpu.dma_semaphore, #tpu.memory_space<semaphore_mem>>) src(%arg15 : memref<128x128xf32, #tpu.memory_space<vmem>>) dst(%dma_wait3A_324 : memref<10240x128xf32, #tpu.memory_space<vmem_shared>>)
      %dma_start3A_325 = arith.constant 0 : i32
      %dma_start3A_326 = arith.constant 0 : i32
      %dma_start3A_327 = tpu.memref_slice %arg4[%dma_start3A_325, %dma_start3A_326] : memref<10000x128xf32, #tpu.memory_space<hbm>> -> memref<10000x128xf32, #tpu.memory_space<hbm>>
      tpu.enqueue_indirect_dma source(%dma_start3A_327 : memref<10000x128xf32, #tpu.memory_space<hbm>>) target(%arg15 : memref<128x128xf32, #tpu.memory_space<vmem>>) offsets(%arg7 : memref<128xi32, #tpu.memory_space<vmem>>) semaphore(%arg22 : memref<!tpu.dma_semaphore, #tpu.memory_space<semaphore_mem>>)
      %dma_wait3A_328 = arith.constant 0 : i32
      %dma_wait3A_329 = arith.constant 0 : i32
      %dma_wait3A_330 = tpu.memref_slice %arg4[%dma_wait3A_328, %dma_wait3A_329] : memref<10000x128xf32, #tpu.memory_space<hbm>> -> memref<10000x128xf32, #tpu.memory_space<hbm>>
      tpu.wait_indirect_dma semaphore(%arg23 : memref<!tpu.dma_semaphore, #tpu.memory_space<semaphore_mem>>) src(%dma_wait3A_330 : memref<10000x128xf32, #tpu.memory_space<hbm>>) dst(%arg16 : memref<128x128xf32, #tpu.memory_space<vmem>>)
      %dma_start3A_331 = arith.constant 0 : i32
      %dma_start3A_332 = arith.constant 0 : i32
      %dma_start3A_333 = tpu.memref_slice %arg17[%dma_start3A_331, %dma_start3A_332] : memref<10240x128xf32, #tpu.memory_space<vmem_shared>> -> memref<10240x128xf32, #tpu.memory_space<vmem_shared>>
      tpu.enqueue_indirect_dma source(%arg16 : memref<128x128xf32, #tpu.memory_space<vmem>>) target(%dma_start3A_333 : memref<10240x128xf32, #tpu.memory_space<vmem_shared>>) offsets(%arg14 : memref<128xi32, #tpu.memory_space<vmem>>) semaphore(%arg24 : memref<!tpu.dma_semaphore, #tpu.memory_space<semaphore_mem>>) {add = true}
      %add3A_334 = arith.constant 2 : i32
      %add3A_335 = arith.addi %add3A_307, %add3A_334 : i32
      %dma_start3A_336 = arith.constant 0 : i32
      %dma_start3A_337 = tpu.memref_slice %arg2[%add3A, %add3A_335, %dma_start3A_336] : memref<32x82x128xi32, #tpu.memory_space<hbm>> -> memref<1x1x128xi32, #tpu.memory_space<hbm>>
      %dma_start3A_338 = tpu.memref_squeeze %dma_start3A_337 : memref<1x1x128xi32, #tpu.memory_space<hbm>> -> memref<128xi32, #tpu.memory_space<hbm>>
      %dma_start3A_339 = arith.constant 0 : i32
      %dma_start3A_340 = tpu.memref_slice %arg2[%add3A, %add3A_335, %dma_start3A_339] : memref<32x82x128xi32, #tpu.memory_space<hbm>> -> memref<1x1x128xi32, #tpu.memory_space<hbm>>
      %dma_start3A_341 = tpu.memref_squeeze %dma_start3A_340 : memref<1x1x128xi32, #tpu.memory_space<hbm>> -> memref<128xi32, #tpu.memory_space<hbm>>
      tpu.enqueue_dma source(%dma_start3A_341 : memref<128xi32, #tpu.memory_space<hbm>>) target(%arg9 : memref<128xi32, #tpu.memory_space<vmem>>) target_semaphore(%arg19 : memref<!tpu.dma_semaphore, #tpu.memory_space<semaphore_mem>>)
      %dma_start3A_342 = arith.constant 0 : i32
      %dma_start3A_343 = tpu.memref_slice %arg3[%add3A, %add3A_335, %dma_start3A_342] : memref<32x82x128xi32, #tpu.memory_space<hbm>> -> memref<1x1x128xi32, #tpu.memory_space<hbm>>
      %dma_start3A_344 = tpu.memref_squeeze %dma_start3A_343 : memref<1x1x128xi32, #tpu.memory_space<hbm>> -> memref<128xi32, #tpu.memory_space<hbm>>
      %dma_start3A_345 = arith.constant 0 : i32
      %dma_start3A_346 = tpu.memref_slice %arg3[%add3A, %add3A_335, %dma_start3A_345] : memref<32x82x128xi32, #tpu.memory_space<hbm>> -> memref<1x1x128xi32, #tpu.memory_space<hbm>>
      %dma_start3A_347 = tpu.memref_squeeze %dma_start3A_346 : memref<1x1x128xi32, #tpu.memory_space<hbm>> -> memref<128xi32, #tpu.memory_space<hbm>>
      tpu.enqueue_dma source(%dma_start3A_347 : memref<128xi32, #tpu.memory_space<hbm>>) target(%arg10 : memref<128xi32, #tpu.memory_space<vmem>>) target_semaphore(%arg19 : memref<!tpu.dma_semaphore, #tpu.memory_space<semaphore_mem>>)
      %add3A_348 = arith.constant 1 : i32
      %add3A_349 = arith.addi %add3A_307, %add3A_348 : i32
      %dma_wait3A_350 = arith.constant 0 : i32
      %dma_wait3A_351 = arith.constant 0 : i32
      %dma_wait3A_352 = tpu.memref_slice %arg2[%add3A, %dma_wait3A_350, %dma_wait3A_351] : memref<32x82x128xi32, #tpu.memory_space<hbm>> -> memref<1x1x128xi32, #tpu.memory_space<hbm>>
      %dma_wait3A_353 = tpu.memref_squeeze %dma_wait3A_352 : memref<1x1x128xi32, #tpu.memory_space<hbm>> -> memref<128xi32, #tpu.memory_space<hbm>>
      %dma_wait3A_354 = arith.constant 0 : i32
      %dma_wait3A_355 = tpu.memref_slice %arg2[%add3A, %dma_wait3A_350, %dma_wait3A_354] : memref<32x82x128xi32, #tpu.memory_space<hbm>> -> memref<1x1x128xi32, #tpu.memory_space<hbm>>
      %dma_wait3A_356 = tpu.memref_squeeze %dma_wait3A_355 : memref<1x1x128xi32, #tpu.memory_space<hbm>> -> memref<128xi32, #tpu.memory_space<hbm>>
      tpu.wait_dma2 semaphore(%arg19 : memref<!tpu.dma_semaphore, #tpu.memory_space<semaphore_mem>>) src(%dma_wait3A_356 : memref<128xi32, #tpu.memory_space<hbm>>) dst(%arg9 : memref<128xi32, #tpu.memory_space<vmem>>)
      %dma_wait3A_357 = arith.constant 0 : i32
      %dma_wait3A_358 = arith.constant 0 : i32
      %dma_wait3A_359 = tpu.memref_slice %arg3[%add3A, %dma_wait3A_357, %dma_wait3A_358] : memref<32x82x128xi32, #tpu.memory_space<hbm>> -> memref<1x1x128xi32, #tpu.memory_space<hbm>>
      %dma_wait3A_360 = tpu.memref_squeeze %dma_wait3A_359 : memref<1x1x128xi32, #tpu.memory_space<hbm>> -> memref<128xi32, #tpu.memory_space<hbm>>
      %dma_wait3A_361 = arith.constant 0 : i32
      %dma_wait3A_362 = tpu.memref_slice %arg3[%add3A, %dma_wait3A_357, %dma_wait3A_361] : memref<32x82x128xi32, #tpu.memory_space<hbm>> -> memref<1x1x128xi32, #tpu.memory_space<hbm>>
      %dma_wait3A_363 = tpu.memref_squeeze %dma_wait3A_362 : memref<1x1x128xi32, #tpu.memory_space<hbm>> -> memref<128xi32, #tpu.memory_space<hbm>>
      tpu.wait_dma2 semaphore(%arg19 : memref<!tpu.dma_semaphore, #tpu.memory_space<semaphore_mem>>) src(%dma_wait3A_363 : memref<128xi32, #tpu.memory_space<hbm>>) dst(%arg10 : memref<128xi32, #tpu.memory_space<vmem>>)
      %dma_wait3A_364 = arith.constant 0 : i32
      %dma_wait3A_365 = arith.constant 0 : i32
      %dma_wait3A_366 = tpu.memref_slice %arg17[%dma_wait3A_364, %dma_wait3A_365] : memref<10240x128xf32, #tpu.memory_space<vmem_shared>> -> memref<10240x128xf32, #tpu.memory_space<vmem_shared>>
      tpu.wait_indirect_dma semaphore(%arg24 : memref<!tpu.dma_semaphore, #tpu.memory_space<semaphore_mem>>) src(%arg16 : memref<128x128xf32, #tpu.memory_space<vmem>>) dst(%dma_wait3A_366 : memref<10240x128xf32, #tpu.memory_space<vmem_shared>>)
      %dma_start3A_367 = arith.constant 0 : i32
      %dma_start3A_368 = arith.constant 0 : i32
      %dma_start3A_369 = tpu.memref_slice %arg4[%dma_start3A_367, %dma_start3A_368] : memref<10000x128xf32, #tpu.memory_space<hbm>> -> memref<10000x128xf32, #tpu.memory_space<hbm>>
      tpu.enqueue_indirect_dma source(%dma_start3A_369 : memref<10000x128xf32, #tpu.memory_space<hbm>>) target(%arg16 : memref<128x128xf32, #tpu.memory_space<vmem>>) offsets(%arg9 : memref<128xi32, #tpu.memory_space<vmem>>) semaphore(%arg23 : memref<!tpu.dma_semaphore, #tpu.memory_space<semaphore_mem>>)
      %dma_wait3A_370 = arith.constant 0 : i32
      %dma_wait3A_371 = arith.constant 0 : i32
      %dma_wait3A_372 = tpu.memref_slice %arg4[%dma_wait3A_370, %dma_wait3A_371] : memref<10000x128xf32, #tpu.memory_space<hbm>> -> memref<10000x128xf32, #tpu.memory_space<hbm>>
      tpu.wait_indirect_dma semaphore(%arg22 : memref<!tpu.dma_semaphore, #tpu.memory_space<semaphore_mem>>) src(%dma_wait3A_372 : memref<10000x128xf32, #tpu.memory_space<hbm>>) dst(%arg15 : memref<128x128xf32, #tpu.memory_space<vmem>>)
      %dma_start3A_373 = arith.constant 0 : i32
      %dma_start3A_374 = arith.constant 0 : i32
      %dma_start3A_375 = tpu.memref_slice %arg17[%dma_start3A_373, %dma_start3A_374] : memref<10240x128xf32, #tpu.memory_space<vmem_shared>> -> memref<10240x128xf32, #tpu.memory_space<vmem_shared>>
      tpu.enqueue_indirect_dma source(%arg15 : memref<128x128xf32, #tpu.memory_space<vmem>>) target(%dma_start3A_375 : memref<10240x128xf32, #tpu.memory_space<vmem_shared>>) offsets(%arg8 : memref<128xi32, #tpu.memory_space<vmem>>) semaphore(%arg24 : memref<!tpu.dma_semaphore, #tpu.memory_space<semaphore_mem>>) {add = true}
      %add3A_376 = arith.constant 2 : i32
      %add3A_377 = arith.addi %add3A_349, %add3A_376 : i32
      %dma_start3A_378 = arith.constant 0 : i32
      %dma_start3A_379 = tpu.memref_slice %arg2[%add3A, %add3A_377, %dma_start3A_378] : memref<32x82x128xi32, #tpu.memory_space<hbm>> -> memref<1x1x128xi32, #tpu.memory_space<hbm>>
      %dma_start3A_380 = tpu.memref_squeeze %dma_start3A_379 : memref<1x1x128xi32, #tpu.memory_space<hbm>> -> memref<128xi32, #tpu.memory_space<hbm>>
      %dma_start3A_381 = arith.constant 0 : i32
      %dma_start3A_382 = tpu.memref_slice %arg2[%add3A, %add3A_377, %dma_start3A_381] : memref<32x82x128xi32, #tpu.memory_space<hbm>> -> memref<1x1x128xi32, #tpu.memory_space<hbm>>
      %dma_start3A_383 = tpu.memref_squeeze %dma_start3A_382 : memref<1x1x128xi32, #tpu.memory_space<hbm>> -> memref<128xi32, #tpu.memory_space<hbm>>
      tpu.enqueue_dma source(%dma_start3A_383 : memref<128xi32, #tpu.memory_space<hbm>>) target(%arg11 : memref<128xi32, #tpu.memory_space<vmem>>) target_semaphore(%arg20 : memref<!tpu.dma_semaphore, #tpu.memory_space<semaphore_mem>>)
      %dma_start3A_384 = arith.constant 0 : i32
      %dma_start3A_385 = tpu.memref_slice %arg3[%add3A, %add3A_377, %dma_start3A_384] : memref<32x82x128xi32, #tpu.memory_space<hbm>> -> memref<1x1x128xi32, #tpu.memory_space<hbm>>
      %dma_start3A_386 = tpu.memref_squeeze %dma_start3A_385 : memref<1x1x128xi32, #tpu.memory_space<hbm>> -> memref<128xi32, #tpu.memory_space<hbm>>
      %dma_start3A_387 = arith.constant 0 : i32
      %dma_start3A_388 = tpu.memref_slice %arg3[%add3A, %add3A_377, %dma_start3A_387] : memref<32x82x128xi32, #tpu.memory_space<hbm>> -> memref<1x1x128xi32, #tpu.memory_space<hbm>>
      %dma_start3A_389 = tpu.memref_squeeze %dma_start3A_388 : memref<1x1x128xi32, #tpu.memory_space<hbm>> -> memref<128xi32, #tpu.memory_space<hbm>>
      tpu.enqueue_dma source(%dma_start3A_389 : memref<128xi32, #tpu.memory_space<hbm>>) target(%arg12 : memref<128xi32, #tpu.memory_space<vmem>>) target_semaphore(%arg20 : memref<!tpu.dma_semaphore, #tpu.memory_space<semaphore_mem>>)
      %add3A_390 = arith.constant 2 : i32
      %add3A_391 = arith.addi %add3A_307, %add3A_390 : i32
      %dma_wait3A_392 = arith.constant 0 : i32
      %dma_wait3A_393 = arith.constant 0 : i32
      %dma_wait3A_394 = tpu.memref_slice %arg2[%add3A, %dma_wait3A_392, %dma_wait3A_393] : memref<32x82x128xi32, #tpu.memory_space<hbm>> -> memref<1x1x128xi32, #tpu.memory_space<hbm>>
      %dma_wait3A_395 = tpu.memref_squeeze %dma_wait3A_394 : memref<1x1x128xi32, #tpu.memory_space<hbm>> -> memref<128xi32, #tpu.memory_space<hbm>>
      %dma_wait3A_396 = arith.constant 0 : i32
      %dma_wait3A_397 = tpu.memref_slice %arg2[%add3A, %dma_wait3A_392, %dma_wait3A_396] : memref<32x82x128xi32, #tpu.memory_space<hbm>> -> memref<1x1x128xi32, #tpu.memory_space<hbm>>
      %dma_wait3A_398 = tpu.memref_squeeze %dma_wait3A_397 : memref<1x1x128xi32, #tpu.memory_space<hbm>> -> memref<128xi32, #tpu.memory_space<hbm>>
      tpu.wait_dma2 semaphore(%arg20 : memref<!tpu.dma_semaphore, #tpu.memory_space<semaphore_mem>>) src(%dma_wait3A_398 : memref<128xi32, #tpu.memory_space<hbm>>) dst(%arg11 : memref<128xi32, #tpu.memory_space<vmem>>)
      %dma_wait3A_399 = arith.constant 0 : i32
      %dma_wait3A_400 = arith.constant 0 : i32
      %dma_wait3A_401 = tpu.memref_slice %arg3[%add3A, %dma_wait3A_399, %dma_wait3A_400] : memref<32x82x128xi32, #tpu.memory_space<hbm>> -> memref<1x1x128xi32, #tpu.memory_space<hbm>>
      %dma_wait3A_402 = tpu.memref_squeeze %dma_wait3A_401 : memref<1x1x128xi32, #tpu.memory_space<hbm>> -> memref<128xi32, #tpu.memory_space<hbm>>
      %dma_wait3A_403 = arith.constant 0 : i32
      %dma_wait3A_404 = tpu.memref_slice %arg3[%add3A, %dma_wait3A_399, %dma_wait3A_403] : memref<32x82x128xi32, #tpu.memory_space<hbm>> -> memref<1x1x128xi32, #tpu.memory_space<hbm>>
      %dma_wait3A_405 = tpu.memref_squeeze %dma_wait3A_404 : memref<1x1x128xi32, #tpu.memory_space<hbm>> -> memref<128xi32, #tpu.memory_space<hbm>>
      tpu.wait_dma2 semaphore(%arg20 : memref<!tpu.dma_semaphore, #tpu.memory_space<semaphore_mem>>) src(%dma_wait3A_405 : memref<128xi32, #tpu.memory_space<hbm>>) dst(%arg12 : memref<128xi32, #tpu.memory_space<vmem>>)
      %dma_wait3A_406 = arith.constant 0 : i32
      %dma_wait3A_407 = arith.constant 0 : i32
      %dma_wait3A_408 = tpu.memref_slice %arg17[%dma_wait3A_406, %dma_wait3A_407] : memref<10240x128xf32, #tpu.memory_space<vmem_shared>> -> memref<10240x128xf32, #tpu.memory_space<vmem_shared>>
      tpu.wait_indirect_dma semaphore(%arg24 : memref<!tpu.dma_semaphore, #tpu.memory_space<semaphore_mem>>) src(%arg15 : memref<128x128xf32, #tpu.memory_space<vmem>>) dst(%dma_wait3A_408 : memref<10240x128xf32, #tpu.memory_space<vmem_shared>>)
      %dma_start3A_409 = arith.constant 0 : i32
      %dma_start3A_410 = arith.constant 0 : i32
      %dma_start3A_411 = tpu.memref_slice %arg4[%dma_start3A_409, %dma_start3A_410] : memref<10000x128xf32, #tpu.memory_space<hbm>> -> memref<10000x128xf32, #tpu.memory_space<hbm>>
      tpu.enqueue_indirect_dma source(%dma_start3A_411 : memref<10000x128xf32, #tpu.memory_space<hbm>>) target(%arg15 : memref<128x128xf32, #tpu.memory_space<vmem>>) offsets(%arg11 : memref<128xi32, #tpu.memory_space<vmem>>) semaphore(%arg22 : memref<!tpu.dma_semaphore, #tpu.memory_space<semaphore_mem>>)
      %dma_wait3A_412 = arith.constant 0 : i32
      %dma_wait3A_413 = arith.constant 0 : i32
      %dma_wait3A_414 = tpu.memref_slice %arg4[%dma_wait3A_412, %dma_wait3A_413] : memref<10000x128xf32, #tpu.memory_space<hbm>> -> memref<10000x128xf32, #tpu.memory_space<hbm>>
      tpu.wait_indirect_dma semaphore(%arg23 : memref<!tpu.dma_semaphore, #tpu.memory_space<semaphore_mem>>) src(%dma_wait3A_414 : memref<10000x128xf32, #tpu.memory_space<hbm>>) dst(%arg16 : memref<128x128xf32, #tpu.memory_space<vmem>>)
      %dma_start3A_415 = arith.constant 0 : i32
      %dma_start3A_416 = arith.constant 0 : i32
      %dma_start3A_417 = tpu.memref_slice %arg17[%dma_start3A_415, %dma_start3A_416] : memref<10240x128xf32, #tpu.memory_space<vmem_shared>> -> memref<10240x128xf32, #tpu.memory_space<vmem_shared>>
      tpu.enqueue_indirect_dma source(%arg16 : memref<128x128xf32, #tpu.memory_space<vmem>>) target(%dma_start3A_417 : memref<10240x128xf32, #tpu.memory_space<vmem_shared>>) offsets(%arg10 : memref<128xi32, #tpu.memory_space<vmem>>) semaphore(%arg24 : memref<!tpu.dma_semaphore, #tpu.memory_space<semaphore_mem>>) {add = true}
      %add3A_418 = arith.constant 2 : i32
      %add3A_419 = arith.addi %add3A_391, %add3A_418 : i32
      %dma_start3A_420 = arith.constant 0 : i32
      %dma_start3A_421 = tpu.memref_slice %arg2[%add3A, %add3A_419, %dma_start3A_420] : memref<32x82x128xi32, #tpu.memory_space<hbm>> -> memref<1x1x128xi32, #tpu.memory_space<hbm>>
      %dma_start3A_422 = tpu.memref_squeeze %dma_start3A_421 : memref<1x1x128xi32, #tpu.memory_space<hbm>> -> memref<128xi32, #tpu.memory_space<hbm>>
      %dma_start3A_423 = arith.constant 0 : i32
      %dma_start3A_424 = tpu.memref_slice %arg2[%add3A, %add3A_419, %dma_start3A_423] : memref<32x82x128xi32, #tpu.memory_space<hbm>> -> memref<1x1x128xi32, #tpu.memory_space<hbm>>
      %dma_start3A_425 = tpu.memref_squeeze %dma_start3A_424 : memref<1x1x128xi32, #tpu.memory_space<hbm>> -> memref<128xi32, #tpu.memory_space<hbm>>
      tpu.enqueue_dma source(%dma_start3A_425 : memref<128xi32, #tpu.memory_space<hbm>>) target(%arg13 : memref<128xi32, #tpu.memory_space<vmem>>) target_semaphore(%arg21 : memref<!tpu.dma_semaphore, #tpu.memory_space<semaphore_mem>>)
      %dma_start3A_426 = arith.constant 0 : i32
      %dma_start3A_427 = tpu.memref_slice %arg3[%add3A, %add3A_419, %dma_start3A_426] : memref<32x82x128xi32, #tpu.memory_space<hbm>> -> memref<1x1x128xi32, #tpu.memory_space<hbm>>
      %dma_start3A_428 = tpu.memref_squeeze %dma_start3A_427 : memref<1x1x128xi32, #tpu.memory_space<hbm>> -> memref<128xi32, #tpu.memory_space<hbm>>
      %dma_start3A_429 = arith.constant 0 : i32
      %dma_start3A_430 = tpu.memref_slice %arg3[%add3A, %add3A_419, %dma_start3A_429] : memref<32x82x128xi32, #tpu.memory_space<hbm>> -> memref<1x1x128xi32, #tpu.memory_space<hbm>>
      %dma_start3A_431 = tpu.memref_squeeze %dma_start3A_430 : memref<1x1x128xi32, #tpu.memory_space<hbm>> -> memref<128xi32, #tpu.memory_space<hbm>>
      tpu.enqueue_dma source(%dma_start3A_431 : memref<128xi32, #tpu.memory_space<hbm>>) target(%arg14 : memref<128xi32, #tpu.memory_space<vmem>>) target_semaphore(%arg21 : memref<!tpu.dma_semaphore, #tpu.memory_space<semaphore_mem>>)
      %add3A_432 = arith.constant 3 : i32
      %add3A_433 = arith.addi %add3A_307, %add3A_432 : i32
      %dma_wait3A_434 = arith.constant 0 : i32
      %dma_wait3A_435 = arith.constant 0 : i32
      %dma_wait3A_436 = tpu.memref_slice %arg2[%add3A, %dma_wait3A_434, %dma_wait3A_435] : memref<32x82x128xi32, #tpu.memory_space<hbm>> -> memref<1x1x128xi32, #tpu.memory_space<hbm>>
      %dma_wait3A_437 = tpu.memref_squeeze %dma_wait3A_436 : memref<1x1x128xi32, #tpu.memory_space<hbm>> -> memref<128xi32, #tpu.memory_space<hbm>>
      %dma_wait3A_438 = arith.constant 0 : i32
      %dma_wait3A_439 = tpu.memref_slice %arg2[%add3A, %dma_wait3A_434, %dma_wait3A_438] : memref<32x82x128xi32, #tpu.memory_space<hbm>> -> memref<1x1x128xi32, #tpu.memory_space<hbm>>
      %dma_wait3A_440 = tpu.memref_squeeze %dma_wait3A_439 : memref<1x1x128xi32, #tpu.memory_space<hbm>> -> memref<128xi32, #tpu.memory_space<hbm>>
      tpu.wait_dma2 semaphore(%arg21 : memref<!tpu.dma_semaphore, #tpu.memory_space<semaphore_mem>>) src(%dma_wait3A_440 : memref<128xi32, #tpu.memory_space<hbm>>) dst(%arg13 : memref<128xi32, #tpu.memory_space<vmem>>)
      %dma_wait3A_441 = arith.constant 0 : i32
      %dma_wait3A_442 = arith.constant 0 : i32
      %dma_wait3A_443 = tpu.memref_slice %arg3[%add3A, %dma_wait3A_441, %dma_wait3A_442] : memref<32x82x128xi32, #tpu.memory_space<hbm>> -> memref<1x1x128xi32, #tpu.memory_space<hbm>>
      %dma_wait3A_444 = tpu.memref_squeeze %dma_wait3A_443 : memref<1x1x128xi32, #tpu.memory_space<hbm>> -> memref<128xi32, #tpu.memory_space<hbm>>
      %dma_wait3A_445 = arith.constant 0 : i32
      %dma_wait3A_446 = tpu.memref_slice %arg3[%add3A, %dma_wait3A_441, %dma_wait3A_445] : memref<32x82x128xi32, #tpu.memory_space<hbm>> -> memref<1x1x128xi32, #tpu.memory_space<hbm>>
      %dma_wait3A_447 = tpu.memref_squeeze %dma_wait3A_446 : memref<1x1x128xi32, #tpu.memory_space<hbm>> -> memref<128xi32, #tpu.memory_space<hbm>>
      tpu.wait_dma2 semaphore(%arg21 : memref<!tpu.dma_semaphore, #tpu.memory_space<semaphore_mem>>) src(%dma_wait3A_447 : memref<128xi32, #tpu.memory_space<hbm>>) dst(%arg14 : memref<128xi32, #tpu.memory_space<vmem>>)
      %dma_wait3A_448 = arith.constant 0 : i32
      %dma_wait3A_449 = arith.constant 0 : i32
      %dma_wait3A_450 = tpu.memref_slice %arg17[%dma_wait3A_448, %dma_wait3A_449] : memref<10240x128xf32, #tpu.memory_space<vmem_shared>> -> memref<10240x128xf32, #tpu.memory_space<vmem_shared>>
      tpu.wait_indirect_dma semaphore(%arg24 : memref<!tpu.dma_semaphore, #tpu.memory_space<semaphore_mem>>) src(%arg16 : memref<128x128xf32, #tpu.memory_space<vmem>>) dst(%dma_wait3A_450 : memref<10240x128xf32, #tpu.memory_space<vmem_shared>>)
      %dma_start3A_451 = arith.constant 0 : i32
      %dma_start3A_452 = arith.constant 0 : i32
      %dma_start3A_453 = tpu.memref_slice %arg4[%dma_start3A_451, %dma_start3A_452] : memref<10000x128xf32, #tpu.memory_space<hbm>> -> memref<10000x128xf32, #tpu.memory_space<hbm>>
      tpu.enqueue_indirect_dma source(%dma_start3A_453 : memref<10000x128xf32, #tpu.memory_space<hbm>>) target(%arg16 : memref<128x128xf32, #tpu.memory_space<vmem>>) offsets(%arg13 : memref<128xi32, #tpu.memory_space<vmem>>) semaphore(%arg23 : memref<!tpu.dma_semaphore, #tpu.memory_space<semaphore_mem>>)
      %dma_wait3A_454 = arith.constant 0 : i32
      %dma_wait3A_455 = arith.constant 0 : i32
      %dma_wait3A_456 = tpu.memref_slice %arg4[%dma_wait3A_454, %dma_wait3A_455] : memref<10000x128xf32, #tpu.memory_space<hbm>> -> memref<10000x128xf32, #tpu.memory_space<hbm>>
      tpu.wait_indirect_dma semaphore(%arg22 : memref<!tpu.dma_semaphore, #tpu.memory_space<semaphore_mem>>) src(%dma_wait3A_456 : memref<10000x128xf32, #tpu.memory_space<hbm>>) dst(%arg15 : memref<128x128xf32, #tpu.memory_space<vmem>>)
      %dma_start3A_457 = arith.constant 0 : i32
      %dma_start3A_458 = arith.constant 0 : i32
      %dma_start3A_459 = tpu.memref_slice %arg17[%dma_start3A_457, %dma_start3A_458] : memref<10240x128xf32, #tpu.memory_space<vmem_shared>> -> memref<10240x128xf32, #tpu.memory_space<vmem_shared>>
      tpu.enqueue_indirect_dma source(%arg15 : memref<128x128xf32, #tpu.memory_space<vmem>>) target(%dma_start3A_459 : memref<10240x128xf32, #tpu.memory_space<vmem_shared>>) offsets(%arg12 : memref<128xi32, #tpu.memory_space<vmem>>) semaphore(%arg24 : memref<!tpu.dma_semaphore, #tpu.memory_space<semaphore_mem>>) {add = true}
      %add3A_460 = arith.constant 2 : i32
      %add3A_461 = arith.addi %add3A_433, %add3A_460 : i32
      %dma_start3A_462 = arith.constant 0 : i32
      %dma_start3A_463 = tpu.memref_slice %arg2[%add3A, %add3A_461, %dma_start3A_462] : memref<32x82x128xi32, #tpu.memory_space<hbm>> -> memref<1x1x128xi32, #tpu.memory_space<hbm>>
      %dma_start3A_464 = tpu.memref_squeeze %dma_start3A_463 : memref<1x1x128xi32, #tpu.memory_space<hbm>> -> memref<128xi32, #tpu.memory_space<hbm>>
      %dma_start3A_465 = arith.constant 0 : i32
      %dma_start3A_466 = tpu.memref_slice %arg2[%add3A, %add3A_461, %dma_start3A_465] : memref<32x82x128xi32, #tpu.memory_space<hbm>> -> memref<1x1x128xi32, #tpu.memory_space<hbm>>
      %dma_start3A_467 = tpu.memref_squeeze %dma_start3A_466 : memref<1x1x128xi32, #tpu.memory_space<hbm>> -> memref<128xi32, #tpu.memory_space<hbm>>
      tpu.enqueue_dma source(%dma_start3A_467 : memref<128xi32, #tpu.memory_space<hbm>>) target(%arg7 : memref<128xi32, #tpu.memory_space<vmem>>) target_semaphore(%arg18 : memref<!tpu.dma_semaphore, #tpu.memory_space<semaphore_mem>>)
      %dma_start3A_468 = arith.constant 0 : i32
      %dma_start3A_469 = tpu.memref_slice %arg3[%add3A, %add3A_461, %dma_start3A_468] : memref<32x82x128xi32, #tpu.memory_space<hbm>> -> memref<1x1x128xi32, #tpu.memory_space<hbm>>
      %dma_start3A_470 = tpu.memref_squeeze %dma_start3A_469 : memref<1x1x128xi32, #tpu.memory_space<hbm>> -> memref<128xi32, #tpu.memory_space<hbm>>
      %dma_start3A_471 = arith.constant 0 : i32
      %dma_start3A_472 = tpu.memref_slice %arg3[%add3A, %add3A_461, %dma_start3A_471] : memref<32x82x128xi32, #tpu.memory_space<hbm>> -> memref<1x1x128xi32, #tpu.memory_space<hbm>>
      %dma_start3A_473 = tpu.memref_squeeze %dma_start3A_472 : memref<1x1x128xi32, #tpu.memory_space<hbm>> -> memref<128xi32, #tpu.memory_space<hbm>>
      tpu.enqueue_dma source(%dma_start3A_473 : memref<128xi32, #tpu.memory_space<hbm>>) target(%arg8 : memref<128xi32, #tpu.memory_space<vmem>>) target_semaphore(%arg18 : memref<!tpu.dma_semaphore, #tpu.memory_space<semaphore_mem>>)
    }
    %scan3A_255 = arith.constant 19 : i32
    %dma_wait3A_256 = arith.constant 0 : i32
    %dma_wait3A_257 = arith.constant 0 : i32
    %dma_wait3A_258 = tpu.memref_slice %arg2[%add3A, %dma_wait3A_256, %dma_wait3A_257] : memref<32x82x128xi32, #tpu.memory_space<hbm>> -> memref<1x1x128xi32, #tpu.memory_space<hbm>>
    %dma_wait3A_259 = tpu.memref_squeeze %dma_wait3A_258 : memref<1x1x128xi32, #tpu.memory_space<hbm>> -> memref<128xi32, #tpu.memory_space<hbm>>
    %dma_wait3A_260 = arith.constant 0 : i32
    %dma_wait3A_261 = tpu.memref_slice %arg2[%add3A, %dma_wait3A_256, %dma_wait3A_260] : memref<32x82x128xi32, #tpu.memory_space<hbm>> -> memref<1x1x128xi32, #tpu.memory_space<hbm>>
    %dma_wait3A_262 = tpu.memref_squeeze %dma_wait3A_261 : memref<1x1x128xi32, #tpu.memory_space<hbm>> -> memref<128xi32, #tpu.memory_space<hbm>>
    tpu.wait_dma2 semaphore(%arg18 : memref<!tpu.dma_semaphore, #tpu.memory_space<semaphore_mem>>) src(%dma_wait3A_262 : memref<128xi32, #tpu.memory_space<hbm>>) dst(%arg7 : memref<128xi32, #tpu.memory_space<vmem>>)
    %dma_wait3A_263 = arith.constant 0 : i32
    %dma_wait3A_264 = arith.constant 0 : i32
    %dma_wait3A_265 = tpu.memref_slice %arg3[%add3A, %dma_wait3A_263, %dma_wait3A_264] : memref<32x82x128xi32, #tpu.memory_space<hbm>> -> memref<1x1x128xi32, #tpu.memory_space<hbm>>
    %dma_wait3A_266 = tpu.memref_squeeze %dma_wait3A_265 : memref<1x1x128xi32, #tpu.memory_space<hbm>> -> memref<128xi32, #tpu.memory_space<hbm>>
    %dma_wait3A_267 = arith.constant 0 : i32
    %dma_wait3A_268 = tpu.memref_slice %arg3[%add3A, %dma_wait3A_263, %dma_wait3A_267] : memref<32x82x128xi32, #tpu.memory_space<hbm>> -> memref<1x1x128xi32, #tpu.memory_space<hbm>>
    %dma_wait3A_269 = tpu.memref_squeeze %dma_wait3A_268 : memref<1x1x128xi32, #tpu.memory_space<hbm>> -> memref<128xi32, #tpu.memory_space<hbm>>
    tpu.wait_dma2 semaphore(%arg18 : memref<!tpu.dma_semaphore, #tpu.memory_space<semaphore_mem>>) src(%dma_wait3A_269 : memref<128xi32, #tpu.memory_space<hbm>>) dst(%arg8 : memref<128xi32, #tpu.memory_space<vmem>>)
    %dma_wait3A_270 = arith.constant 0 : i32
    %dma_wait3A_271 = arith.constant 0 : i32
    %dma_wait3A_272 = tpu.memref_slice %arg17[%dma_wait3A_270, %dma_wait3A_271] : memref<10240x128xf32, #tpu.memory_space<vmem_shared>> -> memref<10240x128xf32, #tpu.memory_space<vmem_shared>>
    tpu.wait_indirect_dma semaphore(%arg24 : memref<!tpu.dma_semaphore, #tpu.memory_space<semaphore_mem>>) src(%arg15 : memref<128x128xf32, #tpu.memory_space<vmem>>) dst(%dma_wait3A_272 : memref<10240x128xf32, #tpu.memory_space<vmem_shared>>)
    %dma_wait3A_273 = arith.constant 0 : i32
    %dma_wait3A_274 = arith.constant 0 : i32
    %dma_wait3A_275 = tpu.memref_slice %arg4[%dma_wait3A_273, %dma_wait3A_274] : memref<10000x128xf32, #tpu.memory_space<hbm>> -> memref<10000x128xf32, #tpu.memory_space<hbm>>
    tpu.wait_indirect_dma semaphore(%arg23 : memref<!tpu.dma_semaphore, #tpu.memory_space<semaphore_mem>>) src(%dma_wait3A_275 : memref<10000x128xf32, #tpu.memory_space<hbm>>) dst(%arg16 : memref<128x128xf32, #tpu.memory_space<vmem>>)
    %dma_start3A_276 = arith.constant 0 : i32
    %dma_start3A_277 = arith.constant 0 : i32
    %dma_start3A_278 = tpu.memref_slice %arg17[%dma_start3A_276, %dma_start3A_277] : memref<10240x128xf32, #tpu.memory_space<vmem_shared>> -> memref<10240x128xf32, #tpu.memory_space<vmem_shared>>
    tpu.enqueue_indirect_dma source(%arg16 : memref<128x128xf32, #tpu.memory_space<vmem>>) target(%dma_start3A_278 : memref<10240x128xf32, #tpu.memory_space<vmem_shared>>) offsets(%arg14 : memref<128xi32, #tpu.memory_space<vmem>>) semaphore(%arg24 : memref<!tpu.dma_semaphore, #tpu.memory_space<semaphore_mem>>) {add = true}
    %dma_wait3A_279 = arith.constant 0 : i32
    %dma_wait3A_280 = arith.constant 0 : i32
    %dma_wait3A_281 = tpu.memref_slice %arg17[%dma_wait3A_279, %dma_wait3A_280] : memref<10240x128xf32, #tpu.memory_space<vmem_shared>> -> memref<10240x128xf32, #tpu.memory_space<vmem_shared>>
    tpu.wait_indirect_dma semaphore(%arg24 : memref<!tpu.dma_semaphore, #tpu.memory_space<semaphore_mem>>) src(%arg16 : memref<128x128xf32, #tpu.memory_space<vmem>>) dst(%dma_wait3A_281 : memref<10240x128xf32, #tpu.memory_space<vmem_shared>>)
    %barrier3A_282 = arith.constant 0 : index
    tpu.barrier barrier_id(%barrier3A_282)
    %mul3A_283 = arith.constant 640 : i32
    %mul3A_284 = arith.muli %arg1, %mul3A_283 : i32
    %add3A_285 = arith.constant 0 : i32
    %add3A_286 = arith.addi %mul3A_284, %add3A_285 : i32
    "tpu.region"() ({
      %run_scoped3A = tpu.sem_alloc : memref<!tpu.dma_semaphore, #tpu.memory_space<semaphore_mem>>
      %dma_start3A_303 = arith.constant 0 : i32
      %dma_start3A_304 = tpu.memref_slice %arg6[%arg0, %add3A_286, %dma_start3A_303] : memref<2x10240x128xf32, #tpu.memory_space<hbm>> -> memref<1x128x128xf32, #tpu.memory_space<hbm>>
      %dma_start3A_305 = tpu.memref_squeeze %dma_start3A_304 : memref<1x128x128xf32, #tpu.memory_space<hbm>> -> memref<128x128xf32, #tpu.memory_space<hbm>>
      %dma_start3A_306 = arith.constant 0 : i32
      %dma_start3A_307 = tpu.memref_slice %arg17[%add3A_286, %dma_start3A_306] : memref<10240x128xf32, #tpu.memory_space<vmem_shared>> -> memref<128x128xf32, #tpu.memory_space<vmem_shared>>
      tpu.enqueue_dma source(%dma_start3A_307 : memref<128x128xf32, #tpu.memory_space<vmem_shared>>) target(%dma_start3A_305 : memref<128x128xf32, #tpu.memory_space<hbm>>) target_semaphore(%run_scoped3A : memref<!tpu.dma_semaphore, #tpu.memory_space<semaphore_mem>>)
      %dma_wait3A_308 = arith.constant 0 : i32
      %dma_wait3A_309 = tpu.memref_slice %arg6[%arg0, %add3A_286, %dma_wait3A_308] : memref<2x10240x128xf32, #tpu.memory_space<hbm>> -> memref<1x128x128xf32, #tpu.memory_space<hbm>>
      %dma_wait3A_310 = tpu.memref_squeeze %dma_wait3A_309 : memref<1x128x128xf32, #tpu.memory_space<hbm>> -> memref<128x128xf32, #tpu.memory_space<hbm>>
      %dma_wait3A_311 = arith.constant 0 : i32
      %dma_wait3A_312 = tpu.memref_slice %arg17[%add3A_286, %dma_wait3A_311] : memref<10240x128xf32, #tpu.memory_space<vmem_shared>> -> memref<128x128xf32, #tpu.memory_space<vmem_shared>>
      tpu.wait_dma2 semaphore(%run_scoped3A : memref<!tpu.dma_semaphore, #tpu.memory_space<semaphore_mem>>) src(%dma_wait3A_312 : memref<128x128xf32, #tpu.memory_space<vmem_shared>>) dst(%dma_wait3A_310 : memref<128x128xf32, #tpu.memory_space<hbm>>)
      tpu.yield
    }) : () -> ()
    %mul3A_287 = arith.constant 640 : i32
    %mul3A_288 = arith.muli %arg1, %mul3A_287 : i32
    %add3A_289 = arith.constant 128 : i32
    %add3A_290 = arith.addi %mul3A_288, %add3A_289 : i32
    "tpu.region"() ({
      %run_scoped3A = tpu.sem_alloc : memref<!tpu.dma_semaphore, #tpu.memory_space<semaphore_mem>>
      %dma_start3A_303 = arith.constant 0 : i32
      %dma_start3A_304 = tpu.memref_slice %arg6[%arg0, %add3A_290, %dma_start3A_303] : memref<2x10240x128xf32, #tpu.memory_space<hbm>> -> memref<1x128x128xf32, #tpu.memory_space<hbm>>
      %dma_start3A_305 = tpu.memref_squeeze %dma_start3A_304 : memref<1x128x128xf32, #tpu.memory_space<hbm>> -> memref<128x128xf32, #tpu.memory_space<hbm>>
      %dma_start3A_306 = arith.constant 0 : i32
      %dma_start3A_307 = tpu.memref_slice %arg17[%add3A_290, %dma_start3A_306] : memref<10240x128xf32, #tpu.memory_space<vmem_shared>> -> memref<128x128xf32, #tpu.memory_space<vmem_shared>>
      tpu.enqueue_dma source(%dma_start3A_307 : memref<128x128xf32, #tpu.memory_space<vmem_shared>>) target(%dma_start3A_305 : memref<128x128xf32, #tpu.memory_space<hbm>>) target_semaphore(%run_scoped3A : memref<!tpu.dma_semaphore, #tpu.memory_space<semaphore_mem>>)
      %dma_wait3A_308 = arith.constant 0 : i32
      %dma_wait3A_309 = tpu.memref_slice %arg6[%arg0, %add3A_290, %dma_wait3A_308] : memref<2x10240x128xf32, #tpu.memory_space<hbm>> -> memref<1x128x128xf32, #tpu.memory_space<hbm>>
      %dma_wait3A_310 = tpu.memref_squeeze %dma_wait3A_309 : memref<1x128x128xf32, #tpu.memory_space<hbm>> -> memref<128x128xf32, #tpu.memory_space<hbm>>
      %dma_wait3A_311 = arith.constant 0 : i32
      %dma_wait3A_312 = tpu.memref_slice %arg17[%add3A_290, %dma_wait3A_311] : memref<10240x128xf32, #tpu.memory_space<vmem_shared>> -> memref<128x128xf32, #tpu.memory_space<vmem_shared>>
      tpu.wait_dma2 semaphore(%run_scoped3A : memref<!tpu.dma_semaphore, #tpu.memory_space<semaphore_mem>>) src(%dma_wait3A_312 : memref<128x128xf32, #tpu.memory_space<vmem_shared>>) dst(%dma_wait3A_310 : memref<128x128xf32, #tpu.memory_space<hbm>>)
      tpu.yield
    }) : () -> ()
    %mul3A_291 = arith.constant 640 : i32
    %mul3A_292 = arith.muli %arg1, %mul3A_291 : i32
    %add3A_293 = arith.constant 256 : i32
    %add3A_294 = arith.addi %mul3A_292, %add3A_293 : i32
    "tpu.region"() ({
      %run_scoped3A = tpu.sem_alloc : memref<!tpu.dma_semaphore, #tpu.memory_space<semaphore_mem>>
      %dma_start3A_303 = arith.constant 0 : i32
      %dma_start3A_304 = tpu.memref_slice %arg6[%arg0, %add3A_294, %dma_start3A_303] : memref<2x10240x128xf32, #tpu.memory_space<hbm>> -> memref<1x128x128xf32, #tpu.memory_space<hbm>>
      %dma_start3A_305 = tpu.memref_squeeze %dma_start3A_304 : memref<1x128x128xf32, #tpu.memory_space<hbm>> -> memref<128x128xf32, #tpu.memory_space<hbm>>
      %dma_start3A_306 = arith.constant 0 : i32
      %dma_start3A_307 = tpu.memref_slice %arg17[%add3A_294, %dma_start3A_306] : memref<10240x128xf32, #tpu.memory_space<vmem_shared>> -> memref<128x128xf32, #tpu.memory_space<vmem_shared>>
      tpu.enqueue_dma source(%dma_start3A_307 : memref<128x128xf32, #tpu.memory_space<vmem_shared>>) target(%dma_start3A_305 : memref<128x128xf32, #tpu.memory_space<hbm>>) target_semaphore(%run_scoped3A : memref<!tpu.dma_semaphore, #tpu.memory_space<semaphore_mem>>)
      %dma_wait3A_308 = arith.constant 0 : i32
      %dma_wait3A_309 = tpu.memref_slice %arg6[%arg0, %add3A_294, %dma_wait3A_308] : memref<2x10240x128xf32, #tpu.memory_space<hbm>> -> memref<1x128x128xf32, #tpu.memory_space<hbm>>
      %dma_wait3A_310 = tpu.memref_squeeze %dma_wait3A_309 : memref<1x128x128xf32, #tpu.memory_space<hbm>> -> memref<128x128xf32, #tpu.memory_space<hbm>>
      %dma_wait3A_311 = arith.constant 0 : i32
      %dma_wait3A_312 = tpu.memref_slice %arg17[%add3A_294, %dma_wait3A_311] : memref<10240x128xf32, #tpu.memory_space<vmem_shared>> -> memref<128x128xf32, #tpu.memory_space<vmem_shared>>
      tpu.wait_dma2 semaphore(%run_scoped3A : memref<!tpu.dma_semaphore, #tpu.memory_space<semaphore_mem>>) src(%dma_wait3A_312 : memref<128x128xf32, #tpu.memory_space<vmem_shared>>) dst(%dma_wait3A_310 : memref<128x128xf32, #tpu.memory_space<hbm>>)
      tpu.yield
    }) : () -> ()
    %mul3A_295 = arith.constant 640 : i32
    %mul3A_296 = arith.muli %arg1, %mul3A_295 : i32
    %add3A_297 = arith.constant 384 : i32
    %add3A_298 = arith.addi %mul3A_296, %add3A_297 : i32
    "tpu.region"() ({
      %run_scoped3A = tpu.sem_alloc : memref<!tpu.dma_semaphore, #tpu.memory_space<semaphore_mem>>
      %dma_start3A_303 = arith.constant 0 : i32
      %dma_start3A_304 = tpu.memref_slice %arg6[%arg0, %add3A_298, %dma_start3A_303] : memref<2x10240x128xf32, #tpu.memory_space<hbm>> -> memref<1x128x128xf32, #tpu.memory_space<hbm>>
      %dma_start3A_305 = tpu.memref_squeeze %dma_start3A_304 : memref<1x128x128xf32, #tpu.memory_space<hbm>> -> memref<128x128xf32, #tpu.memory_space<hbm>>
      %dma_start3A_306 = arith.constant 0 : i32
      %dma_start3A_307 = tpu.memref_slice %arg17[%add3A_298, %dma_start3A_306] : memref<10240x128xf32, #tpu.memory_space<vmem_shared>> -> memref<128x128xf32, #tpu.memory_space<vmem_shared>>
      tpu.enqueue_dma source(%dma_start3A_307 : memref<128x128xf32, #tpu.memory_space<vmem_shared>>) target(%dma_start3A_305 : memref<128x128xf32, #tpu.memory_space<hbm>>) target_semaphore(%run_scoped3A : memref<!tpu.dma_semaphore, #tpu.memory_space<semaphore_mem>>)
      %dma_wait3A_308 = arith.constant 0 : i32
      %dma_wait3A_309 = tpu.memref_slice %arg6[%arg0, %add3A_298, %dma_wait3A_308] : memref<2x10240x128xf32, #tpu.memory_space<hbm>> -> memref<1x128x128xf32, #tpu.memory_space<hbm>>
      %dma_wait3A_310 = tpu.memref_squeeze %dma_wait3A_309 : memref<1x128x128xf32, #tpu.memory_space<hbm>> -> memref<128x128xf32, #tpu.memory_space<hbm>>
      %dma_wait3A_311 = arith.constant 0 : i32
      %dma_wait3A_312 = tpu.memref_slice %arg17[%add3A_298, %dma_wait3A_311] : memref<10240x128xf32, #tpu.memory_space<vmem_shared>> -> memref<128x128xf32, #tpu.memory_space<vmem_shared>>
      tpu.wait_dma2 semaphore(%run_scoped3A : memref<!tpu.dma_semaphore, #tpu.memory_space<semaphore_mem>>) src(%dma_wait3A_312 : memref<128x128xf32, #tpu.memory_space<vmem_shared>>) dst(%dma_wait3A_310 : memref<128x128xf32, #tpu.memory_space<hbm>>)
      tpu.yield
    }) : () -> ()
    %mul3A_299 = arith.constant 640 : i32
    %mul3A_300 = arith.muli %arg1, %mul3A_299 : i32
    %add3A_301 = arith.constant 512 : i32
    %add3A_302 = arith.addi %mul3A_300, %add3A_301 : i32
    "tpu.region"() ({
      %run_scoped3A = tpu.sem_alloc : memref<!tpu.dma_semaphore, #tpu.memory_space<semaphore_mem>>
      %dma_start3A_303 = arith.constant 0 : i32
      %dma_start3A_304 = tpu.memref_slice %arg6[%arg0, %add3A_302, %dma_start3A_303] : memref<2x10240x128xf32, #tpu.memory_space<hbm>> -> memref<1x128x128xf32, #tpu.memory_space<hbm>>
      %dma_start3A_305 = tpu.memref_squeeze %dma_start3A_304 : memref<1x128x128xf32, #tpu.memory_space<hbm>> -> memref<128x128xf32, #tpu.memory_space<hbm>>
      %dma_start3A_306 = arith.constant 0 : i32
      %dma_start3A_307 = tpu.memref_slice %arg17[%add3A_302, %dma_start3A_306] : memref<10240x128xf32, #tpu.memory_space<vmem_shared>> -> memref<128x128xf32, #tpu.memory_space<vmem_shared>>
      tpu.enqueue_dma source(%dma_start3A_307 : memref<128x128xf32, #tpu.memory_space<vmem_shared>>) target(%dma_start3A_305 : memref<128x128xf32, #tpu.memory_space<hbm>>) target_semaphore(%run_scoped3A : memref<!tpu.dma_semaphore, #tpu.memory_space<semaphore_mem>>)
      %dma_wait3A_308 = arith.constant 0 : i32
      %dma_wait3A_309 = tpu.memref_slice %arg6[%arg0, %add3A_302, %dma_wait3A_308] : memref<2x10240x128xf32, #tpu.memory_space<hbm>> -> memref<1x128x128xf32, #tpu.memory_space<hbm>>
      %dma_wait3A_310 = tpu.memref_squeeze %dma_wait3A_309 : memref<1x128x128xf32, #tpu.memory_space<hbm>> -> memref<128x128xf32, #tpu.memory_space<hbm>>
      %dma_wait3A_311 = arith.constant 0 : i32
      %dma_wait3A_312 = tpu.memref_slice %arg17[%add3A_302, %dma_wait3A_311] : memref<10240x128xf32, #tpu.memory_space<vmem_shared>> -> memref<128x128xf32, #tpu.memory_space<vmem_shared>>
      tpu.wait_dma2 semaphore(%run_scoped3A : memref<!tpu.dma_semaphore, #tpu.memory_space<semaphore_mem>>) src(%dma_wait3A_312 : memref<128x128xf32, #tpu.memory_space<vmem_shared>>) dst(%dma_wait3A_310 : memref<128x128xf32, #tpu.memory_space<hbm>>)
      tpu.yield
    }) : () -> ()
    return
  }
}

module attributes {stable_mosaic.version = 14 : i64} {
  func.func @_mm_scale_body(%arg0: memref<2x10240x128xf32, #tpu.memory_space<vmem>>, %arg1: memref<10000x128xf32, #tpu.memory_space<vmem>>, %arg2: memref<128x128xf32, #tpu.memory_space<vmem>>, %arg3: memref<10000x128xf32, #tpu.memory_space<vmem>>, %arg4: memref<10000x1xf32, #tpu.memory_space<vmem>>) attributes {dimension_semantics = [], scalar_prefetch = 0 : i64, scratch_operands = 0 : i64, tpu.core_type = #tpu.core_type<tc>} {
    %get3A = arith.constant 0 : index
    %get3A_0 = arith.constant 0 : index
    %get3A_1 = arith.constant 0 : index
    %get3A_2 = vector.load %arg0[%get3A, %get3A_0, %get3A_1] : memref<2x10240x128xf32, #tpu.memory_space<vmem>>, vector<2x10240x128xf32>
    %slice3A = vector.extract_strided_slice %get3A_2 {offsets = [0, 0, 0], sizes = [1, 10000, 1], strides = [1, 1, 1]} : vector<2x10240x128xf32> to vector<1x10000x1xf32>
    %squeeze3A = vector.shape_cast %slice3A : vector<1x10000x1xf32> to vector<10000xf32>
    %slice3A_3 = vector.extract_strided_slice %get3A_2 {offsets = [1, 0, 0], sizes = [1, 10000, 1], strides = [1, 1, 1]} : vector<2x10240x128xf32> to vector<1x10000x1xf32>
    %squeeze3A_4 = vector.shape_cast %slice3A_3 : vector<1x10000x1xf32> to vector<10000xf32>
    %add3A = arith.addf %squeeze3A, %squeeze3A_4 : vector<10000xf32>
    %add3A_5 = arith.constant 1.000000e+00 : f32
    %add3A_6 = vector.broadcast %add3A_5 : f32 to vector<10000xf32>
    %add3A_7 = arith.addf %add3A, %add3A_6 : vector<10000xf32>
    %rsqrt3A = math.rsqrt %add3A_7 : vector<10000xf32>
    %reshape3A = vector.shape_cast %rsqrt3A : vector<10000xf32> to vector<10000x1xf32>
    %swap3A = arith.constant 0 : index
    %swap3A_8 = arith.constant 0 : index
    %swap3A_9 = vector.load %arg4[%swap3A, %swap3A_8] : memref<10000x1xf32, #tpu.memory_space<vmem>>, vector<10000x1xf32>
    tpu.vector_store %arg4[%swap3A, %swap3A_8], %reshape3A {strides = array<i32>} : memref<10000x1xf32, #tpu.memory_space<vmem>>, vector<10000x1xf32>,
    %get3A_10 = arith.constant 0 : index
    %get3A_11 = arith.constant 0 : index
    %get3A_12 = vector.load %arg1[%get3A_10, %get3A_11] : memref<10000x128xf32, #tpu.memory_space<vmem>>, vector<10000x128xf32>
    %get3A_13 = arith.constant 0 : index
    %get3A_14 = arith.constant 0 : index
    %get3A_15 = vector.load %arg2[%get3A_13, %get3A_14] : memref<128x128xf32, #tpu.memory_space<vmem>>, vector<128x128xf32>
    %dot_general3A = arith.constant dense<0.000000e+00> : vector<10000x128xf32>
    %dot_general3A_16 = tpu.matmul %get3A_12, %get3A_15, %dot_general3A {dimension_numbers = #tpu.dot_dimension_numbers<[1], [0], [0], [1], [0, 0, 1, 1], [], []>, transpose_lhs_hint = false} : vector<10000x128xf32>, vector<128x128xf32>, vector<10000x128xf32> -> vector<10000x128xf32>
    %mul3A = vector.broadcast %reshape3A : vector<10000x1xf32> to vector<10000x128xf32>
    %mul3A_17 = arith.mulf %dot_general3A_16, %mul3A : vector<10000x128xf32>
    %swap3A_18 = arith.constant 0 : index
    %swap3A_19 = arith.constant 0 : index
    %swap3A_20 = vector.load %arg3[%swap3A_18, %swap3A_19] : memref<10000x128xf32, #tpu.memory_space<vmem>>, vector<10000x128xf32>
    tpu.vector_store %arg3[%swap3A_18, %swap3A_19], %mul3A_17 {strides = array<i32>} : memref<10000x128xf32, #tpu.memory_space<vmem>>, vector<10000x128xf32>,
    return
  }
}

module attributes {stable_mosaic.version = 14 : i64} {
  func.func @_mid_body(%arg0: memref<2x10240x128xf32, #tpu.memory_space<vmem>>, %arg1: memref<10000x128xf32, #tpu.memory_space<vmem>>, %arg2: memref<10000x1xf32, #tpu.memory_space<vmem>>, %arg3: memref<128xf32, #tpu.memory_space<vmem>>, %arg4: memref<128xf32, #tpu.memory_space<vmem>>, %arg5: memref<128xf32, #tpu.memory_space<vmem>>, %arg6: memref<128x128xf32, #tpu.memory_space<vmem>>, %arg7: memref<10000x128xf32, #tpu.memory_space<vmem>>) attributes {dimension_semantics = [], scalar_prefetch = 0 : i64, scratch_operands = 0 : i64, tpu.core_type = #tpu.core_type<tc>} {
    %get3A = arith.constant 0 : index
    %get3A_0 = arith.constant 0 : index
    %get3A_1 = arith.constant 0 : index
    %get3A_2 = vector.load %arg0[%get3A, %get3A_0, %get3A_1] : memref<2x10240x128xf32, #tpu.memory_space<vmem>>, vector<2x10240x128xf32>
    %get3A_3 = arith.constant 0 : index
    %get3A_4 = arith.constant 0 : index
    %get3A_5 = vector.load %arg2[%get3A_3, %get3A_4] : memref<10000x1xf32, #tpu.memory_space<vmem>>, vector<10000x1xf32>
    %slice3A = vector.extract_strided_slice %get3A_2 {offsets = [0, 0, 0], sizes = [1, 10000, 128], strides = [1, 1, 1]} : vector<2x10240x128xf32> to vector<1x10000x128xf32>
    %squeeze3A = vector.shape_cast %slice3A : vector<1x10000x128xf32> to vector<10000x128xf32>
    %slice3A_6 = vector.extract_strided_slice %get3A_2 {offsets = [1, 0, 0], sizes = [1, 10000, 128], strides = [1, 1, 1]} : vector<2x10240x128xf32> to vector<1x10000x128xf32>
    %squeeze3A_7 = vector.shape_cast %slice3A_6 : vector<1x10000x128xf32> to vector<10000x128xf32>
    %add3A = arith.addf %squeeze3A, %squeeze3A_7 : vector<10000x128xf32>
    %get3A_8 = arith.constant 0 : index
    %get3A_9 = arith.constant 0 : index
    %get3A_10 = vector.load %arg1[%get3A_8, %get3A_9] : memref<10000x128xf32, #tpu.memory_space<vmem>>, vector<10000x128xf32>
    %add3A_11 = arith.addf %add3A, %get3A_10 : vector<10000x128xf32>
    %mul3A = vector.broadcast %get3A_5 : vector<10000x1xf32> to vector<10000x128xf32>
    %mul3A_12 = arith.mulf %add3A_11, %mul3A : vector<10000x128xf32>
    %get3A_13 = arith.constant 0 : index
    %get3A_14 = vector.load %arg3[%get3A_13] : memref<128xf32, #tpu.memory_space<vmem>>, vector<128xf32>
    %broadcast_in_dim3A = vector.shape_cast %get3A_14 : vector<128xf32> to vector<1x128xf32>
    %add3A_15 = vector.broadcast %broadcast_in_dim3A : vector<1x128xf32> to vector<10000x128xf32>
    %add3A_16 = arith.addf %mul3A_12, %add3A_15 : vector<10000x128xf32>
    %reduce_sum3A = arith.constant dense<0.000000e+00> : vector<128xf32>
    %reduce_sum3A_17 = vector.multi_reduction <add>, %add3A_16, %reduce_sum3A [0] : vector<10000x128xf32> to vector<128xf32>
    %div3A = arith.constant 1.000000e+04 : f32
    %div3A_18 = vector.broadcast %div3A : f32 to vector<128xf32>
    %div3A_19 = arith.divf %reduce_sum3A_17, %div3A_18 : vector<128xf32>
    %broadcast_in_dim3A_20 = vector.shape_cast %div3A_19 : vector<128xf32> to vector<1x128xf32>
    %sub3A = vector.broadcast %broadcast_in_dim3A_20 : vector<1x128xf32> to vector<10000x128xf32>
    %sub3A_21 = arith.subf %add3A_16, %sub3A : vector<10000x128xf32>
    %integer_pow3A = arith.mulf %sub3A_21, %sub3A_21 : vector<10000x128xf32>
    %reduce_sum3A_22 = arith.constant dense<0.000000e+00> : vector<128xf32>
    %reduce_sum3A_23 = vector.multi_reduction <add>, %integer_pow3A, %reduce_sum3A_22 [0] : vector<10000x128xf32> to vector<128xf32>
    %div3A_24 = arith.constant 1.000000e+04 : f32
    %div3A_25 = vector.broadcast %div3A_24 : f32 to vector<128xf32>
    %div3A_26 = arith.divf %reduce_sum3A_23, %div3A_25 : vector<128xf32>
    %broadcast_in_dim3A_27 = vector.shape_cast %div3A_19 : vector<128xf32> to vector<1x128xf32>
    %sub3A_28 = vector.broadcast %broadcast_in_dim3A_27 : vector<1x128xf32> to vector<10000x128xf32>
    %sub3A_29 = arith.subf %add3A_16, %sub3A_28 : vector<10000x128xf32>
    %add3A_30 = arith.constant 9.99999974E-6 : f32
    %add3A_31 = vector.broadcast %add3A_30 : f32 to vector<128xf32>
    %add3A_32 = arith.addf %div3A_26, %add3A_31 : vector<128xf32>
    %rsqrt3A = math.rsqrt %add3A_32 : vector<128xf32>
    %broadcast_in_dim3A_33 = vector.shape_cast %rsqrt3A : vector<128xf32> to vector<1x128xf32>
    %mul3A_34 = vector.broadcast %broadcast_in_dim3A_33 : vector<1x128xf32> to vector<10000x128xf32>
    %mul3A_35 = arith.mulf %sub3A_29, %mul3A_34 : vector<10000x128xf32>
    %get3A_36 = arith.constant 0 : index
    %get3A_37 = vector.load %arg4[%get3A_36] : memref<128xf32, #tpu.memory_space<vmem>>, vector<128xf32>
    %broadcast_in_dim3A_38 = vector.shape_cast %get3A_37 : vector<128xf32> to vector<1x128xf32>
    %mul3A_39 = vector.broadcast %broadcast_in_dim3A_38 : vector<1x128xf32> to vector<10000x128xf32>
    %mul3A_40 = arith.mulf %mul3A_35, %mul3A_39 : vector<10000x128xf32>
    %get3A_41 = arith.constant 0 : index
    %get3A_42 = vector.load %arg5[%get3A_41] : memref<128xf32, #tpu.memory_space<vmem>>, vector<128xf32>
    %broadcast_in_dim3A_43 = vector.shape_cast %get3A_42 : vector<128xf32> to vector<1x128xf32>
    %add3A_44 = vector.broadcast %broadcast_in_dim3A_43 : vector<1x128xf32> to vector<10000x128xf32>
    %add3A_45 = arith.addf %mul3A_40, %add3A_44 : vector<10000x128xf32>
    %max3A = arith.constant 0.000000e+00 : f32
    %max3A_46 = vector.broadcast %max3A : f32 to vector<10000x128xf32>
    %max3A_47 = arith.maximumf %add3A_45, %max3A_46 : vector<10000x128xf32>
    %get3A_48 = arith.constant 0 : index
    %get3A_49 = arith.constant 0 : index
    %get3A_50 = vector.load %arg6[%get3A_48, %get3A_49] : memref<128x128xf32, #tpu.memory_space<vmem>>, vector<128x128xf32>
    %dot_general3A = arith.constant dense<0.000000e+00> : vector<10000x128xf32>
    %dot_general3A_51 = tpu.matmul %max3A_47, %get3A_50, %dot_general3A {dimension_numbers = #tpu.dot_dimension_numbers<[1], [0], [0], [1], [0, 0, 1, 1], [], []>, transpose_lhs_hint = false} : vector<10000x128xf32>, vector<128x128xf32>, vector<10000x128xf32> -> vector<10000x128xf32>
    %mul3A_52 = vector.broadcast %get3A_5 : vector<10000x1xf32> to vector<10000x128xf32>
    %mul3A_53 = arith.mulf %dot_general3A_51, %mul3A_52 : vector<10000x128xf32>
    %swap3A = arith.constant 0 : index
    %swap3A_54 = arith.constant 0 : index
    %swap3A_55 = vector.load %arg7[%swap3A, %swap3A_54] : memref<10000x128xf32, #tpu.memory_space<vmem>>, vector<10000x128xf32>
    tpu.vector_store %arg7[%swap3A, %swap3A_54], %mul3A_53 {strides = array<i32>} : memref<10000x128xf32, #tpu.memory_space<vmem>>, vector<10000x128xf32>,
    return
  }
}

module attributes {stable_mosaic.version = 14 : i64} {
  func.func @_fin_body(%arg0: memref<2x10240x128xf32, #tpu.memory_space<vmem>>, %arg1: memref<10000x128xf32, #tpu.memory_space<vmem>>, %arg2: memref<10000x1xf32, #tpu.memory_space<vmem>>, %arg3: memref<128xf32, #tpu.memory_space<vmem>>, %arg4: memref<128xf32, #tpu.memory_space<vmem>>, %arg5: memref<128xf32, #tpu.memory_space<vmem>>, %arg6: memref<10000x128xf32, #tpu.memory_space<vmem>>) attributes {dimension_semantics = [], scalar_prefetch = 0 : i64, scratch_operands = 0 : i64, tpu.core_type = #tpu.core_type<tc>} {
    %get3A = arith.constant 0 : index
    %get3A_0 = arith.constant 0 : index
    %get3A_1 = arith.constant 0 : index
    %get3A_2 = vector.load %arg0[%get3A, %get3A_0, %get3A_1] : memref<2x10240x128xf32, #tpu.memory_space<vmem>>, vector<2x10240x128xf32>
    %slice3A = vector.extract_strided_slice %get3A_2 {offsets = [0, 0, 0], sizes = [1, 10000, 128], strides = [1, 1, 1]} : vector<2x10240x128xf32> to vector<1x10000x128xf32>
    %squeeze3A = vector.shape_cast %slice3A : vector<1x10000x128xf32> to vector<10000x128xf32>
    %slice3A_3 = vector.extract_strided_slice %get3A_2 {offsets = [1, 0, 0], sizes = [1, 10000, 128], strides = [1, 1, 1]} : vector<2x10240x128xf32> to vector<1x10000x128xf32>
    %squeeze3A_4 = vector.shape_cast %slice3A_3 : vector<1x10000x128xf32> to vector<10000x128xf32>
    %add3A = arith.addf %squeeze3A, %squeeze3A_4 : vector<10000x128xf32>
    %get3A_5 = arith.constant 0 : index
    %get3A_6 = arith.constant 0 : index
    %get3A_7 = vector.load %arg1[%get3A_5, %get3A_6] : memref<10000x128xf32, #tpu.memory_space<vmem>>, vector<10000x128xf32>
    %add3A_8 = arith.addf %add3A, %get3A_7 : vector<10000x128xf32>
    %get3A_9 = arith.constant 0 : index
    %get3A_10 = arith.constant 0 : index
    %get3A_11 = vector.load %arg2[%get3A_9, %get3A_10] : memref<10000x1xf32, #tpu.memory_space<vmem>>, vector<10000x1xf32>
    %mul3A = vector.broadcast %get3A_11 : vector<10000x1xf32> to vector<10000x128xf32>
    %mul3A_12 = arith.mulf %add3A_8, %mul3A : vector<10000x128xf32>
    %get3A_13 = arith.constant 0 : index
    %get3A_14 = vector.load %arg3[%get3A_13] : memref<128xf32, #tpu.memory_space<vmem>>, vector<128xf32>
    %broadcast_in_dim3A = vector.shape_cast %get3A_14 : vector<128xf32> to vector<1x128xf32>
    %add3A_15 = vector.broadcast %broadcast_in_dim3A : vector<1x128xf32> to vector<10000x128xf32>
    %add3A_16 = arith.addf %mul3A_12, %add3A_15 : vector<10000x128xf32>
    %reduce_sum3A = arith.constant dense<0.000000e+00> : vector<128xf32>
    %reduce_sum3A_17 = vector.multi_reduction <add>, %add3A_16, %reduce_sum3A [0] : vector<10000x128xf32> to vector<128xf32>
    %div3A = arith.constant 1.000000e+04 : f32
    %div3A_18 = vector.broadcast %div3A : f32 to vector<128xf32>
    %div3A_19 = arith.divf %reduce_sum3A_17, %div3A_18 : vector<128xf32>
    %broadcast_in_dim3A_20 = vector.shape_cast %div3A_19 : vector<128xf32> to vector<1x128xf32>
    %sub3A = vector.broadcast %broadcast_in_dim3A_20 : vector<1x128xf32> to vector<10000x128xf32>
    %sub3A_21 = arith.subf %add3A_16, %sub3A : vector<10000x128xf32>
    %integer_pow3A = arith.mulf %sub3A_21, %sub3A_21 : vector<10000x128xf32>
    %reduce_sum3A_22 = arith.constant dense<0.000000e+00> : vector<128xf32>
    %reduce_sum3A_23 = vector.multi_reduction <add>, %integer_pow3A, %reduce_sum3A_22 [0] : vector<10000x128xf32> to vector<128xf32>
    %div3A_24 = arith.constant 1.000000e+04 : f32
    %div3A_25 = vector.broadcast %div3A_24 : f32 to vector<128xf32>
    %div3A_26 = arith.divf %reduce_sum3A_23, %div3A_25 : vector<128xf32>
    %broadcast_in_dim3A_27 = vector.shape_cast %div3A_19 : vector<128xf32> to vector<1x128xf32>
    %sub3A_28 = vector.broadcast %broadcast_in_dim3A_27 : vector<1x128xf32> to vector<10000x128xf32>
    %sub3A_29 = arith.subf %add3A_16, %sub3A_28 : vector<10000x128xf32>
    %add3A_30 = arith.constant 9.99999974E-6 : f32
    %add3A_31 = vector.broadcast %add3A_30 : f32 to vector<128xf32>
    %add3A_32 = arith.addf %div3A_26, %add3A_31 : vector<128xf32>
    %rsqrt3A = math.rsqrt %add3A_32 : vector<128xf32>
    %broadcast_in_dim3A_33 = vector.shape_cast %rsqrt3A : vector<128xf32> to vector<1x128xf32>
    %mul3A_34 = vector.broadcast %broadcast_in_dim3A_33 : vector<1x128xf32> to vector<10000x128xf32>
    %mul3A_35 = arith.mulf %sub3A_29, %mul3A_34 : vector<10000x128xf32>
    %get3A_36 = arith.constant 0 : index
    %get3A_37 = vector.load %arg4[%get3A_36] : memref<128xf32, #tpu.memory_space<vmem>>, vector<128xf32>
    %broadcast_in_dim3A_38 = vector.shape_cast %get3A_37 : vector<128xf32> to vector<1x128xf32>
    %mul3A_39 = vector.broadcast %broadcast_in_dim3A_38 : vector<1x128xf32> to vector<10000x128xf32>
    %mul3A_40 = arith.mulf %mul3A_35, %mul3A_39 : vector<10000x128xf32>
    %get3A_41 = arith.constant 0 : index
    %get3A_42 = vector.load %arg5[%get3A_41] : memref<128xf32, #tpu.memory_space<vmem>>, vector<128xf32>
    %broadcast_in_dim3A_43 = vector.shape_cast %get3A_42 : vector<128xf32> to vector<1x128xf32>
    %add3A_44 = vector.broadcast %broadcast_in_dim3A_43 : vector<1x128xf32> to vector<10000x128xf32>
    %add3A_45 = arith.addf %mul3A_40, %add3A_44 : vector<10000x128xf32>
    %max3A = arith.constant 0.000000e+00 : f32
    %max3A_46 = vector.broadcast %max3A : f32 to vector<10000x128xf32>
    %max3A_47 = arith.maximumf %add3A_45, %max3A_46 : vector<10000x128xf32>
    %swap3A = arith.constant 0 : index
    %swap3A_48 = arith.constant 0 : index
    %swap3A_49 = vector.load %arg6[%swap3A, %swap3A_48] : memref<10000x128xf32, #tpu.memory_space<vmem>>, vector<10000x128xf32>
    tpu.vector_store %arg6[%swap3A, %swap3A_48], %max3A_47 {strides = array<i32>} : memref<10000x128xf32, #tpu.memory_space<vmem>>, vector<10000x128xf32>,
    return
  }
}

</mosaic_0001>

<sc_bundles>
// kernel: kernel.11.cloned.1.call-start
scs
__scs_entry_jumppad:
0x0: {  	(pc) =	sbr.rel $0x88, $3  }
0x1: {  	(tag) =	ssettag $0x0;
	lr =	simm.s32 $0x1  }
0x2: {  	[smem:$0x3F97] =	sst lr;
	_ =	strace $0xD0000000  }
0x3: {  	_ = 	snop  }
0x4: {  	_ = 	snop  }
0x5: {  	_ = 	snop  }
0x6: {  	_ = 	snop  }
0x7: {  	_ = 	snop  }
__scs_overlays_trampoline_lowered:
0x8: {  	[smem:$0x3FA6] =	sst s0  }
0x9: {  	[smem:$0x3FA7] =	sst s1  }
0xa: {  	[smem:$0x3FA8] =	sst s2  }
0xb: {  	[smem:$0x3FA9] =	sst s3  }
0xc: {  	[smem:$0x3FAA] =	sst s4  }
0xd: {  	[smem:$0x3FAB] =	sst s5  }
0xe: {  	[smem:$0x3FAC] =	sst s6  }
0xf: {  	[smem:$0x3FAD] =	sst s7  }
0x10: {  	[smem:$0x3FAE] =	sst s8  }
0x11: {  	[smem:$0x3FAF] =	sst s9;
	s0 =	simm.s32 @!p0 $0x0  }
0x12: {  	s1 =	sld [smem:$0x3F95];
	s0 =	simm.s32 @p0 $0x1  }
0x13: {  	[smem:$0x3FB0] =	sst s0;
	s0 =	simm.s32 @!p1 $0x0  }
0x14: {  	s2 =	sld [smem:$0x3F94];
	s0 =	simm.s32 @p1 $0x1  }
0x15: {  	[smem:$0x3FB1] =	sst s0;
	s0 =	simm.s32 @!p2 $0x0  }
0x16: {  	s3 =	sld [smem:$0x3FDB];
	s0 =	simm.s32 @p2 $0x1  }
0x17: {  	s4 =	simm.s32 $0x1BF5;
	[smem:$0x3FB3] =	sst s0  }
0x18: {  	s0 =	sld [smem:$0x3F96];
	_ =	swait.ge [sflag:s4], $0x0  }
0x19: {  	s7 =	sld [smem:$0x3F97]  }
0x1a: {  	s8 =	sadd.s32 $0xFFFFE003, lr  }
0x1b: {  	s9 =	sadd.s32 $0xFFFFFEF7, lr;
	s5 =	simm.s32 $0xFFFFFFFF;
	p2 =	slt.u32 s8, $0xFFFFF086  }
0x1c: {  	p1 =	slt.u32 s9, $0xF7A;
	s5 =	simm.s32 @!p2 $0x0  }
0x1d: {  	s5 =	simm.s32 @p1 $0x1;
	p0 =	seq.s32 s7, s2  }
0x1e: {  	s7 =	smul.u32 @!p0 $0xF7A, s2;
	p2 =	seq.s32 @!p0 s5, $0x0  }
0x1f: {  	s9 =	smul.u32 $0xF7A, s1;
	s8 =	simm.s32 @!p0 $0x1BF5;
	p2 =	por !p2, p0  }
0x20: {  	[sflag:s8] =	ssyncset.s32 @!p0 $0xFFFFF086;
	s6 =	sadd.s32 @!p0 s3, s7;
	s7 =	simm.s32 @!p0 $0x108  }
0x21: {  	s3 =	sadd.s32 s3, s9;
	s6 =	sadd.s32 @!p0 $0x88, s6;
	s7 =	simm.s32 @p2 $0x1082  }
0x22: {  	[simem:s7], [sflag:s8] =	dma.local @!p0 [hbm:s6], $0xF7A  }
0x23: {  	s9 =	sor.u32 $0xD0000000, s2;
	s6 =	simm.s32 $0x108;
	_ =	swait.ge @!p0 [sflag:s8], $0x0  }
0x24: {  	s3 =	sadd.s32 $0x88, s3;
	s6 =	simm.s32 @!p1 $0x1082;
	[sflag:s4] =	ssyncset.s32 $0xFFFFF086  }
0x25: {  	[simem:s6], [sflag:s4] =	dma.local [hbm:s3], $0xF7A  }
0x26: {  	[smem:$0x3F97] =	sst s1;
	(tag) =	ssettag s2;
	_ =	strace s9  }
0x27: {  	s1 =	sld [smem:$0x3FA7]  }
0x28: {  	s2 =	sld [smem:$0x3FA8]  }
0x29: {  	s4 =	sld [smem:$0x3FAA]  }
0x2a: {  	p0 =	seq.s32 s5, $0x0;
	s5 =	sld [smem:$0x3FAB]  }
0x2b: {  	s6 =	sld [smem:$0x3FAC]  }
0x2c: {  	s7 =	sld [smem:$0x3FAD]  }
0x2d: {  	s3 =	simm.s32 $0x108;
	s8 =	sld [smem:$0x3FAE]  }
0x2e: {  	s3 =	simm.s32 @!p0 $0x1082;
	s9 =	sld [smem:$0x3FAF]  }
0x2f: {  	lr =	sadd.s32 s0, s3;
	s0 =	sld [smem:$0x3FA6]  }
0x30: {  	s3 =	sld [smem:$0x3FA9]  }
0x31: {  	[smem:$0x3FB2] =	sst s10  }
0x32: {  	s10 =	sld [smem:$0x3FB0];
	_ =	sdelay $0x3  }
0x33: {  	p0 =	seq.s32 s10, $0x1;
	s10 =	sld [smem:$0x3FB2];
	_ =	sdelay $0x3  }
0x34: {  	[smem:$0x3FB2] =	sst s10  }
0x35: {  	s10 =	sld [smem:$0x3FB1];
	_ =	sdelay $0x3  }
0x36: {  	p1 =	seq.s32 s10, $0x1;
	s10 =	sld [smem:$0x3FB2];
	_ =	sdelay $0x3  }
0x37: {  	[smem:$0x3FB2] =	sst s10  }
0x38: {  	s10 =	sld [smem:$0x3FB3]  }
0x39: {  	_ = 	snop;
	(pc) =	sbr.ind lr, $3  }
0x3a: {  	_ = 	snop  }
0x3b: {  	_ = 	snop  }
0x3c: {  	p2 =	seq.s32 s10, $0x1;
	s10 =	sld [smem:$0x3FB2]  }
0x3d: {  	_ =	shalt  }
0x3e: {  	_ =	shalt  }
0x3f: {  	_ =	shalt  }
0x40: {  	_ =	shalt  }
0x41: {  	_ =	shalt  }
0x42: {  	_ =	shalt  }
0x43: {  	_ =	shalt  }
0x44: {  	_ =	shalt  }
0x45: {  	_ =	shalt  }
0x46: {  	_ =	shalt  }
0x47: {  	_ =	shalt  }
0x48: {  	_ =	shalt  }
0x49: {  	_ =	shalt  }
0x4a: {  	_ =	shalt  }
0x4b: {  	_ =	shalt  }
0x4c: {  	_ =	shalt  }
0x4d: {  	_ =	shalt  }
0x4e: {  	_ =	shalt  }
0x4f: {  	_ =	shalt  }
0x50: {  	_ =	shalt  }
0x51: {  	_ =	shalt  }
0x52: {  	_ =	shalt  }
0x53: {  	_ =	shalt  }
0x54: {  	_ =	shalt  }
0x55: {  	_ =	shalt  }
0x56: {  	_ =	shalt  }
0x57: {  	_ =	shalt  }
0x58: {  	_ =	shalt  }
0x59: {  	_ =	shalt  }
0x5a: {  	_ =	shalt  }
0x5b: {  	_ =	shalt  }
0x5c: {  	_ =	shalt  }
0x5d: {  	_ =	shalt  }
0x5e: {  	_ =	shalt  }
0x5f: {  	_ =	shalt  }
0x60: {  	_ =	shalt  }
0x61: {  	_ =	shalt  }
0x62: {  	_ =	shalt  }
0x63: {  	_ =	shalt  }
0x64: {  	_ =	shalt  }
0x65: {  	_ =	shalt  }
0x66: {  	_ =	shalt  }
0x67: {  	_ =	shalt  }
0x68: {  	_ =	shalt  }
0x69: {  	_ =	shalt  }
0x6a: {  	_ =	shalt  }
0x6b: {  	_ =	shalt  }
0x6c: {  	_ =	shalt  }
0x6d: {  	_ =	shalt  }
0x6e: {  	_ =	shalt  }
0x6f: {  	_ =	shalt  }
0x70: {  	_ =	shalt  }
0x71: {  	_ =	shalt  }
0x72: {  	_ =	shalt  }
0x73: {  	_ =	shalt  }
0x74: {  	_ =	shalt  }
0x75: {  	_ =	shalt  }
0x76: {  	_ =	shalt  }
0x77: {  	_ =	shalt  }
0x78: {  	_ =	shalt  }
0x79: {  	_ =	shalt  }
0x7a: {  	_ =	shalt  }
0x7b: {  	_ =	shalt  }
0x7c: {  	_ =	shalt  }
0x7d: {  	_ =	shalt  }
0x7e: {  	_ =	shalt  }
0x7f: {  	_ =	shalt  }
0x80: {  	_ =	shalt  }
0x81: {  	_ =	shalt  }
0x82: {  	_ =	shalt  }
0x83: {  	_ =	shalt  }
0x84: {  	_ =	shalt  }
0x85: {  	_ =	shalt  }
0x86: {  	_ =	shalt  }
0x87: {  	_ =	shalt  }
.Lfunc_end0:
.L_simem_size_0:
called_computation.1_lowered:
.L_overlay_start_0:
0x88: {  	s2 =	sld [smem:$0x3FD9]  }
0x89: {  	s3 =	sld [smem:$0x3FFE];
	_ =	sdelay $0x1  }
0x8a: {  	s1 =	srdreg.scid  }
0x8b: {  	s0 =	sand.u32 $0x1, s1  }
0x8c: {  	s17 =	sshll.u32 s0, $0xA;
	s2 =	sadd.s32 s3, s2  }
0x8d: {  	s2 =	sadd.s32 s2, s17  }
0x8e: {  	[smem:$0x3FBE] =	sst s2  }
0x8f: {  	_ = 	snop  }
0x90: {  	s2 =	sld [smem:$0x3FD0];
	(tm) =	ssettm $0x1  }
0x91: {  	s18 =	sld [smem:$0x3FFB];
	_ =	sdelay $0x3  }
0x92: {  	_ =	strace s18  }
0x93: {  	s3 =	sld [smem:$0x3FFC];
	_ =	sdelay $0x3  }
0x94: {  	_ =	strace s3  }
0x95: {  	s3 =	sld [smem:$0x3FFD];
	_ =	sdelay $0x3  }
0x96: {  	_ =	strace s3  }
0x97: {  	_ =	strace $0x8FFFFFFF  }
0x98: {  	s19 =	sld [smem:$0x3FDB];
	_ =	sdelay $0x1  }
0x99: {  	s4 =	simm.s32 $_scs_section_size  }
0x9a: {  	s5 =	simm.s32 $_size__tile_overlayer_lowered;
	s6 =	simm.s32 $_tile_overlayer_lowered  }
0x9b: {  	s22 =	simm.s32 $0x1BFF;
	s21 =	sshll.u32 s6, $0x1;
	s3 =	sadd.s32 s4, s19  }
0x9c: {  	s7 =	simm.s32 $0x0;
	s20 =	sshll.u32 s5, $0x1;
	s5 =	sadd.s32 s21, s3  }
0x9d: {  	[timem:s7], [sflag:s22] =	dma.local [hbm:s5], s20  }
0x9e: {  	_ =	swait.ge [sflag:s22], s20  }
0x9f: {  	s4 =	ssub.s32 $0x0, s20;
	[sflag:s22] =	ssyncset.done $0x0  }
0xa0: {  	[sflag:s22] =	ssyncadd.s32 s4;
	_ =	sdelay $0x1  }
0xa1: {  	s23 =	simm.s32 $0x1B8B  }
0xa2: {  	_ =	swait.ge [sflag:s23], $0x1  }
0xa3: {  	[sflag:s23] =	ssyncset.done $0x0  }
0xa4: {  	s25 =	simm.s32 $0x1B8E;
	s24 =	sld [smem:$0x3FFE];
	[sflag:s23] =	ssyncadd.s32 $0xFFFFFFFF  }
0xa5: {  	s26 =	simm.s32 $execute0_lowered;
	[smem:$0x3FD2] =	sst s25  }
0xa6: {  	s5 =	sshll.u32 s26, $0x1;
	_ =	strace $0x80000049;
	[dreg:$0x1] =	wrdreg $0xFFFFFFFF  }
0xa7: {  	s28 =	simm.s32 $_size_execute0_lowered;
	s3 =	sadd.s32 s3, s5;
	[dreg:$0x0] =	wrdreg $0x0  }
0xa8: {  	s5 =	sshll.u32 s28, $0x1;
	[dreg:$0x2] =	wrdreg s3  }
0xa9: {  	[dreg:$0x3] =	wrdreg s5  }
0xaa: {  	[dreg:$0x4] =	wrdreg $0xC0  }
0xab: {  	_ =	task [dreg:s7], $0x5FFFF  }
0xac: {  	[dreg:$0x1] =	wrdreg $0xFFFFFFFF  }
0xad: {  	[dreg:$0x0] =	wrdreg $0x60  }
0xae: {  	[dreg:$0x2] =	wrdreg s24  }
0xaf: {  	[dreg:$0x3] =	wrdreg s2  }
0xb0: {  	[dreg:$0x4] =	wrdreg $0x84000  }
0xb1: {  	[dreg:$0x5] =	wrdreg $0x9  }
0xb2: {  	_ =	task.clear_ibuf [dreg:s7], $0x6FFFF;
	_ =	strace $0x90000049  }
0xb3: {  	s29 =	simm.s32 $0x9;
	_ =	strace $0x8000004B  }
0xb4: {  	_ =	swait.ge [sflag:s29], $0x1  }
0xb5: {  	[sflag:s29] =	ssyncadd.s32 $0xFFFFFFFF  }
0xb6: {  	_ =	strace $0x9000004B  }
0xb7: {  	_ =	sfence  }
0xb8: {  	s30 =	sld [smem:$0x0];
	_ =	sdelay $0x2  }
0xb9: {  	s31 =	sshll.u32 s1, $0xD;
	s1 =	sshrl.u32 s1, $0x2  }
0xba: {  	s3 =	sand.u32 $0x4000, s31;
	s1 =	sadd.s32 s1, s30  }
0xbb: {  	s0 =	sor.u32 s3, s0;
	s1 =	sshll.u32 s1, $0x11  }
0xbc: {  	s0 =	sor.u32 s1, s0  }
0xbd: {  	s0 =	sadd.s32 $0x8F2B, s0  }
0xbe: {  	[sflag:s0] =	ssyncadd.remote.s32 $0x1  }
0xbf: {  	_ =	sfence.sel $0xFFFF  }
0xc0: {  	[dreg:$0x0] =	wrdreg $0xFFFFFFFF;
	(pc) =	sbr.abs _section_cstart, $3  }
0xc1: {  	[dreg:$0x1] =	wrdreg $0xFFFFFFFF  }
0xc2: {  	_ =	task.clear_ibuf [dreg:s7], $0x2FFFF;
	_ =	strace $0x9FFFFFFF  }
0xc3: {  	(tm) =	ssettm $0x7FFFFFFF  }
tec
execute0_lowered:
.L_overlay_start_1:
0x0: {  	(tag) =	ssettag $0x1  }
0x1: {  	s0 =	rddreg [dreg:$0x0]  }
0x2: {  	s1 =	rddreg [dreg:$0x1]  }
0x3: {  	s2 =	rddreg [dreg:$0x2]  }
0x4: {  	s3 =	simm.s32 $0x0;
	s4 =	srdreg.scid;
	s18 =	stileid.u32  }
0x5: {  	[smem:$0x7FF] =	sst s3;
	s5 =	sadd.s32 $0x5E200, s0;
	s6 =	sadd.s32 $0x2A00, s0  }
0x6: {  	s4 =	sand.u32 $0x1, s4;
	s7 =	sadd.s32 $0xDA00, s0;
	s9 =	smul.u32 $0x50000, s18  }
0x7: {  	s0 =	sadd.s32 $0xE200, s0;
	s11 =	smul.u32 $0x14000, s18;
	_ =	strace $0x8000004A  }
0x8: {  	s8 =	ssub.s32 $0x2, s4;
	s25 =	sshll.u32 s4, $0x4;
	s4 =	smul.u32 $0x140000, s4  }
0x9: {  	s10 =	sshrl.u32 s8, $0x1;
	s9 =	sshrl.u32 s9, $0x2;
	s26 =	sadd.s32 $0x4000, s11  }
0xa: {  	s28 =	sadd.s32 $0x8000, s11;
	s29 =	sadd.s32 $0xC000, s11;
	s9 =	sadd.s32 s9, s2  }
0xb: {  	s14 =	sadd.s32 $0x10000, s11;
	s12 =	sadd.s32 s26, s2;
	[dreg:$0x5] =	wrdreg s9  }
0xc: {  	s8 =	ssub.s32 s8, s10;
	s13 =	sadd.s32 s28, s2;
	[dreg:$0x6] =	wrdreg s12  }
0xd: {  	s10 =	sor.u32 s18, s25;
	s15 =	sadd.s32 s29, s2;
	[dreg:$0x7] =	wrdreg s13  }
0xe: {  	s30 =	sadd.s32 s14, s2;
	s11 =	sadd.s32 s11, s4;
	[dreg:$0x8] =	wrdreg s15  }
0xf: {  	s10 =	smul.u32 $0x2C00, s10;
	[dreg:$0x9] =	wrdreg s30;
	s9 =	sadd.s32 s4, s26  }
0x10: {  	s12 =	sadd.s32 s4, s28;
	s13 =	sadd.s32 s4, s29;
	s4 =	sadd.s32 s4, s14  }
0x11: {  	s11 =	sshrl.u32 s11, $0x3;
	s30 =	sshll.u32 s18, $0x6;
	s14 =	simm.s32 $0x2  }
0x12: {  	s15 =	simm.s32 $0x4400;
	s18 =	simm.s32 $0x5;
	s9 =	sshrl.u32 s9, $0x3  }
0x13: {  	s11 =	sadd.s32 s0, s11;
	s20 =	sshrl.u32 s12, $0x3;
	s21 =	sshrl.u32 s13, $0x3  }
0x14: {  	s4 =	sshrl.u32 s4, $0x3;
	[dreg:$0x19] =	wrdreg s30;
	s12 =	simm.s32 $0x1  }
0x15: {  	s13 =	simm.s32 $0x400;
	s17 =	sadd.s32 $0x400, s10;
	[dreg:$0xd] =	wrdreg s11  }
0x16: {  	s31 =	sshrl.u32 s10, $0x3;
	s9 =	sadd.s32 s0, s9;
	[dreg:$0x4] =	wrdreg s17  }
0x17: {  	s16 =	sor.u32 $0x10, s31;
	[dreg:$0xe] =	wrdreg s9;
	s9 =	sadd.s32 s0, s20  }
0x18: {  	s17 =	sor.u32 $0x20, s31;
	s25 =	sadd.s32 s5, s31;
	[dreg:$0xf] =	wrdreg s9  }
0x19: {  	s22 =	sor.u32 $0x30, s31;
	s26 =	sadd.s32 s6, s31;
	[dreg:$0x15] =	wrdreg s25  }
0x1a: {  	s28 =	sor.u32 $0x40, s31;
	s31 =	smax.u32 s8, $0x1;
	[dreg:$0x16] =	wrdreg s26  }
0x1b: {  	s11 =	simm.s32 $0x180;
	s19 =	sadd.s32 s5, s16;
	[dreg:$0x1a] =	wrdreg s31  }
0x1c: {  	s8 =	simm.s32 $0x80;
	s16 =	sadd.s32 s6, s16;
	[dreg:$0xa] =	wrdreg s19  }
0x1d: {  	s20 =	simm.s32 $0x7;
	s9 =	sadd.s32 s0, s21;
	[dreg:$0xb] =	wrdreg s16  }
0x1e: {  	s0 =	sadd.s32 s0, s4;
	s23 =	sadd.s32 s6, s17;
	[dreg:$0x10] =	wrdreg s9  }
0x1f: {  	s24 =	sadd.s32 s5, s22;
	s29 =	sadd.s32 s5, s28;
	[dreg:$0x11] =	wrdreg s0  }
0x20: {  	s4 =	simm.s32 $0x8;
	s21 =	simm.s32 $0x6;
	[dreg:$0x12] =	wrdreg s23  }
0x21: {  	s25 =	simm.s32 $0x9;
	s26 =	simm.s32 $0x0;
	[dreg:$0x13] =	wrdreg s24  }
0x22: {  	s19 =	sadd.s32 s5, s17;
	s0 =	sadd.s32 s6, s22;
	[dreg:$0x17] =	wrdreg s29  }
0x23: {  	s9 =	simm.s32 $0x100;
	s16 =	simm.s32 $0x200;
	s17 =	simm.s32 $0x280  }
0x24: {  	s22 =	simm.s32 $0x300;
	s23 =	simm.s32 $0x4;
	[dreg:$0xc] =	wrdreg s19  }
0x25: {  	s24 =	simm.s32 $0x380;
	[dreg:$0x14] =	wrdreg s0;
	s0 =	sadd.s32 s6, s28  }
0x26: {  	s19 =	simm.s32 $0x3;
	[dreg:$0x18] =	wrdreg s0;
	s0 =	sor.u32 $0x1C08, s30  }
.LBB2_1:
0x27: {  	s28 =	rddreg [dreg:$0x5]  }
0x28: {  	s28 =	sshrl.u32 s28, $0x3  }
0x29: {  	[dreg:$0x1f] =	wrdreg s28  }
0x2a: {  	[spmem:s28], [sflag:s0] =	dma.local [hbm:s7], $0x800  }
0x2b: {  	s28 =	rddreg [dreg:$0x6]  }
0x2c: {  	s28 =	sshrl.u32 s28, $0x3  }
0x2d: {  	[dreg:$0x1e] =	wrdreg s28  }
0x2e: {  	[spmem:s28], [sflag:s0] =	dma.local [hbm:s7], $0x800  }
0x2f: {  	s28 =	rddreg [dreg:$0x7]  }
0x30: {  	s28 =	sshrl.u32 s28, $0x3  }
0x31: {  	[dreg:$0x1d] =	wrdreg s28  }
0x32: {  	[spmem:s28], [sflag:s0] =	dma.local [hbm:s7], $0x800  }
0x33: {  	s28 =	rddreg [dreg:$0x8]  }
0x34: {  	s28 =	sshrl.u32 s28, $0x3  }
0x35: {  	[dreg:$0x1c] =	wrdreg s28  }
0x36: {  	[spmem:s28], [sflag:s0] =	dma.local [hbm:s7], $0x800  }
0x37: {  	s28 =	rddreg [dreg:$0x9]  }
0x38: {  	s28 =	sshrl.u32 s28, $0x3  }
0x39: {  	[dreg:$0x1b] =	wrdreg s28  }
0x3a: {  	[spmem:s28], [sflag:s0] =	dma.local [hbm:s7], $0x800  }
0x3b: {  	_ =	swait.ge [sflag:s4], $0x800  }
0x3c: {  	[sflag:s4] =	ssyncset.done $0x0  }
0x3d: {  	[sflag:s4] =	ssyncadd.s32 $0xFFFFF800  }
0x3e: {  	_ =	swait.ge [sflag:s4], $0x800  }
0x3f: {  	[sflag:s4] =	ssyncset.done $0x0  }
0x40: {  	[sflag:s4] =	ssyncadd.s32 $0xFFFFF800  }
0x41: {  	_ =	swait.ge [sflag:s4], $0x800  }
0x42: {  	[sflag:s4] =	ssyncset.done $0x0  }
0x43: {  	[sflag:s4] =	ssyncadd.s32 $0xFFFFF800  }
0x44: {  	_ =	swait.ge [sflag:s4], $0x800  }
0x45: {  	[sflag:s4] =	ssyncset.done $0x0  }
0x46: {  	[sflag:s4] =	ssyncadd.s32 $0xFFFFF800  }
0x47: {  	_ =	swait.ge [sflag:s4], $0x800  }
0x48: {  	[sflag:s4] =	ssyncset.done $0x0  }
0x49: {  	[sflag:s4] =	ssyncadd.s32 $0xFFFFF800  }
0x4a: {  	[bflag:$0x0] =	sbarrier.arrive $0xFFFF  }
0x4b: {  	s31 =	rddreg [dreg:$0x15]  }
0x4c: {  	[tilespmem:s3], [sflag:$0x1] =	stream.linear.gather [hbm4b:s31+s3], $0x80, $0x38;
	[tilespmem:$0x1C400] =	vst v63  }
0x4d: {  	s31 =	rddreg [dreg:$0x16]  }
0x4e: {  	[tilespmem:s8], [sflag:$0x1] =	stream.linear.gather [hbm4b:s31+s3], $0x80, $0x38;
	[tilespmem:$0x1C400] =	vst v63  }
0x4f: {  	s31 =	rddreg [dreg:$0xa]  }
0x50: {  	[tilespmem:s9], [sflag:$0x2] =	stream.linear.gather [hbm4b:s31+s3], $0x80, $0x38;
	[tilespmem:$0x1C400] =	vst v63  }
0x51: {  	s31 =	rddreg [dreg:$0xb]  }
0x52: {  	[tilespmem:s11], [sflag:$0x2] =	stream.linear.gather [hbm4b:s31+s3], $0x80, $0x38;
	[tilespmem:$0x1C400] =	vst v63  }
0x53: {  	_ =	swait.ge [sflag:s12], $0x80  }
0x54: {  	[sflag:s12] =	ssyncset.done $0x0  }
0x55: {  	[sflag:s12] =	ssyncadd.s32 $0xFFFFFF80  }
0x56: {  	_ =	swait.ge [sflag:s12], $0x80  }
0x57: {  	[sflag:s12] =	ssyncset.done $0x0  }
0x58: {  	[sflag:s12] =	ssyncadd.s32 $0xFFFFFF80  }
0x59: {  	[tilespmem:s13], [sflag:$0x5] =	stream.indirect.gather [hbm4b:s1+s8], $0x80, s3, s8, $0xb8;
	[tilespmem:$0x1C400] =	vst v63  }
0x5a: {  	_ =	swait.ge [sflag:s14], $0x80  }
0x5b: {  	[sflag:s14] =	ssyncset.done $0x0  }
0x5c: {  	[sflag:s14] =	ssyncadd.s32 $0xFFFFFF80  }
0x5d: {  	_ =	swait.ge [sflag:s14], $0x80  }
0x5e: {  	[sflag:s14] =	ssyncset.done $0x0  }
0x5f: {  	[sflag:s14] =	ssyncadd.s32 $0xFFFFFF80  }
0x60: {  	[tilespmem:s15], [sflag:$0x6] =	stream.indirect.gather [hbm4b:s1+s8], $0x80, s9, s8, $0xb8;
	[tilespmem:$0x1C400] =	vst v63  }
0x61: {  	s31 =	rddreg [dreg:$0xc]  }
0x62: {  	[tilespmem:s16], [sflag:$0x3] =	stream.linear.gather [hbm4b:s31+s3], $0x80, $0x38;
	[tilespmem:$0x1C400] =	vst v63  }
0x63: {  	s31 =	rddreg [dreg:$0x12]  }
0x64: {  	[tilespmem:s17], [sflag:$0x3] =	stream.linear.gather [hbm4b:s31+s3], $0x80, $0x38;
	[tilespmem:$0x1C400] =	vst v63  }
0x65: {  	_ =	swait.ge [sflag:s18], $0x4000  }
0x66: {  	[sflag:s18] =	ssyncset.done $0x0  }
0x67: {  	[sflag:s18] =	ssyncadd.s32 $0xFFFFC000  }
0x68: {  	[spmem:s2] =	stream.indirect.scatter.add.f32 [tilespmem:s13], [sflag:$0x7], $0x80, s8, s8, $0xb8;
	[tilespmem:$0x1C400] =	vst v63  }
0x69: {  	_ =	swait.ge [sflag:s19], $0x80  }
0x6a: {  	[sflag:s19] =	ssyncset.done $0x0  }
0x6b: {  	[sflag:s19] =	ssyncadd.s32 $0xFFFFFF80  }
0x6c: {  	_ =	swait.ge [sflag:s19], $0x80  }
0x6d: {  	[sflag:s19] =	ssyncset.done $0x0  }
0x6e: {  	[sflag:s19] =	ssyncadd.s32 $0xFFFFFF80  }
0x6f: {  	_ =	swait.ge [sflag:s20], $0x4000  }
0x70: {  	[sflag:s20] =	ssyncset.done $0x0  }
0x71: {  	[sflag:s20] =	ssyncadd.s32 $0xFFFFC000  }
0x72: {  	[tilespmem:s13], [sflag:$0x5] =	stream.indirect.gather [hbm4b:s1+s8], $0x80, s16, s8, $0xb8;
	[tilespmem:$0x1C400] =	vst v63  }
0x73: {  	_ =	swait.ge [sflag:s21], $0x4000  }
0x74: {  	[sflag:s21] =	ssyncset.done $0x0  }
0x75: {  	[sflag:s21] =	ssyncadd.s32 $0xFFFFC000  }
0x76: {  	[spmem:s2] =	stream.indirect.scatter.add.f32 [tilespmem:s15], [sflag:$0x7], $0x80, s11, s8, $0xb8;
	[tilespmem:$0x1C400] =	vst v63  }
0x77: {  	s31 =	rddreg [dreg:$0x13]  }
0x78: {  	[tilespmem:s22], [sflag:$0x4] =	stream.linear.gather [hbm4b:s31+s3], $0x80, $0x38;
	[tilespmem:$0x1C400] =	vst v63  }
0x79: {  	s31 =	rddreg [dreg:$0x14]  }
0x7a: {  	[tilespmem:s24], [sflag:$0x4] =	stream.linear.gather [hbm4b:s31+s3], $0x80, $0x38;
	[tilespmem:$0x1C400] =	vst v63  }
0x7b: {  	_ =	swait.ge [sflag:s23], $0x80  }
0x7c: {  	[sflag:s23] =	ssyncset.done $0x0  }
0x7d: {  	[sflag:s23] =	ssyncadd.s32 $0xFFFFFF80  }
0x7e: {  	_ =	swait.ge [sflag:s23], $0x80  }
0x7f: {  	[sflag:s23] =	ssyncset.done $0x0  }
0x80: {  	[sflag:s23] =	ssyncadd.s32 $0xFFFFFF80  }
0x81: {  	_ =	swait.ge [sflag:s20], $0x4000  }
0x82: {  	[sflag:s20] =	ssyncset.done $0x0  }
0x83: {  	[sflag:s20] =	ssyncadd.s32 $0xFFFFC000  }
0x84: {  	[tilespmem:s15], [sflag:$0x6] =	stream.indirect.gather [hbm4b:s1+s8], $0x80, s22, s8, $0xb8;
	[tilespmem:$0x1C400] =	vst v63  }
0x85: {  	_ =	swait.ge [sflag:s18], $0x4000  }
0x86: {  	[sflag:s18] =	ssyncset.done $0x0  }
0x87: {  	[sflag:s18] =	ssyncadd.s32 $0xFFFFC000  }
0x88: {  	[spmem:s2] =	stream.indirect.scatter.add.f32 [tilespmem:s13], [sflag:$0x7], $0x80, s17, s8, $0xb8;
	[tilespmem:$0x1C400] =	vst v63  }
0x89: {  	s31 =	rddreg [dreg:$0x17]  }
0x8a: {  	[tilespmem:s3], [sflag:$0x1] =	stream.linear.gather [hbm4b:s31+s3], $0x80, $0x38;
	[tilespmem:$0x1C400] =	vst v63  }
0x8b: {  	s31 =	rddreg [dreg:$0x18]  }
0x8c: {  	[tilespmem:s8], [sflag:$0x1] =	stream.linear.gather [hbm4b:s31+s3], $0x80, $0x38;
	[tilespmem:$0x1C400] =	vst v63  }
0x8d: {  	_ =	swait.ge [sflag:s12], $0x80  }
0x8e: {  	[sflag:s12] =	ssyncset.done $0x0  }
0x8f: {  	[sflag:s12] =	ssyncadd.s32 $0xFFFFFF80  }
0x90: {  	_ =	swait.ge [sflag:s12], $0x80  }
0x91: {  	[sflag:s12] =	ssyncset.done $0x0  }
0x92: {  	[sflag:s12] =	ssyncadd.s32 $0xFFFFFF80  }
0x93: {  	_ =	swait.ge [sflag:s20], $0x4000  }
0x94: {  	s29 =	simm.s32 $0x280;
	[sflag:s20] =	ssyncset.done $0x0  }
0x95: {  	s30 =	sand.u32 $0x7C00, s29;
	[sflag:s20] =	ssyncadd.s32 $0xFFFFC000  }
0x96: {  	[tilespmem:s13], [sflag:$0x5] =	stream.indirect.gather [hbm4b:s1+s8], $0x80, s3, s8, $0xb8;
	[tilespmem:$0x1C400] =	vst v63  }
0x97: {  	s29 =	sand.u32 $0x280, s29;
	s30 =	sadd.s32 s10, s30;
	_ =	swait.ge [sflag:s21], $0x4000  }
0x98: {  	s29 =	sor.u32 s29, s30;
	[sflag:s21] =	ssyncset.done $0x0  }
0x99: {  	s29 =	sshrl.u32 s29, $0x3;
	[sflag:s21] =	ssyncadd.s32 $0xFFFFC000  }
0x9a: {  	[spmem:s2] =	stream.indirect.scatter.add.f32 [tilespmem:s15], [sflag:$0x7], $0x80, s24, s8, $0xb8;
	[tilespmem:$0x1C400] =	vst v63  }
0x9b: {  	s30 =	sadd.s32 s5, s29  }
0x9c: {  	[tilespmem:s9], [sflag:$0x2] =	stream.linear.gather [hbm4b:s30+s3], $0x80, $0x38;
	[tilespmem:$0x1C400] =	vst v63  }
0x9d: {  	s29 =	sadd.s32 s6, s29  }
0x9e: {  	[tilespmem:s11], [sflag:$0x2] =	stream.linear.gather [hbm4b:s29+s3], $0x80, $0x38;
	[tilespmem:$0x1C400] =	vst v63  }
0x9f: {  	_ =	swait.ge [sflag:s14], $0x80  }
0xa0: {  	[sflag:s14] =	ssyncset.done $0x0  }
0xa1: {  	[sflag:s14] =	ssyncadd.s32 $0xFFFFFF80  }
0xa2: {  	_ =	swait.ge [sflag:s14], $0x80  }
0xa3: {  	[sflag:s14] =	ssyncset.done $0x0  }
0xa4: {  	[sflag:s14] =	ssyncadd.s32 $0xFFFFFF80  }
0xa5: {  	_ =	swait.ge [sflag:s20], $0x4000  }
0xa6: {  	s29 =	simm.s32 $0x300;
	[sflag:s20] =	ssyncset.done $0x0  }
0xa7: {  	s30 =	sand.u32 $0x7C00, s29;
	[sflag:s20] =	ssyncadd.s32 $0xFFFFC000  }
0xa8: {  	[tilespmem:s15], [sflag:$0x6] =	stream.indirect.gather [hbm4b:s1+s8], $0x80, s9, s8, $0xb8;
	[tilespmem:$0x1C400] =	vst v63  }
0xa9: {  	s29 =	sand.u32 $0x300, s29;
	s30 =	sadd.s32 s10, s30;
	_ =	swait.ge [sflag:s18], $0x4000  }
0xaa: {  	s29 =	sor.u32 s29, s30;
	[sflag:s18] =	ssyncset.done $0x0  }
0xab: {  	s29 =	sshrl.u32 s29, $0x3;
	[sflag:s18] =	ssyncadd.s32 $0xFFFFC000  }
0xac: {  	[spmem:s2] =	stream.indirect.scatter.add.f32 [tilespmem:s13], [sflag:$0x7], $0x80, s8, s8, $0xb8;
	[tilespmem:$0x1C400] =	vst v63  }
0xad: {  	s30 =	sadd.s32 s5, s29  }
0xae: {  	[tilespmem:s16], [sflag:$0x3] =	stream.linear.gather [hbm4b:s30+s3], $0x80, $0x38;
	[tilespmem:$0x1C400] =	vst v63  }
0xaf: {  	s29 =	sadd.s32 s6, s29  }
0xb0: {  	[tilespmem:s17], [sflag:$0x3] =	stream.linear.gather [hbm4b:s29+s3], $0x80, $0x38;
	[tilespmem:$0x1C400] =	vst v63  }
0xb1: {  	_ =	swait.ge [sflag:s19], $0x80  }
0xb2: {  	[sflag:s19] =	ssyncset.done $0x0  }
0xb3: {  	[sflag:s19] =	ssyncadd.s32 $0xFFFFFF80  }
0xb4: {  	_ =	swait.ge [sflag:s19], $0x80  }
0xb5: {  	[sflag:s19] =	ssyncset.done $0x0  }
0xb6: {  	[sflag:s19] =	ssyncadd.s32 $0xFFFFFF80  }
0xb7: {  	_ =	swait.ge [sflag:s20], $0x4000  }
0xb8: {  	[sflag:s20] =	ssyncset.done $0x0  }
0xb9: {  	s29 =	sand.u32 $0x7C00, s24;
	[sflag:s20] =	ssyncadd.s32 $0xFFFFC000  }
0xba: {  	[tilespmem:s13], [sflag:$0x5] =	stream.indirect.gather [hbm4b:s1+s8], $0x80, s16, s8, $0xb8;
	[tilespmem:$0x1C400] =	vst v63  }
0xbb: {  	s30 =	sand.u32 $0x380, s24;
	s29 =	sadd.s32 s10, s29;
	_ =	swait.ge [sflag:s21], $0x4000  }
0xbc: {  	s29 =	sor.u32 s30, s29;
	[sflag:s21] =	ssyncset.done $0x0  }
0xbd: {  	s29 =	sshrl.u32 s29, $0x3;
	[sflag:s21] =	ssyncadd.s32 $0xFFFFC000  }
0xbe: {  	[spmem:s2] =	stream.indirect.scatter.add.f32 [tilespmem:s15], [sflag:$0x7], $0x80, s11, s8, $0xb8;
	[tilespmem:$0x1C400] =	vst v63  }
0xbf: {  	s30 =	sadd.s32 s5, s29  }
0xc0: {  	[tilespmem:s22], [sflag:$0x4] =	stream.linear.gather [hbm4b:s30+s3], $0x80, $0x38;
	[tilespmem:$0x1C400] =	vst v63  }
0xc1: {  	s29 =	sadd.s32 s6, s29  }
0xc2: {  	[tilespmem:s24], [sflag:$0x4] =	stream.linear.gather [hbm4b:s29+s3], $0x80, $0x38;
	[tilespmem:$0x1C400] =	vst v63  }
0xc3: {  	_ =	swait.ge [sflag:s23], $0x80  }
0xc4: {  	[sflag:s23] =	ssyncset.done $0x0  }
0xc5: {  	[sflag:s23] =	ssyncadd.s32 $0xFFFFFF80  }
0xc6: {  	_ =	swait.ge [sflag:s23], $0x80  }
0xc7: {  	[sflag:s23] =	ssyncset.done $0x0  }
0xc8: {  	[sflag:s23] =	ssyncadd.s32 $0xFFFFFF80  }
0xc9: {  	_ =	swait.ge [sflag:s20], $0x4000  }
0xca: {  	[sflag:s20] =	ssyncset.done $0x0  }
0xcb: {  	[sflag:s20] =	ssyncadd.s32 $0xFFFFC000  }
0xcc: {  	[tilespmem:s15], [sflag:$0x6] =	stream.indirect.gather [hbm4b:s1+s8], $0x80, s22, s8, $0xb8;
	[tilespmem:$0x1C400] =	vst v63  }
0xcd: {  	s30 =	simm.s32 $0x0;
	_ =	swait.ge [sflag:s18], $0x4000  }
0xce: {  	s31 =	sand.u32 $0x3C00, s30;
	s29 =	rddreg [dreg:$0x4]  }
0xcf: {  	s30 =	sand.u32 $0x200, s30;
	s29 =	sadd.s32 s31, s29  }
0xd0: {  	[sflag:s18] =	ssyncset.done $0x0;
	s30 =	sor.u32 s30, s29  }
0xd1: {  	[sflag:s18] =	ssyncadd.s32 $0xFFFFC000;
	s29 =	simm.s32 $0x580;
	s30 =	sshrl.u32 s30, $0x3  }
.LBB2_2:
0xd2: {  	[spmem:s2] =	stream.indirect.scatter.add.f32 [tilespmem:s13], [sflag:$0x7], $0x80, s17, s8, $0xb8;
	[tilespmem:$0x1C400] =	vst v63  }
0xd3: {  	s28 =	sadd.s32 s5, s30  }
0xd4: {  	[tilespmem:s3], [sflag:$0x1] =	stream.linear.gather [hbm4b:s28+s3], $0x80, $0x38;
	[tilespmem:$0x1C400] =	vst v63  }
0xd5: {  	s28 =	sadd.s32 s6, s30  }
0xd6: {  	[tilespmem:s8], [sflag:$0x1] =	stream.linear.gather [hbm4b:s28+s3], $0x80, $0x38;
	[tilespmem:$0x1C400] =	vst v63  }
0xd7: {  	_ =	swait.ge [sflag:s12], $0x80  }
0xd8: {  	[sflag:s12] =	ssyncset.done $0x0  }
0xd9: {  	[sflag:s12] =	ssyncadd.s32 $0xFFFFFF80  }
0xda: {  	_ =	swait.ge [sflag:s12], $0x80  }
0xdb: {  	[sflag:s12] =	ssyncset.done $0x0  }
0xdc: {  	[sflag:s12] =	ssyncadd.s32 $0xFFFFFF80  }
0xdd: {  	s31 =	smov.u32 s29;
	_ =	swait.ge [sflag:s20], $0x4000  }
0xde: {  	s28 =	sadd.s32 $0xFFFFFF00, s31;
	[sflag:s20] =	ssyncset.done $0x0  }
0xdf: {  	s30 =	sand.u32 $0x7C00, s28;
	[sflag:s20] =	ssyncadd.s32 $0xFFFFC000  }
0xe0: {  	[tilespmem:s13], [sflag:$0x5] =	stream.indirect.gather [hbm4b:s1+s8], $0x80, s3, s8, $0xb8;
	[tilespmem:$0x1C400] =	vst v63  }
0xe1: {  	s28 =	sand.u32 $0x280, s28;
	s30 =	sadd.s32 s10, s30;
	_ =	swait.ge [sflag:s21], $0x4000  }
0xe2: {  	s28 =	sor.u32 s28, s30;
	[sflag:s21] =	ssyncset.done $0x0  }
0xe3: {  	s28 =	sshrl.u32 s28, $0x3;
	[sflag:s21] =	ssyncadd.s32 $0xFFFFC000  }
0xe4: {  	[spmem:s2] =	stream.indirect.scatter.add.f32 [tilespmem:s15], [sflag:$0x7], $0x80, s24, s8, $0xb8;
	[tilespmem:$0x1C400] =	vst v63  }
0xe5: {  	s30 =	sadd.s32 s5, s28  }
0xe6: {  	[tilespmem:s9], [sflag:$0x2] =	stream.linear.gather [hbm4b:s30+s3], $0x80, $0x38;
	[tilespmem:$0x1C400] =	vst v63  }
0xe7: {  	s28 =	sadd.s32 s6, s28  }
0xe8: {  	[tilespmem:s11], [sflag:$0x2] =	stream.linear.gather [hbm4b:s28+s3], $0x80, $0x38;
	[tilespmem:$0x1C400] =	vst v63  }
0xe9: {  	_ =	swait.ge [sflag:s14], $0x80  }
0xea: {  	[sflag:s14] =	ssyncset.done $0x0  }
0xeb: {  	[sflag:s14] =	ssyncadd.s32 $0xFFFFFF80  }
0xec: {  	_ =	swait.ge [sflag:s14], $0x80  }
0xed: {  	[sflag:s14] =	ssyncset.done $0x0  }
0xee: {  	[sflag:s14] =	ssyncadd.s32 $0xFFFFFF80  }
0xef: {  	_ =	swait.ge [sflag:s20], $0x4000  }
0xf0: {  	s28 =	sadd.s32 $0xFFFFFF80, s31;
	[sflag:s20] =	ssyncset.done $0x0  }
0xf1: {  	s30 =	sand.u32 $0x7C00, s28;
	[sflag:s20] =	ssyncadd.s32 $0xFFFFC000  }
0xf2: {  	[tilespmem:s15], [sflag:$0x6] =	stream.indirect.gather [hbm4b:s1+s8], $0x80, s9, s8, $0xb8;
	[tilespmem:$0x1C400] =	vst v63  }
0xf3: {  	s28 =	sand.u32 $0x300, s28;
	s30 =	sadd.s32 s10, s30;
	_ =	swait.ge [sflag:s18], $0x4000  }
0xf4: {  	s28 =	sor.u32 s28, s30;
	[sflag:s18] =	ssyncset.done $0x0  }
0xf5: {  	s28 =	sshrl.u32 s28, $0x3;
	[sflag:s18] =	ssyncadd.s32 $0xFFFFC000  }
0xf6: {  	[spmem:s2] =	stream.indirect.scatter.add.f32 [tilespmem:s13], [sflag:$0x7], $0x80, s8, s8, $0xb8;
	[tilespmem:$0x1C400] =	vst v63  }
0xf7: {  	s30 =	sadd.s32 s5, s28  }
0xf8: {  	[tilespmem:s16], [sflag:$0x3] =	stream.linear.gather [hbm4b:s30+s3], $0x80, $0x38;
	[tilespmem:$0x1C400] =	vst v63  }
0xf9: {  	s28 =	sadd.s32 s6, s28  }
0xfa: {  	[tilespmem:s17], [sflag:$0x3] =	stream.linear.gather [hbm4b:s28+s3], $0x80, $0x38;
	[tilespmem:$0x1C400] =	vst v63  }
0xfb: {  	_ =	swait.ge [sflag:s19], $0x80  }
0xfc: {  	[sflag:s19] =	ssyncset.done $0x0  }
0xfd: {  	[sflag:s19] =	ssyncadd.s32 $0xFFFFFF80  }
0xfe: {  	_ =	swait.ge [sflag:s19], $0x80  }
0xff: {  	[sflag:s19] =	ssyncset.done $0x0  }
0x100: {  	[sflag:s19] =	ssyncadd.s32 $0xFFFFFF80  }
0x101: {  	_ =	swait.ge [sflag:s20], $0x4000  }
0x102: {  	[sflag:s20] =	ssyncset.done $0x0  }
0x103: {  	s28 =	sand.u32 $0x7C00, s31;
	[sflag:s20] =	ssyncadd.s32 $0xFFFFC000  }
0x104: {  	[tilespmem:s13], [sflag:$0x5] =	stream.indirect.gather [hbm4b:s1+s8], $0x80, s16, s8, $0xb8;
	[tilespmem:$0x1C400] =	vst v63  }
0x105: {  	s30 =	sand.u32 $0x380, s31;
	s28 =	sadd.s32 s10, s28;
	_ =	swait.ge [sflag:s21], $0x4000  }
0x106: {  	s28 =	sor.u32 s30, s28;
	[sflag:s21] =	ssyncset.done $0x0  }
0x107: {  	s28 =	sshrl.u32 s28, $0x3;
	[sflag:s21] =	ssyncadd.s32 $0xFFFFC000  }
0x108: {  	[spmem:s2] =	stream.indirect.scatter.add.f32 [tilespmem:s15], [sflag:$0x7], $0x80, s11, s8, $0xb8;
	[tilespmem:$0x1C400] =	vst v63  }
0x109: {  	s30 =	sadd.s32 s5, s28  }
0x10a: {  	[tilespmem:s22], [sflag:$0x4] =	stream.linear.gather [hbm4b:s30+s3], $0x80, $0x38;
	[tilespmem:$0x1C400] =	vst v63  }
0x10b: {  	s28 =	sadd.s32 s6, s28  }
0x10c: {  	[tilespmem:s24], [sflag:$0x4] =	stream.linear.gather [hbm4b:s28+s3], $0x80, $0x38;
	[tilespmem:$0x1C400] =	vst v63  }
0x10d: {  	_ =	swait.ge [sflag:s23], $0x80  }
0x10e: {  	[sflag:s23] =	ssyncset.done $0x0  }
0x10f: {  	[sflag:s23] =	ssyncadd.s32 $0xFFFFFF80  }
0x110: {  	_ =	swait.ge [sflag:s23], $0x80  }
0x111: {  	[sflag:s23] =	ssyncset.done $0x0  }
0x112: {  	[sflag:s23] =	ssyncadd.s32 $0xFFFFFF80  }
0x113: {  	_ =	swait.ge [sflag:s20], $0x4000  }
0x114: {  	[sflag:s20] =	ssyncset.done $0x0  }
0x115: {  	p0 =	sne.s32 s29, $0x2780;
	[sflag:s20] =	ssyncadd.s32 $0xFFFFC000  }
0x116: {  	[tilespmem:s15], [sflag:$0x6] =	stream.indirect.gather [hbm4b:s1+s8], $0x80, s22, s8, $0xb8;
	[tilespmem:$0x1C400] =	vst v63  }
.Ltmp0:
0x117: {  	s30 =	sadd.s32 $0xFFFFFC80, s31;
	_ =	swait.ge [sflag:s18], $0x4000;
	(pc) =	sbr.rel @p0 .LBB2_2-.Ltmp0, $4  }
0x118: {  	s31 =	sand.u32 $0x3C00, s30;
	s28 =	rddreg [dreg:$0x4]  }
0x119: {  	s30 =	sand.u32 $0x200, s30;
	s28 =	sadd.s32 s31, s28  }
0x11a: {  	[sflag:s18] =	ssyncset.done $0x0;
	s28 =	sor.u32 s30, s28  }
0x11b: {  	s29 =	sadd.s32 $0x200, s29;
	[sflag:s18] =	ssyncadd.s32 $0xFFFFC000;
	s30 =	sshrl.u32 s28, $0x3  }
0x11c: {  	[spmem:s2] =	stream.indirect.scatter.add.f32 [tilespmem:s13], [sflag:$0x7], $0x80, s17, s8, $0xb8;
	[tilespmem:$0x1C400] =	vst v63  }
0x11d: {  	s28 =	sadd.s32 s5, s30  }
0x11e: {  	[tilespmem:s3], [sflag:$0x1] =	stream.linear.gather [hbm4b:s28+s3], $0x80, $0x38;
	[tilespmem:$0x1C400] =	vst v63  }
0x11f: {  	s29 =	sadd.s32 s6, s30  }
0x120: {  	[tilespmem:s8], [sflag:$0x1] =	stream.linear.gather [hbm4b:s29+s3], $0x80, $0x38;
	[tilespmem:$0x1C400] =	vst v63  }
0x121: {  	_ =	swait.ge [sflag:s12], $0x80  }
0x122: {  	[sflag:s12] =	ssyncset.done $0x0  }
0x123: {  	[sflag:s12] =	ssyncadd.s32 $0xFFFFFF80  }
0x124: {  	_ =	swait.ge [sflag:s12], $0x80  }
0x125: {  	[sflag:s12] =	ssyncset.done $0x0  }
0x126: {  	[sflag:s12] =	ssyncadd.s32 $0xFFFFFF80  }
0x127: {  	_ =	swait.ge [sflag:s20], $0x4000  }
0x128: {  	[sflag:s20] =	ssyncset.done $0x0  }
0x129: {  	[sflag:s20] =	ssyncadd.s32 $0xFFFFC000  }
0x12a: {  	_ =	swait.ge [sflag:s21], $0x4000  }
0x12b: {  	[sflag:s21] =	ssyncset.done $0x0  }
0x12c: {  	[sflag:s21] =	ssyncadd.s32 $0xFFFFC000  }
0x12d: {  	[spmem:s2] =	stream.indirect.scatter.add.f32 [tilespmem:s15], [sflag:$0x7], $0x80, s24, s8, $0xb8;
	[tilespmem:$0x1C400] =	vst v63  }
0x12e: {  	_ =	swait.ge [sflag:s20], $0x4000  }
0x12f: {  	[sflag:s20] =	ssyncset.done $0x0  }
0x130: {  	[sflag:s20] =	ssyncadd.s32 $0xFFFFC000  }
0x131: {  	[bflag:$0x0] =	sbarrier.arrive $0xFFFF  }
0x132: {  	s30 =	rddreg [dreg:$0x19]  }
0x133: {  	s29 =	rddreg [dreg:$0xd]  }
0x134: {  	s31 =	rddreg [dreg:$0x1f];
	s28 =	sor.u32 $0x1C09, s30  }
0x135: {  	[hbm:s29], [sflag:s28] =	dma.local [spmem:s31], $0x800  }
0x136: {  	_ =	swait.ge [sflag:s25], $0x800  }
0x137: {  	[sflag:s25] =	ssyncset.done $0x0;
	s29 =	rddreg [dreg:$0xe]  }
0x138: {  	s31 =	rddreg [dreg:$0x1e];
	[sflag:s25] =	ssyncadd.s32 $0xFFFFF800  }
0x139: {  	[hbm:s29], [sflag:s28] =	dma.local [spmem:s31], $0x800  }
0x13a: {  	_ =	swait.ge [sflag:s25], $0x800  }
0x13b: {  	[sflag:s25] =	ssyncset.done $0x0;
	s29 =	rddreg [dreg:$0xf]  }
0x13c: {  	s31 =	rddreg [dreg:$0x1d];
	[sflag:s25] =	ssyncadd.s32 $0xFFFFF800  }
0x13d: {  	[hbm:s29], [sflag:s28] =	dma.local [spmem:s31], $0x800  }
0x13e: {  	_ =	swait.ge [sflag:s25], $0x800  }
0x13f: {  	[sflag:s25] =	ssyncset.done $0x0;
	s29 =	rddreg [dreg:$0x10]  }
0x140: {  	s31 =	rddreg [dreg:$0x1c];
	[sflag:s25] =	ssyncadd.s32 $0xFFFFF800  }
0x141: {  	[hbm:s29], [sflag:s28] =	dma.local [spmem:s31], $0x800  }
0x142: {  	_ =	swait.ge [sflag:s25], $0x800  }
0x143: {  	[sflag:s25] =	ssyncset.done $0x0;
	s29 =	rddreg [dreg:$0x11]  }
0x144: {  	s31 =	rddreg [dreg:$0x1b];
	[sflag:s25] =	ssyncadd.s32 $0xFFFFF800  }
0x145: {  	[hbm:s29], [sflag:s28] =	dma.local [spmem:s31], $0x800  }
0x146: {  	_ =	swait.ge [sflag:s25], $0x800  }
0x147: {  	s26 =	sadd.s32 $0x1, s26;
	s31 =	rddreg [dreg:$0x1a]  }
0x148: {  	p0 =	sne.s32 s26, s31  }
.Ltmp1:
0x149: {  	_ = 	snop;
	(pc) =	sbr.rel @p0 .LBB2_1-.Ltmp1, $3  }
0x14a: {  	_ =	sdelay $0x1  }
0x14b: {  	[sflag:s25] =	ssyncset.done $0x0  }
0x14c: {  	[sflag:s25] =	ssyncadd.s32 $0xFFFFF800  }
0x14d: {  	_ =	sfence.sel $0x180000  }
0x14e: {  	[bflag:$0x0] =	sbarrier.arrive $0xFFFF  }
0x14f: {  	_ =	strace $0x9000004A  }
0x150: {  	s0 =	stileid.u32;
	[bflag:$0x2] =	sbarrier.arrive $0xFFFF  }
0x151: {  	p0 =	sne.s32 s0, $0x0;
	s0 =	rddreg [dreg:$0x3]  }
0x152: {  	s0 =	sadd.s32 @!p0 $0x100000, s0  }
0x153: {  	[sflag:s0] =	ssyncadd.tile.s32 @!p0 $0x1;
	_ =	shalt  }
.Lfunc_end2:
_tile_overlayer_lowered:
.L_overlay_start_2:
0x154: {  	(tag) =	ssettag $0x2  }
0x155: {  	s0 =	rddreg [dreg:$0x0];
	s2 =	stileid.u32  }
0x156: {  	s1 =	rddreg [dreg:$0x1];
	p0 =	sne.s32 s2, $0x0  }
0x157: {  	s3 =	rddreg [dreg:$0x2];
	[bflag:$0x3] =	sbarrier.arrive $0xFFFF;
	s2 =	simm.s32 @!p0 $0x1C09  }
0x158: {  	[timem:s3], [sflag:s2] =	dma.local @!p0 [hbm:s0], s1  }
0x159: {  	s0 =	simm.s32 @!p0 $0x9  }
0x15a: {  	_ =	swait.ge @!p0 [sflag:s0], s1  }
0x15b: {  	s1 =	ssub.s32 @!p0 $0x0, s1;
	[sflag:s0] =	ssyncset.done @!p0 $0x0  }
0x15c: {  	[sflag:s0] =	ssyncadd.s32 @!p0 s1  }
0x15d: {  	[bflag:$0x3] =	sbarrier.arrive $0xFFFF  }
0x15e: {  	_ =	shalt  }

// kernel: kernel.14.cloned.1.call-start
scs
__scs_entry_jumppad:
0x0: {  	(pc) =	sbr.rel $0x88, $3  }
0x1: {  	(tag) =	ssettag $0x0;
	lr =	simm.s32 $0x1  }
0x2: {  	[smem:$0x3F97] =	sst lr;
	_ =	strace $0xD0000000  }
0x3: {  	_ = 	snop  }
0x4: {  	_ = 	snop  }
0x5: {  	_ = 	snop  }
0x6: {  	_ = 	snop  }
0x7: {  	_ = 	snop  }
__scs_overlays_trampoline_lowered:
0x8: {  	[smem:$0x3FA6] =	sst s0  }
0x9: {  	[smem:$0x3FA7] =	sst s1  }
0xa: {  	[smem:$0x3FA8] =	sst s2  }
0xb: {  	[smem:$0x3FA9] =	sst s3  }
0xc: {  	[smem:$0x3FAA] =	sst s4  }
0xd: {  	[smem:$0x3FAB] =	sst s5  }
0xe: {  	[smem:$0x3FAC] =	sst s6  }
0xf: {  	[smem:$0x3FAD] =	sst s7  }
0x10: {  	[smem:$0x3FAE] =	sst s8  }
0x11: {  	[smem:$0x3FAF] =	sst s9;
	s0 =	simm.s32 @!p0 $0x0  }
0x12: {  	s1 =	sld [smem:$0x3F95];
	s0 =	simm.s32 @p0 $0x1  }
0x13: {  	[smem:$0x3FB0] =	sst s0;
	s0 =	simm.s32 @!p1 $0x0  }
0x14: {  	s2 =	sld [smem:$0x3F94];
	s0 =	simm.s32 @p1 $0x1  }
0x15: {  	[smem:$0x3FB1] =	sst s0;
	s0 =	simm.s32 @!p2 $0x0  }
0x16: {  	s3 =	sld [smem:$0x3FDB];
	s0 =	simm.s32 @p2 $0x1  }
0x17: {  	s4 =	simm.s32 $0x1BF5;
	[smem:$0x3FB3] =	sst s0  }
0x18: {  	s0 =	sld [smem:$0x3F96];
	_ =	swait.ge [sflag:s4], $0x0  }
0x19: {  	s7 =	sld [smem:$0x3F97]  }
0x1a: {  	s8 =	sadd.s32 $0xFFFFE003, lr  }
0x1b: {  	s9 =	sadd.s32 $0xFFFFFEF7, lr;
	s5 =	simm.s32 $0xFFFFFFFF;
	p2 =	slt.u32 s8, $0xFFFFF086  }
0x1c: {  	p1 =	slt.u32 s9, $0xF7A;
	s5 =	simm.s32 @!p2 $0x0  }
0x1d: {  	s5 =	simm.s32 @p1 $0x1;
	p0 =	seq.s32 s7, s2  }
0x1e: {  	s7 =	smul.u32 @!p0 $0xF7A, s2;
	p2 =	seq.s32 @!p0 s5, $0x0  }
0x1f: {  	s9 =	smul.u32 $0xF7A, s1;
	s8 =	simm.s32 @!p0 $0x1BF5;
	p2 =	por !p2, p0  }
0x20: {  	[sflag:s8] =	ssyncset.s32 @!p0 $0xFFFFF086;
	s6 =	sadd.s32 @!p0 s3, s7;
	s7 =	simm.s32 @!p0 $0x108  }
0x21: {  	s3 =	sadd.s32 s3, s9;
	s6 =	sadd.s32 @!p0 $0x88, s6;
	s7 =	simm.s32 @p2 $0x1082  }
0x22: {  	[simem:s7], [sflag:s8] =	dma.local @!p0 [hbm:s6], $0xF7A  }
0x23: {  	s9 =	sor.u32 $0xD0000000, s2;
	s6 =	simm.s32 $0x108;
	_ =	swait.ge @!p0 [sflag:s8], $0x0  }
0x24: {  	s3 =	sadd.s32 $0x88, s3;
	s6 =	simm.s32 @!p1 $0x1082;
	[sflag:s4] =	ssyncset.s32 $0xFFFFF086  }
0x25: {  	[simem:s6], [sflag:s4] =	dma.local [hbm:s3], $0xF7A  }
0x26: {  	[smem:$0x3F97] =	sst s1;
	(tag) =	ssettag s2;
	_ =	strace s9  }
0x27: {  	s1 =	sld [smem:$0x3FA7]  }
0x28: {  	s2 =	sld [smem:$0x3FA8]  }
0x29: {  	s4 =	sld [smem:$0x3FAA]  }
0x2a: {  	p0 =	seq.s32 s5, $0x0;
	s5 =	sld [smem:$0x3FAB]  }
0x2b: {  	s6 =	sld [smem:$0x3FAC]  }
0x2c: {  	s7 =	sld [smem:$0x3FAD]  }
0x2d: {  	s3 =	simm.s32 $0x108;
	s8 =	sld [smem:$0x3FAE]  }
0x2e: {  	s3 =	simm.s32 @!p0 $0x1082;
	s9 =	sld [smem:$0x3FAF]  }
0x2f: {  	lr =	sadd.s32 s0, s3;
	s0 =	sld [smem:$0x3FA6]  }
0x30: {  	s3 =	sld [smem:$0x3FA9]  }
0x31: {  	[smem:$0x3FB2] =	sst s10  }
0x32: {  	s10 =	sld [smem:$0x3FB0];
	_ =	sdelay $0x3  }
0x33: {  	p0 =	seq.s32 s10, $0x1;
	s10 =	sld [smem:$0x3FB2];
	_ =	sdelay $0x3  }
0x34: {  	[smem:$0x3FB2] =	sst s10  }
0x35: {  	s10 =	sld [smem:$0x3FB1];
	_ =	sdelay $0x3  }
0x36: {  	p1 =	seq.s32 s10, $0x1;
	s10 =	sld [smem:$0x3FB2];
	_ =	sdelay $0x3  }
0x37: {  	[smem:$0x3FB2] =	sst s10  }
0x38: {  	s10 =	sld [smem:$0x3FB3]  }
0x39: {  	_ = 	snop;
	(pc) =	sbr.ind lr, $3  }
0x3a: {  	_ = 	snop  }
0x3b: {  	_ = 	snop  }
0x3c: {  	p2 =	seq.s32 s10, $0x1;
	s10 =	sld [smem:$0x3FB2]  }
0x3d: {  	_ =	shalt  }
0x3e: {  	_ =	shalt  }
0x3f: {  	_ =	shalt  }
0x40: {  	_ =	shalt  }
0x41: {  	_ =	shalt  }
0x42: {  	_ =	shalt  }
0x43: {  	_ =	shalt  }
0x44: {  	_ =	shalt  }
0x45: {  	_ =	shalt  }
0x46: {  	_ =	shalt  }
0x47: {  	_ =	shalt  }
0x48: {  	_ =	shalt  }
0x49: {  	_ =	shalt  }
0x4a: {  	_ =	shalt  }
0x4b: {  	_ =	shalt  }
0x4c: {  	_ =	shalt  }
0x4d: {  	_ =	shalt  }
0x4e: {  	_ =	shalt  }
0x4f: {  	_ =	shalt  }
0x50: {  	_ =	shalt  }
0x51: {  	_ =	shalt  }
0x52: {  	_ =	shalt  }
0x53: {  	_ =	shalt  }
0x54: {  	_ =	shalt  }
0x55: {  	_ =	shalt  }
0x56: {  	_ =	shalt  }
0x57: {  	_ =	shalt  }
0x58: {  	_ =	shalt  }
0x59: {  	_ =	shalt  }
0x5a: {  	_ =	shalt  }
0x5b: {  	_ =	shalt  }
0x5c: {  	_ =	shalt  }
0x5d: {  	_ =	shalt  }
0x5e: {  	_ =	shalt  }
0x5f: {  	_ =	shalt  }
0x60: {  	_ =	shalt  }
0x61: {  	_ =	shalt  }
0x62: {  	_ =	shalt  }
0x63: {  	_ =	shalt  }
0x64: {  	_ =	shalt  }
0x65: {  	_ =	shalt  }
0x66: {  	_ =	shalt  }
0x67: {  	_ =	shalt  }
0x68: {  	_ =	shalt  }
0x69: {  	_ =	shalt  }
0x6a: {  	_ =	shalt  }
0x6b: {  	_ =	shalt  }
0x6c: {  	_ =	shalt  }
0x6d: {  	_ =	shalt  }
0x6e: {  	_ =	shalt  }
0x6f: {  	_ =	shalt  }
0x70: {  	_ =	shalt  }
0x71: {  	_ =	shalt  }
0x72: {  	_ =	shalt  }
0x73: {  	_ =	shalt  }
0x74: {  	_ =	shalt  }
0x75: {  	_ =	shalt  }
0x76: {  	_ =	shalt  }
0x77: {  	_ =	shalt  }
0x78: {  	_ =	shalt  }
0x79: {  	_ =	shalt  }
0x7a: {  	_ =	shalt  }
0x7b: {  	_ =	shalt  }
0x7c: {  	_ =	shalt  }
0x7d: {  	_ =	shalt  }
0x7e: {  	_ =	shalt  }
0x7f: {  	_ =	shalt  }
0x80: {  	_ =	shalt  }
0x81: {  	_ =	shalt  }
0x82: {  	_ =	shalt  }
0x83: {  	_ =	shalt  }
0x84: {  	_ =	shalt  }
0x85: {  	_ =	shalt  }
0x86: {  	_ =	shalt  }
0x87: {  	_ =	shalt  }
.Lfunc_end0:
.L_simem_size_0:
called_computation.2_lowered:
.L_overlay_start_0:
0x88: {  	s2 =	sld [smem:$0x3FD9]  }
0x89: {  	s3 =	sld [smem:$0x3FFE];
	_ =	sdelay $0x1  }
0x8a: {  	s1 =	srdreg.scid  }
0x8b: {  	s0 =	sand.u32 $0x1, s1  }
0x8c: {  	s17 =	sshll.u32 s0, $0xA;
	s2 =	sadd.s32 s3, s2  }
0x8d: {  	s2 =	sadd.s32 s2, s17  }
0x8e: {  	[smem:$0x3FBE] =	sst s2  }
0x8f: {  	_ = 	snop  }
0x90: {  	s2 =	sld [smem:$0x3FD0];
	(tm) =	ssettm $0x1  }
0x91: {  	s18 =	sld [smem:$0x3FFB];
	_ =	sdelay $0x3  }
0x92: {  	_ =	strace s18  }
0x93: {  	s3 =	sld [smem:$0x3FFC];
	_ =	sdelay $0x3  }
0x94: {  	_ =	strace s3  }
0x95: {  	s3 =	sld [smem:$0x3FFD];
	_ =	sdelay $0x3  }
0x96: {  	_ =	strace s3  }
0x97: {  	_ =	strace $0x8FFFFFFF  }
0x98: {  	s19 =	sld [smem:$0x3FDB];
	_ =	sdelay $0x1  }
0x99: {  	s4 =	simm.s32 $_scs_section_size  }
0x9a: {  	s5 =	simm.s32 $_size__tile_overlayer_lowered;
	s6 =	simm.s32 $_tile_overlayer_lowered  }
0x9b: {  	s22 =	simm.s32 $0x1BFF;
	s21 =	sshll.u32 s6, $0x1;
	s3 =	sadd.s32 s4, s19  }
0x9c: {  	s7 =	simm.s32 $0x0;
	s20 =	sshll.u32 s5, $0x1;
	s5 =	sadd.s32 s21, s3  }
0x9d: {  	[timem:s7], [sflag:s22] =	dma.local [hbm:s5], s20  }
0x9e: {  	_ =	swait.ge [sflag:s22], s20  }
0x9f: {  	s4 =	ssub.s32 $0x0, s20;
	[sflag:s22] =	ssyncset.done $0x0  }
0xa0: {  	[sflag:s22] =	ssyncadd.s32 s4;
	_ =	sdelay $0x1  }
0xa1: {  	s23 =	simm.s32 $0x1B8B  }
0xa2: {  	_ =	swait.ge [sflag:s23], $0x1  }
0xa3: {  	[sflag:s23] =	ssyncset.done $0x0  }
0xa4: {  	s25 =	simm.s32 $0x1B8E;
	s24 =	sld [smem:$0x3FFE];
	[sflag:s23] =	ssyncadd.s32 $0xFFFFFFFF  }
0xa5: {  	s26 =	simm.s32 $execute0_lowered;
	[smem:$0x3FD2] =	sst s25  }
0xa6: {  	s5 =	sshll.u32 s26, $0x1;
	_ =	strace $0x8000004C;
	[dreg:$0x1] =	wrdreg $0xFFFFFFFF  }
0xa7: {  	s28 =	simm.s32 $_size_execute0_lowered;
	s3 =	sadd.s32 s3, s5;
	[dreg:$0x0] =	wrdreg $0x0  }
0xa8: {  	s5 =	sshll.u32 s28, $0x1;
	[dreg:$0x2] =	wrdreg s3  }
0xa9: {  	[dreg:$0x3] =	wrdreg s5  }
0xaa: {  	[dreg:$0x4] =	wrdreg $0xC0  }
0xab: {  	_ =	task [dreg:s7], $0x5FFFF  }
0xac: {  	[dreg:$0x1] =	wrdreg $0xFFFFFFFF  }
0xad: {  	[dreg:$0x0] =	wrdreg $0x60  }
0xae: {  	[dreg:$0x2] =	wrdreg s24  }
0xaf: {  	[dreg:$0x3] =	wrdreg s2  }
0xb0: {  	[dreg:$0x4] =	wrdreg $0x84000  }
0xb1: {  	[dreg:$0x5] =	wrdreg $0x9  }
0xb2: {  	_ =	task.clear_ibuf [dreg:s7], $0x6FFFF;
	_ =	strace $0x9000004C  }
0xb3: {  	s29 =	simm.s32 $0x9;
	_ =	strace $0x8000004E  }
0xb4: {  	_ =	swait.ge [sflag:s29], $0x1  }
0xb5: {  	[sflag:s29] =	ssyncadd.s32 $0xFFFFFFFF  }
0xb6: {  	_ =	strace $0x9000004E  }
0xb7: {  	_ =	sfence  }
0xb8: {  	s30 =	sld [smem:$0x0];
	_ =	sdelay $0x2  }
0xb9: {  	s31 =	sshll.u32 s1, $0xD;
	s1 =	sshrl.u32 s1, $0x2  }
0xba: {  	s3 =	sand.u32 $0x4000, s31;
	s1 =	sadd.s32 s1, s30  }
0xbb: {  	s0 =	sor.u32 s3, s0;
	s1 =	sshll.u32 s1, $0x11  }
0xbc: {  	s0 =	sor.u32 s1, s0  }
0xbd: {  	s0 =	sadd.s32 $0x8F2B, s0  }
0xbe: {  	[sflag:s0] =	ssyncadd.remote.s32 $0x1  }
0xbf: {  	_ =	sfence.sel $0xFFFF  }
0xc0: {  	[dreg:$0x0] =	wrdreg $0xFFFFFFFF;
	(pc) =	sbr.abs _section_cstart, $3  }
0xc1: {  	[dreg:$0x1] =	wrdreg $0xFFFFFFFF  }
0xc2: {  	_ =	task.clear_ibuf [dreg:s7], $0x2FFFF;
	_ =	strace $0x9FFFFFFF  }
0xc3: {  	(tm) =	ssettm $0x7FFFFFFF  }
tec
execute0_lowered:
.L_overlay_start_1:
0x0: {  	(tag) =	ssettag $0x1  }
0x1: {  	s0 =	rddreg [dreg:$0x0]  }
0x2: {  	s1 =	rddreg [dreg:$0x1]  }
0x3: {  	s2 =	rddreg [dreg:$0x2]  }
0x4: {  	s3 =	simm.s32 $0x0;
	s4 =	srdreg.scid;
	s18 =	stileid.u32  }
0x5: {  	[smem:$0x7FF] =	sst s3;
	s5 =	sadd.s32 $0x5E200, s0;
	s6 =	sadd.s32 $0x2A00, s0  }
0x6: {  	s4 =	sand.u32 $0x1, s4;
	s7 =	sadd.s32 $0xDA00, s0;
	s9 =	smul.u32 $0x50000, s18  }
0x7: {  	s0 =	sadd.s32 $0xE200, s0;
	s11 =	smul.u32 $0x14000, s18;
	_ =	strace $0x8000004D  }
0x8: {  	s8 =	ssub.s32 $0x2, s4;
	s25 =	sshll.u32 s4, $0x4;
	s4 =	smul.u32 $0x140000, s4  }
0x9: {  	s10 =	sshrl.u32 s8, $0x1;
	s9 =	sshrl.u32 s9, $0x2;
	s26 =	sadd.s32 $0x4000, s11  }
0xa: {  	s28 =	sadd.s32 $0x8000, s11;
	s29 =	sadd.s32 $0xC000, s11;
	s9 =	sadd.s32 s9, s2  }
0xb: {  	s14 =	sadd.s32 $0x10000, s11;
	s12 =	sadd.s32 s26, s2;
	[dreg:$0x5] =	wrdreg s9  }
0xc: {  	s8 =	ssub.s32 s8, s10;
	s13 =	sadd.s32 s28, s2;
	[dreg:$0x6] =	wrdreg s12  }
0xd: {  	s10 =	sor.u32 s18, s25;
	s15 =	sadd.s32 s29, s2;
	[dreg:$0x7] =	wrdreg s13  }
0xe: {  	s30 =	sadd.s32 s14, s2;
	s11 =	sadd.s32 s11, s4;
	[dreg:$0x8] =	wrdreg s15  }
0xf: {  	s10 =	smul.u32 $0x2C00, s10;
	[dreg:$0x9] =	wrdreg s30;
	s9 =	sadd.s32 s4, s26  }
0x10: {  	s12 =	sadd.s32 s4, s28;
	s13 =	sadd.s32 s4, s29;
	s4 =	sadd.s32 s4, s14  }
0x11: {  	s11 =	sshrl.u32 s11, $0x3;
	s30 =	sshll.u32 s18, $0x6;
	s14 =	simm.s32 $0x2  }
0x12: {  	s15 =	simm.s32 $0x4400;
	s18 =	simm.s32 $0x5;
	s9 =	sshrl.u32 s9, $0x3  }
0x13: {  	s11 =	sadd.s32 s0, s11;
	s20 =	sshrl.u32 s12, $0x3;
	s21 =	sshrl.u32 s13, $0x3  }
0x14: {  	s4 =	sshrl.u32 s4, $0x3;
	[dreg:$0x19] =	wrdreg s30;
	s12 =	simm.s32 $0x1  }
0x15: {  	s13 =	simm.s32 $0x400;
	s17 =	sadd.s32 $0x400, s10;
	[dreg:$0xd] =	wrdreg s11  }
0x16: {  	s31 =	sshrl.u32 s10, $0x3;
	s9 =	sadd.s32 s0, s9;
	[dreg:$0x4] =	wrdreg s17  }
0x17: {  	s16 =	sor.u32 $0x10, s31;
	[dreg:$0xe] =	wrdreg s9;
	s9 =	sadd.s32 s0, s20  }
0x18: {  	s17 =	sor.u32 $0x20, s31;
	s25 =	sadd.s32 s5, s31;
	[dreg:$0xf] =	wrdreg s9  }
0x19: {  	s22 =	sor.u32 $0x30, s31;
	s26 =	sadd.s32 s6, s31;
	[dreg:$0x15] =	wrdreg s25  }
0x1a: {  	s28 =	sor.u32 $0x40, s31;
	s31 =	smax.u32 s8, $0x1;
	[dreg:$0x16] =	wrdreg s26  }
0x1b: {  	s11 =	simm.s32 $0x180;
	s19 =	sadd.s32 s5, s16;
	[dreg:$0x1a] =	wrdreg s31  }
0x1c: {  	s8 =	simm.s32 $0x80;
	s16 =	sadd.s32 s6, s16;
	[dreg:$0xa] =	wrdreg s19  }
0x1d: {  	s20 =	simm.s32 $0x7;
	s9 =	sadd.s32 s0, s21;
	[dreg:$0xb] =	wrdreg s16  }
0x1e: {  	s0 =	sadd.s32 s0, s4;
	s23 =	sadd.s32 s6, s17;
	[dreg:$0x10] =	wrdreg s9  }
0x1f: {  	s24 =	sadd.s32 s5, s22;
	s29 =	sadd.s32 s5, s28;
	[dreg:$0x11] =	wrdreg s0  }
0x20: {  	s4 =	simm.s32 $0x8;
	s21 =	simm.s32 $0x6;
	[dreg:$0x12] =	wrdreg s23  }
0x21: {  	s25 =	simm.s32 $0x9;
	s26 =	simm.s32 $0x0;
	[dreg:$0x13] =	wrdreg s24  }
0x22: {  	s19 =	sadd.s32 s5, s17;
	s0 =	sadd.s32 s6, s22;
	[dreg:$0x17] =	wrdreg s29  }
0x23: {  	s9 =	simm.s32 $0x100;
	s16 =	simm.s32 $0x200;
	s17 =	simm.s32 $0x280  }
0x24: {  	s22 =	simm.s32 $0x300;
	s23 =	simm.s32 $0x4;
	[dreg:$0xc] =	wrdreg s19  }
0x25: {  	s24 =	simm.s32 $0x380;
	[dreg:$0x14] =	wrdreg s0;
	s0 =	sadd.s32 s6, s28  }
0x26: {  	s19 =	simm.s32 $0x3;
	[dreg:$0x18] =	wrdreg s0;
	s0 =	sor.u32 $0x1C08, s30  }
.LBB2_1:
0x27: {  	s28 =	rddreg [dreg:$0x5]  }
0x28: {  	s28 =	sshrl.u32 s28, $0x3  }
0x29: {  	[dreg:$0x1f] =	wrdreg s28  }
0x2a: {  	[spmem:s28], [sflag:s0] =	dma.local [hbm:s7], $0x800  }
0x2b: {  	s28 =	rddreg [dreg:$0x6]  }
0x2c: {  	s28 =	sshrl.u32 s28, $0x3  }
0x2d: {  	[dreg:$0x1e] =	wrdreg s28  }
0x2e: {  	[spmem:s28], [sflag:s0] =	dma.local [hbm:s7], $0x800  }
0x2f: {  	s28 =	rddreg [dreg:$0x7]  }
0x30: {  	s28 =	sshrl.u32 s28, $0x3  }
0x31: {  	[dreg:$0x1d] =	wrdreg s28  }
0x32: {  	[spmem:s28], [sflag:s0] =	dma.local [hbm:s7], $0x800  }
0x33: {  	s28 =	rddreg [dreg:$0x8]  }
0x34: {  	s28 =	sshrl.u32 s28, $0x3  }
0x35: {  	[dreg:$0x1c] =	wrdreg s28  }
0x36: {  	[spmem:s28], [sflag:s0] =	dma.local [hbm:s7], $0x800  }
0x37: {  	s28 =	rddreg [dreg:$0x9]  }
0x38: {  	s28 =	sshrl.u32 s28, $0x3  }
0x39: {  	[dreg:$0x1b] =	wrdreg s28  }
0x3a: {  	[spmem:s28], [sflag:s0] =	dma.local [hbm:s7], $0x800  }
0x3b: {  	_ =	swait.ge [sflag:s4], $0x800  }
0x3c: {  	[sflag:s4] =	ssyncset.done $0x0  }
0x3d: {  	[sflag:s4] =	ssyncadd.s32 $0xFFFFF800  }
0x3e: {  	_ =	swait.ge [sflag:s4], $0x800  }
0x3f: {  	[sflag:s4] =	ssyncset.done $0x0  }
0x40: {  	[sflag:s4] =	ssyncadd.s32 $0xFFFFF800  }
0x41: {  	_ =	swait.ge [sflag:s4], $0x800  }
0x42: {  	[sflag:s4] =	ssyncset.done $0x0  }
0x43: {  	[sflag:s4] =	ssyncadd.s32 $0xFFFFF800  }
0x44: {  	_ =	swait.ge [sflag:s4], $0x800  }
0x45: {  	[sflag:s4] =	ssyncset.done $0x0  }
0x46: {  	[sflag:s4] =	ssyncadd.s32 $0xFFFFF800  }
0x47: {  	_ =	swait.ge [sflag:s4], $0x800  }
0x48: {  	[sflag:s4] =	ssyncset.done $0x0  }
0x49: {  	[sflag:s4] =	ssyncadd.s32 $0xFFFFF800  }
0x4a: {  	[bflag:$0x0] =	sbarrier.arrive $0xFFFF  }
0x4b: {  	s31 =	rddreg [dreg:$0x15]  }
0x4c: {  	[tilespmem:s3], [sflag:$0x1] =	stream.linear.gather [hbm4b:s31+s3], $0x80, $0x38;
	[tilespmem:$0x1C400] =	vst v63  }
0x4d: {  	s31 =	rddreg [dreg:$0x16]  }
0x4e: {  	[tilespmem:s8], [sflag:$0x1] =	stream.linear.gather [hbm4b:s31+s3], $0x80, $0x38;
	[tilespmem:$0x1C400] =	vst v63  }
0x4f: {  	s31 =	rddreg [dreg:$0xa]  }
0x50: {  	[tilespmem:s9], [sflag:$0x2] =	stream.linear.gather [hbm4b:s31+s3], $0x80, $0x38;
	[tilespmem:$0x1C400] =	vst v63  }
0x51: {  	s31 =	rddreg [dreg:$0xb]  }
0x52: {  	[tilespmem:s11], [sflag:$0x2] =	stream.linear.gather [hbm4b:s31+s3], $0x80, $0x38;
	[tilespmem:$0x1C400] =	vst v63  }
0x53: {  	_ =	swait.ge [sflag:s12], $0x80  }
0x54: {  	[sflag:s12] =	ssyncset.done $0x0  }
0x55: {  	[sflag:s12] =	ssyncadd.s32 $0xFFFFFF80  }
0x56: {  	_ =	swait.ge [sflag:s12], $0x80  }
0x57: {  	[sflag:s12] =	ssyncset.done $0x0  }
0x58: {  	[sflag:s12] =	ssyncadd.s32 $0xFFFFFF80  }
0x59: {  	[tilespmem:s13], [sflag:$0x5] =	stream.indirect.gather [hbm4b:s1+s8], $0x80, s3, s8, $0xb8;
	[tilespmem:$0x1C400] =	vst v63  }
0x5a: {  	_ =	swait.ge [sflag:s14], $0x80  }
0x5b: {  	[sflag:s14] =	ssyncset.done $0x0  }
0x5c: {  	[sflag:s14] =	ssyncadd.s32 $0xFFFFFF80  }
0x5d: {  	_ =	swait.ge [sflag:s14], $0x80  }
0x5e: {  	[sflag:s14] =	ssyncset.done $0x0  }
0x5f: {  	[sflag:s14] =	ssyncadd.s32 $0xFFFFFF80  }
0x60: {  	[tilespmem:s15], [sflag:$0x6] =	stream.indirect.gather [hbm4b:s1+s8], $0x80, s9, s8, $0xb8;
	[tilespmem:$0x1C400] =	vst v63  }
0x61: {  	s31 =	rddreg [dreg:$0xc]  }
0x62: {  	[tilespmem:s16], [sflag:$0x3] =	stream.linear.gather [hbm4b:s31+s3], $0x80, $0x38;
	[tilespmem:$0x1C400] =	vst v63  }
0x63: {  	s31 =	rddreg [dreg:$0x12]  }
0x64: {  	[tilespmem:s17], [sflag:$0x3] =	stream.linear.gather [hbm4b:s31+s3], $0x80, $0x38;
	[tilespmem:$0x1C400] =	vst v63  }
0x65: {  	_ =	swait.ge [sflag:s18], $0x4000  }
0x66: {  	[sflag:s18] =	ssyncset.done $0x0  }
0x67: {  	[sflag:s18] =	ssyncadd.s32 $0xFFFFC000  }
0x68: {  	[spmem:s2] =	stream.indirect.scatter.add.f32 [tilespmem:s13], [sflag:$0x7], $0x80, s8, s8, $0xb8;
	[tilespmem:$0x1C400] =	vst v63  }
0x69: {  	_ =	swait.ge [sflag:s19], $0x80  }
0x6a: {  	[sflag:s19] =	ssyncset.done $0x0  }
0x6b: {  	[sflag:s19] =	ssyncadd.s32 $0xFFFFFF80  }
0x6c: {  	_ =	swait.ge [sflag:s19], $0x80  }
0x6d: {  	[sflag:s19] =	ssyncset.done $0x0  }
0x6e: {  	[sflag:s19] =	ssyncadd.s32 $0xFFFFFF80  }
0x6f: {  	_ =	swait.ge [sflag:s20], $0x4000  }
0x70: {  	[sflag:s20] =	ssyncset.done $0x0  }
0x71: {  	[sflag:s20] =	ssyncadd.s32 $0xFFFFC000  }
0x72: {  	[tilespmem:s13], [sflag:$0x5] =	stream.indirect.gather [hbm4b:s1+s8], $0x80, s16, s8, $0xb8;
	[tilespmem:$0x1C400] =	vst v63  }
0x73: {  	_ =	swait.ge [sflag:s21], $0x4000  }
0x74: {  	[sflag:s21] =	ssyncset.done $0x0  }
0x75: {  	[sflag:s21] =	ssyncadd.s32 $0xFFFFC000  }
0x76: {  	[spmem:s2] =	stream.indirect.scatter.add.f32 [tilespmem:s15], [sflag:$0x7], $0x80, s11, s8, $0xb8;
	[tilespmem:$0x1C400] =	vst v63  }
0x77: {  	s31 =	rddreg [dreg:$0x13]  }
0x78: {  	[tilespmem:s22], [sflag:$0x4] =	stream.linear.gather [hbm4b:s31+s3], $0x80, $0x38;
	[tilespmem:$0x1C400] =	vst v63  }
0x79: {  	s31 =	rddreg [dreg:$0x14]  }
0x7a: {  	[tilespmem:s24], [sflag:$0x4] =	stream.linear.gather [hbm4b:s31+s3], $0x80, $0x38;
	[tilespmem:$0x1C400] =	vst v63  }
0x7b: {  	_ =	swait.ge [sflag:s23], $0x80  }
0x7c: {  	[sflag:s23] =	ssyncset.done $0x0  }
0x7d: {  	[sflag:s23] =	ssyncadd.s32 $0xFFFFFF80  }
0x7e: {  	_ =	swait.ge [sflag:s23], $0x80  }
0x7f: {  	[sflag:s23] =	ssyncset.done $0x0  }
0x80: {  	[sflag:s23] =	ssyncadd.s32 $0xFFFFFF80  }
0x81: {  	_ =	swait.ge [sflag:s20], $0x4000  }
0x82: {  	[sflag:s20] =	ssyncset.done $0x0  }
0x83: {  	[sflag:s20] =	ssyncadd.s32 $0xFFFFC000  }
0x84: {  	[tilespmem:s15], [sflag:$0x6] =	stream.indirect.gather [hbm4b:s1+s8], $0x80, s22, s8, $0xb8;
	[tilespmem:$0x1C400] =	vst v63  }
0x85: {  	_ =	swait.ge [sflag:s18], $0x4000  }
0x86: {  	[sflag:s18] =	ssyncset.done $0x0  }
0x87: {  	[sflag:s18] =	ssyncadd.s32 $0xFFFFC000  }
0x88: {  	[spmem:s2] =	stream.indirect.scatter.add.f32 [tilespmem:s13], [sflag:$0x7], $0x80, s17, s8, $0xb8;
	[tilespmem:$0x1C400] =	vst v63  }
0x89: {  	s31 =	rddreg [dreg:$0x17]  }
0x8a: {  	[tilespmem:s3], [sflag:$0x1] =	stream.linear.gather [hbm4b:s31+s3], $0x80, $0x38;
	[tilespmem:$0x1C400] =	vst v63  }
0x8b: {  	s31 =	rddreg [dreg:$0x18]  }
0x8c: {  	[tilespmem:s8], [sflag:$0x1] =	stream.linear.gather [hbm4b:s31+s3], $0x80, $0x38;
	[tilespmem:$0x1C400] =	vst v63  }
0x8d: {  	_ =	swait.ge [sflag:s12], $0x80  }
0x8e: {  	[sflag:s12] =	ssyncset.done $0x0  }
0x8f: {  	[sflag:s12] =	ssyncadd.s32 $0xFFFFFF80  }
0x90: {  	_ =	swait.ge [sflag:s12], $0x80  }
0x91: {  	[sflag:s12] =	ssyncset.done $0x0  }
0x92: {  	[sflag:s12] =	ssyncadd.s32 $0xFFFFFF80  }
0x93: {  	_ =	swait.ge [sflag:s20], $0x4000  }
0x94: {  	s29 =	simm.s32 $0x280;
	[sflag:s20] =	ssyncset.done $0x0  }
0x95: {  	s30 =	sand.u32 $0x7C00, s29;
	[sflag:s20] =	ssyncadd.s32 $0xFFFFC000  }
0x96: {  	[tilespmem:s13], [sflag:$0x5] =	stream.indirect.gather [hbm4b:s1+s8], $0x80, s3, s8, $0xb8;
	[tilespmem:$0x1C400] =	vst v63  }
0x97: {  	s29 =	sand.u32 $0x280, s29;
	s30 =	sadd.s32 s10, s30;
	_ =	swait.ge [sflag:s21], $0x4000  }
0x98: {  	s29 =	sor.u32 s29, s30;
	[sflag:s21] =	ssyncset.done $0x0  }
0x99: {  	s29 =	sshrl.u32 s29, $0x3;
	[sflag:s21] =	ssyncadd.s32 $0xFFFFC000  }
0x9a: {  	[spmem:s2] =	stream.indirect.scatter.add.f32 [tilespmem:s15], [sflag:$0x7], $0x80, s24, s8, $0xb8;
	[tilespmem:$0x1C400] =	vst v63  }
0x9b: {  	s30 =	sadd.s32 s5, s29  }
0x9c: {  	[tilespmem:s9], [sflag:$0x2] =	stream.linear.gather [hbm4b:s30+s3], $0x80, $0x38;
	[tilespmem:$0x1C400] =	vst v63  }
0x9d: {  	s29 =	sadd.s32 s6, s29  }
0x9e: {  	[tilespmem:s11], [sflag:$0x2] =	stream.linear.gather [hbm4b:s29+s3], $0x80, $0x38;
	[tilespmem:$0x1C400] =	vst v63  }
0x9f: {  	_ =	swait.ge [sflag:s14], $0x80  }
0xa0: {  	[sflag:s14] =	ssyncset.done $0x0  }
0xa1: {  	[sflag:s14] =	ssyncadd.s32 $0xFFFFFF80  }
0xa2: {  	_ =	swait.ge [sflag:s14], $0x80  }
0xa3: {  	[sflag:s14] =	ssyncset.done $0x0  }
0xa4: {  	[sflag:s14] =	ssyncadd.s32 $0xFFFFFF80  }
0xa5: {  	_ =	swait.ge [sflag:s20], $0x4000  }
0xa6: {  	s29 =	simm.s32 $0x300;
	[sflag:s20] =	ssyncset.done $0x0  }
0xa7: {  	s30 =	sand.u32 $0x7C00, s29;
	[sflag:s20] =	ssyncadd.s32 $0xFFFFC000  }
0xa8: {  	[tilespmem:s15], [sflag:$0x6] =	stream.indirect.gather [hbm4b:s1+s8], $0x80, s9, s8, $0xb8;
	[tilespmem:$0x1C400] =	vst v63  }
0xa9: {  	s29 =	sand.u32 $0x300, s29;
	s30 =	sadd.s32 s10, s30;
	_ =	swait.ge [sflag:s18], $0x4000  }
0xaa: {  	s29 =	sor.u32 s29, s30;
	[sflag:s18] =	ssyncset.done $0x0  }
0xab: {  	s29 =	sshrl.u32 s29, $0x3;
	[sflag:s18] =	ssyncadd.s32 $0xFFFFC000  }
0xac: {  	[spmem:s2] =	stream.indirect.scatter.add.f32 [tilespmem:s13], [sflag:$0x7], $0x80, s8, s8, $0xb8;
	[tilespmem:$0x1C400] =	vst v63  }
0xad: {  	s30 =	sadd.s32 s5, s29  }
0xae: {  	[tilespmem:s16], [sflag:$0x3] =	stream.linear.gather [hbm4b:s30+s3], $0x80, $0x38;
	[tilespmem:$0x1C400] =	vst v63  }
0xaf: {  	s29 =	sadd.s32 s6, s29  }
0xb0: {  	[tilespmem:s17], [sflag:$0x3] =	stream.linear.gather [hbm4b:s29+s3], $0x80, $0x38;
	[tilespmem:$0x1C400] =	vst v63  }
0xb1: {  	_ =	swait.ge [sflag:s19], $0x80  }
0xb2: {  	[sflag:s19] =	ssyncset.done $0x0  }
0xb3: {  	[sflag:s19] =	ssyncadd.s32 $0xFFFFFF80  }
0xb4: {  	_ =	swait.ge [sflag:s19], $0x80  }
0xb5: {  	[sflag:s19] =	ssyncset.done $0x0  }
0xb6: {  	[sflag:s19] =	ssyncadd.s32 $0xFFFFFF80  }
0xb7: {  	_ =	swait.ge [sflag:s20], $0x4000  }
0xb8: {  	[sflag:s20] =	ssyncset.done $0x0  }
0xb9: {  	s29 =	sand.u32 $0x7C00, s24;
	[sflag:s20] =	ssyncadd.s32 $0xFFFFC000  }
0xba: {  	[tilespmem:s13], [sflag:$0x5] =	stream.indirect.gather [hbm4b:s1+s8], $0x80, s16, s8, $0xb8;
	[tilespmem:$0x1C400] =	vst v63  }
0xbb: {  	s30 =	sand.u32 $0x380, s24;
	s29 =	sadd.s32 s10, s29;
	_ =	swait.ge [sflag:s21], $0x4000  }
0xbc: {  	s29 =	sor.u32 s30, s29;
	[sflag:s21] =	ssyncset.done $0x0  }
0xbd: {  	s29 =	sshrl.u32 s29, $0x3;
	[sflag:s21] =	ssyncadd.s32 $0xFFFFC000  }
0xbe: {  	[spmem:s2] =	stream.indirect.scatter.add.f32 [tilespmem:s15], [sflag:$0x7], $0x80, s11, s8, $0xb8;
	[tilespmem:$0x1C400] =	vst v63  }
0xbf: {  	s30 =	sadd.s32 s5, s29  }
0xc0: {  	[tilespmem:s22], [sflag:$0x4] =	stream.linear.gather [hbm4b:s30+s3], $0x80, $0x38;
	[tilespmem:$0x1C400] =	vst v63  }
0xc1: {  	s29 =	sadd.s32 s6, s29  }
0xc2: {  	[tilespmem:s24], [sflag:$0x4] =	stream.linear.gather [hbm4b:s29+s3], $0x80, $0x38;
	[tilespmem:$0x1C400] =	vst v63  }
0xc3: {  	_ =	swait.ge [sflag:s23], $0x80  }
0xc4: {  	[sflag:s23] =	ssyncset.done $0x0  }
0xc5: {  	[sflag:s23] =	ssyncadd.s32 $0xFFFFFF80  }
0xc6: {  	_ =	swait.ge [sflag:s23], $0x80  }
0xc7: {  	[sflag:s23] =	ssyncset.done $0x0  }
0xc8: {  	[sflag:s23] =	ssyncadd.s32 $0xFFFFFF80  }
0xc9: {  	_ =	swait.ge [sflag:s20], $0x4000  }
0xca: {  	[sflag:s20] =	ssyncset.done $0x0  }
0xcb: {  	[sflag:s20] =	ssyncadd.s32 $0xFFFFC000  }
0xcc: {  	[tilespmem:s15], [sflag:$0x6] =	stream.indirect.gather [hbm4b:s1+s8], $0x80, s22, s8, $0xb8;
	[tilespmem:$0x1C400] =	vst v63  }
0xcd: {  	s30 =	simm.s32 $0x0;
	_ =	swait.ge [sflag:s18], $0x4000  }
0xce: {  	s31 =	sand.u32 $0x3C00, s30;
	s29 =	rddreg [dreg:$0x4]  }
0xcf: {  	s30 =	sand.u32 $0x200, s30;
	s29 =	sadd.s32 s31, s29  }
0xd0: {  	[sflag:s18] =	ssyncset.done $0x0;
	s30 =	sor.u32 s30, s29  }
0xd1: {  	[sflag:s18] =	ssyncadd.s32 $0xFFFFC000;
	s29 =	simm.s32 $0x580;
	s30 =	sshrl.u32 s30, $0x3  }
.LBB2_2:
0xd2: {  	[spmem:s2] =	stream.indirect.scatter.add.f32 [tilespmem:s13], [sflag:$0x7], $0x80, s17, s8, $0xb8;
	[tilespmem:$0x1C400] =	vst v63  }
0xd3: {  	s28 =	sadd.s32 s5, s30  }
0xd4: {  	[tilespmem:s3], [sflag:$0x1] =	stream.linear.gather [hbm4b:s28+s3], $0x80, $0x38;
	[tilespmem:$0x1C400] =	vst v63  }
0xd5: {  	s28 =	sadd.s32 s6, s30  }
0xd6: {  	[tilespmem:s8], [sflag:$0x1] =	stream.linear.gather [hbm4b:s28+s3], $0x80, $0x38;
	[tilespmem:$0x1C400] =	vst v63  }
0xd7: {  	_ =	swait.ge [sflag:s12], $0x80  }
0xd8: {  	[sflag:s12] =	ssyncset.done $0x0  }
0xd9: {  	[sflag:s12] =	ssyncadd.s32 $0xFFFFFF80  }
0xda: {  	_ =	swait.ge [sflag:s12], $0x80  }
0xdb: {  	[sflag:s12] =	ssyncset.done $0x0  }
0xdc: {  	[sflag:s12] =	ssyncadd.s32 $0xFFFFFF80  }
0xdd: {  	s31 =	smov.u32 s29;
	_ =	swait.ge [sflag:s20], $0x4000  }
0xde: {  	s28 =	sadd.s32 $0xFFFFFF00, s31;
	[sflag:s20] =	ssyncset.done $0x0  }
0xdf: {  	s30 =	sand.u32 $0x7C00, s28;
	[sflag:s20] =	ssyncadd.s32 $0xFFFFC000  }
0xe0: {  	[tilespmem:s13], [sflag:$0x5] =	stream.indirect.gather [hbm4b:s1+s8], $0x80, s3, s8, $0xb8;
	[tilespmem:$0x1C400] =	vst v63  }
0xe1: {  	s28 =	sand.u32 $0x280, s28;
	s30 =	sadd.s32 s10, s30;
	_ =	swait.ge [sflag:s21], $0x4000  }
0xe2: {  	s28 =	sor.u32 s28, s30;
	[sflag:s21] =	ssyncset.done $0x0  }
0xe3: {  	s28 =	sshrl.u32 s28, $0x3;
	[sflag:s21] =	ssyncadd.s32 $0xFFFFC000  }
0xe4: {  	[spmem:s2] =	stream.indirect.scatter.add.f32 [tilespmem:s15], [sflag:$0x7], $0x80, s24, s8, $0xb8;
	[tilespmem:$0x1C400] =	vst v63  }
0xe5: {  	s30 =	sadd.s32 s5, s28  }
0xe6: {  	[tilespmem:s9], [sflag:$0x2] =	stream.linear.gather [hbm4b:s30+s3], $0x80, $0x38;
	[tilespmem:$0x1C400] =	vst v63  }
0xe7: {  	s28 =	sadd.s32 s6, s28  }
0xe8: {  	[tilespmem:s11], [sflag:$0x2] =	stream.linear.gather [hbm4b:s28+s3], $0x80, $0x38;
	[tilespmem:$0x1C400] =	vst v63  }
0xe9: {  	_ =	swait.ge [sflag:s14], $0x80  }
0xea: {  	[sflag:s14] =	ssyncset.done $0x0  }
0xeb: {  	[sflag:s14] =	ssyncadd.s32 $0xFFFFFF80  }
0xec: {  	_ =	swait.ge [sflag:s14], $0x80  }
0xed: {  	[sflag:s14] =	ssyncset.done $0x0  }
0xee: {  	[sflag:s14] =	ssyncadd.s32 $0xFFFFFF80  }
0xef: {  	_ =	swait.ge [sflag:s20], $0x4000  }
0xf0: {  	s28 =	sadd.s32 $0xFFFFFF80, s31;
	[sflag:s20] =	ssyncset.done $0x0  }
0xf1: {  	s30 =	sand.u32 $0x7C00, s28;
	[sflag:s20] =	ssyncadd.s32 $0xFFFFC000  }
0xf2: {  	[tilespmem:s15], [sflag:$0x6] =	stream.indirect.gather [hbm4b:s1+s8], $0x80, s9, s8, $0xb8;
	[tilespmem:$0x1C400] =	vst v63  }
0xf3: {  	s28 =	sand.u32 $0x300, s28;
	s30 =	sadd.s32 s10, s30;
	_ =	swait.ge [sflag:s18], $0x4000  }
0xf4: {  	s28 =	sor.u32 s28, s30;
	[sflag:s18] =	ssyncset.done $0x0  }
0xf5: {  	s28 =	sshrl.u32 s28, $0x3;
	[sflag:s18] =	ssyncadd.s32 $0xFFFFC000  }
0xf6: {  	[spmem:s2] =	stream.indirect.scatter.add.f32 [tilespmem:s13], [sflag:$0x7], $0x80, s8, s8, $0xb8;
	[tilespmem:$0x1C400] =	vst v63  }
0xf7: {  	s30 =	sadd.s32 s5, s28  }
0xf8: {  	[tilespmem:s16], [sflag:$0x3] =	stream.linear.gather [hbm4b:s30+s3], $0x80, $0x38;
	[tilespmem:$0x1C400] =	vst v63  }
0xf9: {  	s28 =	sadd.s32 s6, s28  }
0xfa: {  	[tilespmem:s17], [sflag:$0x3] =	stream.linear.gather [hbm4b:s28+s3], $0x80, $0x38;
	[tilespmem:$0x1C400] =	vst v63  }
0xfb: {  	_ =	swait.ge [sflag:s19], $0x80  }
0xfc: {  	[sflag:s19] =	ssyncset.done $0x0  }
0xfd: {  	[sflag:s19] =	ssyncadd.s32 $0xFFFFFF80  }
0xfe: {  	_ =	swait.ge [sflag:s19], $0x80  }
0xff: {  	[sflag:s19] =	ssyncset.done $0x0  }
0x100: {  	[sflag:s19] =	ssyncadd.s32 $0xFFFFFF80  }
0x101: {  	_ =	swait.ge [sflag:s20], $0x4000  }
0x102: {  	[sflag:s20] =	ssyncset.done $0x0  }
0x103: {  	s28 =	sand.u32 $0x7C00, s31;
	[sflag:s20] =	ssyncadd.s32 $0xFFFFC000  }
0x104: {  	[tilespmem:s13], [sflag:$0x5] =	stream.indirect.gather [hbm4b:s1+s8], $0x80, s16, s8, $0xb8;
	[tilespmem:$0x1C400] =	vst v63  }
0x105: {  	s30 =	sand.u32 $0x380, s31;
	s28 =	sadd.s32 s10, s28;
	_ =	swait.ge [sflag:s21], $0x4000  }
0x106: {  	s28 =	sor.u32 s30, s28;
	[sflag:s21] =	ssyncset.done $0x0  }
0x107: {  	s28 =	sshrl.u32 s28, $0x3;
	[sflag:s21] =	ssyncadd.s32 $0xFFFFC000  }
0x108: {  	[spmem:s2] =	stream.indirect.scatter.add.f32 [tilespmem:s15], [sflag:$0x7], $0x80, s11, s8, $0xb8;
	[tilespmem:$0x1C400] =	vst v63  }
0x109: {  	s30 =	sadd.s32 s5, s28  }
0x10a: {  	[tilespmem:s22], [sflag:$0x4] =	stream.linear.gather [hbm4b:s30+s3], $0x80, $0x38;
	[tilespmem:$0x1C400] =	vst v63  }
0x10b: {  	s28 =	sadd.s32 s6, s28  }
0x10c: {  	[tilespmem:s24], [sflag:$0x4] =	stream.linear.gather [hbm4b:s28+s3], $0x80, $0x38;
	[tilespmem:$0x1C400] =	vst v63  }
0x10d: {  	_ =	swait.ge [sflag:s23], $0x80  }
0x10e: {  	[sflag:s23] =	ssyncset.done $0x0  }
0x10f: {  	[sflag:s23] =	ssyncadd.s32 $0xFFFFFF80  }
0x110: {  	_ =	swait.ge [sflag:s23], $0x80  }
0x111: {  	[sflag:s23] =	ssyncset.done $0x0  }
0x112: {  	[sflag:s23] =	ssyncadd.s32 $0xFFFFFF80  }
0x113: {  	_ =	swait.ge [sflag:s20], $0x4000  }
0x114: {  	[sflag:s20] =	ssyncset.done $0x0  }
0x115: {  	p0 =	sne.s32 s29, $0x2780;
	[sflag:s20] =	ssyncadd.s32 $0xFFFFC000  }
0x116: {  	[tilespmem:s15], [sflag:$0x6] =	stream.indirect.gather [hbm4b:s1+s8], $0x80, s22, s8, $0xb8;
	[tilespmem:$0x1C400] =	vst v63  }
.Ltmp0:
0x117: {  	s30 =	sadd.s32 $0xFFFFFC80, s31;
	_ =	swait.ge [sflag:s18], $0x4000;
	(pc) =	sbr.rel @p0 .LBB2_2-.Ltmp0, $4  }
0x118: {  	s31 =	sand.u32 $0x3C00, s30;
	s28 =	rddreg [dreg:$0x4]  }
0x119: {  	s30 =	sand.u32 $0x200, s30;
	s28 =	sadd.s32 s31, s28  }
0x11a: {  	[sflag:s18] =	ssyncset.done $0x0;
	s28 =	sor.u32 s30, s28  }
0x11b: {  	s29 =	sadd.s32 $0x200, s29;
	[sflag:s18] =	ssyncadd.s32 $0xFFFFC000;
	s30 =	sshrl.u32 s28, $0x3  }
0x11c: {  	[spmem:s2] =	stream.indirect.scatter.add.f32 [tilespmem:s13], [sflag:$0x7], $0x80, s17, s8, $0xb8;
	[tilespmem:$0x1C400] =	vst v63  }
0x11d: {  	s28 =	sadd.s32 s5, s30  }
0x11e: {  	[tilespmem:s3], [sflag:$0x1] =	stream.linear.gather [hbm4b:s28+s3], $0x80, $0x38;
	[tilespmem:$0x1C400] =	vst v63  }
0x11f: {  	s29 =	sadd.s32 s6, s30  }
0x120: {  	[tilespmem:s8], [sflag:$0x1] =	stream.linear.gather [hbm4b:s29+s3], $0x80, $0x38;
	[tilespmem:$0x1C400] =	vst v63  }
0x121: {  	_ =	swait.ge [sflag:s12], $0x80  }
0x122: {  	[sflag:s12] =	ssyncset.done $0x0  }
0x123: {  	[sflag:s12] =	ssyncadd.s32 $0xFFFFFF80  }
0x124: {  	_ =	swait.ge [sflag:s12], $0x80  }
0x125: {  	[sflag:s12] =	ssyncset.done $0x0  }
0x126: {  	[sflag:s12] =	ssyncadd.s32 $0xFFFFFF80  }
0x127: {  	_ =	swait.ge [sflag:s20], $0x4000  }
0x128: {  	[sflag:s20] =	ssyncset.done $0x0  }
0x129: {  	[sflag:s20] =	ssyncadd.s32 $0xFFFFC000  }
0x12a: {  	_ =	swait.ge [sflag:s21], $0x4000  }
0x12b: {  	[sflag:s21] =	ssyncset.done $0x0  }
0x12c: {  	[sflag:s21] =	ssyncadd.s32 $0xFFFFC000  }
0x12d: {  	[spmem:s2] =	stream.indirect.scatter.add.f32 [tilespmem:s15], [sflag:$0x7], $0x80, s24, s8, $0xb8;
	[tilespmem:$0x1C400] =	vst v63  }
0x12e: {  	_ =	swait.ge [sflag:s20], $0x4000  }
0x12f: {  	[sflag:s20] =	ssyncset.done $0x0  }
0x130: {  	[sflag:s20] =	ssyncadd.s32 $0xFFFFC000  }
0x131: {  	[bflag:$0x0] =	sbarrier.arrive $0xFFFF  }
0x132: {  	s30 =	rddreg [dreg:$0x19]  }
0x133: {  	s29 =	rddreg [dreg:$0xd]  }
0x134: {  	s31 =	rddreg [dreg:$0x1f];
	s28 =	sor.u32 $0x1C09, s30  }
0x135: {  	[hbm:s29], [sflag:s28] =	dma.local [spmem:s31], $0x800  }
0x136: {  	_ =	swait.ge [sflag:s25], $0x800  }
0x137: {  	[sflag:s25] =	ssyncset.done $0x0;
	s29 =	rddreg [dreg:$0xe]  }
0x138: {  	s31 =	rddreg [dreg:$0x1e];
	[sflag:s25] =	ssyncadd.s32 $0xFFFFF800  }
0x139: {  	[hbm:s29], [sflag:s28] =	dma.local [spmem:s31], $0x800  }
0x13a: {  	_ =	swait.ge [sflag:s25], $0x800  }
0x13b: {  	[sflag:s25] =	ssyncset.done $0x0;
	s29 =	rddreg [dreg:$0xf]  }
0x13c: {  	s31 =	rddreg [dreg:$0x1d];
	[sflag:s25] =	ssyncadd.s32 $0xFFFFF800  }
0x13d: {  	[hbm:s29], [sflag:s28] =	dma.local [spmem:s31], $0x800  }
0x13e: {  	_ =	swait.ge [sflag:s25], $0x800  }
0x13f: {  	[sflag:s25] =	ssyncset.done $0x0;
	s29 =	rddreg [dreg:$0x10]  }
0x140: {  	s31 =	rddreg [dreg:$0x1c];
	[sflag:s25] =	ssyncadd.s32 $0xFFFFF800  }
0x141: {  	[hbm:s29], [sflag:s28] =	dma.local [spmem:s31], $0x800  }
0x142: {  	_ =	swait.ge [sflag:s25], $0x800  }
0x143: {  	[sflag:s25] =	ssyncset.done $0x0;
	s29 =	rddreg [dreg:$0x11]  }
0x144: {  	s31 =	rddreg [dreg:$0x1b];
	[sflag:s25] =	ssyncadd.s32 $0xFFFFF800  }
0x145: {  	[hbm:s29], [sflag:s28] =	dma.local [spmem:s31], $0x800  }
0x146: {  	_ =	swait.ge [sflag:s25], $0x800  }
0x147: {  	s26 =	sadd.s32 $0x1, s26;
	s31 =	rddreg [dreg:$0x1a]  }
0x148: {  	p0 =	sne.s32 s26, s31  }
.Ltmp1:
0x149: {  	_ = 	snop;
	(pc) =	sbr.rel @p0 .LBB2_1-.Ltmp1, $3  }
0x14a: {  	_ =	sdelay $0x1  }
0x14b: {  	[sflag:s25] =	ssyncset.done $0x0  }
0x14c: {  	[sflag:s25] =	ssyncadd.s32 $0xFFFFF800  }
0x14d: {  	_ =	sfence.sel $0x180000  }
0x14e: {  	[bflag:$0x0] =	sbarrier.arrive $0xFFFF  }
0x14f: {  	_ =	strace $0x9000004D  }
0x150: {  	s0 =	stileid.u32;
	[bflag:$0x2] =	sbarrier.arrive $0xFFFF  }
0x151: {  	p0 =	sne.s32 s0, $0x0;
	s0 =	rddreg [dreg:$0x3]  }
0x152: {  	s0 =	sadd.s32 @!p0 $0x100000, s0  }
0x153: {  	[sflag:s0] =	ssyncadd.tile.s32 @!p0 $0x1;
	_ =	shalt  }
.Lfunc_end2:
_tile_overlayer_lowered:
.L_overlay_start_2:
0x154: {  	(tag) =	ssettag $0x2  }
0x155: {  	s0 =	rddreg [dreg:$0x0];
	s2 =	stileid.u32  }
0x156: {  	s1 =	rddreg [dreg:$0x1];
	p0 =	sne.s32 s2, $0x0  }
0x157: {  	s3 =	rddreg [dreg:$0x2];
	[bflag:$0x3] =	sbarrier.arrive $0xFFFF;
	s2 =	simm.s32 @!p0 $0x1C09  }
0x158: {  	[timem:s3], [sflag:s2] =	dma.local @!p0 [hbm:s0], s1  }
0x159: {  	s0 =	simm.s32 @!p0 $0x9  }
0x15a: {  	_ =	swait.ge @!p0 [sflag:s0], s1  }
0x15b: {  	s1 =	ssub.s32 @!p0 $0x0, s1;
	[sflag:s0] =	ssyncset.done @!p0 $0x0  }
0x15c: {  	[sflag:s0] =	ssyncadd.s32 @!p0 s1  }
0x15d: {  	[bflag:$0x3] =	sbarrier.arrive $0xFFFF  }
0x15e: {  	_ =	shalt  }

// kernel: kernel.8.cloned.1.call-start
scs
__scs_entry_jumppad:
0x0: {  	(pc) =	sbr.rel $0x88, $3  }
0x1: {  	(tag) =	ssettag $0x0;
	lr =	simm.s32 $0x1  }
0x2: {  	[smem:$0x3F97] =	sst lr;
	_ =	strace $0xD0000000  }
0x3: {  	_ = 	snop  }
0x4: {  	_ = 	snop  }
0x5: {  	_ = 	snop  }
0x6: {  	_ = 	snop  }
0x7: {  	_ = 	snop  }
__scs_overlays_trampoline_lowered:
0x8: {  	[smem:$0x3FA6] =	sst s0  }
0x9: {  	[smem:$0x3FA7] =	sst s1  }
0xa: {  	[smem:$0x3FA8] =	sst s2  }
0xb: {  	[smem:$0x3FA9] =	sst s3  }
0xc: {  	[smem:$0x3FAA] =	sst s4  }
0xd: {  	[smem:$0x3FAB] =	sst s5  }
0xe: {  	[smem:$0x3FAC] =	sst s6  }
0xf: {  	[smem:$0x3FAD] =	sst s7  }
0x10: {  	[smem:$0x3FAE] =	sst s8  }
0x11: {  	[smem:$0x3FAF] =	sst s9;
	s0 =	simm.s32 @!p0 $0x0  }
0x12: {  	s1 =	sld [smem:$0x3F95];
	s0 =	simm.s32 @p0 $0x1  }
0x13: {  	[smem:$0x3FB0] =	sst s0;
	s0 =	simm.s32 @!p1 $0x0  }
0x14: {  	s2 =	sld [smem:$0x3F94];
	s0 =	simm.s32 @p1 $0x1  }
0x15: {  	[smem:$0x3FB1] =	sst s0;
	s0 =	simm.s32 @!p2 $0x0  }
0x16: {  	s3 =	sld [smem:$0x3FDB];
	s0 =	simm.s32 @p2 $0x1  }
0x17: {  	s4 =	simm.s32 $0x1BF5;
	[smem:$0x3FB3] =	sst s0  }
0x18: {  	s0 =	sld [smem:$0x3F96];
	_ =	swait.ge [sflag:s4], $0x0  }
0x19: {  	s7 =	sld [smem:$0x3F97]  }
0x1a: {  	s8 =	sadd.s32 $0xFFFFE003, lr  }
0x1b: {  	s9 =	sadd.s32 $0xFFFFFEF7, lr;
	s5 =	simm.s32 $0xFFFFFFFF;
	p2 =	slt.u32 s8, $0xFFFFF086  }
0x1c: {  	p1 =	slt.u32 s9, $0xF7A;
	s5 =	simm.s32 @!p2 $0x0  }
0x1d: {  	s5 =	simm.s32 @p1 $0x1;
	p0 =	seq.s32 s7, s2  }
0x1e: {  	s7 =	smul.u32 @!p0 $0xF7A, s2;
	p2 =	seq.s32 @!p0 s5, $0x0  }
0x1f: {  	s9 =	smul.u32 $0xF7A, s1;
	s8 =	simm.s32 @!p0 $0x1BF5;
	p2 =	por !p2, p0  }
0x20: {  	[sflag:s8] =	ssyncset.s32 @!p0 $0xFFFFF086;
	s6 =	sadd.s32 @!p0 s3, s7;
	s7 =	simm.s32 @!p0 $0x108  }
0x21: {  	s3 =	sadd.s32 s3, s9;
	s6 =	sadd.s32 @!p0 $0x88, s6;
	s7 =	simm.s32 @p2 $0x1082  }
0x22: {  	[simem:s7], [sflag:s8] =	dma.local @!p0 [hbm:s6], $0xF7A  }
0x23: {  	s9 =	sor.u32 $0xD0000000, s2;
	s6 =	simm.s32 $0x108;
	_ =	swait.ge @!p0 [sflag:s8], $0x0  }
0x24: {  	s3 =	sadd.s32 $0x88, s3;
	s6 =	simm.s32 @!p1 $0x1082;
	[sflag:s4] =	ssyncset.s32 $0xFFFFF086  }
0x25: {  	[simem:s6], [sflag:s4] =	dma.local [hbm:s3], $0xF7A  }
0x26: {  	[smem:$0x3F97] =	sst s1;
	(tag) =	ssettag s2;
	_ =	strace s9  }
0x27: {  	s1 =	sld [smem:$0x3FA7]  }
0x28: {  	s2 =	sld [smem:$0x3FA8]  }
0x29: {  	s4 =	sld [smem:$0x3FAA]  }
0x2a: {  	p0 =	seq.s32 s5, $0x0;
	s5 =	sld [smem:$0x3FAB]  }
0x2b: {  	s6 =	sld [smem:$0x3FAC]  }
0x2c: {  	s7 =	sld [smem:$0x3FAD]  }
0x2d: {  	s3 =	simm.s32 $0x108;
	s8 =	sld [smem:$0x3FAE]  }
0x2e: {  	s3 =	simm.s32 @!p0 $0x1082;
	s9 =	sld [smem:$0x3FAF]  }
0x2f: {  	lr =	sadd.s32 s0, s3;
	s0 =	sld [smem:$0x3FA6]  }
0x30: {  	s3 =	sld [smem:$0x3FA9]  }
0x31: {  	[smem:$0x3FB2] =	sst s10  }
0x32: {  	s10 =	sld [smem:$0x3FB0];
	_ =	sdelay $0x3  }
0x33: {  	p0 =	seq.s32 s10, $0x1;
	s10 =	sld [smem:$0x3FB2];
	_ =	sdelay $0x3  }
0x34: {  	[smem:$0x3FB2] =	sst s10  }
0x35: {  	s10 =	sld [smem:$0x3FB1];
	_ =	sdelay $0x3  }
0x36: {  	p1 =	seq.s32 s10, $0x1;
	s10 =	sld [smem:$0x3FB2];
	_ =	sdelay $0x3  }
0x37: {  	[smem:$0x3FB2] =	sst s10  }
0x38: {  	s10 =	sld [smem:$0x3FB3]  }
0x39: {  	_ = 	snop;
	(pc) =	sbr.ind lr, $3  }
0x3a: {  	_ = 	snop  }
0x3b: {  	_ = 	snop  }
0x3c: {  	p2 =	seq.s32 s10, $0x1;
	s10 =	sld [smem:$0x3FB2]  }
0x3d: {  	_ =	shalt  }
0x3e: {  	_ =	shalt  }
0x3f: {  	_ =	shalt  }
0x40: {  	_ =	shalt  }
0x41: {  	_ =	shalt  }
0x42: {  	_ =	shalt  }
0x43: {  	_ =	shalt  }
0x44: {  	_ =	shalt  }
0x45: {  	_ =	shalt  }
0x46: {  	_ =	shalt  }
0x47: {  	_ =	shalt  }
0x48: {  	_ =	shalt  }
0x49: {  	_ =	shalt  }
0x4a: {  	_ =	shalt  }
0x4b: {  	_ =	shalt  }
0x4c: {  	_ =	shalt  }
0x4d: {  	_ =	shalt  }
0x4e: {  	_ =	shalt  }
0x4f: {  	_ =	shalt  }
0x50: {  	_ =	shalt  }
0x51: {  	_ =	shalt  }
0x52: {  	_ =	shalt  }
0x53: {  	_ =	shalt  }
0x54: {  	_ =	shalt  }
0x55: {  	_ =	shalt  }
0x56: {  	_ =	shalt  }
0x57: {  	_ =	shalt  }
0x58: {  	_ =	shalt  }
0x59: {  	_ =	shalt  }
0x5a: {  	_ =	shalt  }
0x5b: {  	_ =	shalt  }
0x5c: {  	_ =	shalt  }
0x5d: {  	_ =	shalt  }
0x5e: {  	_ =	shalt  }
0x5f: {  	_ =	shalt  }
0x60: {  	_ =	shalt  }
0x61: {  	_ =	shalt  }
0x62: {  	_ =	shalt  }
0x63: {  	_ =	shalt  }
0x64: {  	_ =	shalt  }
0x65: {  	_ =	shalt  }
0x66: {  	_ =	shalt  }
0x67: {  	_ =	shalt  }
0x68: {  	_ =	shalt  }
0x69: {  	_ =	shalt  }
0x6a: {  	_ =	shalt  }
0x6b: {  	_ =	shalt  }
0x6c: {  	_ =	shalt  }
0x6d: {  	_ =	shalt  }
0x6e: {  	_ =	shalt  }
0x6f: {  	_ =	shalt  }
0x70: {  	_ =	shalt  }
0x71: {  	_ =	shalt  }
0x72: {  	_ =	shalt  }
0x73: {  	_ =	shalt  }
0x74: {  	_ =	shalt  }
0x75: {  	_ =	shalt  }
0x76: {  	_ =	shalt  }
0x77: {  	_ =	shalt  }
0x78: {  	_ =	shalt  }
0x79: {  	_ =	shalt  }
0x7a: {  	_ =	shalt  }
0x7b: {  	_ =	shalt  }
0x7c: {  	_ =	shalt  }
0x7d: {  	_ =	shalt  }
0x7e: {  	_ =	shalt  }
0x7f: {  	_ =	shalt  }
0x80: {  	_ =	shalt  }
0x81: {  	_ =	shalt  }
0x82: {  	_ =	shalt  }
0x83: {  	_ =	shalt  }
0x84: {  	_ =	shalt  }
0x85: {  	_ =	shalt  }
0x86: {  	_ =	shalt  }
0x87: {  	_ =	shalt  }
.Lfunc_end0:
.L_simem_size_0:
called_computation_lowered:
.L_overlay_start_0:
0x88: {  	s2 =	sld [smem:$0x3FD9]  }
0x89: {  	s3 =	sld [smem:$0x3FFE];
	_ =	sdelay $0x1  }
0x8a: {  	s1 =	srdreg.scid  }
0x8b: {  	s0 =	sand.u32 $0x1, s1  }
0x8c: {  	s17 =	sshll.u32 s0, $0xA;
	s2 =	sadd.s32 s3, s2  }
0x8d: {  	s2 =	sadd.s32 s2, s17  }
0x8e: {  	[smem:$0x3FBE] =	sst s2  }
0x8f: {  	_ = 	snop  }
0x90: {  	s2 =	sld [smem:$0x3FD0];
	(tm) =	ssettm $0x1  }
0x91: {  	s18 =	sld [smem:$0x3FFB];
	_ =	sdelay $0x3  }
0x92: {  	_ =	strace s18  }
0x93: {  	s3 =	sld [smem:$0x3FFC];
	_ =	sdelay $0x3  }
0x94: {  	_ =	strace s3  }
0x95: {  	s3 =	sld [smem:$0x3FFD];
	_ =	sdelay $0x3  }
0x96: {  	_ =	strace s3  }
0x97: {  	_ =	strace $0x8FFFFFFF  }
0x98: {  	s19 =	sld [smem:$0x3FDB];
	_ =	sdelay $0x1  }
0x99: {  	s4 =	simm.s32 $_scs_section_size  }
0x9a: {  	s5 =	simm.s32 $_size__tile_overlayer_lowered;
	s6 =	simm.s32 $_tile_overlayer_lowered  }
0x9b: {  	s22 =	simm.s32 $0x1BFF;
	s21 =	sshll.u32 s6, $0x1;
	s3 =	sadd.s32 s4, s19  }
0x9c: {  	s7 =	simm.s32 $0x0;
	s20 =	sshll.u32 s5, $0x1;
	s5 =	sadd.s32 s21, s3  }
0x9d: {  	[timem:s7], [sflag:s22] =	dma.local [hbm:s5], s20  }
0x9e: {  	_ =	swait.ge [sflag:s22], s20  }
0x9f: {  	s4 =	ssub.s32 $0x0, s20;
	[sflag:s22] =	ssyncset.done $0x0  }
0xa0: {  	[sflag:s22] =	ssyncadd.s32 s4;
	_ =	sdelay $0x1  }
0xa1: {  	s23 =	simm.s32 $0x1B8B  }
0xa2: {  	_ =	swait.ge [sflag:s23], $0x1  }
0xa3: {  	[sflag:s23] =	ssyncset.done $0x0  }
0xa4: {  	s25 =	simm.s32 $0x1B8E;
	s24 =	sld [smem:$0x3FFE];
	[sflag:s23] =	ssyncadd.s32 $0xFFFFFFFF  }
0xa5: {  	s26 =	simm.s32 $execute0_lowered;
	[smem:$0x3FD2] =	sst s25  }
0xa6: {  	s5 =	sshll.u32 s26, $0x1;
	_ =	strace $0x80000046;
	[dreg:$0x1] =	wrdreg $0xFFFFFFFF  }
0xa7: {  	s28 =	simm.s32 $_size_execute0_lowered;
	s3 =	sadd.s32 s3, s5;
	[dreg:$0x0] =	wrdreg $0x0  }
0xa8: {  	s5 =	sshll.u32 s28, $0x1;
	[dreg:$0x2] =	wrdreg s3  }
0xa9: {  	[dreg:$0x3] =	wrdreg s5  }
0xaa: {  	[dreg:$0x4] =	wrdreg $0xC0  }
0xab: {  	_ =	task [dreg:s7], $0x5FFFF  }
0xac: {  	[dreg:$0x1] =	wrdreg $0xFFFFFFFF  }
0xad: {  	[dreg:$0x0] =	wrdreg $0x60  }
0xae: {  	[dreg:$0x2] =	wrdreg s24  }
0xaf: {  	[dreg:$0x3] =	wrdreg s2  }
0xb0: {  	[dreg:$0x4] =	wrdreg $0x6C000  }
0xb1: {  	[dreg:$0x5] =	wrdreg $0x9  }
0xb2: {  	_ =	task.clear_ibuf [dreg:s7], $0x6FFFF;
	_ =	strace $0x90000046  }
0xb3: {  	s29 =	simm.s32 $0x9;
	_ =	strace $0x80000048  }
0xb4: {  	_ =	swait.ge [sflag:s29], $0x1  }
0xb5: {  	[sflag:s29] =	ssyncadd.s32 $0xFFFFFFFF  }
0xb6: {  	_ =	strace $0x90000048  }
0xb7: {  	_ =	sfence  }
0xb8: {  	s30 =	sld [smem:$0x0];
	_ =	sdelay $0x2  }
0xb9: {  	s31 =	sshll.u32 s1, $0xD;
	s1 =	sshrl.u32 s1, $0x2  }
0xba: {  	s3 =	sand.u32 $0x4000, s31;
	s1 =	sadd.s32 s1, s30  }
0xbb: {  	s0 =	sor.u32 s3, s0;
	s1 =	sshll.u32 s1, $0x11  }
0xbc: {  	s0 =	sor.u32 s1, s0  }
0xbd: {  	s0 =	sadd.s32 $0x8F2B, s0  }
0xbe: {  	[sflag:s0] =	ssyncadd.remote.s32 $0x1  }
0xbf: {  	_ =	sfence.sel $0xFFFF  }
0xc0: {  	[dreg:$0x0] =	wrdreg $0xFFFFFFFF;
	(pc) =	sbr.abs _section_cstart, $3  }
0xc1: {  	[dreg:$0x1] =	wrdreg $0xFFFFFFFF  }
0xc2: {  	_ =	task.clear_ibuf [dreg:s7], $0x2FFFF;
	_ =	strace $0x9FFFFFFF  }
0xc3: {  	(tm) =	ssettm $0x7FFFFFFF  }
tec
execute0_lowered:
.L_overlay_start_1:
0x0: {  	(tag) =	ssettag $0x1  }
0x1: {  	s0 =	srdreg.scid;
	s1 =	rddreg [dreg:$0x0]  }
0x2: {  	s9 =	stileid.u32;
	s3 =	rddreg [dreg:$0x2];
	s4 =	simm.s32 $0x0  }
0x3: {  	s21 =	simm.s32 $0x4;
	s22 =	simm.s32 $0x2;
	s23 =	simm.s32 $0x3  }
0x4: {  	s24 =	simm.s32 $0x80;
	s25 =	simm.s32 $0x1;
	s26 =	simm.s32 $0x5  }
0x5: {  	s28 =	simm.s32 $0x0;
	s0 =	sand.u32 $0x1, s0;
	s8 =	smul.u32 $0x50000, s9  }
0x6: {  	[smem:$0x7FF] =	sst s4;
	s5 =	sadd.s32 $0xDA00, s1;
	s12 =	smul.u32 $0x14000, s9  }
0x7: {  	s2 =	sshll.u32 s0, $0x4;
	_ =	strace $0x80000047;
	s6 =	ssub.s32 $0x2, s0  }
0x8: {  	s0 =	smul.u32 $0x140000, s0;
	s2 =	sor.u32 s9, s2;
	s7 =	sshrl.u32 s6, $0x1  }
0x9: {  	s30 =	sshrl.u32 s8, $0x2;
	s13 =	sadd.s32 $0x4000, s12;
	s15 =	sadd.s32 $0x8000, s12  }
0xa: {  	s16 =	sadd.s32 $0xC000, s12;
	s17 =	sadd.s32 $0x10000, s12;
	s2 =	smul.u32 $0x580, s2  }
0xb: {  	s6 =	ssub.s32 s6, s7;
	s7 =	sshll.u32 s9, $0x6;
	s31 =	sadd.s32 s13, s3  }
0xc: {  	s10 =	sadd.s32 s15, s3;
	s11 =	sadd.s32 s16, s3;
	s14 =	sadd.s32 s12, s0  }
0xd: {  	s13 =	sadd.s32 s0, s13;
	s12 =	sadd.s32 s17, s3;
	s15 =	sadd.s32 s0, s15  }
0xe: {  	s16 =	sadd.s32 s0, s16;
	s0 =	sadd.s32 s0, s17;
	s8 =	sor.u32 $0x1C04, s7  }
0xf: {  	[dreg:$0x5] =	wrdreg s31;
	s14 =	sshrl.u32 s14, $0x3;
	s18 =	sshrl.u32 s13, $0x3  }
0x10: {  	s15 =	sshrl.u32 s15, $0x3;
	s16 =	sshrl.u32 s16, $0x3;
	s2 =	sadd.s32 s2, s1  }
0x11: {  	s0 =	sshrl.u32 s0, $0x3;
	s1 =	sadd.s32 $0xE200, s1;
	s2 =	sadd.s32 $0x2A00, s2  }
0x12: {  	s13 =	sadd.s32 s1, s14;
	s14 =	sadd.s32 s1, s18;
	s15 =	sadd.s32 s1, s15  }
0x13: {  	s16 =	sadd.s32 s1, s16;
	[dreg:$0x4] =	wrdreg s2;
	s2 =	sadd.s32 s30, s3  }
0x14: {  	s17 =	sadd.s32 s1, s0;
	s18 =	smax.u32 s6, $0x1;
	s20 =	sshrl.u32 s2, $0x3  }
.LBB2_1:
0x15: {  	s0 =	rddreg [dreg:$0x1]  }
0x16: {  	[tilespmem:s4], [sflag:$0x2] =	stream.linear.gather [hbm4b:s0+s4], $0x4000, $0x38;
	[tilespmem:$0x1AC00] =	vst v63  }
0x17: {  	s19 =	rddreg [dreg:$0x4];
	s1 =	simm.s32 $0x4000  }
0x18: {  	[tilespmem:s1], [sflag:$0x3] =	stream.linear.gather [hbm4b:s19+s4], $0x2900, $0x38;
	[tilespmem:$0x1AC00] =	vst v63  }
0x19: {  	[spmem:s20], [sflag:s8] =	dma.local [hbm:s5], $0x800  }
0x1a: {  	s31 =	sshrl.u32 s10, $0x3;
	s1 =	rddreg [dreg:$0x5]  }
0x1b: {  	s30 =	sshrl.u32 s11, $0x3;
	s29 =	sshrl.u32 s12, $0x3;
	s1 =	sshrl.u32 s1, $0x3  }
0x1c: {  	[spmem:s1], [sflag:s8] =	dma.local [hbm:s5], $0x800  }
0x1d: {  	[spmem:s31], [sflag:s8] =	dma.local [hbm:s5], $0x800  }
0x1e: {  	[spmem:s30], [sflag:s8] =	dma.local [hbm:s5], $0x800  }
0x1f: {  	[spmem:s29], [sflag:s8] =	dma.local [hbm:s5], $0x800  }
0x20: {  	_ =	swait.ge [sflag:s21], $0x800  }
0x21: {  	[sflag:s21] =	ssyncset.done $0x0  }
0x22: {  	[sflag:s21] =	ssyncadd.s32 $0xFFFFF800  }
0x23: {  	_ =	swait.ge [sflag:s21], $0x800  }
0x24: {  	[sflag:s21] =	ssyncset.done $0x0  }
0x25: {  	[sflag:s21] =	ssyncadd.s32 $0xFFFFF800  }
0x26: {  	_ =	swait.ge [sflag:s21], $0x800  }
0x27: {  	[sflag:s21] =	ssyncset.done $0x0  }
0x28: {  	[sflag:s21] =	ssyncadd.s32 $0xFFFFF800  }
0x29: {  	_ =	swait.ge [sflag:s21], $0x800  }
0x2a: {  	[sflag:s21] =	ssyncset.done $0x0  }
0x2b: {  	[sflag:s21] =	ssyncadd.s32 $0xFFFFF800  }
0x2c: {  	_ =	swait.ge [sflag:s21], $0x800  }
0x2d: {  	[sflag:s21] =	ssyncset.done $0x0  }
0x2e: {  	[sflag:s21] =	ssyncadd.s32 $0xFFFFF800  }
0x2f: {  	_ =	swait.ge [sflag:s22], $0x4000  }
0x30: {  	[sflag:s22] =	ssyncset.done $0x0  }
0x31: {  	[sflag:s22] =	ssyncadd.s32 $0xFFFFC000  }
0x32: {  	_ =	swait.ge [sflag:s23], $0x2900  }
0x33: {  	[sflag:s23] =	ssyncset.done $0x0  }
0x34: {  	[sflag:s23] =	ssyncadd.s32 $0xFFFFD700  }
0x35: {  	s2 =	simm.s32 $0x4000;
	[bflag:$0x0] =	sbarrier.arrive $0xFFFF  }
0x36: {  	[spmem:s3] =	stream.indirect.scatter.add.f32 [tilespmem:s4], [sflag:$0x1], $0x80, s2, s24, $0xb8;
	[tilespmem:$0x1AC00] =	vst v63  }
0x37: {  	s6 =	simm.s32 $0x4080  }
0x38: {  	[spmem:s3] =	stream.indirect.scatter.add.f32 [tilespmem:s4], [sflag:$0x1], $0x80, s6, s24, $0xb8;
	[tilespmem:$0x1AC00] =	vst v63  }
0x39: {  	s9 =	simm.s32 $0x4100  }
0x3a: {  	[spmem:s3] =	stream.indirect.scatter.add.f32 [tilespmem:s4], [sflag:$0x1], $0x80, s9, s24, $0xb8;
	[tilespmem:$0x1AC00] =	vst v63  }
0x3b: {  	s19 =	simm.s32 $0x4180  }
0x3c: {  	[spmem:s3] =	stream.indirect.scatter.add.f32 [tilespmem:s4], [sflag:$0x1], $0x80, s19, s24, $0xb8;
	[tilespmem:$0x1AC00] =	vst v63  }
0x3d: {  	s2 =	simm.s32 $0x4200  }
0x3e: {  	[spmem:s3] =	stream.indirect.scatter.add.f32 [tilespmem:s4], [sflag:$0x1], $0x80, s2, s24, $0xb8;
	[tilespmem:$0x1AC00] =	vst v63  }
0x3f: {  	s6 =	simm.s32 $0x4280  }
0x40: {  	[spmem:s3] =	stream.indirect.scatter.add.f32 [tilespmem:s4], [sflag:$0x1], $0x80, s6, s24, $0xb8;
	[tilespmem:$0x1AC00] =	vst v63  }
0x41: {  	s9 =	simm.s32 $0x4300  }
0x42: {  	[spmem:s3] =	stream.indirect.scatter.add.f32 [tilespmem:s4], [sflag:$0x1], $0x80, s9, s24, $0xb8;
	[tilespmem:$0x1AC00] =	vst v63  }
0x43: {  	s19 =	simm.s32 $0x4380  }
0x44: {  	[spmem:s3] =	stream.indirect.scatter.add.f32 [tilespmem:s4], [sflag:$0x1], $0x80, s19, s24, $0xb8;
	[tilespmem:$0x1AC00] =	vst v63  }
0x45: {  	_ =	swait.ge [sflag:s25], $0x4000  }
0x46: {  	[sflag:s25] =	ssyncset.done $0x0  }
0x47: {  	[sflag:s25] =	ssyncadd.s32 $0xFFFFC000  }
0x48: {  	_ =	swait.ge [sflag:s25], $0x4000  }
0x49: {  	[sflag:s25] =	ssyncset.done $0x0  }
0x4a: {  	[sflag:s25] =	ssyncadd.s32 $0xFFFFC000  }
0x4b: {  	_ =	swait.ge [sflag:s25], $0x4000  }
0x4c: {  	[sflag:s25] =	ssyncset.done $0x0  }
0x4d: {  	[sflag:s25] =	ssyncadd.s32 $0xFFFFC000  }
0x4e: {  	_ =	swait.ge [sflag:s25], $0x4000  }
0x4f: {  	[sflag:s25] =	ssyncset.done $0x0  }
0x50: {  	[sflag:s25] =	ssyncadd.s32 $0xFFFFC000  }
0x51: {  	_ =	swait.ge [sflag:s25], $0x4000  }
0x52: {  	[sflag:s25] =	ssyncset.done $0x0  }
0x53: {  	[sflag:s25] =	ssyncadd.s32 $0xFFFFC000  }
0x54: {  	_ =	swait.ge [sflag:s25], $0x4000  }
0x55: {  	[sflag:s25] =	ssyncset.done $0x0  }
0x56: {  	[sflag:s25] =	ssyncadd.s32 $0xFFFFC000  }
0x57: {  	_ =	swait.ge [sflag:s25], $0x4000  }
0x58: {  	[sflag:s25] =	ssyncset.done $0x0  }
0x59: {  	[sflag:s25] =	ssyncadd.s32 $0xFFFFC000  }
0x5a: {  	_ =	swait.ge [sflag:s25], $0x4000  }
0x5b: {  	s0 =	simm.s32 $0x2000;
	s19 =	simm.s32 $0x400;
	[sflag:s25] =	ssyncset.done $0x0  }
.LBB2_2:
0x5c: {  	s9 =	sadd.s32 $0x4000, s19  }
0x5d: {  	[sflag:s25] =	ssyncadd.s32 $0xFFFFC000;
	s2 =	smov.u32 s0;
	s6 =	sadd.s32 $0x1000, s0  }
0x5e: {  	[spmem:s3] =	stream.indirect.scatter.add.f32 [tilespmem:s4], [sflag:$0x1], $0x80, s9, s24, $0xb8;
	[tilespmem:$0x1AC00] =	vst v63  }
0x5f: {  	p0 =	sne.s32 s0, $0x9000;
	s0 =	sadd.s32 $0x4080, s19  }
0x60: {  	[spmem:s3] =	stream.indirect.scatter.add.f32 [tilespmem:s4], [sflag:$0x1], $0x80, s0, s24, $0xb8;
	[tilespmem:$0x1AC00] =	vst v63  }
0x61: {  	s0 =	sadd.s32 $0x4100, s19  }
0x62: {  	[spmem:s3] =	stream.indirect.scatter.add.f32 [tilespmem:s4], [sflag:$0x1], $0x80, s0, s24, $0xb8;
	[tilespmem:$0x1AC00] =	vst v63  }
0x63: {  	s0 =	sadd.s32 $0x4180, s19  }
0x64: {  	[spmem:s3] =	stream.indirect.scatter.add.f32 [tilespmem:s4], [sflag:$0x1], $0x80, s0, s24, $0xb8;
	[tilespmem:$0x1AC00] =	vst v63  }
0x65: {  	s0 =	sadd.s32 $0x4200, s19  }
0x66: {  	[spmem:s3] =	stream.indirect.scatter.add.f32 [tilespmem:s4], [sflag:$0x1], $0x80, s0, s24, $0xb8;
	[tilespmem:$0x1AC00] =	vst v63  }
0x67: {  	s0 =	sadd.s32 $0x4280, s19  }
0x68: {  	[spmem:s3] =	stream.indirect.scatter.add.f32 [tilespmem:s4], [sflag:$0x1], $0x80, s0, s24, $0xb8;
	[tilespmem:$0x1AC00] =	vst v63  }
0x69: {  	s0 =	sadd.s32 $0x4300, s19  }
0x6a: {  	[spmem:s3] =	stream.indirect.scatter.add.f32 [tilespmem:s4], [sflag:$0x1], $0x80, s0, s24, $0xb8;
	[tilespmem:$0x1AC00] =	vst v63  }
0x6b: {  	s0 =	sadd.s32 $0x4380, s19  }
0x6c: {  	[spmem:s3] =	stream.indirect.scatter.add.f32 [tilespmem:s4], [sflag:$0x1], $0x80, s0, s24, $0xb8;
	[tilespmem:$0x1AC00] =	vst v63  }
0x6d: {  	_ =	swait.ge [sflag:s25], $0x4000  }
0x6e: {  	[sflag:s25] =	ssyncset.done $0x0  }
0x6f: {  	[sflag:s25] =	ssyncadd.s32 $0xFFFFC000  }
0x70: {  	_ =	swait.ge [sflag:s25], $0x4000  }
0x71: {  	[sflag:s25] =	ssyncset.done $0x0  }
0x72: {  	[sflag:s25] =	ssyncadd.s32 $0xFFFFC000  }
0x73: {  	_ =	swait.ge [sflag:s25], $0x4000  }
0x74: {  	[sflag:s25] =	ssyncset.done $0x0  }
0x75: {  	[sflag:s25] =	ssyncadd.s32 $0xFFFFC000  }
0x76: {  	_ =	swait.ge [sflag:s25], $0x4000  }
0x77: {  	[sflag:s25] =	ssyncset.done $0x0  }
0x78: {  	[sflag:s25] =	ssyncadd.s32 $0xFFFFC000  }
0x79: {  	_ =	swait.ge [sflag:s25], $0x4000  }
0x7a: {  	[sflag:s25] =	ssyncset.done $0x0  }
0x7b: {  	[sflag:s25] =	ssyncadd.s32 $0xFFFFC000  }
0x7c: {  	_ =	swait.ge [sflag:s25], $0x4000  }
0x7d: {  	[sflag:s25] =	ssyncset.done $0x0  }
0x7e: {  	[sflag:s25] =	ssyncadd.s32 $0xFFFFC000  }
.Ltmp0:
0x7f: {  	_ =	swait.ge [sflag:s25], $0x4000;
	(pc) =	sbr.rel @p0 .LBB2_2-.Ltmp0, $4  }
0x80: {  	[sflag:s25] =	ssyncset.done $0x0  }
0x81: {  	[sflag:s25] =	ssyncadd.s32 $0xFFFFC000  }
0x82: {  	_ =	swait.ge [sflag:s25], $0x4000  }
0x83: {  	s19 =	sshra.s32 s2, $0x2;
	s0 =	smov.u32 s6;
	[sflag:s25] =	ssyncset.done $0x0  }
0x84: {  	s0 =	sadd.s32 $0x4000, s19;
	[sflag:s25] =	ssyncadd.s32 $0xFFFFC000  }
0x85: {  	[spmem:s3] =	stream.indirect.scatter.add.f32 [tilespmem:s4], [sflag:$0x1], $0x80, s0, s24, $0xb8;
	[tilespmem:$0x1AC00] =	vst v63  }
0x86: {  	s9 =	sadd.s32 $0x4080, s19  }
0x87: {  	[spmem:s3] =	stream.indirect.scatter.add.f32 [tilespmem:s4], [sflag:$0x1], $0x80, s9, s24, $0xb8;
	[tilespmem:$0x1AC00] =	vst v63  }
0x88: {  	s2 =	sadd.s32 $0x4100, s19  }
0x89: {  	[spmem:s3] =	stream.indirect.scatter.add.f32 [tilespmem:s4], [sflag:$0x1], $0x80, s2, s24, $0xb8;
	[tilespmem:$0x1AC00] =	vst v63  }
0x8a: {  	s6 =	sadd.s32 $0x4180, s19  }
0x8b: {  	[spmem:s3] =	stream.indirect.scatter.add.f32 [tilespmem:s4], [sflag:$0x1], $0x80, s6, s24, $0xb8;
	[tilespmem:$0x1AC00] =	vst v63  }
0x8c: {  	s9 =	sadd.s32 $0x4200, s19  }
0x8d: {  	[spmem:s3] =	stream.indirect.scatter.add.f32 [tilespmem:s4], [sflag:$0x1], $0x80, s9, s24, $0xb8;
	[tilespmem:$0x1AC00] =	vst v63  }
0x8e: {  	s2 =	sadd.s32 $0x4280, s19  }
0x8f: {  	[spmem:s3] =	stream.indirect.scatter.add.f32 [tilespmem:s4], [sflag:$0x1], $0x80, s2, s24, $0xb8;
	[tilespmem:$0x1AC00] =	vst v63  }
0x90: {  	s6 =	sadd.s32 $0x4300, s19  }
0x91: {  	[spmem:s3] =	stream.indirect.scatter.add.f32 [tilespmem:s4], [sflag:$0x1], $0x80, s6, s24, $0xb8;
	[tilespmem:$0x1AC00] =	vst v63  }
0x92: {  	s9 =	sadd.s32 $0x4380, s19  }
0x93: {  	[spmem:s3] =	stream.indirect.scatter.add.f32 [tilespmem:s4], [sflag:$0x1], $0x80, s9, s24, $0xb8;
	[tilespmem:$0x1AC00] =	vst v63  }
0x94: {  	_ =	swait.ge [sflag:s25], $0x4000  }
0x95: {  	[sflag:s25] =	ssyncset.done $0x0  }
0x96: {  	[sflag:s25] =	ssyncadd.s32 $0xFFFFC000  }
0x97: {  	_ =	swait.ge [sflag:s25], $0x4000  }
0x98: {  	[sflag:s25] =	ssyncset.done $0x0  }
0x99: {  	[sflag:s25] =	ssyncadd.s32 $0xFFFFC000  }
0x9a: {  	_ =	swait.ge [sflag:s25], $0x4000  }
0x9b: {  	[sflag:s25] =	ssyncset.done $0x0  }
0x9c: {  	[sflag:s25] =	ssyncadd.s32 $0xFFFFC000  }
0x9d: {  	_ =	swait.ge [sflag:s25], $0x4000  }
0x9e: {  	[sflag:s25] =	ssyncset.done $0x0  }
0x9f: {  	[sflag:s25] =	ssyncadd.s32 $0xFFFFC000  }
0xa0: {  	_ =	swait.ge [sflag:s25], $0x4000  }
0xa1: {  	[sflag:s25] =	ssyncset.done $0x0  }
0xa2: {  	[sflag:s25] =	ssyncadd.s32 $0xFFFFC000  }
0xa3: {  	_ =	swait.ge [sflag:s25], $0x4000  }
0xa4: {  	[sflag:s25] =	ssyncset.done $0x0  }
0xa5: {  	[sflag:s25] =	ssyncadd.s32 $0xFFFFC000  }
0xa6: {  	_ =	swait.ge [sflag:s25], $0x4000  }
0xa7: {  	[sflag:s25] =	ssyncset.done $0x0  }
0xa8: {  	[sflag:s25] =	ssyncadd.s32 $0xFFFFC000  }
0xa9: {  	_ =	swait.ge [sflag:s25], $0x4000  }
0xaa: {  	[sflag:s25] =	ssyncset.done $0x0  }
0xab: {  	[sflag:s25] =	ssyncadd.s32 $0xFFFFC000  }
0xac: {  	s19 =	sor.u32 $0x1C05, s7;
	[bflag:$0x0] =	sbarrier.arrive $0xFFFF  }
0xad: {  	[hbm:s13], [sflag:s19] =	dma.local [spmem:s20], $0x800  }
0xae: {  	_ =	swait.ge [sflag:s26], $0x800  }
0xaf: {  	[sflag:s26] =	ssyncset.done $0x0  }
0xb0: {  	[sflag:s26] =	ssyncadd.s32 $0xFFFFF800  }
0xb1: {  	[hbm:s14], [sflag:s19] =	dma.local [spmem:s1], $0x800  }
0xb2: {  	_ =	swait.ge [sflag:s26], $0x800  }
0xb3: {  	[sflag:s26] =	ssyncset.done $0x0  }
0xb4: {  	[sflag:s26] =	ssyncadd.s32 $0xFFFFF800  }
0xb5: {  	[hbm:s15], [sflag:s19] =	dma.local [spmem:s31], $0x800  }
0xb6: {  	_ =	swait.ge [sflag:s26], $0x800  }
0xb7: {  	[sflag:s26] =	ssyncset.done $0x0  }
0xb8: {  	[sflag:s26] =	ssyncadd.s32 $0xFFFFF800  }
0xb9: {  	[hbm:s16], [sflag:s19] =	dma.local [spmem:s30], $0x800  }
0xba: {  	s28 =	sadd.s32 $0x1, s28;
	_ =	swait.ge [sflag:s26], $0x800  }
0xbb: {  	p0 =	sne.s32 s28, s18;
	[sflag:s26] =	ssyncset.done $0x0  }
.Ltmp1:
0xbc: {  	[sflag:s26] =	ssyncadd.s32 $0xFFFFF800;
	(pc) =	sbr.rel @p0 .LBB2_1-.Ltmp1, $4  }
0xbd: {  	[hbm:s17], [sflag:s19] =	dma.local [spmem:s29], $0x800  }
0xbe: {  	_ =	swait.ge [sflag:s26], $0x800  }
0xbf: {  	[sflag:s26] =	ssyncset.done $0x0  }
0xc0: {  	[sflag:s26] =	ssyncadd.s32 $0xFFFFF800  }
0xc1: {  	_ =	sfence.sel $0x180000  }
0xc2: {  	[bflag:$0x0] =	sbarrier.arrive $0xFFFF  }
0xc3: {  	_ =	strace $0x90000047  }
0xc4: {  	s0 =	stileid.u32;
	[bflag:$0x2] =	sbarrier.arrive $0xFFFF  }
0xc5: {  	p0 =	sne.s32 s0, $0x0;
	s0 =	rddreg [dreg:$0x3]  }
0xc6: {  	s0 =	sadd.s32 @!p0 $0x100000, s0  }
0xc7: {  	[sflag:s0] =	ssyncadd.tile.s32 @!p0 $0x1;
	_ =	shalt  }
.Lfunc_end2:
_tile_overlayer_lowered:
.L_overlay_start_2:
0xc8: {  	(tag) =	ssettag $0x2  }
0xc9: {  	s0 =	rddreg [dreg:$0x0];
	s2 =	stileid.u32  }
0xca: {  	s1 =	rddreg [dreg:$0x1];
	p0 =	sne.s32 s2, $0x0  }
0xcb: {  	s3 =	rddreg [dreg:$0x2];
	[bflag:$0x3] =	sbarrier.arrive $0xFFFF;
	s2 =	simm.s32 @!p0 $0x1C05  }
0xcc: {  	[timem:s3], [sflag:s2] =	dma.local @!p0 [hbm:s0], s1  }
0xcd: {  	s0 =	simm.s32 @!p0 $0x5  }
0xce: {  	_ =	swait.ge @!p0 [sflag:s0], s1  }
0xcf: {  	s1 =	ssub.s32 @!p0 $0x0, s1;
	[sflag:s0] =	ssyncset.done @!p0 $0x0  }
0xd0: {  	[sflag:s0] =	ssyncadd.s32 @!p0 s1  }
0xd1: {  	[bflag:$0x3] =	sbarrier.arrive $0xFFFF  }
0xd2: {  	_ =	shalt  }

</sc_bundles>
